<compile_context>
chip_gen: v7x
topology: tpu7x:2x2x1
jax: 0.10.2.dev20260603
libtpu: 0.0.44.dev20260713+nightly
codegen_flags: <defaults>
</compile_context>

<pallas_src>
import functools

import jax
import jax.numpy as jnp
from jax import lax
from jax.experimental import pallas as pl
from jax.experimental.pallas import tpu as pltpu
from jax.experimental.pallas import tpu_sc as plsc

GG, NN, EE, FF = 2, 5000, 80000, 128
D1, D2, H1 = 256, 128, 64
AP = 128
CHUNK = 128
NCH = EE // CHUNK
TILES = 16
ROWS_PT = NN // TILES
TAIL = NN - TILES * ROWS_PT
JFULL = (NCH - 1) // TILES
NP = 5120


def _sc_mesh():
    return plsc.VectorSubcoreMesh(core_axis_name="c", subcore_axis_name="s")


def _make_agg(D):

    def body(table, srcg, dstl, zinit, out, src_v, dst_s, rows_v,
             src_v1, dst_s1, rows_v1, acc, sem, sem2, semg1, sems1):
        c = lax.axis_index("c")
        s = lax.axis_index("s")
        r0 = s * ROWS_PT
        base_t = TILES * ROWS_PT

        pltpu.sync_copy(zinit.at[pl.ds(0, ROWS_PT)],
                        acc.at[pl.ds(r0, ROWS_PT)])

        @pl.when(s == TILES - 1)
        def _():
            pltpu.sync_copy(zinit.at[pl.ds(0, TAIL)],
                            acc.at[pl.ds(base_t, TAIL)])

        plsc.subcore_barrier()

        def load_issue(cid, src_b, dst_b, rows_b, semg):
            pltpu.sync_copy(srcg.at[c, cid, 0], src_b)
            pltpu.sync_copy(dstl.at[c, cid, 0], dst_b)
            return pltpu.async_copy(table.at[src_b], rows_b, semg)

        def pair_body(j2, carry):
            cid0 = (2 * j2) * TILES + s
            cid1 = (2 * j2 + 1) * TILES + s
            g0 = load_issue(cid0, src_v, dst_s, rows_v, sem)
            g1 = load_issue(cid1, src_v1, dst_s1, rows_v1, semg1)
            g0.wait()
            s0 = pltpu.async_copy(rows_v, acc.at[dst_s], sem2, add=True)
            g1.wait()
            s1 = pltpu.async_copy(rows_v1, acc.at[dst_s1], sems1, add=True)
            s0.wait()
            s1.wait()
            return carry

        lax.fori_loop(0, JFULL // 2, pair_body, 0)

        def tail_chunk(cid):
            load_issue(cid, src_v, dst_s, rows_v, sem).wait()
            pltpu.async_copy(rows_v, acc.at[dst_s], sem2, add=True).wait()

        tail_chunk((JFULL - 1) * TILES + s)

        @pl.when(s == 0)
        def _():
            tail_chunk(JFULL * TILES)

        plsc.subcore_barrier()
        pltpu.sync_copy(acc.at[pl.ds(r0, ROWS_PT)],
                        out.at[c, pl.ds(r0, ROWS_PT)])

        @pl.when(s == TILES - 1)
        def _():
            pltpu.sync_copy(acc.at[pl.ds(base_t, TAIL)],
                            out.at[c, pl.ds(base_t, TAIL)])

    scratch = [
        pltpu.VMEM((CHUNK,), jnp.int32),
        pltpu.VMEM((CHUNK,), jnp.int32),
        pltpu.VMEM((CHUNK, D), jnp.float32),
        pltpu.VMEM((CHUNK,), jnp.int32),
        pltpu.VMEM((CHUNK,), jnp.int32),
        pltpu.VMEM((CHUNK, D), jnp.float32),
        pltpu.VMEM_SHARED((NN, D), jnp.float32),
        pltpu.SemaphoreType.DMA,
        pltpu.SemaphoreType.DMA,
        pltpu.SemaphoreType.DMA,
        pltpu.SemaphoreType.DMA,
    ]
    out_t = jax.ShapeDtypeStruct((GG, NN, D), jnp.float32)

    return functools.partial(pl.kernel, mesh=_sc_mesh(), out_type=out_t,
                             scratch_types=scratch)(body)


def _make_deg():
    NB = NP // 128

    def body(dstl, ones_hbm, zinit, out, dst_v, ones_v, acc):
        c = lax.axis_index("c")
        s = lax.axis_index("s")
        nb = jnp.where(s < NB - TILES * (NB // TILES), NB // TILES + 1,
                       NB // TILES)

        def init_body(k, carry):
            b = k * TILES + s
            pltpu.sync_copy(zinit, acc.at[pl.ds(b * 128, 128)])
            return carry

        lax.fori_loop(0, nb, init_body, 0)
        pltpu.sync_copy(ones_hbm, ones_v)
        plsc.subcore_barrier()

        nj = JFULL + jnp.where(s == 0, 1, 0)

        def chunk_body(j, carry):
            cid = j * TILES + s
            pltpu.sync_copy(dstl.at[c, cid, 0], dst_v.at[0])
            pltpu.sync_copy(ones_v, acc.at[dst_v.at[0]], add=True)
            return carry

        lax.fori_loop(0, nj, chunk_body, 0)
        plsc.subcore_barrier()

        def out_body(k, carry):
            b = k * TILES + s
            pltpu.sync_copy(acc.at[pl.ds(b * 128, 128)],
                            out.at[c, 0, pl.ds(b * 128, 128)])
            return carry

        lax.fori_loop(0, nb, out_body, 0)

    scratch = [
        pltpu.VMEM((1, CHUNK), jnp.int32),
        pltpu.VMEM((CHUNK,), jnp.float32),
        pltpu.VMEM_SHARED((NP,), jnp.float32),
    ]
    out_t = jax.ShapeDtypeStruct((GG, 1, NP), jnp.float32)
    return functools.partial(pl.kernel, mesh=_sc_mesh(), out_type=out_t,
                             scratch_types=scratch)(body)


def _dinv_of(deg_ref):
    deg = deg_ref[0] + 1.0
    return lax.rsqrt(deg)


def _tc1(degcol, features, W1):
    def body(deg_ref, x_ref, w_ref, o_ref):
        dinv = _dinv_of(deg_ref)
        h = jnp.dot(x_ref[0], w_ref[...], preferred_element_type=jnp.float32)
        o_ref[0] = dinv * h

    return pl.pallas_call(
        body,
        grid=(GG,),
        in_specs=[
            pl.BlockSpec((1, NN, 1), lambda g: (g, 0, 0)),
            pl.BlockSpec((1, NN, FF), lambda g: (g, 0, 0)),
            pl.BlockSpec((FF, D1), lambda g: (0, 0)),
        ],
        out_specs=pl.BlockSpec((1, NN, D1), lambda g: (g, 0, 0)),
        out_shape=jax.ShapeDtypeStruct((GG, NN, D1), jnp.float32),
    )(degcol, features, W1)


def _tc2(degcol, agg1, h1p, W2, b1):
    def body(deg_ref, a_ref, hp_ref, w_ref, b_ref, o_ref):
        dinv = _dinv_of(deg_ref)
        h1 = jnp.maximum(dinv * (a_ref[0] + hp_ref[0]) + b_ref[...], 0.0)
        o_ref[0] = dinv * jnp.dot(h1, w_ref[...],
                                  preferred_element_type=jnp.float32)

    return pl.pallas_call(
        body,
        grid=(GG,),
        in_specs=[
            pl.BlockSpec((1, NN, 1), lambda g: (g, 0, 0)),
            pl.BlockSpec((1, NN, D1), lambda g: (g, 0, 0)),
            pl.BlockSpec((1, NN, D1), lambda g: (g, 0, 0)),
            pl.BlockSpec((D1, D2), lambda g: (0, 0)),
            pl.BlockSpec((1, D1), lambda g: (0, 0)),
        ],
        out_specs=pl.BlockSpec((1, NN, D2), lambda g: (g, 0, 0)),
        out_shape=jax.ShapeDtypeStruct((GG, NN, D2), jnp.float32),
    )(degcol, agg1, h1p, W2, b1)


def _tc3(degcol, agg2, h2p, b2, Wf1, bf1, Wf2P, bf2P):
    def body(deg_ref, a_ref, hp_ref, b2_ref, wf1_ref, bf1_ref, wf2_ref,
             bf2_ref, h2_ref, asn_ref):
        dinv = _dinv_of(deg_ref)
        h2 = dinv * (a_ref[0] + hp_ref[0]) + b2_ref[...]
        h2_ref[0] = h2
        a1 = jnp.tanh(jnp.dot(h2, wf1_ref[...],
                              preferred_element_type=jnp.float32)
                      + bf1_ref[...])
        lg = jnp.dot(a1, wf2_ref[...],
                     preferred_element_type=jnp.float32) + bf2_ref[...]
        m = jnp.max(lg, axis=1, keepdims=True)
        e = jnp.exp(lg - m)
        asn_ref[0] = e / jnp.sum(e, axis=1, keepdims=True)

    return pl.pallas_call(
        body,
        grid=(GG,),
        in_specs=[
            pl.BlockSpec((1, NN, 1), lambda g: (g, 0, 0)),
            pl.BlockSpec((1, NN, D2), lambda g: (g, 0, 0)),
            pl.BlockSpec((1, NN, D2), lambda g: (g, 0, 0)),
            pl.BlockSpec((1, D2), lambda g: (0, 0)),
            pl.BlockSpec((D2, H1), lambda g: (0, 0)),
            pl.BlockSpec((1, H1), lambda g: (0, 0)),
            pl.BlockSpec((H1, AP), lambda g: (0, 0)),
            pl.BlockSpec((1, AP), lambda g: (0, 0)),
        ],
        out_specs=[
            pl.BlockSpec((1, NN, D2), lambda g: (g, 0, 0)),
            pl.BlockSpec((1, NN, AP), lambda g: (g, 0, 0)),
        ],
        out_shape=[
            jax.ShapeDtypeStruct((GG, NN, D2), jnp.float32),
            jax.ShapeDtypeStruct((GG, NN, AP), jnp.float32),
        ],
    )(degcol, agg2, h2p, b2, Wf1, bf1, Wf2P, bf2P)


def _tc4(h2, assignP, aggA, lab, Wc1, bc1, Wc2P, bc2P):
    def body(h2_ref, asn_ref, agg_ref, lab_ref, wc1_ref, bc1_ref, wc2_ref,
             bc2_ref, emb_ref, pos_ref, neg_ref, cls_ref, pen_ref):
        embs, poss, pens = [], [], []
        for g in range(GG):
            A = asn_ref[g]
            H = h2_ref[g]
            Q = agg_ref[g]
            Gm = lax.dot_general(A, H, (((0,), (0,)), ((), ())),
                                 preferred_element_type=jnp.float32)
            NAd = lax.dot_general(Q, A, (((0,), (0,)), ((), ())),
                                  preferred_element_type=jnp.float32)
            na = NAd[0:2, 0:2]
            denom = jnp.maximum(jnp.sum(jnp.abs(na), axis=1, keepdims=True),
                                1e-12)
            ii = lax.broadcasted_iota(jnp.int32, (2, 2), 0)
            jj = lax.broadcasted_iota(jnp.int32, (2, 2), 1)
            diag = jnp.sum(jnp.where(ii == jj, na, 0.0), axis=1,
                           keepdims=True) / denom
            pens.append(jnp.sum((diag - 1.0) ** 2, axis=0,
                                keepdims=True) / 2.0)
            g0 = Gm[0:1, :]
            g1 = Gm[1:2, :]
            emb_ref[pl.ds(g, 1), :] = (g0 + g1) * 0.5
            p = jnp.clip(g0, -100.0, 100.0)
            q = jnp.clip(g1, -100.0, 100.0)
            pos_ref[pl.ds(g, 1), :] = p
            neg_ref[pl.ds(g, 1), :] = q
            embs.append((g0 + g1) * 0.5)
            poss.append(p)
        data = jnp.concatenate(embs + poss, axis=0)
        d1 = jnp.maximum(jnp.dot(data, wc1_ref[...],
                                 preferred_element_type=jnp.float32)
                         + bc1_ref[...], 0.0)
        pr = jnp.maximum(jnp.dot(d1, wc2_ref[...],
                                 preferred_element_type=jnp.float32)
                         + bc2_ref[...], 0.0)
        pr0 = pr[:, 0:1]
        lab2 = jnp.concatenate([lab_ref[...], lab_ref[...]], axis=0)
        cls_ref[...] = jnp.sum((pr0 - lab2) ** 2, axis=0, keepdims=True) / 4.0
        pen_ref[...] = 5.0 * (pens[0] + pens[1]) / 2.0

    return pl.pallas_call(
        body,
        out_shape=[
            jax.ShapeDtypeStruct((GG, D2), jnp.float32),
            jax.ShapeDtypeStruct((GG, D2), jnp.float32),
            jax.ShapeDtypeStruct((GG, D2), jnp.float32),
            jax.ShapeDtypeStruct((1, 1), jnp.float32),
            jax.ShapeDtypeStruct((1, 1), jnp.float32),
        ],
    )(h2, assignP, aggA, lab, Wc1, bc1, Wc2P, bc2P)


_SC_CACHE = {}


def _sc_kernels():
    if not _SC_CACHE:
        _SC_CACHE["agg128"] = _make_agg(D2)
        _SC_CACHE["deg"] = _make_deg()
    return _SC_CACHE


def kernel(features, edges, labels, W1, b1, W2, b2, Wf1, bf1, Wf2, bf2,
           Wc1, bc1, Wc2, bc2):
    edges = edges.astype(jnp.int32)
    src = edges[:, 0, :]
    dst = edges[:, 1, :]
    goff = (jnp.arange(GG, dtype=jnp.int32) * NN)[:, None]
    srcg = (src + goff).reshape(GG, NCH, 1, CHUNK)
    dstl = dst.reshape(GG, NCH, 1, CHUNK)
    onesE = jnp.ones((CHUNK,), jnp.float32)
    zdeg = jnp.zeros((128,), jnp.float32)
    zA = jnp.zeros((ROWS_PT, D2), jnp.float32)

    sc = _sc_kernels()
    degacc = sc["deg"](dstl, onesE, zdeg)
    degcol = degacc.reshape(GG, NP)[:, :NN].reshape(GG, NN, 1)
    h1p = _tc1(degcol, features, W1)
    s1_halves = []
    for half in range(2):
        hp = h1p[:, :, half * D2:(half + 1) * D2]
        s1h = sc["agg128"](hp.reshape(GG * NN, D2), srcg, dstl, zA)
        s1_halves.append(s1h)
    agg1 = jnp.concatenate(s1_halves, axis=2)
    h2p = _tc2(degcol, agg1, h1p, W2, b1.reshape(1, D1))
    agg2 = sc["agg128"](h2p.reshape(GG * NN, D2), srcg, dstl, zA)
    Wf2P = jnp.pad(Wf2, ((0, 0), (0, AP - 2)))
    bf2P = jnp.pad(bf2.reshape(1, 2), ((0, 0), (0, AP - 2)),
                   constant_values=-1e30)
    h2, assignP = _tc3(degcol, agg2, h2p, b2.reshape(1, D2),
                       Wf1, bf1.reshape(1, H1), Wf2P, bf2P)
    aggA = sc["agg128"](assignP.reshape(GG * NN, AP), srcg, dstl, zA)
    Wc2P = jnp.pad(Wc2, ((0, 0), (0, 7)))
    bc2P = jnp.pad(bc2.reshape(1, 1), ((0, 0), (0, 7)))
    emb, pos, neg, cls, pen = _tc4(h2, assignP, aggA,
                                   labels.reshape(GG, 1), Wc1,
                                   bc1.reshape(1, 64), Wc2P, bc2P)
    return emb, pos, neg, cls[0, 0], pen[0, 0]

# --- scband reference (transcript-rebuilt; emitter-appended) ---
"""Pipeline reference for scband-subgraph-33809982554186 (READ-ONLY COPY).

The authoritative reference and input builder live on the scoring server;
editing this copy changes nothing except your own understanding.
"""

import jax, jax.numpy as jnp
import numpy as np

G, N, E, F = 2, 5000, 80000, 128
D1, D2, H1, H2, CH = 256, 128, 64, 2, 64
CON_WEIGHT = 5.0


def setup_inputs(seed: int = 0) -> dict:
    key = jax.random.key(seed)
    ks = jax.random.split(key, 12)
    inp = {}
    inp["features"] = jax.random.normal(ks[0], (G, N, F), dtype=jnp.float32)
    inp["edges"] = jax.random.randint(ks[1], (G, 2, E), 0, N)
    inp["labels"] = jax.random.uniform(ks[2], (G,), dtype=jnp.float32)

    def lin(k, fin, fout):
        bound = 1.0 / np.sqrt(fin)
        kw, kb = jax.random.split(k)
        W = jax.random.uniform(kw, (fin, fout), jnp.float32, -bound, bound)
        b = jax.random.uniform(kb, (fout,), jnp.float32, -bound, bound)
        return W, b

    inp["W1"], inp["b1"] = lin(ks[3], F, D1)
    inp["W2"], inp["b2"] = lin(ks[4], D1, D2)
    inp["Wf1"], inp["bf1"] = lin(ks[5], D2, H1)
    inp["Wf2"], inp["bf2"] = lin(ks[6], H1, H2)
    inp["Wc1"], inp["bc1"] = lin(ks[7], D2, CH)
    inp["Wc2"], inp["bc2"] = lin(ks[8], CH, 1)
    return inp


def _gcn(x, src, dst, W, b, n):
    # GCNConv with added self-loops and symmetric D^-1/2 (A+I) D^-1/2 normalization
    h = x @ W
    sl = jnp.arange(n)
    s = jnp.concatenate([src, sl])
    d = jnp.concatenate([dst, sl])
    deg = jax.ops.segment_sum(jnp.ones(s.shape[0], h.dtype), d, num_segments=n)
    dinv = jnp.where(deg > 0, deg ** -0.5, 0.0)
    coef = dinv[s] * dinv[d]
    out = jax.ops.segment_sum(h[s] * coef[:, None], d, num_segments=n)
    return out + b


def _gib(x, src, dst, W1, b1, W2, b2, Wf1, bf1, Wf2, bf2):
    n = x.shape[0]
    h1 = jax.nn.relu(_gcn(x, src, dst, W1, b1, n))
    h2 = _gcn(h1, src, dst, W2, b2, n)
    a1 = jnp.tanh(h2 @ Wf1 + bf1)
    assign = jax.nn.softmax(a1 @ Wf2 + bf2, axis=1)  # [n, 2]
    group = assign.T @ h2  # [2, D2]
    adj = jnp.zeros((n, n), h2.dtype).at[src, dst].add(1.0)  # to_dense_adj
    new_adj = (assign.T @ adj) @ assign
    pos = jnp.clip(group[0][None, :], -100.0, 100.0)
    neg = jnp.clip(group[1][None, :], -100.0, 100.0)
    denom = jnp.maximum(jnp.sum(jnp.abs(new_adj), axis=1, keepdims=True), 1e-12)
    nadj = new_adj / denom  # F.normalize(p=1, dim=1)
    diag = jnp.diagonal(nadj)
    pos_pen = jnp.mean((diag - jnp.ones(2, h2.dtype)) ** 2)
    emb = jnp.mean(assign.T @ h2, axis=0, keepdims=True)
    return emb, pos, neg, pos_pen


def reference(features, edges, labels, W1, b1, W2, b2, Wf1, bf1, Wf2, bf2, Wc1, bc1, Wc2, bc2):
    embs, poss, negs = [], [], []
    pen = jnp.float32(0.0)
    for g in range(features.shape[0]):
        e, p, ng, pp = _gib(features[g], edges[g, 0], edges[g, 1], W1, b1, W2, b2, Wf1, bf1, Wf2, bf2)
        embs.append(e)
        poss.append(p)
        negs.append(ng)
        pen = pen + pp
    embeddings = jnp.concatenate(embs, axis=0)
    positive = jnp.concatenate(poss, axis=0)
    negative = jnp.concatenate(negs, axis=0)
    pen = pen / features.shape[0]
    lab = labels.reshape(-1, 1)
    data = jnp.concatenate([embeddings, positive], axis=0)
    lab2 = jnp.concatenate([lab, lab], axis=0)
    pred = jax.nn.relu(jax.nn.relu(data @ Wc1 + bc1) @ Wc2 + bc2)
    cls_loss = jnp.mean((pred - lab2) ** 2)
    return embeddings, positive, negative, cls_loss, CON_WEIGHT * pen

if __name__ == "__main__":
    import jax
    _d = setup_inputs()
    print(jax.jit(kernel)(*tuple(_d.values())))

</pallas_src>

<mosaic_0001>
#map = affine_map<(d0, d1) -> (0, 0, 0, 0)>
#map1 = affine_map<(d0, d1) -> (0)>
#map2 = affine_map<(d0, d1) -> (0, 0, 0)>
module attributes {stable_mosaic.version = 14 : i64} {
  func.func @body(%arg0: i32, %arg1: i32, %arg2: memref<2x625x1x128xi32, #tpu.memory_space<hbm>>, %arg3: memref<128xf32, #tpu.memory_space<hbm>>, %arg4: memref<128xf32, #tpu.memory_space<hbm>>, %arg5: memref<2x1x5120xf32, #tpu.memory_space<hbm>>, %arg6: memref<1x128xi32, #tpu.memory_space<vmem>>, %arg7: memref<128xf32, #tpu.memory_space<vmem>>, %arg8: memref<5120xf32, #tpu.memory_space<vmem_shared>>) attributes {dimension_semantics = [#tpu.dimension_semantics<core_parallel>, #tpu.dimension_semantics<subcore_parallel>], iteration_bounds = array<i64: 2, 16>, scalar_prefetch = 0 : i64, scratch_operands = 3 : i64, tpu.core_type = #tpu.core_type<sc_vector_subcore>, window_params = [{transform_indices = #map}, {transform_indices = #map1}, {transform_indices = #map1}, {transform_indices = #map2}]} {
    %lt3A = arith.constant 8 : i32
    %lt3A_0 = arith.cmpi slt, %arg1, %lt3A : i32
    %jit3A = arith.constant 3 : i32
    %jit3A_1 = arith.constant 2 : i32
    %select_n3A = arith.select %lt3A_0, %jit3A, %jit3A_1 : i32
    %while3A = arith.constant 0 : i32
    %while3A_2 = arith.constant 0 : i32
    %while3A_3 = arith.subi %select_n3A, %while3A_2 : i32
    %while3A_4 = arith.addi %while3A_2, %while3A_3 : i32
    %while3A_5 = arith.constant 1 : i32
    %while3A_6 = arith.divsi %while3A_3, %while3A_5 : i32
    %while3A_7 = arith.muli %while3A_6, %while3A_5 : i32
    %while3A_8 = arith.addi %while3A_2, %while3A_7 : i32
    %while3A_9 = arith.constant 1 : i32
    scf.for %while3A_37 = %while3A_2 to %while3A_8 step %while3A_9  : i32 {
      %mul3A = arith.constant 16 : i32
      %mul3A_38 = arith.muli %while3A_37, %mul3A : i32
      %add3A_39 = arith.addi %mul3A_38, %arg1 : i32
      %mul3A_40 = arith.constant 128 : i32
      %mul3A_41 = arith.muli %add3A_39, %mul3A_40 : i32
      "tpu.region"() ({
        %run_scoped3A = tpu.sem_alloc : memref<!tpu.dma_semaphore, #tpu.memory_space<semaphore_mem>>
        %dma_start3A = tpu.memref_slice %arg8[%mul3A_41] : memref<5120xf32, #tpu.memory_space<vmem_shared>> -> memref<128xf32, #tpu.memory_space<vmem_shared>>
        tpu.enqueue_dma source(%arg4 : memref<128xf32, #tpu.memory_space<hbm>>) target(%dma_start3A : memref<128xf32, #tpu.memory_space<vmem_shared>>) target_semaphore(%run_scoped3A : memref<!tpu.dma_semaphore, #tpu.memory_space<semaphore_mem>>)
        %dma_wait3A = tpu.memref_slice %arg8[%mul3A_41] : memref<5120xf32, #tpu.memory_space<vmem_shared>> -> memref<128xf32, #tpu.memory_space<vmem_shared>>
        tpu.wait_dma2 semaphore(%run_scoped3A : memref<!tpu.dma_semaphore, #tpu.memory_space<semaphore_mem>>) src(%arg4 : memref<128xf32, #tpu.memory_space<hbm>>) dst(%dma_wait3A : memref<128xf32, #tpu.memory_space<vmem_shared>>)
        tpu.yield
      }) : () -> ()
    }
    %while3A_10 = arith.constant 1 : i32
    scf.for %while3A_37 = %while3A_8 to %while3A_4 step %while3A_10  : i32 {
      %mul3A = arith.constant 16 : i32
      %mul3A_38 = arith.muli %while3A_37, %mul3A : i32
      %add3A_39 = arith.addi %mul3A_38, %arg1 : i32
      %mul3A_40 = arith.constant 128 : i32
      %mul3A_41 = arith.muli %add3A_39, %mul3A_40 : i32
      "tpu.region"() ({
        %run_scoped3A = tpu.sem_alloc : memref<!tpu.dma_semaphore, #tpu.memory_space<semaphore_mem>>
        %dma_start3A = tpu.memref_slice %arg8[%mul3A_41] : memref<5120xf32, #tpu.memory_space<vmem_shared>> -> memref<128xf32, #tpu.memory_space<vmem_shared>>
        tpu.enqueue_dma source(%arg4 : memref<128xf32, #tpu.memory_space<hbm>>) target(%dma_start3A : memref<128xf32, #tpu.memory_space<vmem_shared>>) target_semaphore(%run_scoped3A : memref<!tpu.dma_semaphore, #tpu.memory_space<semaphore_mem>>)
        %dma_wait3A = tpu.memref_slice %arg8[%mul3A_41] : memref<5120xf32, #tpu.memory_space<vmem_shared>> -> memref<128xf32, #tpu.memory_space<vmem_shared>>
        tpu.wait_dma2 semaphore(%run_scoped3A : memref<!tpu.dma_semaphore, #tpu.memory_space<semaphore_mem>>) src(%arg4 : memref<128xf32, #tpu.memory_space<hbm>>) dst(%dma_wait3A : memref<128xf32, #tpu.memory_space<vmem_shared>>)
        tpu.yield
      }) : () -> ()
    }
    "tpu.region"() ({
      %run_scoped3A = tpu.sem_alloc : memref<!tpu.dma_semaphore, #tpu.memory_space<semaphore_mem>>
      tpu.enqueue_dma source(%arg3 : memref<128xf32, #tpu.memory_space<hbm>>) target(%arg7 : memref<128xf32, #tpu.memory_space<vmem>>) target_semaphore(%run_scoped3A : memref<!tpu.dma_semaphore, #tpu.memory_space<semaphore_mem>>)
      tpu.wait_dma2 semaphore(%run_scoped3A : memref<!tpu.dma_semaphore, #tpu.memory_space<semaphore_mem>>) src(%arg3 : memref<128xf32, #tpu.memory_space<hbm>>) dst(%arg7 : memref<128xf32, #tpu.memory_space<vmem>>)
      tpu.yield
    }) : () -> ()
    %barrier3A = arith.constant 0 : index
    tpu.barrier barrier_id(%barrier3A)
    %eq3A = arith.constant 0 : i32
    %eq3A_11 = arith.cmpi eq, %arg1, %eq3A : i32
    %jit3A_12 = arith.constant 1 : i32
    %jit3A_13 = arith.constant 0 : i32
    %select_n3A_14 = arith.select %eq3A_11, %jit3A_12, %jit3A_13 : i32
    %add3A = arith.constant 39 : i32
    %add3A_15 = arith.addi %add3A, %select_n3A_14 : i32
    %while3A_16 = arith.constant 0 : i32
    %while3A_17 = arith.constant 0 : i32
    %while3A_18 = arith.subi %add3A_15, %while3A_17 : i32
    %while3A_19 = arith.addi %while3A_17, %while3A_18 : i32
    %while3A_20 = arith.constant 1 : i32
    %while3A_21 = arith.divsi %while3A_18, %while3A_20 : i32
    %while3A_22 = arith.muli %while3A_21, %while3A_20 : i32
    %while3A_23 = arith.addi %while3A_17, %while3A_22 : i32
    %while3A_24 = arith.constant 1 : i32
    scf.for %while3A_37 = %while3A_17 to %while3A_23 step %while3A_24  : i32 {
      %mul3A = arith.constant 16 : i32
      %mul3A_38 = arith.muli %while3A_37, %mul3A : i32
      %add3A_39 = arith.addi %mul3A_38, %arg1 : i32
      %run_scoped3A = arith.constant 0 : i32
      %run_scoped3A_40 = arith.constant 0 : i32
      "tpu.region"() ({
        %run_scoped3A_42 = tpu.sem_alloc : memref<!tpu.dma_semaphore, #tpu.memory_space<semaphore_mem>>
        %dma_start3A = arith.constant 0 : i32
        %dma_start3A_43 = tpu.memref_slice %arg6[%run_scoped3A_40, %dma_start3A] : memref<1x128xi32, #tpu.memory_space<vmem>> -> memref<1x128xi32, #tpu.memory_space<vmem>>
        %dma_start3A_44 = tpu.memref_squeeze %dma_start3A_43 : memref<1x128xi32, #tpu.memory_space<vmem>> -> memref<128xi32, #tpu.memory_space<vmem>>
        %dma_start3A_45 = arith.constant 0 : i32
        %dma_start3A_46 = tpu.memref_slice %arg2[%arg0, %add3A_39, %run_scoped3A, %dma_start3A_45] : memref<2x625x1x128xi32, #tpu.memory_space<hbm>> -> memref<1x1x1x128xi32, #tpu.memory_space<hbm>>
        %dma_start3A_47 = tpu.memref_squeeze %dma_start3A_46 : memref<1x1x1x128xi32, #tpu.memory_space<hbm>> -> memref<128xi32, #tpu.memory_space<hbm>>
        %dma_start3A_48 = arith.constant 0 : i32
        %dma_start3A_49 = tpu.memref_slice %arg6[%run_scoped3A_40, %dma_start3A_48] : memref<1x128xi32, #tpu.memory_space<vmem>> -> memref<1x128xi32, #tpu.memory_space<vmem>>
        %dma_start3A_50 = tpu.memref_squeeze %dma_start3A_49 : memref<1x128xi32, #tpu.memory_space<vmem>> -> memref<128xi32, #tpu.memory_space<vmem>>
        %dma_start3A_51 = arith.constant 0 : i32
        %dma_start3A_52 = tpu.memref_slice %arg2[%arg0, %add3A_39, %run_scoped3A, %dma_start3A_51] : memref<2x625x1x128xi32, #tpu.memory_space<hbm>> -> memref<1x1x1x128xi32, #tpu.memory_space<hbm>>
        %dma_start3A_53 = tpu.memref_squeeze %dma_start3A_52 : memref<1x1x1x128xi32, #tpu.memory_space<hbm>> -> memref<128xi32, #tpu.memory_space<hbm>>
        tpu.enqueue_dma source(%dma_start3A_53 : memref<128xi32, #tpu.memory_space<hbm>>) target(%dma_start3A_50 : memref<128xi32, #tpu.memory_space<vmem>>) target_semaphore(%run_scoped3A_42 : memref<!tpu.dma_semaphore, #tpu.memory_space<semaphore_mem>>)
        %dma_wait3A = arith.constant 0 : i32
        %dma_wait3A_54 = tpu.memref_slice %arg6[%run_scoped3A_40, %dma_wait3A] : memref<1x128xi32, #tpu.memory_space<vmem>> -> memref<1x128xi32, #tpu.memory_space<vmem>>
        %dma_wait3A_55 = tpu.memref_squeeze %dma_wait3A_54 : memref<1x128xi32, #tpu.memory_space<vmem>> -> memref<128xi32, #tpu.memory_space<vmem>>
        %dma_wait3A_56 = arith.constant 0 : i32
        %dma_wait3A_57 = tpu.memref_slice %arg2[%arg0, %add3A_39, %run_scoped3A, %dma_wait3A_56] : memref<2x625x1x128xi32, #tpu.memory_space<hbm>> -> memref<1x1x1x128xi32, #tpu.memory_space<hbm>>
        %dma_wait3A_58 = tpu.memref_squeeze %dma_wait3A_57 : memref<1x1x1x128xi32, #tpu.memory_space<hbm>> -> memref<128xi32, #tpu.memory_space<hbm>>
        %dma_wait3A_59 = arith.constant 0 : i32
        %dma_wait3A_60 = tpu.memref_slice %arg6[%run_scoped3A_40, %dma_wait3A_59] : memref<1x128xi32, #tpu.memory_space<vmem>> -> memref<1x128xi32, #tpu.memory_space<vmem>>
        %dma_wait3A_61 = tpu.memref_squeeze %dma_wait3A_60 : memref<1x128xi32, #tpu.memory_space<vmem>> -> memref<128xi32, #tpu.memory_space<vmem>>
        %dma_wait3A_62 = arith.constant 0 : i32
        %dma_wait3A_63 = tpu.memref_slice %arg2[%arg0, %add3A_39, %run_scoped3A, %dma_wait3A_62] : memref<2x625x1x128xi32, #tpu.memory_space<hbm>> -> memref<1x1x1x128xi32, #tpu.memory_space<hbm>>
        %dma_wait3A_64 = tpu.memref_squeeze %dma_wait3A_63 : memref<1x1x1x128xi32, #tpu.memory_space<hbm>> -> memref<128xi32, #tpu.memory_space<hbm>>
        tpu.wait_dma2 semaphore(%run_scoped3A_42 : memref<!tpu.dma_semaphore, #tpu.memory_space<semaphore_mem>>) src(%dma_wait3A_64 : memref<128xi32, #tpu.memory_space<hbm>>) dst(%dma_wait3A_61 : memref<128xi32, #tpu.memory_space<vmem>>)
        tpu.yield
      }) : () -> ()
      %run_scoped3A_41 = arith.constant 0 : i32
      "tpu.region"() ({
        %run_scoped3A_42 = tpu.sem_alloc : memref<!tpu.dma_semaphore, #tpu.memory_space<semaphore_mem>>
        %dma_start3A = arith.constant 0 : i32
        %dma_start3A_43 = tpu.memref_slice %arg6[%run_scoped3A_41, %dma_start3A] : memref<1x128xi32, #tpu.memory_space<vmem>> -> memref<1x128xi32, #tpu.memory_space<vmem>>
        %dma_start3A_44 = tpu.memref_squeeze %dma_start3A_43 : memref<1x128xi32, #tpu.memory_space<vmem>> -> memref<128xi32, #tpu.memory_space<vmem>>
        %dma_start3A_45 = arith.constant 0 : i32
        %dma_start3A_46 = tpu.memref_slice %arg8[%dma_start3A_45] : memref<5120xf32, #tpu.memory_space<vmem_shared>> -> memref<5120xf32, #tpu.memory_space<vmem_shared>>
        tpu.enqueue_indirect_dma source(%arg7 : memref<128xf32, #tpu.memory_space<vmem>>) target(%dma_start3A_46 : memref<5120xf32, #tpu.memory_space<vmem_shared>>) offsets(%dma_start3A_44 : memref<128xi32, #tpu.memory_space<vmem>>) semaphore(%run_scoped3A_42 : memref<!tpu.dma_semaphore, #tpu.memory_space<semaphore_mem>>) {add = true}
        %dma_wait3A = arith.constant 0 : i32
        %dma_wait3A_47 = tpu.memref_slice %arg6[%run_scoped3A_41, %dma_wait3A] : memref<1x128xi32, #tpu.memory_space<vmem>> -> memref<1x128xi32, #tpu.memory_space<vmem>>
        %dma_wait3A_48 = tpu.memref_squeeze %dma_wait3A_47 : memref<1x128xi32, #tpu.memory_space<vmem>> -> memref<128xi32, #tpu.memory_space<vmem>>
        %dma_wait3A_49 = arith.constant 0 : i32
        %dma_wait3A_50 = tpu.memref_slice %arg8[%dma_wait3A_49] : memref<5120xf32, #tpu.memory_space<vmem_shared>> -> memref<5120xf32, #tpu.memory_space<vmem_shared>>
        tpu.wait_indirect_dma semaphore(%run_scoped3A_42 : memref<!tpu.dma_semaphore, #tpu.memory_space<semaphore_mem>>) src(%arg7 : memref<128xf32, #tpu.memory_space<vmem>>) dst(%dma_wait3A_50 : memref<5120xf32, #tpu.memory_space<vmem_shared>>)
        tpu.yield
      }) : () -> ()
    }
    %while3A_25 = arith.constant 1 : i32
    scf.for %while3A_37 = %while3A_23 to %while3A_19 step %while3A_25  : i32 {
      %mul3A = arith.constant 16 : i32
      %mul3A_38 = arith.muli %while3A_37, %mul3A : i32
      %add3A_39 = arith.addi %mul3A_38, %arg1 : i32
      %run_scoped3A = arith.constant 0 : i32
      %run_scoped3A_40 = arith.constant 0 : i32
      "tpu.region"() ({
        %run_scoped3A_42 = tpu.sem_alloc : memref<!tpu.dma_semaphore, #tpu.memory_space<semaphore_mem>>
        %dma_start3A = arith.constant 0 : i32
        %dma_start3A_43 = tpu.memref_slice %arg6[%run_scoped3A_40, %dma_start3A] : memref<1x128xi32, #tpu.memory_space<vmem>> -> memref<1x128xi32, #tpu.memory_space<vmem>>
        %dma_start3A_44 = tpu.memref_squeeze %dma_start3A_43 : memref<1x128xi32, #tpu.memory_space<vmem>> -> memref<128xi32, #tpu.memory_space<vmem>>
        %dma_start3A_45 = arith.constant 0 : i32
        %dma_start3A_46 = tpu.memref_slice %arg2[%arg0, %add3A_39, %run_scoped3A, %dma_start3A_45] : memref<2x625x1x128xi32, #tpu.memory_space<hbm>> -> memref<1x1x1x128xi32, #tpu.memory_space<hbm>>
        %dma_start3A_47 = tpu.memref_squeeze %dma_start3A_46 : memref<1x1x1x128xi32, #tpu.memory_space<hbm>> -> memref<128xi32, #tpu.memory_space<hbm>>
        %dma_start3A_48 = arith.constant 0 : i32
        %dma_start3A_49 = tpu.memref_slice %arg6[%run_scoped3A_40, %dma_start3A_48] : memref<1x128xi32, #tpu.memory_space<vmem>> -> memref<1x128xi32, #tpu.memory_space<vmem>>
        %dma_start3A_50 = tpu.memref_squeeze %dma_start3A_49 : memref<1x128xi32, #tpu.memory_space<vmem>> -> memref<128xi32, #tpu.memory_space<vmem>>
        %dma_start3A_51 = arith.constant 0 : i32
        %dma_start3A_52 = tpu.memref_slice %arg2[%arg0, %add3A_39, %run_scoped3A, %dma_start3A_51] : memref<2x625x1x128xi32, #tpu.memory_space<hbm>> -> memref<1x1x1x128xi32, #tpu.memory_space<hbm>>
        %dma_start3A_53 = tpu.memref_squeeze %dma_start3A_52 : memref<1x1x1x128xi32, #tpu.memory_space<hbm>> -> memref<128xi32, #tpu.memory_space<hbm>>
        tpu.enqueue_dma source(%dma_start3A_53 : memref<128xi32, #tpu.memory_space<hbm>>) target(%dma_start3A_50 : memref<128xi32, #tpu.memory_space<vmem>>) target_semaphore(%run_scoped3A_42 : memref<!tpu.dma_semaphore, #tpu.memory_space<semaphore_mem>>)
        %dma_wait3A = arith.constant 0 : i32
        %dma_wait3A_54 = tpu.memref_slice %arg6[%run_scoped3A_40, %dma_wait3A] : memref<1x128xi32, #tpu.memory_space<vmem>> -> memref<1x128xi32, #tpu.memory_space<vmem>>
        %dma_wait3A_55 = tpu.memref_squeeze %dma_wait3A_54 : memref<1x128xi32, #tpu.memory_space<vmem>> -> memref<128xi32, #tpu.memory_space<vmem>>
        %dma_wait3A_56 = arith.constant 0 : i32
        %dma_wait3A_57 = tpu.memref_slice %arg2[%arg0, %add3A_39, %run_scoped3A, %dma_wait3A_56] : memref<2x625x1x128xi32, #tpu.memory_space<hbm>> -> memref<1x1x1x128xi32, #tpu.memory_space<hbm>>
        %dma_wait3A_58 = tpu.memref_squeeze %dma_wait3A_57 : memref<1x1x1x128xi32, #tpu.memory_space<hbm>> -> memref<128xi32, #tpu.memory_space<hbm>>
        %dma_wait3A_59 = arith.constant 0 : i32
        %dma_wait3A_60 = tpu.memref_slice %arg6[%run_scoped3A_40, %dma_wait3A_59] : memref<1x128xi32, #tpu.memory_space<vmem>> -> memref<1x128xi32, #tpu.memory_space<vmem>>
        %dma_wait3A_61 = tpu.memref_squeeze %dma_wait3A_60 : memref<1x128xi32, #tpu.memory_space<vmem>> -> memref<128xi32, #tpu.memory_space<vmem>>
        %dma_wait3A_62 = arith.constant 0 : i32
        %dma_wait3A_63 = tpu.memref_slice %arg2[%arg0, %add3A_39, %run_scoped3A, %dma_wait3A_62] : memref<2x625x1x128xi32, #tpu.memory_space<hbm>> -> memref<1x1x1x128xi32, #tpu.memory_space<hbm>>
        %dma_wait3A_64 = tpu.memref_squeeze %dma_wait3A_63 : memref<1x1x1x128xi32, #tpu.memory_space<hbm>> -> memref<128xi32, #tpu.memory_space<hbm>>
        tpu.wait_dma2 semaphore(%run_scoped3A_42 : memref<!tpu.dma_semaphore, #tpu.memory_space<semaphore_mem>>) src(%dma_wait3A_64 : memref<128xi32, #tpu.memory_space<hbm>>) dst(%dma_wait3A_61 : memref<128xi32, #tpu.memory_space<vmem>>)
        tpu.yield
      }) : () -> ()
      %run_scoped3A_41 = arith.constant 0 : i32
      "tpu.region"() ({
        %run_scoped3A_42 = tpu.sem_alloc : memref<!tpu.dma_semaphore, #tpu.memory_space<semaphore_mem>>
        %dma_start3A = arith.constant 0 : i32
        %dma_start3A_43 = tpu.memref_slice %arg6[%run_scoped3A_41, %dma_start3A] : memref<1x128xi32, #tpu.memory_space<vmem>> -> memref<1x128xi32, #tpu.memory_space<vmem>>
        %dma_start3A_44 = tpu.memref_squeeze %dma_start3A_43 : memref<1x128xi32, #tpu.memory_space<vmem>> -> memref<128xi32, #tpu.memory_space<vmem>>
        %dma_start3A_45 = arith.constant 0 : i32
        %dma_start3A_46 = tpu.memref_slice %arg8[%dma_start3A_45] : memref<5120xf32, #tpu.memory_space<vmem_shared>> -> memref<5120xf32, #tpu.memory_space<vmem_shared>>
        tpu.enqueue_indirect_dma source(%arg7 : memref<128xf32, #tpu.memory_space<vmem>>) target(%dma_start3A_46 : memref<5120xf32, #tpu.memory_space<vmem_shared>>) offsets(%dma_start3A_44 : memref<128xi32, #tpu.memory_space<vmem>>) semaphore(%run_scoped3A_42 : memref<!tpu.dma_semaphore, #tpu.memory_space<semaphore_mem>>) {add = true}
        %dma_wait3A = arith.constant 0 : i32
        %dma_wait3A_47 = tpu.memref_slice %arg6[%run_scoped3A_41, %dma_wait3A] : memref<1x128xi32, #tpu.memory_space<vmem>> -> memref<1x128xi32, #tpu.memory_space<vmem>>
        %dma_wait3A_48 = tpu.memref_squeeze %dma_wait3A_47 : memref<1x128xi32, #tpu.memory_space<vmem>> -> memref<128xi32, #tpu.memory_space<vmem>>
        %dma_wait3A_49 = arith.constant 0 : i32
        %dma_wait3A_50 = tpu.memref_slice %arg8[%dma_wait3A_49] : memref<5120xf32, #tpu.memory_space<vmem_shared>> -> memref<5120xf32, #tpu.memory_space<vmem_shared>>
        tpu.wait_indirect_dma semaphore(%run_scoped3A_42 : memref<!tpu.dma_semaphore, #tpu.memory_space<semaphore_mem>>) src(%arg7 : memref<128xf32, #tpu.memory_space<vmem>>) dst(%dma_wait3A_50 : memref<5120xf32, #tpu.memory_space<vmem_shared>>)
        tpu.yield
      }) : () -> ()
    }
    %barrier3A_26 = arith.constant 0 : index
    tpu.barrier barrier_id(%barrier3A_26)
    %while3A_27 = arith.constant 0 : i32
    %while3A_28 = arith.constant 0 : i32
    %while3A_29 = arith.subi %select_n3A, %while3A_28 : i32
    %while3A_30 = arith.addi %while3A_28, %while3A_29 : i32
    %while3A_31 = arith.constant 1 : i32
    %while3A_32 = arith.divsi %while3A_29, %while3A_31 : i32
    %while3A_33 = arith.muli %while3A_32, %while3A_31 : i32
    %while3A_34 = arith.addi %while3A_28, %while3A_33 : i32
    %while3A_35 = arith.constant 1 : i32
    scf.for %while3A_37 = %while3A_28 to %while3A_34 step %while3A_35  : i32 {
      %mul3A = arith.constant 16 : i32
      %mul3A_38 = arith.muli %while3A_37, %mul3A : i32
      %add3A_39 = arith.addi %mul3A_38, %arg1 : i32
      %mul3A_40 = arith.constant 128 : i32
      %mul3A_41 = arith.muli %add3A_39, %mul3A_40 : i32
      %mul3A_42 = arith.constant 128 : i32
      %mul3A_43 = arith.muli %add3A_39, %mul3A_42 : i32
      %run_scoped3A = arith.constant 0 : i32
      "tpu.region"() ({
        %run_scoped3A_44 = tpu.sem_alloc : memref<!tpu.dma_semaphore, #tpu.memory_space<semaphore_mem>>
        %dma_start3A = tpu.memref_slice %arg5[%arg0, %run_scoped3A, %mul3A_43] : memref<2x1x5120xf32, #tpu.memory_space<hbm>> -> memref<1x1x128xf32, #tpu.memory_space<hbm>>
        %dma_start3A_45 = tpu.memref_squeeze %dma_start3A : memref<1x1x128xf32, #tpu.memory_space<hbm>> -> memref<128xf32, #tpu.memory_space<hbm>>
        %dma_start3A_46 = tpu.memref_slice %arg8[%mul3A_41] : memref<5120xf32, #tpu.memory_space<vmem_shared>> -> memref<128xf32, #tpu.memory_space<vmem_shared>>
        tpu.enqueue_dma source(%dma_start3A_46 : memref<128xf32, #tpu.memory_space<vmem_shared>>) target(%dma_start3A_45 : memref<128xf32, #tpu.memory_space<hbm>>) target_semaphore(%run_scoped3A_44 : memref<!tpu.dma_semaphore, #tpu.memory_space<semaphore_mem>>)
        %dma_wait3A = tpu.memref_slice %arg5[%arg0, %run_scoped3A, %mul3A_43] : memref<2x1x5120xf32, #tpu.memory_space<hbm>> -> memref<1x1x128xf32, #tpu.memory_space<hbm>>
        %dma_wait3A_47 = tpu.memref_squeeze %dma_wait3A : memref<1x1x128xf32, #tpu.memory_space<hbm>> -> memref<128xf32, #tpu.memory_space<hbm>>
        %dma_wait3A_48 = tpu.memref_slice %arg8[%mul3A_41] : memref<5120xf32, #tpu.memory_space<vmem_shared>> -> memref<128xf32, #tpu.memory_space<vmem_shared>>
        tpu.wait_dma2 semaphore(%run_scoped3A_44 : memref<!tpu.dma_semaphore, #tpu.memory_space<semaphore_mem>>) src(%dma_wait3A_48 : memref<128xf32, #tpu.memory_space<vmem_shared>>) dst(%dma_wait3A_47 : memref<128xf32, #tpu.memory_space<hbm>>)
        tpu.yield
      }) : () -> ()
    }
    %while3A_36 = arith.constant 1 : i32
    scf.for %while3A_37 = %while3A_34 to %while3A_30 step %while3A_36  : i32 {
      %mul3A = arith.constant 16 : i32
      %mul3A_38 = arith.muli %while3A_37, %mul3A : i32
      %add3A_39 = arith.addi %mul3A_38, %arg1 : i32
      %mul3A_40 = arith.constant 128 : i32
      %mul3A_41 = arith.muli %add3A_39, %mul3A_40 : i32
      %mul3A_42 = arith.constant 128 : i32
      %mul3A_43 = arith.muli %add3A_39, %mul3A_42 : i32
      %run_scoped3A = arith.constant 0 : i32
      "tpu.region"() ({
        %run_scoped3A_44 = tpu.sem_alloc : memref<!tpu.dma_semaphore, #tpu.memory_space<semaphore_mem>>
        %dma_start3A = tpu.memref_slice %arg5[%arg0, %run_scoped3A, %mul3A_43] : memref<2x1x5120xf32, #tpu.memory_space<hbm>> -> memref<1x1x128xf32, #tpu.memory_space<hbm>>
        %dma_start3A_45 = tpu.memref_squeeze %dma_start3A : memref<1x1x128xf32, #tpu.memory_space<hbm>> -> memref<128xf32, #tpu.memory_space<hbm>>
        %dma_start3A_46 = tpu.memref_slice %arg8[%mul3A_41] : memref<5120xf32, #tpu.memory_space<vmem_shared>> -> memref<128xf32, #tpu.memory_space<vmem_shared>>
        tpu.enqueue_dma source(%dma_start3A_46 : memref<128xf32, #tpu.memory_space<vmem_shared>>) target(%dma_start3A_45 : memref<128xf32, #tpu.memory_space<hbm>>) target_semaphore(%run_scoped3A_44 : memref<!tpu.dma_semaphore, #tpu.memory_space<semaphore_mem>>)
        %dma_wait3A = tpu.memref_slice %arg5[%arg0, %run_scoped3A, %mul3A_43] : memref<2x1x5120xf32, #tpu.memory_space<hbm>> -> memref<1x1x128xf32, #tpu.memory_space<hbm>>
        %dma_wait3A_47 = tpu.memref_squeeze %dma_wait3A : memref<1x1x128xf32, #tpu.memory_space<hbm>> -> memref<128xf32, #tpu.memory_space<hbm>>
        %dma_wait3A_48 = tpu.memref_slice %arg8[%mul3A_41] : memref<5120xf32, #tpu.memory_space<vmem_shared>> -> memref<128xf32, #tpu.memory_space<vmem_shared>>
        tpu.wait_dma2 semaphore(%run_scoped3A_44 : memref<!tpu.dma_semaphore, #tpu.memory_space<semaphore_mem>>) src(%dma_wait3A_48 : memref<128xf32, #tpu.memory_space<vmem_shared>>) dst(%dma_wait3A_47 : memref<128xf32, #tpu.memory_space<hbm>>)
        tpu.yield
      }) : () -> ()
    }
    return
  }
}

#map = affine_map<(d0, d1) -> (0, 0)>
#map1 = affine_map<(d0, d1) -> (0, 0, 0, 0)>
#map2 = affine_map<(d0, d1) -> (0, 0, 0)>
module attributes {stable_mosaic.version = 14 : i64} {
  func.func @body(%arg0: i32, %arg1: i32, %arg2: memref<10000x128xf32, #tpu.memory_space<hbm>>, %arg3: memref<2x625x1x128xi32, #tpu.memory_space<hbm>>, %arg4: memref<2x625x1x128xi32, #tpu.memory_space<hbm>>, %arg5: memref<312x128xf32, #tpu.memory_space<hbm>>, %arg6: memref<2x5000x128xf32, #tpu.memory_space<hbm>>, %arg7: memref<128xi32, #tpu.memory_space<vmem>>, %arg8: memref<128xi32, #tpu.memory_space<vmem>>, %arg9: memref<128x128xf32, #tpu.memory_space<vmem>>, %arg10: memref<128xi32, #tpu.memory_space<vmem>>, %arg11: memref<128xi32, #tpu.memory_space<vmem>>, %arg12: memref<128x128xf32, #tpu.memory_space<vmem>>, %arg13: memref<5000x128xf32, #tpu.memory_space<vmem_shared>>, %arg14: memref<!tpu.dma_semaphore, #tpu.memory_space<semaphore_mem>>, %arg15: memref<!tpu.dma_semaphore, #tpu.memory_space<semaphore_mem>>, %arg16: memref<!tpu.dma_semaphore, #tpu.memory_space<semaphore_mem>>, %arg17: memref<!tpu.dma_semaphore, #tpu.memory_space<semaphore_mem>>) attributes {dimension_semantics = [#tpu.dimension_semantics<core_parallel>, #tpu.dimension_semantics<subcore_parallel>], iteration_bounds = array<i64: 2, 16>, scalar_prefetch = 0 : i64, scratch_operands = 11 : i64, tpu.core_type = #tpu.core_type<sc_vector_subcore>, window_params = [{transform_indices = #map}, {transform_indices = #map1}, {transform_indices = #map1}, {transform_indices = #map}, {transform_indices = #map2}]} {
    %mul3A = arith.constant 312 : i32
    %mul3A_0 = arith.muli %arg1, %mul3A : i32
    "tpu.region"() ({
      %run_scoped3A_31 = tpu.sem_alloc : memref<!tpu.dma_semaphore, #tpu.memory_space<semaphore_mem>>
      %dma_start3A_32 = arith.constant 0 : i32
      %dma_start3A_33 = tpu.memref_slice %arg13[%mul3A_0, %dma_start3A_32] : memref<5000x128xf32, #tpu.memory_space<vmem_shared>> -> memref<312x128xf32, #tpu.memory_space<vmem_shared>>
      %dma_start3A_34 = arith.constant 0 : i32
      %dma_start3A_35 = arith.constant 0 : i32
      %dma_start3A_36 = tpu.memref_slice %arg5[%dma_start3A_34, %dma_start3A_35] : memref<312x128xf32, #tpu.memory_space<hbm>> -> memref<312x128xf32, #tpu.memory_space<hbm>>
      tpu.enqueue_dma source(%dma_start3A_36 : memref<312x128xf32, #tpu.memory_space<hbm>>) target(%dma_start3A_33 : memref<312x128xf32, #tpu.memory_space<vmem_shared>>) target_semaphore(%run_scoped3A_31 : memref<!tpu.dma_semaphore, #tpu.memory_space<semaphore_mem>>)
      %dma_wait3A_37 = arith.constant 0 : i32
      %dma_wait3A_38 = tpu.memref_slice %arg13[%mul3A_0, %dma_wait3A_37] : memref<5000x128xf32, #tpu.memory_space<vmem_shared>> -> memref<312x128xf32, #tpu.memory_space<vmem_shared>>
      %dma_wait3A_39 = arith.constant 0 : i32
      %dma_wait3A_40 = arith.constant 0 : i32
      %dma_wait3A_41 = tpu.memref_slice %arg5[%dma_wait3A_39, %dma_wait3A_40] : memref<312x128xf32, #tpu.memory_space<hbm>> -> memref<312x128xf32, #tpu.memory_space<hbm>>
      tpu.wait_dma2 semaphore(%run_scoped3A_31 : memref<!tpu.dma_semaphore, #tpu.memory_space<semaphore_mem>>) src(%dma_wait3A_41 : memref<312x128xf32, #tpu.memory_space<hbm>>) dst(%dma_wait3A_38 : memref<312x128xf32, #tpu.memory_space<vmem_shared>>)
      tpu.yield
    }) : () -> ()
    %eq3A = arith.constant 15 : i32
    %eq3A_1 = arith.cmpi eq, %arg1, %eq3A : i32
    %convert_element_type3A = arith.extui %eq3A_1 : i1 to i32
    %cond3A = arith.constant 0 : i32
    %cond3A_2 = arith.cmpi ne, %convert_element_type3A, %cond3A : i32
    scf.if %cond3A_2 {
      "tpu.region"() ({
        %run_scoped3A_31 = tpu.sem_alloc : memref<!tpu.dma_semaphore, #tpu.memory_space<semaphore_mem>>
        %dma_start3A_32 = arith.constant 4992 : i32
        %dma_start3A_33 = arith.constant 0 : i32
        %dma_start3A_34 = tpu.memref_slice %arg13[%dma_start3A_32, %dma_start3A_33] : memref<5000x128xf32, #tpu.memory_space<vmem_shared>> -> memref<8x128xf32, #tpu.memory_space<vmem_shared>>
        %dma_start3A_35 = arith.constant 0 : i32
        %dma_start3A_36 = arith.constant 0 : i32
        %dma_start3A_37 = tpu.memref_slice %arg5[%dma_start3A_35, %dma_start3A_36] : memref<312x128xf32, #tpu.memory_space<hbm>> -> memref<8x128xf32, #tpu.memory_space<hbm>>
        tpu.enqueue_dma source(%dma_start3A_37 : memref<8x128xf32, #tpu.memory_space<hbm>>) target(%dma_start3A_34 : memref<8x128xf32, #tpu.memory_space<vmem_shared>>) target_semaphore(%run_scoped3A_31 : memref<!tpu.dma_semaphore, #tpu.memory_space<semaphore_mem>>)
        %dma_wait3A_38 = arith.constant 4992 : i32
        %dma_wait3A_39 = arith.constant 0 : i32
        %dma_wait3A_40 = tpu.memref_slice %arg13[%dma_wait3A_38, %dma_wait3A_39] : memref<5000x128xf32, #tpu.memory_space<vmem_shared>> -> memref<8x128xf32, #tpu.memory_space<vmem_shared>>
        %dma_wait3A_41 = arith.constant 0 : i32
        %dma_wait3A_42 = arith.constant 0 : i32
        %dma_wait3A_43 = tpu.memref_slice %arg5[%dma_wait3A_41, %dma_wait3A_42] : memref<312x128xf32, #tpu.memory_space<hbm>> -> memref<8x128xf32, #tpu.memory_space<hbm>>
        tpu.wait_dma2 semaphore(%run_scoped3A_31 : memref<!tpu.dma_semaphore, #tpu.memory_space<semaphore_mem>>) src(%dma_wait3A_43 : memref<8x128xf32, #tpu.memory_space<hbm>>) dst(%dma_wait3A_40 : memref<8x128xf32, #tpu.memory_space<vmem_shared>>)
        tpu.yield
      }) : () -> ()
    } else {
    }
    %barrier3A = arith.constant 0 : index
    tpu.barrier barrier_id(%barrier3A)
    %scan3A = arith.constant 0 : i32
    %scan3A_3 = arith.constant 0 : i32
    %scan3A_4 = arith.constant 19 : i32
    %scan3A_5 = arith.addi %scan3A_3, %scan3A_4 : i32
    %scan3A_6 = arith.constant 1 : i32
    scf.for %scan3A_31 = %scan3A_3 to %scan3A_5 step %scan3A_6  : i32 {
      %mul3A_32 = arith.constant 2 : i32
      %mul3A_33 = arith.muli %mul3A_32, %scan3A_31 : i32
      %mul3A_34 = arith.constant 16 : i32
      %mul3A_35 = arith.muli %mul3A_33, %mul3A_34 : i32
      %add3A_36 = arith.addi %mul3A_35, %arg1 : i32
      %mul3A_37 = arith.constant 2 : i32
      %mul3A_38 = arith.muli %mul3A_37, %scan3A_31 : i32
      %add3A_39 = arith.constant 1 : i32
      %add3A_40 = arith.addi %mul3A_38, %add3A_39 : i32
      %mul3A_41 = arith.constant 16 : i32
      %mul3A_42 = arith.muli %add3A_40, %mul3A_41 : i32
      %add3A_43 = arith.addi %mul3A_42, %arg1 : i32
      %run_scoped3A_44 = arith.constant 0 : i32
      "tpu.region"() ({
        %run_scoped3A_72 = tpu.sem_alloc : memref<!tpu.dma_semaphore, #tpu.memory_space<semaphore_mem>>
        %dma_start3A_73 = arith.constant 0 : i32
        %dma_start3A_74 = tpu.memref_slice %arg3[%arg0, %add3A_36, %run_scoped3A_44, %dma_start3A_73] : memref<2x625x1x128xi32, #tpu.memory_space<hbm>> -> memref<1x1x1x128xi32, #tpu.memory_space<hbm>>
        %dma_start3A_75 = tpu.memref_squeeze %dma_start3A_74 : memref<1x1x1x128xi32, #tpu.memory_space<hbm>> -> memref<128xi32, #tpu.memory_space<hbm>>
        %dma_start3A_76 = arith.constant 0 : i32
        %dma_start3A_77 = tpu.memref_slice %arg3[%arg0, %add3A_36, %run_scoped3A_44, %dma_start3A_76] : memref<2x625x1x128xi32, #tpu.memory_space<hbm>> -> memref<1x1x1x128xi32, #tpu.memory_space<hbm>>
        %dma_start3A_78 = tpu.memref_squeeze %dma_start3A_77 : memref<1x1x1x128xi32, #tpu.memory_space<hbm>> -> memref<128xi32, #tpu.memory_space<hbm>>
        tpu.enqueue_dma source(%dma_start3A_78 : memref<128xi32, #tpu.memory_space<hbm>>) target(%arg7 : memref<128xi32, #tpu.memory_space<vmem>>) target_semaphore(%run_scoped3A_72 : memref<!tpu.dma_semaphore, #tpu.memory_space<semaphore_mem>>)
        %dma_wait3A_79 = arith.constant 0 : i32
        %dma_wait3A_80 = tpu.memref_slice %arg3[%arg0, %add3A_36, %run_scoped3A_44, %dma_wait3A_79] : memref<2x625x1x128xi32, #tpu.memory_space<hbm>> -> memref<1x1x1x128xi32, #tpu.memory_space<hbm>>
        %dma_wait3A_81 = tpu.memref_squeeze %dma_wait3A_80 : memref<1x1x1x128xi32, #tpu.memory_space<hbm>> -> memref<128xi32, #tpu.memory_space<hbm>>
        %dma_wait3A_82 = arith.constant 0 : i32
        %dma_wait3A_83 = tpu.memref_slice %arg3[%arg0, %add3A_36, %run_scoped3A_44, %dma_wait3A_82] : memref<2x625x1x128xi32, #tpu.memory_space<hbm>> -> memref<1x1x1x128xi32, #tpu.memory_space<hbm>>
        %dma_wait3A_84 = tpu.memref_squeeze %dma_wait3A_83 : memref<1x1x1x128xi32, #tpu.memory_space<hbm>> -> memref<128xi32, #tpu.memory_space<hbm>>
        tpu.wait_dma2 semaphore(%run_scoped3A_72 : memref<!tpu.dma_semaphore, #tpu.memory_space<semaphore_mem>>) src(%dma_wait3A_84 : memref<128xi32, #tpu.memory_space<hbm>>) dst(%arg7 : memref<128xi32, #tpu.memory_space<vmem>>)
        tpu.yield
      }) : () -> ()
      %run_scoped3A_45 = arith.constant 0 : i32
      "tpu.region"() ({
        %run_scoped3A_72 = tpu.sem_alloc : memref<!tpu.dma_semaphore, #tpu.memory_space<semaphore_mem>>
        %dma_start3A_73 = arith.constant 0 : i32
        %dma_start3A_74 = tpu.memref_slice %arg4[%arg0, %add3A_36, %run_scoped3A_45, %dma_start3A_73] : memref<2x625x1x128xi32, #tpu.memory_space<hbm>> -> memref<1x1x1x128xi32, #tpu.memory_space<hbm>>
        %dma_start3A_75 = tpu.memref_squeeze %dma_start3A_74 : memref<1x1x1x128xi32, #tpu.memory_space<hbm>> -> memref<128xi32, #tpu.memory_space<hbm>>
        %dma_start3A_76 = arith.constant 0 : i32
        %dma_start3A_77 = tpu.memref_slice %arg4[%arg0, %add3A_36, %run_scoped3A_45, %dma_start3A_76] : memref<2x625x1x128xi32, #tpu.memory_space<hbm>> -> memref<1x1x1x128xi32, #tpu.memory_space<hbm>>
        %dma_start3A_78 = tpu.memref_squeeze %dma_start3A_77 : memref<1x1x1x128xi32, #tpu.memory_space<hbm>> -> memref<128xi32, #tpu.memory_space<hbm>>
        tpu.enqueue_dma source(%dma_start3A_78 : memref<128xi32, #tpu.memory_space<hbm>>) target(%arg8 : memref<128xi32, #tpu.memory_space<vmem>>) target_semaphore(%run_scoped3A_72 : memref<!tpu.dma_semaphore, #tpu.memory_space<semaphore_mem>>)
        %dma_wait3A_79 = arith.constant 0 : i32
        %dma_wait3A_80 = tpu.memref_slice %arg4[%arg0, %add3A_36, %run_scoped3A_45, %dma_wait3A_79] : memref<2x625x1x128xi32, #tpu.memory_space<hbm>> -> memref<1x1x1x128xi32, #tpu.memory_space<hbm>>
        %dma_wait3A_81 = tpu.memref_squeeze %dma_wait3A_80 : memref<1x1x1x128xi32, #tpu.memory_space<hbm>> -> memref<128xi32, #tpu.memory_space<hbm>>
        %dma_wait3A_82 = arith.constant 0 : i32
        %dma_wait3A_83 = tpu.memref_slice %arg4[%arg0, %add3A_36, %run_scoped3A_45, %dma_wait3A_82] : memref<2x625x1x128xi32, #tpu.memory_space<hbm>> -> memref<1x1x1x128xi32, #tpu.memory_space<hbm>>
        %dma_wait3A_84 = tpu.memref_squeeze %dma_wait3A_83 : memref<1x1x1x128xi32, #tpu.memory_space<hbm>> -> memref<128xi32, #tpu.memory_space<hbm>>
        tpu.wait_dma2 semaphore(%run_scoped3A_72 : memref<!tpu.dma_semaphore, #tpu.memory_space<semaphore_mem>>) src(%dma_wait3A_84 : memref<128xi32, #tpu.memory_space<hbm>>) dst(%arg8 : memref<128xi32, #tpu.memory_space<vmem>>)
        tpu.yield
      }) : () -> ()
      %dma_start3A_46 = arith.constant 0 : i32
      %dma_start3A_47 = arith.constant 0 : i32
      %dma_start3A_48 = tpu.memref_slice %arg2[%dma_start3A_46, %dma_start3A_47] : memref<10000x128xf32, #tpu.memory_space<hbm>> -> memref<10000x128xf32, #tpu.memory_space<hbm>>
      tpu.enqueue_indirect_dma source(%dma_start3A_48 : memref<10000x128xf32, #tpu.memory_space<hbm>>) target(%arg9 : memref<128x128xf32, #tpu.memory_space<vmem>>) offsets(%arg7 : memref<128xi32, #tpu.memory_space<vmem>>) semaphore(%arg14 : memref<!tpu.dma_semaphore, #tpu.memory_space<semaphore_mem>>)
      %run_scoped3A_49 = arith.constant 0 : i32
      "tpu.region"() ({
        %run_scoped3A_72 = tpu.sem_alloc : memref<!tpu.dma_semaphore, #tpu.memory_space<semaphore_mem>>
        %dma_start3A_73 = arith.constant 0 : i32
        %dma_start3A_74 = tpu.memref_slice %arg3[%arg0, %add3A_43, %run_scoped3A_49, %dma_start3A_73] : memref<2x625x1x128xi32, #tpu.memory_space<hbm>> -> memref<1x1x1x128xi32, #tpu.memory_space<hbm>>
        %dma_start3A_75 = tpu.memref_squeeze %dma_start3A_74 : memref<1x1x1x128xi32, #tpu.memory_space<hbm>> -> memref<128xi32, #tpu.memory_space<hbm>>
        %dma_start3A_76 = arith.constant 0 : i32
        %dma_start3A_77 = tpu.memref_slice %arg3[%arg0, %add3A_43, %run_scoped3A_49, %dma_start3A_76] : memref<2x625x1x128xi32, #tpu.memory_space<hbm>> -> memref<1x1x1x128xi32, #tpu.memory_space<hbm>>
        %dma_start3A_78 = tpu.memref_squeeze %dma_start3A_77 : memref<1x1x1x128xi32, #tpu.memory_space<hbm>> -> memref<128xi32, #tpu.memory_space<hbm>>
        tpu.enqueue_dma source(%dma_start3A_78 : memref<128xi32, #tpu.memory_space<hbm>>) target(%arg10 : memref<128xi32, #tpu.memory_space<vmem>>) target_semaphore(%run_scoped3A_72 : memref<!tpu.dma_semaphore, #tpu.memory_space<semaphore_mem>>)
        %dma_wait3A_79 = arith.constant 0 : i32
        %dma_wait3A_80 = tpu.memref_slice %arg3[%arg0, %add3A_43, %run_scoped3A_49, %dma_wait3A_79] : memref<2x625x1x128xi32, #tpu.memory_space<hbm>> -> memref<1x1x1x128xi32, #tpu.memory_space<hbm>>
        %dma_wait3A_81 = tpu.memref_squeeze %dma_wait3A_80 : memref<1x1x1x128xi32, #tpu.memory_space<hbm>> -> memref<128xi32, #tpu.memory_space<hbm>>
        %dma_wait3A_82 = arith.constant 0 : i32
        %dma_wait3A_83 = tpu.memref_slice %arg3[%arg0, %add3A_43, %run_scoped3A_49, %dma_wait3A_82] : memref<2x625x1x128xi32, #tpu.memory_space<hbm>> -> memref<1x1x1x128xi32, #tpu.memory_space<hbm>>
        %dma_wait3A_84 = tpu.memref_squeeze %dma_wait3A_83 : memref<1x1x1x128xi32, #tpu.memory_space<hbm>> -> memref<128xi32, #tpu.memory_space<hbm>>
        tpu.wait_dma2 semaphore(%run_scoped3A_72 : memref<!tpu.dma_semaphore, #tpu.memory_space<semaphore_mem>>) src(%dma_wait3A_84 : memref<128xi32, #tpu.memory_space<hbm>>) dst(%arg10 : memref<128xi32, #tpu.memory_space<vmem>>)
        tpu.yield
      }) : () -> ()
      %run_scoped3A_50 = arith.constant 0 : i32
      "tpu.region"() ({
        %run_scoped3A_72 = tpu.sem_alloc : memref<!tpu.dma_semaphore, #tpu.memory_space<semaphore_mem>>
        %dma_start3A_73 = arith.constant 0 : i32
        %dma_start3A_74 = tpu.memref_slice %arg4[%arg0, %add3A_43, %run_scoped3A_50, %dma_start3A_73] : memref<2x625x1x128xi32, #tpu.memory_space<hbm>> -> memref<1x1x1x128xi32, #tpu.memory_space<hbm>>
        %dma_start3A_75 = tpu.memref_squeeze %dma_start3A_74 : memref<1x1x1x128xi32, #tpu.memory_space<hbm>> -> memref<128xi32, #tpu.memory_space<hbm>>
        %dma_start3A_76 = arith.constant 0 : i32
        %dma_start3A_77 = tpu.memref_slice %arg4[%arg0, %add3A_43, %run_scoped3A_50, %dma_start3A_76] : memref<2x625x1x128xi32, #tpu.memory_space<hbm>> -> memref<1x1x1x128xi32, #tpu.memory_space<hbm>>
        %dma_start3A_78 = tpu.memref_squeeze %dma_start3A_77 : memref<1x1x1x128xi32, #tpu.memory_space<hbm>> -> memref<128xi32, #tpu.memory_space<hbm>>
        tpu.enqueue_dma source(%dma_start3A_78 : memref<128xi32, #tpu.memory_space<hbm>>) target(%arg11 : memref<128xi32, #tpu.memory_space<vmem>>) target_semaphore(%run_scoped3A_72 : memref<!tpu.dma_semaphore, #tpu.memory_space<semaphore_mem>>)
        %dma_wait3A_79 = arith.constant 0 : i32
        %dma_wait3A_80 = tpu.memref_slice %arg4[%arg0, %add3A_43, %run_scoped3A_50, %dma_wait3A_79] : memref<2x625x1x128xi32, #tpu.memory_space<hbm>> -> memref<1x1x1x128xi32, #tpu.memory_space<hbm>>
        %dma_wait3A_81 = tpu.memref_squeeze %dma_wait3A_80 : memref<1x1x1x128xi32, #tpu.memory_space<hbm>> -> memref<128xi32, #tpu.memory_space<hbm>>
        %dma_wait3A_82 = arith.constant 0 : i32
        %dma_wait3A_83 = tpu.memref_slice %arg4[%arg0, %add3A_43, %run_scoped3A_50, %dma_wait3A_82] : memref<2x625x1x128xi32, #tpu.memory_space<hbm>> -> memref<1x1x1x128xi32, #tpu.memory_space<hbm>>
        %dma_wait3A_84 = tpu.memref_squeeze %dma_wait3A_83 : memref<1x1x1x128xi32, #tpu.memory_space<hbm>> -> memref<128xi32, #tpu.memory_space<hbm>>
        tpu.wait_dma2 semaphore(%run_scoped3A_72 : memref<!tpu.dma_semaphore, #tpu.memory_space<semaphore_mem>>) src(%dma_wait3A_84 : memref<128xi32, #tpu.memory_space<hbm>>) dst(%arg11 : memref<128xi32, #tpu.memory_space<vmem>>)
        tpu.yield
      }) : () -> ()
      %dma_start3A_51 = arith.constant 0 : i32
      %dma_start3A_52 = arith.constant 0 : i32
      %dma_start3A_53 = tpu.memref_slice %arg2[%dma_start3A_51, %dma_start3A_52] : memref<10000x128xf32, #tpu.memory_space<hbm>> -> memref<10000x128xf32, #tpu.memory_space<hbm>>
      tpu.enqueue_indirect_dma source(%dma_start3A_53 : memref<10000x128xf32, #tpu.memory_space<hbm>>) target(%arg12 : memref<128x128xf32, #tpu.memory_space<vmem>>) offsets(%arg10 : memref<128xi32, #tpu.memory_space<vmem>>) semaphore(%arg16 : memref<!tpu.dma_semaphore, #tpu.memory_space<semaphore_mem>>)
      %dma_wait3A_54 = arith.constant 0 : i32
      %dma_wait3A_55 = arith.constant 0 : i32
      %dma_wait3A_56 = tpu.memref_slice %arg2[%dma_wait3A_54, %dma_wait3A_55] : memref<10000x128xf32, #tpu.memory_space<hbm>> -> memref<10000x128xf32, #tpu.memory_space<hbm>>
      tpu.wait_indirect_dma semaphore(%arg14 : memref<!tpu.dma_semaphore, #tpu.memory_space<semaphore_mem>>) src(%dma_wait3A_56 : memref<10000x128xf32, #tpu.memory_space<hbm>>) dst(%arg9 : memref<128x128xf32, #tpu.memory_space<vmem>>)
      %dma_start3A_57 = arith.constant 0 : i32
      %dma_start3A_58 = arith.constant 0 : i32
      %dma_start3A_59 = tpu.memref_slice %arg13[%dma_start3A_57, %dma_start3A_58] : memref<5000x128xf32, #tpu.memory_space<vmem_shared>> -> memref<5000x128xf32, #tpu.memory_space<vmem_shared>>
      tpu.enqueue_indirect_dma source(%arg9 : memref<128x128xf32, #tpu.memory_space<vmem>>) target(%dma_start3A_59 : memref<5000x128xf32, #tpu.memory_space<vmem_shared>>) offsets(%arg8 : memref<128xi32, #tpu.memory_space<vmem>>) semaphore(%arg15 : memref<!tpu.dma_semaphore, #tpu.memory_space<semaphore_mem>>) {add = true}
      %dma_wait3A_60 = arith.constant 0 : i32
      %dma_wait3A_61 = arith.constant 0 : i32
      %dma_wait3A_62 = tpu.memref_slice %arg2[%dma_wait3A_60, %dma_wait3A_61] : memref<10000x128xf32, #tpu.memory_space<hbm>> -> memref<10000x128xf32, #tpu.memory_space<hbm>>
      tpu.wait_indirect_dma semaphore(%arg16 : memref<!tpu.dma_semaphore, #tpu.memory_space<semaphore_mem>>) src(%dma_wait3A_62 : memref<10000x128xf32, #tpu.memory_space<hbm>>) dst(%arg12 : memref<128x128xf32, #tpu.memory_space<vmem>>)
      %dma_start3A_63 = arith.constant 0 : i32
      %dma_start3A_64 = arith.constant 0 : i32
      %dma_start3A_65 = tpu.memref_slice %arg13[%dma_start3A_63, %dma_start3A_64] : memref<5000x128xf32, #tpu.memory_space<vmem_shared>> -> memref<5000x128xf32, #tpu.memory_space<vmem_shared>>
      tpu.enqueue_indirect_dma source(%arg12 : memref<128x128xf32, #tpu.memory_space<vmem>>) target(%dma_start3A_65 : memref<5000x128xf32, #tpu.memory_space<vmem_shared>>) offsets(%arg11 : memref<128xi32, #tpu.memory_space<vmem>>) semaphore(%arg17 : memref<!tpu.dma_semaphore, #tpu.memory_space<semaphore_mem>>) {add = true}
      %dma_wait3A_66 = arith.constant 0 : i32
      %dma_wait3A_67 = arith.constant 0 : i32
      %dma_wait3A_68 = tpu.memref_slice %arg13[%dma_wait3A_66, %dma_wait3A_67] : memref<5000x128xf32, #tpu.memory_space<vmem_shared>> -> memref<5000x128xf32, #tpu.memory_space<vmem_shared>>
      tpu.wait_indirect_dma semaphore(%arg15 : memref<!tpu.dma_semaphore, #tpu.memory_space<semaphore_mem>>) src(%arg9 : memref<128x128xf32, #tpu.memory_space<vmem>>) dst(%dma_wait3A_68 : memref<5000x128xf32, #tpu.memory_space<vmem_shared>>)
      %dma_wait3A_69 = arith.constant 0 : i32
      %dma_wait3A_70 = arith.constant 0 : i32
      %dma_wait3A_71 = tpu.memref_slice %arg13[%dma_wait3A_69, %dma_wait3A_70] : memref<5000x128xf32, #tpu.memory_space<vmem_shared>> -> memref<5000x128xf32, #tpu.memory_space<vmem_shared>>
      tpu.wait_indirect_dma semaphore(%arg17 : memref<!tpu.dma_semaphore, #tpu.memory_space<semaphore_mem>>) src(%arg12 : memref<128x128xf32, #tpu.memory_space<vmem>>) dst(%dma_wait3A_71 : memref<5000x128xf32, #tpu.memory_space<vmem_shared>>)
    }
    %scan3A_7 = arith.constant 19 : i32
    %add3A = arith.constant 608 : i32
    %add3A_8 = arith.addi %add3A, %arg1 : i32
    %run_scoped3A = arith.constant 0 : i32
    "tpu.region"() ({
      %run_scoped3A_31 = tpu.sem_alloc : memref<!tpu.dma_semaphore, #tpu.memory_space<semaphore_mem>>
      %dma_start3A_32 = arith.constant 0 : i32
      %dma_start3A_33 = tpu.memref_slice %arg3[%arg0, %add3A_8, %run_scoped3A, %dma_start3A_32] : memref<2x625x1x128xi32, #tpu.memory_space<hbm>> -> memref<1x1x1x128xi32, #tpu.memory_space<hbm>>
      %dma_start3A_34 = tpu.memref_squeeze %dma_start3A_33 : memref<1x1x1x128xi32, #tpu.memory_space<hbm>> -> memref<128xi32, #tpu.memory_space<hbm>>
      %dma_start3A_35 = arith.constant 0 : i32
      %dma_start3A_36 = tpu.memref_slice %arg3[%arg0, %add3A_8, %run_scoped3A, %dma_start3A_35] : memref<2x625x1x128xi32, #tpu.memory_space<hbm>> -> memref<1x1x1x128xi32, #tpu.memory_space<hbm>>
      %dma_start3A_37 = tpu.memref_squeeze %dma_start3A_36 : memref<1x1x1x128xi32, #tpu.memory_space<hbm>> -> memref<128xi32, #tpu.memory_space<hbm>>
      tpu.enqueue_dma source(%dma_start3A_37 : memref<128xi32, #tpu.memory_space<hbm>>) target(%arg7 : memref<128xi32, #tpu.memory_space<vmem>>) target_semaphore(%run_scoped3A_31 : memref<!tpu.dma_semaphore, #tpu.memory_space<semaphore_mem>>)
      %dma_wait3A_38 = arith.constant 0 : i32
      %dma_wait3A_39 = tpu.memref_slice %arg3[%arg0, %add3A_8, %run_scoped3A, %dma_wait3A_38] : memref<2x625x1x128xi32, #tpu.memory_space<hbm>> -> memref<1x1x1x128xi32, #tpu.memory_space<hbm>>
      %dma_wait3A_40 = tpu.memref_squeeze %dma_wait3A_39 : memref<1x1x1x128xi32, #tpu.memory_space<hbm>> -> memref<128xi32, #tpu.memory_space<hbm>>
      %dma_wait3A_41 = arith.constant 0 : i32
      %dma_wait3A_42 = tpu.memref_slice %arg3[%arg0, %add3A_8, %run_scoped3A, %dma_wait3A_41] : memref<2x625x1x128xi32, #tpu.memory_space<hbm>> -> memref<1x1x1x128xi32, #tpu.memory_space<hbm>>
      %dma_wait3A_43 = tpu.memref_squeeze %dma_wait3A_42 : memref<1x1x1x128xi32, #tpu.memory_space<hbm>> -> memref<128xi32, #tpu.memory_space<hbm>>
      tpu.wait_dma2 semaphore(%run_scoped3A_31 : memref<!tpu.dma_semaphore, #tpu.memory_space<semaphore_mem>>) src(%dma_wait3A_43 : memref<128xi32, #tpu.memory_space<hbm>>) dst(%arg7 : memref<128xi32, #tpu.memory_space<vmem>>)
      tpu.yield
    }) : () -> ()
    %run_scoped3A_9 = arith.constant 0 : i32
    "tpu.region"() ({
      %run_scoped3A_31 = tpu.sem_alloc : memref<!tpu.dma_semaphore, #tpu.memory_space<semaphore_mem>>
      %dma_start3A_32 = arith.constant 0 : i32
      %dma_start3A_33 = tpu.memref_slice %arg4[%arg0, %add3A_8, %run_scoped3A_9, %dma_start3A_32] : memref<2x625x1x128xi32, #tpu.memory_space<hbm>> -> memref<1x1x1x128xi32, #tpu.memory_space<hbm>>
      %dma_start3A_34 = tpu.memref_squeeze %dma_start3A_33 : memref<1x1x1x128xi32, #tpu.memory_space<hbm>> -> memref<128xi32, #tpu.memory_space<hbm>>
      %dma_start3A_35 = arith.constant 0 : i32
      %dma_start3A_36 = tpu.memref_slice %arg4[%arg0, %add3A_8, %run_scoped3A_9, %dma_start3A_35] : memref<2x625x1x128xi32, #tpu.memory_space<hbm>> -> memref<1x1x1x128xi32, #tpu.memory_space<hbm>>
      %dma_start3A_37 = tpu.memref_squeeze %dma_start3A_36 : memref<1x1x1x128xi32, #tpu.memory_space<hbm>> -> memref<128xi32, #tpu.memory_space<hbm>>
      tpu.enqueue_dma source(%dma_start3A_37 : memref<128xi32, #tpu.memory_space<hbm>>) target(%arg8 : memref<128xi32, #tpu.memory_space<vmem>>) target_semaphore(%run_scoped3A_31 : memref<!tpu.dma_semaphore, #tpu.memory_space<semaphore_mem>>)
      %dma_wait3A_38 = arith.constant 0 : i32
      %dma_wait3A_39 = tpu.memref_slice %arg4[%arg0, %add3A_8, %run_scoped3A_9, %dma_wait3A_38] : memref<2x625x1x128xi32, #tpu.memory_space<hbm>> -> memref<1x1x1x128xi32, #tpu.memory_space<hbm>>
      %dma_wait3A_40 = tpu.memref_squeeze %dma_wait3A_39 : memref<1x1x1x128xi32, #tpu.memory_space<hbm>> -> memref<128xi32, #tpu.memory_space<hbm>>
      %dma_wait3A_41 = arith.constant 0 : i32
      %dma_wait3A_42 = tpu.memref_slice %arg4[%arg0, %add3A_8, %run_scoped3A_9, %dma_wait3A_41] : memref<2x625x1x128xi32, #tpu.memory_space<hbm>> -> memref<1x1x1x128xi32, #tpu.memory_space<hbm>>
      %dma_wait3A_43 = tpu.memref_squeeze %dma_wait3A_42 : memref<1x1x1x128xi32, #tpu.memory_space<hbm>> -> memref<128xi32, #tpu.memory_space<hbm>>
      tpu.wait_dma2 semaphore(%run_scoped3A_31 : memref<!tpu.dma_semaphore, #tpu.memory_space<semaphore_mem>>) src(%dma_wait3A_43 : memref<128xi32, #tpu.memory_space<hbm>>) dst(%arg8 : memref<128xi32, #tpu.memory_space<vmem>>)
      tpu.yield
    }) : () -> ()
    %dma_start3A = arith.constant 0 : i32
    %dma_start3A_10 = arith.constant 0 : i32
    %dma_start3A_11 = tpu.memref_slice %arg2[%dma_start3A, %dma_start3A_10] : memref<10000x128xf32, #tpu.memory_space<hbm>> -> memref<10000x128xf32, #tpu.memory_space<hbm>>
    tpu.enqueue_indirect_dma source(%dma_start3A_11 : memref<10000x128xf32, #tpu.memory_space<hbm>>) target(%arg9 : memref<128x128xf32, #tpu.memory_space<vmem>>) offsets(%arg7 : memref<128xi32, #tpu.memory_space<vmem>>) semaphore(%arg14 : memref<!tpu.dma_semaphore, #tpu.memory_space<semaphore_mem>>)
    %dma_wait3A = arith.constant 0 : i32
    %dma_wait3A_12 = arith.constant 0 : i32
    %dma_wait3A_13 = tpu.memref_slice %arg2[%dma_wait3A, %dma_wait3A_12] : memref<10000x128xf32, #tpu.memory_space<hbm>> -> memref<10000x128xf32, #tpu.memory_space<hbm>>
    tpu.wait_indirect_dma semaphore(%arg14 : memref<!tpu.dma_semaphore, #tpu.memory_space<semaphore_mem>>) src(%dma_wait3A_13 : memref<10000x128xf32, #tpu.memory_space<hbm>>) dst(%arg9 : memref<128x128xf32, #tpu.memory_space<vmem>>)
    %dma_start3A_14 = arith.constant 0 : i32
    %dma_start3A_15 = arith.constant 0 : i32
    %dma_start3A_16 = tpu.memref_slice %arg13[%dma_start3A_14, %dma_start3A_15] : memref<5000x128xf32, #tpu.memory_space<vmem_shared>> -> memref<5000x128xf32, #tpu.memory_space<vmem_shared>>
    tpu.enqueue_indirect_dma source(%arg9 : memref<128x128xf32, #tpu.memory_space<vmem>>) target(%dma_start3A_16 : memref<5000x128xf32, #tpu.memory_space<vmem_shared>>) offsets(%arg8 : memref<128xi32, #tpu.memory_space<vmem>>) semaphore(%arg15 : memref<!tpu.dma_semaphore, #tpu.memory_space<semaphore_mem>>) {add = true}
    %dma_wait3A_17 = arith.constant 0 : i32
    %dma_wait3A_18 = arith.constant 0 : i32
    %dma_wait3A_19 = tpu.memref_slice %arg13[%dma_wait3A_17, %dma_wait3A_18] : memref<5000x128xf32, #tpu.memory_space<vmem_shared>> -> memref<5000x128xf32, #tpu.memory_space<vmem_shared>>
    tpu.wait_indirect_dma semaphore(%arg15 : memref<!tpu.dma_semaphore, #tpu.memory_space<semaphore_mem>>) src(%arg9 : memref<128x128xf32, #tpu.memory_space<vmem>>) dst(%dma_wait3A_19 : memref<5000x128xf32, #tpu.memory_space<vmem_shared>>)
    %eq3A_20 = arith.constant 0 : i32
    %eq3A_21 = arith.cmpi eq, %arg1, %eq3A_20 : i32
    %convert_element_type3A_22 = arith.extui %eq3A_21 : i1 to i32
    %cond3A_23 = arith.constant 0 : i32
    %cond3A_24 = arith.cmpi ne, %convert_element_type3A_22, %cond3A_23 : i32
    scf.if %cond3A_24 {
      %run_scoped3A_31 = arith.constant 624 : i32
      %run_scoped3A_32 = arith.constant 0 : i32
      "tpu.region"() ({
        %run_scoped3A_47 = tpu.sem_alloc : memref<!tpu.dma_semaphore, #tpu.memory_space<semaphore_mem>>
        %dma_start3A_48 = arith.constant 0 : i32
        %dma_start3A_49 = tpu.memref_slice %arg3[%arg0, %run_scoped3A_31, %run_scoped3A_32, %dma_start3A_48] : memref<2x625x1x128xi32, #tpu.memory_space<hbm>> -> memref<1x1x1x128xi32, #tpu.memory_space<hbm>>
        %dma_start3A_50 = tpu.memref_squeeze %dma_start3A_49 : memref<1x1x1x128xi32, #tpu.memory_space<hbm>> -> memref<128xi32, #tpu.memory_space<hbm>>
        %dma_start3A_51 = arith.constant 0 : i32
        %dma_start3A_52 = tpu.memref_slice %arg3[%arg0, %run_scoped3A_31, %run_scoped3A_32, %dma_start3A_51] : memref<2x625x1x128xi32, #tpu.memory_space<hbm>> -> memref<1x1x1x128xi32, #tpu.memory_space<hbm>>
        %dma_start3A_53 = tpu.memref_squeeze %dma_start3A_52 : memref<1x1x1x128xi32, #tpu.memory_space<hbm>> -> memref<128xi32, #tpu.memory_space<hbm>>
        tpu.enqueue_dma source(%dma_start3A_53 : memref<128xi32, #tpu.memory_space<hbm>>) target(%arg7 : memref<128xi32, #tpu.memory_space<vmem>>) target_semaphore(%run_scoped3A_47 : memref<!tpu.dma_semaphore, #tpu.memory_space<semaphore_mem>>)
        %dma_wait3A_54 = arith.constant 0 : i32
        %dma_wait3A_55 = tpu.memref_slice %arg3[%arg0, %run_scoped3A_31, %run_scoped3A_32, %dma_wait3A_54] : memref<2x625x1x128xi32, #tpu.memory_space<hbm>> -> memref<1x1x1x128xi32, #tpu.memory_space<hbm>>
        %dma_wait3A_56 = tpu.memref_squeeze %dma_wait3A_55 : memref<1x1x1x128xi32, #tpu.memory_space<hbm>> -> memref<128xi32, #tpu.memory_space<hbm>>
        %dma_wait3A_57 = arith.constant 0 : i32
        %dma_wait3A_58 = tpu.memref_slice %arg3[%arg0, %run_scoped3A_31, %run_scoped3A_32, %dma_wait3A_57] : memref<2x625x1x128xi32, #tpu.memory_space<hbm>> -> memref<1x1x1x128xi32, #tpu.memory_space<hbm>>
        %dma_wait3A_59 = tpu.memref_squeeze %dma_wait3A_58 : memref<1x1x1x128xi32, #tpu.memory_space<hbm>> -> memref<128xi32, #tpu.memory_space<hbm>>
        tpu.wait_dma2 semaphore(%run_scoped3A_47 : memref<!tpu.dma_semaphore, #tpu.memory_space<semaphore_mem>>) src(%dma_wait3A_59 : memref<128xi32, #tpu.memory_space<hbm>>) dst(%arg7 : memref<128xi32, #tpu.memory_space<vmem>>)
        tpu.yield
      }) : () -> ()
      %run_scoped3A_33 = arith.constant 624 : i32
      %run_scoped3A_34 = arith.constant 0 : i32
      "tpu.region"() ({
        %run_scoped3A_47 = tpu.sem_alloc : memref<!tpu.dma_semaphore, #tpu.memory_space<semaphore_mem>>
        %dma_start3A_48 = arith.constant 0 : i32
        %dma_start3A_49 = tpu.memref_slice %arg4[%arg0, %run_scoped3A_33, %run_scoped3A_34, %dma_start3A_48] : memref<2x625x1x128xi32, #tpu.memory_space<hbm>> -> memref<1x1x1x128xi32, #tpu.memory_space<hbm>>
        %dma_start3A_50 = tpu.memref_squeeze %dma_start3A_49 : memref<1x1x1x128xi32, #tpu.memory_space<hbm>> -> memref<128xi32, #tpu.memory_space<hbm>>
        %dma_start3A_51 = arith.constant 0 : i32
        %dma_start3A_52 = tpu.memref_slice %arg4[%arg0, %run_scoped3A_33, %run_scoped3A_34, %dma_start3A_51] : memref<2x625x1x128xi32, #tpu.memory_space<hbm>> -> memref<1x1x1x128xi32, #tpu.memory_space<hbm>>
        %dma_start3A_53 = tpu.memref_squeeze %dma_start3A_52 : memref<1x1x1x128xi32, #tpu.memory_space<hbm>> -> memref<128xi32, #tpu.memory_space<hbm>>
        tpu.enqueue_dma source(%dma_start3A_53 : memref<128xi32, #tpu.memory_space<hbm>>) target(%arg8 : memref<128xi32, #tpu.memory_space<vmem>>) target_semaphore(%run_scoped3A_47 : memref<!tpu.dma_semaphore, #tpu.memory_space<semaphore_mem>>)
        %dma_wait3A_54 = arith.constant 0 : i32
        %dma_wait3A_55 = tpu.memref_slice %arg4[%arg0, %run_scoped3A_33, %run_scoped3A_34, %dma_wait3A_54] : memref<2x625x1x128xi32, #tpu.memory_space<hbm>> -> memref<1x1x1x128xi32, #tpu.memory_space<hbm>>
        %dma_wait3A_56 = tpu.memref_squeeze %dma_wait3A_55 : memref<1x1x1x128xi32, #tpu.memory_space<hbm>> -> memref<128xi32, #tpu.memory_space<hbm>>
        %dma_wait3A_57 = arith.constant 0 : i32
        %dma_wait3A_58 = tpu.memref_slice %arg4[%arg0, %run_scoped3A_33, %run_scoped3A_34, %dma_wait3A_57] : memref<2x625x1x128xi32, #tpu.memory_space<hbm>> -> memref<1x1x1x128xi32, #tpu.memory_space<hbm>>
        %dma_wait3A_59 = tpu.memref_squeeze %dma_wait3A_58 : memref<1x1x1x128xi32, #tpu.memory_space<hbm>> -> memref<128xi32, #tpu.memory_space<hbm>>
        tpu.wait_dma2 semaphore(%run_scoped3A_47 : memref<!tpu.dma_semaphore, #tpu.memory_space<semaphore_mem>>) src(%dma_wait3A_59 : memref<128xi32, #tpu.memory_space<hbm>>) dst(%arg8 : memref<128xi32, #tpu.memory_space<vmem>>)
        tpu.yield
      }) : () -> ()
      %dma_start3A_35 = arith.constant 0 : i32
      %dma_start3A_36 = arith.constant 0 : i32
      %dma_start3A_37 = tpu.memref_slice %arg2[%dma_start3A_35, %dma_start3A_36] : memref<10000x128xf32, #tpu.memory_space<hbm>> -> memref<10000x128xf32, #tpu.memory_space<hbm>>
      tpu.enqueue_indirect_dma source(%dma_start3A_37 : memref<10000x128xf32, #tpu.memory_space<hbm>>) target(%arg9 : memref<128x128xf32, #tpu.memory_space<vmem>>) offsets(%arg7 : memref<128xi32, #tpu.memory_space<vmem>>) semaphore(%arg14 : memref<!tpu.dma_semaphore, #tpu.memory_space<semaphore_mem>>)
      %dma_wait3A_38 = arith.constant 0 : i32
      %dma_wait3A_39 = arith.constant 0 : i32
      %dma_wait3A_40 = tpu.memref_slice %arg2[%dma_wait3A_38, %dma_wait3A_39] : memref<10000x128xf32, #tpu.memory_space<hbm>> -> memref<10000x128xf32, #tpu.memory_space<hbm>>
      tpu.wait_indirect_dma semaphore(%arg14 : memref<!tpu.dma_semaphore, #tpu.memory_space<semaphore_mem>>) src(%dma_wait3A_40 : memref<10000x128xf32, #tpu.memory_space<hbm>>) dst(%arg9 : memref<128x128xf32, #tpu.memory_space<vmem>>)
      %dma_start3A_41 = arith.constant 0 : i32
      %dma_start3A_42 = arith.constant 0 : i32
      %dma_start3A_43 = tpu.memref_slice %arg13[%dma_start3A_41, %dma_start3A_42] : memref<5000x128xf32, #tpu.memory_space<vmem_shared>> -> memref<5000x128xf32, #tpu.memory_space<vmem_shared>>
      tpu.enqueue_indirect_dma source(%arg9 : memref<128x128xf32, #tpu.memory_space<vmem>>) target(%dma_start3A_43 : memref<5000x128xf32, #tpu.memory_space<vmem_shared>>) offsets(%arg8 : memref<128xi32, #tpu.memory_space<vmem>>) semaphore(%arg15 : memref<!tpu.dma_semaphore, #tpu.memory_space<semaphore_mem>>) {add = true}
      %dma_wait3A_44 = arith.constant 0 : i32
      %dma_wait3A_45 = arith.constant 0 : i32
      %dma_wait3A_46 = tpu.memref_slice %arg13[%dma_wait3A_44, %dma_wait3A_45] : memref<5000x128xf32, #tpu.memory_space<vmem_shared>> -> memref<5000x128xf32, #tpu.memory_space<vmem_shared>>
      tpu.wait_indirect_dma semaphore(%arg15 : memref<!tpu.dma_semaphore, #tpu.memory_space<semaphore_mem>>) src(%arg9 : memref<128x128xf32, #tpu.memory_space<vmem>>) dst(%dma_wait3A_46 : memref<5000x128xf32, #tpu.memory_space<vmem_shared>>)
    } else {
    }
    %barrier3A_25 = arith.constant 0 : index
    tpu.barrier barrier_id(%barrier3A_25)
    "tpu.region"() ({
      %run_scoped3A_31 = tpu.sem_alloc : memref<!tpu.dma_semaphore, #tpu.memory_space<semaphore_mem>>
      %dma_start3A_32 = arith.constant 0 : i32
      %dma_start3A_33 = tpu.memref_slice %arg6[%arg0, %mul3A_0, %dma_start3A_32] : memref<2x5000x128xf32, #tpu.memory_space<hbm>> -> memref<1x312x128xf32, #tpu.memory_space<hbm>>
      %dma_start3A_34 = tpu.memref_squeeze %dma_start3A_33 : memref<1x312x128xf32, #tpu.memory_space<hbm>> -> memref<312x128xf32, #tpu.memory_space<hbm>>
      %dma_start3A_35 = arith.constant 0 : i32
      %dma_start3A_36 = tpu.memref_slice %arg13[%mul3A_0, %dma_start3A_35] : memref<5000x128xf32, #tpu.memory_space<vmem_shared>> -> memref<312x128xf32, #tpu.memory_space<vmem_shared>>
      tpu.enqueue_dma source(%dma_start3A_36 : memref<312x128xf32, #tpu.memory_space<vmem_shared>>) target(%dma_start3A_34 : memref<312x128xf32, #tpu.memory_space<hbm>>) target_semaphore(%run_scoped3A_31 : memref<!tpu.dma_semaphore, #tpu.memory_space<semaphore_mem>>)
      %dma_wait3A_37 = arith.constant 0 : i32
      %dma_wait3A_38 = tpu.memref_slice %arg6[%arg0, %mul3A_0, %dma_wait3A_37] : memref<2x5000x128xf32, #tpu.memory_space<hbm>> -> memref<1x312x128xf32, #tpu.memory_space<hbm>>
      %dma_wait3A_39 = tpu.memref_squeeze %dma_wait3A_38 : memref<1x312x128xf32, #tpu.memory_space<hbm>> -> memref<312x128xf32, #tpu.memory_space<hbm>>
      %dma_wait3A_40 = arith.constant 0 : i32
      %dma_wait3A_41 = tpu.memref_slice %arg13[%mul3A_0, %dma_wait3A_40] : memref<5000x128xf32, #tpu.memory_space<vmem_shared>> -> memref<312x128xf32, #tpu.memory_space<vmem_shared>>
      tpu.wait_dma2 semaphore(%run_scoped3A_31 : memref<!tpu.dma_semaphore, #tpu.memory_space<semaphore_mem>>) src(%dma_wait3A_41 : memref<312x128xf32, #tpu.memory_space<vmem_shared>>) dst(%dma_wait3A_39 : memref<312x128xf32, #tpu.memory_space<hbm>>)
      tpu.yield
    }) : () -> ()
    %eq3A_26 = arith.constant 15 : i32
    %eq3A_27 = arith.cmpi eq, %arg1, %eq3A_26 : i32
    %convert_element_type3A_28 = arith.extui %eq3A_27 : i1 to i32
    %cond3A_29 = arith.constant 0 : i32
    %cond3A_30 = arith.cmpi ne, %convert_element_type3A_28, %cond3A_29 : i32
    scf.if %cond3A_30 {
      "tpu.region"() ({
        %run_scoped3A_31 = tpu.sem_alloc : memref<!tpu.dma_semaphore, #tpu.memory_space<semaphore_mem>>
        %dma_start3A_32 = arith.constant 4992 : i32
        %dma_start3A_33 = arith.constant 0 : i32
        %dma_start3A_34 = tpu.memref_slice %arg6[%arg0, %dma_start3A_32, %dma_start3A_33] : memref<2x5000x128xf32, #tpu.memory_space<hbm>> -> memref<1x8x128xf32, #tpu.memory_space<hbm>>
        %dma_start3A_35 = tpu.memref_squeeze %dma_start3A_34 : memref<1x8x128xf32, #tpu.memory_space<hbm>> -> memref<8x128xf32, #tpu.memory_space<hbm>>
        %dma_start3A_36 = arith.constant 4992 : i32
        %dma_start3A_37 = arith.constant 0 : i32
        %dma_start3A_38 = tpu.memref_slice %arg13[%dma_start3A_36, %dma_start3A_37] : memref<5000x128xf32, #tpu.memory_space<vmem_shared>> -> memref<8x128xf32, #tpu.memory_space<vmem_shared>>
        tpu.enqueue_dma source(%dma_start3A_38 : memref<8x128xf32, #tpu.memory_space<vmem_shared>>) target(%dma_start3A_35 : memref<8x128xf32, #tpu.memory_space<hbm>>) target_semaphore(%run_scoped3A_31 : memref<!tpu.dma_semaphore, #tpu.memory_space<semaphore_mem>>)
        %dma_wait3A_39 = arith.constant 4992 : i32
        %dma_wait3A_40 = arith.constant 0 : i32
        %dma_wait3A_41 = tpu.memref_slice %arg6[%arg0, %dma_wait3A_39, %dma_wait3A_40] : memref<2x5000x128xf32, #tpu.memory_space<hbm>> -> memref<1x8x128xf32, #tpu.memory_space<hbm>>
        %dma_wait3A_42 = tpu.memref_squeeze %dma_wait3A_41 : memref<1x8x128xf32, #tpu.memory_space<hbm>> -> memref<8x128xf32, #tpu.memory_space<hbm>>
        %dma_wait3A_43 = arith.constant 4992 : i32
        %dma_wait3A_44 = arith.constant 0 : i32
        %dma_wait3A_45 = tpu.memref_slice %arg13[%dma_wait3A_43, %dma_wait3A_44] : memref<5000x128xf32, #tpu.memory_space<vmem_shared>> -> memref<8x128xf32, #tpu.memory_space<vmem_shared>>
        tpu.wait_dma2 semaphore(%run_scoped3A_31 : memref<!tpu.dma_semaphore, #tpu.memory_space<semaphore_mem>>) src(%dma_wait3A_45 : memref<8x128xf32, #tpu.memory_space<vmem_shared>>) dst(%dma_wait3A_42 : memref<8x128xf32, #tpu.memory_space<hbm>>)
        tpu.yield
      }) : () -> ()
    } else {
    }
    return
  }
}

#map = affine_map<(d0, d1) -> (0, 0)>
#map1 = affine_map<(d0, d1) -> (0, 0, 0, 0)>
#map2 = affine_map<(d0, d1) -> (0, 0, 0)>
module attributes {stable_mosaic.version = 14 : i64} {
  func.func @body(%arg0: i32, %arg1: i32, %arg2: memref<10000x128xf32, #tpu.memory_space<hbm>>, %arg3: memref<2x625x1x128xi32, #tpu.memory_space<hbm>>, %arg4: memref<2x625x1x128xi32, #tpu.memory_space<hbm>>, %arg5: memref<312x128xf32, #tpu.memory_space<hbm>>, %arg6: memref<2x5000x128xf32, #tpu.memory_space<hbm>>, %arg7: memref<128xi32, #tpu.memory_space<vmem>>, %arg8: memref<128xi32, #tpu.memory_space<vmem>>, %arg9: memref<128x128xf32, #tpu.memory_space<vmem>>, %arg10: memref<128xi32, #tpu.memory_space<vmem>>, %arg11: memref<128xi32, #tpu.memory_space<vmem>>, %arg12: memref<128x128xf32, #tpu.memory_space<vmem>>, %arg13: memref<5000x128xf32, #tpu.memory_space<vmem_shared>>, %arg14: memref<!tpu.dma_semaphore, #tpu.memory_space<semaphore_mem>>, %arg15: memref<!tpu.dma_semaphore, #tpu.memory_space<semaphore_mem>>, %arg16: memref<!tpu.dma_semaphore, #tpu.memory_space<semaphore_mem>>, %arg17: memref<!tpu.dma_semaphore, #tpu.memory_space<semaphore_mem>>) attributes {dimension_semantics = [#tpu.dimension_semantics<core_parallel>, #tpu.dimension_semantics<subcore_parallel>], iteration_bounds = array<i64: 2, 16>, scalar_prefetch = 0 : i64, scratch_operands = 11 : i64, tpu.core_type = #tpu.core_type<sc_vector_subcore>, window_params = [{transform_indices = #map}, {transform_indices = #map1}, {transform_indices = #map1}, {transform_indices = #map}, {transform_indices = #map2}]} {
    %mul3A = arith.constant 312 : i32
    %mul3A_0 = arith.muli %arg1, %mul3A : i32
    "tpu.region"() ({
      %run_scoped3A_31 = tpu.sem_alloc : memref<!tpu.dma_semaphore, #tpu.memory_space<semaphore_mem>>
      %dma_start3A_32 = arith.constant 0 : i32
      %dma_start3A_33 = tpu.memref_slice %arg13[%mul3A_0, %dma_start3A_32] : memref<5000x128xf32, #tpu.memory_space<vmem_shared>> -> memref<312x128xf32, #tpu.memory_space<vmem_shared>>
      %dma_start3A_34 = arith.constant 0 : i32
      %dma_start3A_35 = arith.constant 0 : i32
      %dma_start3A_36 = tpu.memref_slice %arg5[%dma_start3A_34, %dma_start3A_35] : memref<312x128xf32, #tpu.memory_space<hbm>> -> memref<312x128xf32, #tpu.memory_space<hbm>>
      tpu.enqueue_dma source(%dma_start3A_36 : memref<312x128xf32, #tpu.memory_space<hbm>>) target(%dma_start3A_33 : memref<312x128xf32, #tpu.memory_space<vmem_shared>>) target_semaphore(%run_scoped3A_31 : memref<!tpu.dma_semaphore, #tpu.memory_space<semaphore_mem>>)
      %dma_wait3A_37 = arith.constant 0 : i32
      %dma_wait3A_38 = tpu.memref_slice %arg13[%mul3A_0, %dma_wait3A_37] : memref<5000x128xf32, #tpu.memory_space<vmem_shared>> -> memref<312x128xf32, #tpu.memory_space<vmem_shared>>
      %dma_wait3A_39 = arith.constant 0 : i32
      %dma_wait3A_40 = arith.constant 0 : i32
      %dma_wait3A_41 = tpu.memref_slice %arg5[%dma_wait3A_39, %dma_wait3A_40] : memref<312x128xf32, #tpu.memory_space<hbm>> -> memref<312x128xf32, #tpu.memory_space<hbm>>
      tpu.wait_dma2 semaphore(%run_scoped3A_31 : memref<!tpu.dma_semaphore, #tpu.memory_space<semaphore_mem>>) src(%dma_wait3A_41 : memref<312x128xf32, #tpu.memory_space<hbm>>) dst(%dma_wait3A_38 : memref<312x128xf32, #tpu.memory_space<vmem_shared>>)
      tpu.yield
    }) : () -> ()
    %eq3A = arith.constant 15 : i32
    %eq3A_1 = arith.cmpi eq, %arg1, %eq3A : i32
    %convert_element_type3A = arith.extui %eq3A_1 : i1 to i32
    %cond3A = arith.constant 0 : i32
    %cond3A_2 = arith.cmpi ne, %convert_element_type3A, %cond3A : i32
    scf.if %cond3A_2 {
      "tpu.region"() ({
        %run_scoped3A_31 = tpu.sem_alloc : memref<!tpu.dma_semaphore, #tpu.memory_space<semaphore_mem>>
        %dma_start3A_32 = arith.constant 4992 : i32
        %dma_start3A_33 = arith.constant 0 : i32
        %dma_start3A_34 = tpu.memref_slice %arg13[%dma_start3A_32, %dma_start3A_33] : memref<5000x128xf32, #tpu.memory_space<vmem_shared>> -> memref<8x128xf32, #tpu.memory_space<vmem_shared>>
        %dma_start3A_35 = arith.constant 0 : i32
        %dma_start3A_36 = arith.constant 0 : i32
        %dma_start3A_37 = tpu.memref_slice %arg5[%dma_start3A_35, %dma_start3A_36] : memref<312x128xf32, #tpu.memory_space<hbm>> -> memref<8x128xf32, #tpu.memory_space<hbm>>
        tpu.enqueue_dma source(%dma_start3A_37 : memref<8x128xf32, #tpu.memory_space<hbm>>) target(%dma_start3A_34 : memref<8x128xf32, #tpu.memory_space<vmem_shared>>) target_semaphore(%run_scoped3A_31 : memref<!tpu.dma_semaphore, #tpu.memory_space<semaphore_mem>>)
        %dma_wait3A_38 = arith.constant 4992 : i32
        %dma_wait3A_39 = arith.constant 0 : i32
        %dma_wait3A_40 = tpu.memref_slice %arg13[%dma_wait3A_38, %dma_wait3A_39] : memref<5000x128xf32, #tpu.memory_space<vmem_shared>> -> memref<8x128xf32, #tpu.memory_space<vmem_shared>>
        %dma_wait3A_41 = arith.constant 0 : i32
        %dma_wait3A_42 = arith.constant 0 : i32
        %dma_wait3A_43 = tpu.memref_slice %arg5[%dma_wait3A_41, %dma_wait3A_42] : memref<312x128xf32, #tpu.memory_space<hbm>> -> memref<8x128xf32, #tpu.memory_space<hbm>>
        tpu.wait_dma2 semaphore(%run_scoped3A_31 : memref<!tpu.dma_semaphore, #tpu.memory_space<semaphore_mem>>) src(%dma_wait3A_43 : memref<8x128xf32, #tpu.memory_space<hbm>>) dst(%dma_wait3A_40 : memref<8x128xf32, #tpu.memory_space<vmem_shared>>)
        tpu.yield
      }) : () -> ()
    } else {
    }
    %barrier3A = arith.constant 0 : index
    tpu.barrier barrier_id(%barrier3A)
    %scan3A = arith.constant 0 : i32
    %scan3A_3 = arith.constant 0 : i32
    %scan3A_4 = arith.constant 19 : i32
    %scan3A_5 = arith.addi %scan3A_3, %scan3A_4 : i32
    %scan3A_6 = arith.constant 1 : i32
    scf.for %scan3A_31 = %scan3A_3 to %scan3A_5 step %scan3A_6  : i32 {
      %mul3A_32 = arith.constant 2 : i32
      %mul3A_33 = arith.muli %mul3A_32, %scan3A_31 : i32
      %mul3A_34 = arith.constant 16 : i32
      %mul3A_35 = arith.muli %mul3A_33, %mul3A_34 : i32
      %add3A_36 = arith.addi %mul3A_35, %arg1 : i32
      %mul3A_37 = arith.constant 2 : i32
      %mul3A_38 = arith.muli %mul3A_37, %scan3A_31 : i32
      %add3A_39 = arith.constant 1 : i32
      %add3A_40 = arith.addi %mul3A_38, %add3A_39 : i32
      %mul3A_41 = arith.constant 16 : i32
      %mul3A_42 = arith.muli %add3A_40, %mul3A_41 : i32
      %add3A_43 = arith.addi %mul3A_42, %arg1 : i32
      %run_scoped3A_44 = arith.constant 0 : i32
      "tpu.region"() ({
        %run_scoped3A_72 = tpu.sem_alloc : memref<!tpu.dma_semaphore, #tpu.memory_space<semaphore_mem>>
        %dma_start3A_73 = arith.constant 0 : i32
        %dma_start3A_74 = tpu.memref_slice %arg3[%arg0, %add3A_36, %run_scoped3A_44, %dma_start3A_73] : memref<2x625x1x128xi32, #tpu.memory_space<hbm>> -> memref<1x1x1x128xi32, #tpu.memory_space<hbm>>
        %dma_start3A_75 = tpu.memref_squeeze %dma_start3A_74 : memref<1x1x1x128xi32, #tpu.memory_space<hbm>> -> memref<128xi32, #tpu.memory_space<hbm>>
        %dma_start3A_76 = arith.constant 0 : i32
        %dma_start3A_77 = tpu.memref_slice %arg3[%arg0, %add3A_36, %run_scoped3A_44, %dma_start3A_76] : memref<2x625x1x128xi32, #tpu.memory_space<hbm>> -> memref<1x1x1x128xi32, #tpu.memory_space<hbm>>
        %dma_start3A_78 = tpu.memref_squeeze %dma_start3A_77 : memref<1x1x1x128xi32, #tpu.memory_space<hbm>> -> memref<128xi32, #tpu.memory_space<hbm>>
        tpu.enqueue_dma source(%dma_start3A_78 : memref<128xi32, #tpu.memory_space<hbm>>) target(%arg7 : memref<128xi32, #tpu.memory_space<vmem>>) target_semaphore(%run_scoped3A_72 : memref<!tpu.dma_semaphore, #tpu.memory_space<semaphore_mem>>)
        %dma_wait3A_79 = arith.constant 0 : i32
        %dma_wait3A_80 = tpu.memref_slice %arg3[%arg0, %add3A_36, %run_scoped3A_44, %dma_wait3A_79] : memref<2x625x1x128xi32, #tpu.memory_space<hbm>> -> memref<1x1x1x128xi32, #tpu.memory_space<hbm>>
        %dma_wait3A_81 = tpu.memref_squeeze %dma_wait3A_80 : memref<1x1x1x128xi32, #tpu.memory_space<hbm>> -> memref<128xi32, #tpu.memory_space<hbm>>
        %dma_wait3A_82 = arith.constant 0 : i32
        %dma_wait3A_83 = tpu.memref_slice %arg3[%arg0, %add3A_36, %run_scoped3A_44, %dma_wait3A_82] : memref<2x625x1x128xi32, #tpu.memory_space<hbm>> -> memref<1x1x1x128xi32, #tpu.memory_space<hbm>>
        %dma_wait3A_84 = tpu.memref_squeeze %dma_wait3A_83 : memref<1x1x1x128xi32, #tpu.memory_space<hbm>> -> memref<128xi32, #tpu.memory_space<hbm>>
        tpu.wait_dma2 semaphore(%run_scoped3A_72 : memref<!tpu.dma_semaphore, #tpu.memory_space<semaphore_mem>>) src(%dma_wait3A_84 : memref<128xi32, #tpu.memory_space<hbm>>) dst(%arg7 : memref<128xi32, #tpu.memory_space<vmem>>)
        tpu.yield
      }) : () -> ()
      %run_scoped3A_45 = arith.constant 0 : i32
      "tpu.region"() ({
        %run_scoped3A_72 = tpu.sem_alloc : memref<!tpu.dma_semaphore, #tpu.memory_space<semaphore_mem>>
        %dma_start3A_73 = arith.constant 0 : i32
        %dma_start3A_74 = tpu.memref_slice %arg4[%arg0, %add3A_36, %run_scoped3A_45, %dma_start3A_73] : memref<2x625x1x128xi32, #tpu.memory_space<hbm>> -> memref<1x1x1x128xi32, #tpu.memory_space<hbm>>
        %dma_start3A_75 = tpu.memref_squeeze %dma_start3A_74 : memref<1x1x1x128xi32, #tpu.memory_space<hbm>> -> memref<128xi32, #tpu.memory_space<hbm>>
        %dma_start3A_76 = arith.constant 0 : i32
        %dma_start3A_77 = tpu.memref_slice %arg4[%arg0, %add3A_36, %run_scoped3A_45, %dma_start3A_76] : memref<2x625x1x128xi32, #tpu.memory_space<hbm>> -> memref<1x1x1x128xi32, #tpu.memory_space<hbm>>
        %dma_start3A_78 = tpu.memref_squeeze %dma_start3A_77 : memref<1x1x1x128xi32, #tpu.memory_space<hbm>> -> memref<128xi32, #tpu.memory_space<hbm>>
        tpu.enqueue_dma source(%dma_start3A_78 : memref<128xi32, #tpu.memory_space<hbm>>) target(%arg8 : memref<128xi32, #tpu.memory_space<vmem>>) target_semaphore(%run_scoped3A_72 : memref<!tpu.dma_semaphore, #tpu.memory_space<semaphore_mem>>)
        %dma_wait3A_79 = arith.constant 0 : i32
        %dma_wait3A_80 = tpu.memref_slice %arg4[%arg0, %add3A_36, %run_scoped3A_45, %dma_wait3A_79] : memref<2x625x1x128xi32, #tpu.memory_space<hbm>> -> memref<1x1x1x128xi32, #tpu.memory_space<hbm>>
        %dma_wait3A_81 = tpu.memref_squeeze %dma_wait3A_80 : memref<1x1x1x128xi32, #tpu.memory_space<hbm>> -> memref<128xi32, #tpu.memory_space<hbm>>
        %dma_wait3A_82 = arith.constant 0 : i32
        %dma_wait3A_83 = tpu.memref_slice %arg4[%arg0, %add3A_36, %run_scoped3A_45, %dma_wait3A_82] : memref<2x625x1x128xi32, #tpu.memory_space<hbm>> -> memref<1x1x1x128xi32, #tpu.memory_space<hbm>>
        %dma_wait3A_84 = tpu.memref_squeeze %dma_wait3A_83 : memref<1x1x1x128xi32, #tpu.memory_space<hbm>> -> memref<128xi32, #tpu.memory_space<hbm>>
        tpu.wait_dma2 semaphore(%run_scoped3A_72 : memref<!tpu.dma_semaphore, #tpu.memory_space<semaphore_mem>>) src(%dma_wait3A_84 : memref<128xi32, #tpu.memory_space<hbm>>) dst(%arg8 : memref<128xi32, #tpu.memory_space<vmem>>)
        tpu.yield
      }) : () -> ()
      %dma_start3A_46 = arith.constant 0 : i32
      %dma_start3A_47 = arith.constant 0 : i32
      %dma_start3A_48 = tpu.memref_slice %arg2[%dma_start3A_46, %dma_start3A_47] : memref<10000x128xf32, #tpu.memory_space<hbm>> -> memref<10000x128xf32, #tpu.memory_space<hbm>>
      tpu.enqueue_indirect_dma source(%dma_start3A_48 : memref<10000x128xf32, #tpu.memory_space<hbm>>) target(%arg9 : memref<128x128xf32, #tpu.memory_space<vmem>>) offsets(%arg7 : memref<128xi32, #tpu.memory_space<vmem>>) semaphore(%arg14 : memref<!tpu.dma_semaphore, #tpu.memory_space<semaphore_mem>>)
      %run_scoped3A_49 = arith.constant 0 : i32
      "tpu.region"() ({
        %run_scoped3A_72 = tpu.sem_alloc : memref<!tpu.dma_semaphore, #tpu.memory_space<semaphore_mem>>
        %dma_start3A_73 = arith.constant 0 : i32
        %dma_start3A_74 = tpu.memref_slice %arg3[%arg0, %add3A_43, %run_scoped3A_49, %dma_start3A_73] : memref<2x625x1x128xi32, #tpu.memory_space<hbm>> -> memref<1x1x1x128xi32, #tpu.memory_space<hbm>>
        %dma_start3A_75 = tpu.memref_squeeze %dma_start3A_74 : memref<1x1x1x128xi32, #tpu.memory_space<hbm>> -> memref<128xi32, #tpu.memory_space<hbm>>
        %dma_start3A_76 = arith.constant 0 : i32
        %dma_start3A_77 = tpu.memref_slice %arg3[%arg0, %add3A_43, %run_scoped3A_49, %dma_start3A_76] : memref<2x625x1x128xi32, #tpu.memory_space<hbm>> -> memref<1x1x1x128xi32, #tpu.memory_space<hbm>>
        %dma_start3A_78 = tpu.memref_squeeze %dma_start3A_77 : memref<1x1x1x128xi32, #tpu.memory_space<hbm>> -> memref<128xi32, #tpu.memory_space<hbm>>
        tpu.enqueue_dma source(%dma_start3A_78 : memref<128xi32, #tpu.memory_space<hbm>>) target(%arg10 : memref<128xi32, #tpu.memory_space<vmem>>) target_semaphore(%run_scoped3A_72 : memref<!tpu.dma_semaphore, #tpu.memory_space<semaphore_mem>>)
        %dma_wait3A_79 = arith.constant 0 : i32
        %dma_wait3A_80 = tpu.memref_slice %arg3[%arg0, %add3A_43, %run_scoped3A_49, %dma_wait3A_79] : memref<2x625x1x128xi32, #tpu.memory_space<hbm>> -> memref<1x1x1x128xi32, #tpu.memory_space<hbm>>
        %dma_wait3A_81 = tpu.memref_squeeze %dma_wait3A_80 : memref<1x1x1x128xi32, #tpu.memory_space<hbm>> -> memref<128xi32, #tpu.memory_space<hbm>>
        %dma_wait3A_82 = arith.constant 0 : i32
        %dma_wait3A_83 = tpu.memref_slice %arg3[%arg0, %add3A_43, %run_scoped3A_49, %dma_wait3A_82] : memref<2x625x1x128xi32, #tpu.memory_space<hbm>> -> memref<1x1x1x128xi32, #tpu.memory_space<hbm>>
        %dma_wait3A_84 = tpu.memref_squeeze %dma_wait3A_83 : memref<1x1x1x128xi32, #tpu.memory_space<hbm>> -> memref<128xi32, #tpu.memory_space<hbm>>
        tpu.wait_dma2 semaphore(%run_scoped3A_72 : memref<!tpu.dma_semaphore, #tpu.memory_space<semaphore_mem>>) src(%dma_wait3A_84 : memref<128xi32, #tpu.memory_space<hbm>>) dst(%arg10 : memref<128xi32, #tpu.memory_space<vmem>>)
        tpu.yield
      }) : () -> ()
      %run_scoped3A_50 = arith.constant 0 : i32
      "tpu.region"() ({
        %run_scoped3A_72 = tpu.sem_alloc : memref<!tpu.dma_semaphore, #tpu.memory_space<semaphore_mem>>
        %dma_start3A_73 = arith.constant 0 : i32
        %dma_start3A_74 = tpu.memref_slice %arg4[%arg0, %add3A_43, %run_scoped3A_50, %dma_start3A_73] : memref<2x625x1x128xi32, #tpu.memory_space<hbm>> -> memref<1x1x1x128xi32, #tpu.memory_space<hbm>>
        %dma_start3A_75 = tpu.memref_squeeze %dma_start3A_74 : memref<1x1x1x128xi32, #tpu.memory_space<hbm>> -> memref<128xi32, #tpu.memory_space<hbm>>
        %dma_start3A_76 = arith.constant 0 : i32
        %dma_start3A_77 = tpu.memref_slice %arg4[%arg0, %add3A_43, %run_scoped3A_50, %dma_start3A_76] : memref<2x625x1x128xi32, #tpu.memory_space<hbm>> -> memref<1x1x1x128xi32, #tpu.memory_space<hbm>>
        %dma_start3A_78 = tpu.memref_squeeze %dma_start3A_77 : memref<1x1x1x128xi32, #tpu.memory_space<hbm>> -> memref<128xi32, #tpu.memory_space<hbm>>
        tpu.enqueue_dma source(%dma_start3A_78 : memref<128xi32, #tpu.memory_space<hbm>>) target(%arg11 : memref<128xi32, #tpu.memory_space<vmem>>) target_semaphore(%run_scoped3A_72 : memref<!tpu.dma_semaphore, #tpu.memory_space<semaphore_mem>>)
        %dma_wait3A_79 = arith.constant 0 : i32
        %dma_wait3A_80 = tpu.memref_slice %arg4[%arg0, %add3A_43, %run_scoped3A_50, %dma_wait3A_79] : memref<2x625x1x128xi32, #tpu.memory_space<hbm>> -> memref<1x1x1x128xi32, #tpu.memory_space<hbm>>
        %dma_wait3A_81 = tpu.memref_squeeze %dma_wait3A_80 : memref<1x1x1x128xi32, #tpu.memory_space<hbm>> -> memref<128xi32, #tpu.memory_space<hbm>>
        %dma_wait3A_82 = arith.constant 0 : i32
        %dma_wait3A_83 = tpu.memref_slice %arg4[%arg0, %add3A_43, %run_scoped3A_50, %dma_wait3A_82] : memref<2x625x1x128xi32, #tpu.memory_space<hbm>> -> memref<1x1x1x128xi32, #tpu.memory_space<hbm>>
        %dma_wait3A_84 = tpu.memref_squeeze %dma_wait3A_83 : memref<1x1x1x128xi32, #tpu.memory_space<hbm>> -> memref<128xi32, #tpu.memory_space<hbm>>
        tpu.wait_dma2 semaphore(%run_scoped3A_72 : memref<!tpu.dma_semaphore, #tpu.memory_space<semaphore_mem>>) src(%dma_wait3A_84 : memref<128xi32, #tpu.memory_space<hbm>>) dst(%arg11 : memref<128xi32, #tpu.memory_space<vmem>>)
        tpu.yield
      }) : () -> ()
      %dma_start3A_51 = arith.constant 0 : i32
      %dma_start3A_52 = arith.constant 0 : i32
      %dma_start3A_53 = tpu.memref_slice %arg2[%dma_start3A_51, %dma_start3A_52] : memref<10000x128xf32, #tpu.memory_space<hbm>> -> memref<10000x128xf32, #tpu.memory_space<hbm>>
      tpu.enqueue_indirect_dma source(%dma_start3A_53 : memref<10000x128xf32, #tpu.memory_space<hbm>>) target(%arg12 : memref<128x128xf32, #tpu.memory_space<vmem>>) offsets(%arg10 : memref<128xi32, #tpu.memory_space<vmem>>) semaphore(%arg16 : memref<!tpu.dma_semaphore, #tpu.memory_space<semaphore_mem>>)
      %dma_wait3A_54 = arith.constant 0 : i32
      %dma_wait3A_55 = arith.constant 0 : i32
      %dma_wait3A_56 = tpu.memref_slice %arg2[%dma_wait3A_54, %dma_wait3A_55] : memref<10000x128xf32, #tpu.memory_space<hbm>> -> memref<10000x128xf32, #tpu.memory_space<hbm>>
      tpu.wait_indirect_dma semaphore(%arg14 : memref<!tpu.dma_semaphore, #tpu.memory_space<semaphore_mem>>) src(%dma_wait3A_56 : memref<10000x128xf32, #tpu.memory_space<hbm>>) dst(%arg9 : memref<128x128xf32, #tpu.memory_space<vmem>>)
      %dma_start3A_57 = arith.constant 0 : i32
      %dma_start3A_58 = arith.constant 0 : i32
      %dma_start3A_59 = tpu.memref_slice %arg13[%dma_start3A_57, %dma_start3A_58] : memref<5000x128xf32, #tpu.memory_space<vmem_shared>> -> memref<5000x128xf32, #tpu.memory_space<vmem_shared>>
      tpu.enqueue_indirect_dma source(%arg9 : memref<128x128xf32, #tpu.memory_space<vmem>>) target(%dma_start3A_59 : memref<5000x128xf32, #tpu.memory_space<vmem_shared>>) offsets(%arg8 : memref<128xi32, #tpu.memory_space<vmem>>) semaphore(%arg15 : memref<!tpu.dma_semaphore, #tpu.memory_space<semaphore_mem>>) {add = true}
      %dma_wait3A_60 = arith.constant 0 : i32
      %dma_wait3A_61 = arith.constant 0 : i32
      %dma_wait3A_62 = tpu.memref_slice %arg2[%dma_wait3A_60, %dma_wait3A_61] : memref<10000x128xf32, #tpu.memory_space<hbm>> -> memref<10000x128xf32, #tpu.memory_space<hbm>>
      tpu.wait_indirect_dma semaphore(%arg16 : memref<!tpu.dma_semaphore, #tpu.memory_space<semaphore_mem>>) src(%dma_wait3A_62 : memref<10000x128xf32, #tpu.memory_space<hbm>>) dst(%arg12 : memref<128x128xf32, #tpu.memory_space<vmem>>)
      %dma_start3A_63 = arith.constant 0 : i32
      %dma_start3A_64 = arith.constant 0 : i32
      %dma_start3A_65 = tpu.memref_slice %arg13[%dma_start3A_63, %dma_start3A_64] : memref<5000x128xf32, #tpu.memory_space<vmem_shared>> -> memref<5000x128xf32, #tpu.memory_space<vmem_shared>>
      tpu.enqueue_indirect_dma source(%arg12 : memref<128x128xf32, #tpu.memory_space<vmem>>) target(%dma_start3A_65 : memref<5000x128xf32, #tpu.memory_space<vmem_shared>>) offsets(%arg11 : memref<128xi32, #tpu.memory_space<vmem>>) semaphore(%arg17 : memref<!tpu.dma_semaphore, #tpu.memory_space<semaphore_mem>>) {add = true}
      %dma_wait3A_66 = arith.constant 0 : i32
      %dma_wait3A_67 = arith.constant 0 : i32
      %dma_wait3A_68 = tpu.memref_slice %arg13[%dma_wait3A_66, %dma_wait3A_67] : memref<5000x128xf32, #tpu.memory_space<vmem_shared>> -> memref<5000x128xf32, #tpu.memory_space<vmem_shared>>
      tpu.wait_indirect_dma semaphore(%arg15 : memref<!tpu.dma_semaphore, #tpu.memory_space<semaphore_mem>>) src(%arg9 : memref<128x128xf32, #tpu.memory_space<vmem>>) dst(%dma_wait3A_68 : memref<5000x128xf32, #tpu.memory_space<vmem_shared>>)
      %dma_wait3A_69 = arith.constant 0 : i32
      %dma_wait3A_70 = arith.constant 0 : i32
      %dma_wait3A_71 = tpu.memref_slice %arg13[%dma_wait3A_69, %dma_wait3A_70] : memref<5000x128xf32, #tpu.memory_space<vmem_shared>> -> memref<5000x128xf32, #tpu.memory_space<vmem_shared>>
      tpu.wait_indirect_dma semaphore(%arg17 : memref<!tpu.dma_semaphore, #tpu.memory_space<semaphore_mem>>) src(%arg12 : memref<128x128xf32, #tpu.memory_space<vmem>>) dst(%dma_wait3A_71 : memref<5000x128xf32, #tpu.memory_space<vmem_shared>>)
    }
    %scan3A_7 = arith.constant 19 : i32
    %add3A = arith.constant 608 : i32
    %add3A_8 = arith.addi %add3A, %arg1 : i32
    %run_scoped3A = arith.constant 0 : i32
    "tpu.region"() ({
      %run_scoped3A_31 = tpu.sem_alloc : memref<!tpu.dma_semaphore, #tpu.memory_space<semaphore_mem>>
      %dma_start3A_32 = arith.constant 0 : i32
      %dma_start3A_33 = tpu.memref_slice %arg3[%arg0, %add3A_8, %run_scoped3A, %dma_start3A_32] : memref<2x625x1x128xi32, #tpu.memory_space<hbm>> -> memref<1x1x1x128xi32, #tpu.memory_space<hbm>>
      %dma_start3A_34 = tpu.memref_squeeze %dma_start3A_33 : memref<1x1x1x128xi32, #tpu.memory_space<hbm>> -> memref<128xi32, #tpu.memory_space<hbm>>
      %dma_start3A_35 = arith.constant 0 : i32
      %dma_start3A_36 = tpu.memref_slice %arg3[%arg0, %add3A_8, %run_scoped3A, %dma_start3A_35] : memref<2x625x1x128xi32, #tpu.memory_space<hbm>> -> memref<1x1x1x128xi32, #tpu.memory_space<hbm>>
      %dma_start3A_37 = tpu.memref_squeeze %dma_start3A_36 : memref<1x1x1x128xi32, #tpu.memory_space<hbm>> -> memref<128xi32, #tpu.memory_space<hbm>>
      tpu.enqueue_dma source(%dma_start3A_37 : memref<128xi32, #tpu.memory_space<hbm>>) target(%arg7 : memref<128xi32, #tpu.memory_space<vmem>>) target_semaphore(%run_scoped3A_31 : memref<!tpu.dma_semaphore, #tpu.memory_space<semaphore_mem>>)
      %dma_wait3A_38 = arith.constant 0 : i32
      %dma_wait3A_39 = tpu.memref_slice %arg3[%arg0, %add3A_8, %run_scoped3A, %dma_wait3A_38] : memref<2x625x1x128xi32, #tpu.memory_space<hbm>> -> memref<1x1x1x128xi32, #tpu.memory_space<hbm>>
      %dma_wait3A_40 = tpu.memref_squeeze %dma_wait3A_39 : memref<1x1x1x128xi32, #tpu.memory_space<hbm>> -> memref<128xi32, #tpu.memory_space<hbm>>
      %dma_wait3A_41 = arith.constant 0 : i32
      %dma_wait3A_42 = tpu.memref_slice %arg3[%arg0, %add3A_8, %run_scoped3A, %dma_wait3A_41] : memref<2x625x1x128xi32, #tpu.memory_space<hbm>> -> memref<1x1x1x128xi32, #tpu.memory_space<hbm>>
      %dma_wait3A_43 = tpu.memref_squeeze %dma_wait3A_42 : memref<1x1x1x128xi32, #tpu.memory_space<hbm>> -> memref<128xi32, #tpu.memory_space<hbm>>
      tpu.wait_dma2 semaphore(%run_scoped3A_31 : memref<!tpu.dma_semaphore, #tpu.memory_space<semaphore_mem>>) src(%dma_wait3A_43 : memref<128xi32, #tpu.memory_space<hbm>>) dst(%arg7 : memref<128xi32, #tpu.memory_space<vmem>>)
      tpu.yield
    }) : () -> ()
    %run_scoped3A_9 = arith.constant 0 : i32
    "tpu.region"() ({
      %run_scoped3A_31 = tpu.sem_alloc : memref<!tpu.dma_semaphore, #tpu.memory_space<semaphore_mem>>
      %dma_start3A_32 = arith.constant 0 : i32
      %dma_start3A_33 = tpu.memref_slice %arg4[%arg0, %add3A_8, %run_scoped3A_9, %dma_start3A_32] : memref<2x625x1x128xi32, #tpu.memory_space<hbm>> -> memref<1x1x1x128xi32, #tpu.memory_space<hbm>>
      %dma_start3A_34 = tpu.memref_squeeze %dma_start3A_33 : memref<1x1x1x128xi32, #tpu.memory_space<hbm>> -> memref<128xi32, #tpu.memory_space<hbm>>
      %dma_start3A_35 = arith.constant 0 : i32
      %dma_start3A_36 = tpu.memref_slice %arg4[%arg0, %add3A_8, %run_scoped3A_9, %dma_start3A_35] : memref<2x625x1x128xi32, #tpu.memory_space<hbm>> -> memref<1x1x1x128xi32, #tpu.memory_space<hbm>>
      %dma_start3A_37 = tpu.memref_squeeze %dma_start3A_36 : memref<1x1x1x128xi32, #tpu.memory_space<hbm>> -> memref<128xi32, #tpu.memory_space<hbm>>
      tpu.enqueue_dma source(%dma_start3A_37 : memref<128xi32, #tpu.memory_space<hbm>>) target(%arg8 : memref<128xi32, #tpu.memory_space<vmem>>) target_semaphore(%run_scoped3A_31 : memref<!tpu.dma_semaphore, #tpu.memory_space<semaphore_mem>>)
      %dma_wait3A_38 = arith.constant 0 : i32
      %dma_wait3A_39 = tpu.memref_slice %arg4[%arg0, %add3A_8, %run_scoped3A_9, %dma_wait3A_38] : memref<2x625x1x128xi32, #tpu.memory_space<hbm>> -> memref<1x1x1x128xi32, #tpu.memory_space<hbm>>
      %dma_wait3A_40 = tpu.memref_squeeze %dma_wait3A_39 : memref<1x1x1x128xi32, #tpu.memory_space<hbm>> -> memref<128xi32, #tpu.memory_space<hbm>>
      %dma_wait3A_41 = arith.constant 0 : i32
      %dma_wait3A_42 = tpu.memref_slice %arg4[%arg0, %add3A_8, %run_scoped3A_9, %dma_wait3A_41] : memref<2x625x1x128xi32, #tpu.memory_space<hbm>> -> memref<1x1x1x128xi32, #tpu.memory_space<hbm>>
      %dma_wait3A_43 = tpu.memref_squeeze %dma_wait3A_42 : memref<1x1x1x128xi32, #tpu.memory_space<hbm>> -> memref<128xi32, #tpu.memory_space<hbm>>
      tpu.wait_dma2 semaphore(%run_scoped3A_31 : memref<!tpu.dma_semaphore, #tpu.memory_space<semaphore_mem>>) src(%dma_wait3A_43 : memref<128xi32, #tpu.memory_space<hbm>>) dst(%arg8 : memref<128xi32, #tpu.memory_space<vmem>>)
      tpu.yield
    }) : () -> ()
    %dma_start3A = arith.constant 0 : i32
    %dma_start3A_10 = arith.constant 0 : i32
    %dma_start3A_11 = tpu.memref_slice %arg2[%dma_start3A, %dma_start3A_10] : memref<10000x128xf32, #tpu.memory_space<hbm>> -> memref<10000x128xf32, #tpu.memory_space<hbm>>
    tpu.enqueue_indirect_dma source(%dma_start3A_11 : memref<10000x128xf32, #tpu.memory_space<hbm>>) target(%arg9 : memref<128x128xf32, #tpu.memory_space<vmem>>) offsets(%arg7 : memref<128xi32, #tpu.memory_space<vmem>>) semaphore(%arg14 : memref<!tpu.dma_semaphore, #tpu.memory_space<semaphore_mem>>)
    %dma_wait3A = arith.constant 0 : i32
    %dma_wait3A_12 = arith.constant 0 : i32
    %dma_wait3A_13 = tpu.memref_slice %arg2[%dma_wait3A, %dma_wait3A_12] : memref<10000x128xf32, #tpu.memory_space<hbm>> -> memref<10000x128xf32, #tpu.memory_space<hbm>>
    tpu.wait_indirect_dma semaphore(%arg14 : memref<!tpu.dma_semaphore, #tpu.memory_space<semaphore_mem>>) src(%dma_wait3A_13 : memref<10000x128xf32, #tpu.memory_space<hbm>>) dst(%arg9 : memref<128x128xf32, #tpu.memory_space<vmem>>)
    %dma_start3A_14 = arith.constant 0 : i32
    %dma_start3A_15 = arith.constant 0 : i32
    %dma_start3A_16 = tpu.memref_slice %arg13[%dma_start3A_14, %dma_start3A_15] : memref<5000x128xf32, #tpu.memory_space<vmem_shared>> -> memref<5000x128xf32, #tpu.memory_space<vmem_shared>>
    tpu.enqueue_indirect_dma source(%arg9 : memref<128x128xf32, #tpu.memory_space<vmem>>) target(%dma_start3A_16 : memref<5000x128xf32, #tpu.memory_space<vmem_shared>>) offsets(%arg8 : memref<128xi32, #tpu.memory_space<vmem>>) semaphore(%arg15 : memref<!tpu.dma_semaphore, #tpu.memory_space<semaphore_mem>>) {add = true}
    %dma_wait3A_17 = arith.constant 0 : i32
    %dma_wait3A_18 = arith.constant 0 : i32
    %dma_wait3A_19 = tpu.memref_slice %arg13[%dma_wait3A_17, %dma_wait3A_18] : memref<5000x128xf32, #tpu.memory_space<vmem_shared>> -> memref<5000x128xf32, #tpu.memory_space<vmem_shared>>
    tpu.wait_indirect_dma semaphore(%arg15 : memref<!tpu.dma_semaphore, #tpu.memory_space<semaphore_mem>>) src(%arg9 : memref<128x128xf32, #tpu.memory_space<vmem>>) dst(%dma_wait3A_19 : memref<5000x128xf32, #tpu.memory_space<vmem_shared>>)
    %eq3A_20 = arith.constant 0 : i32
    %eq3A_21 = arith.cmpi eq, %arg1, %eq3A_20 : i32
    %convert_element_type3A_22 = arith.extui %eq3A_21 : i1 to i32
    %cond3A_23 = arith.constant 0 : i32
    %cond3A_24 = arith.cmpi ne, %convert_element_type3A_22, %cond3A_23 : i32
    scf.if %cond3A_24 {
      %run_scoped3A_31 = arith.constant 624 : i32
      %run_scoped3A_32 = arith.constant 0 : i32
      "tpu.region"() ({
        %run_scoped3A_47 = tpu.sem_alloc : memref<!tpu.dma_semaphore, #tpu.memory_space<semaphore_mem>>
        %dma_start3A_48 = arith.constant 0 : i32
        %dma_start3A_49 = tpu.memref_slice %arg3[%arg0, %run_scoped3A_31, %run_scoped3A_32, %dma_start3A_48] : memref<2x625x1x128xi32, #tpu.memory_space<hbm>> -> memref<1x1x1x128xi32, #tpu.memory_space<hbm>>
        %dma_start3A_50 = tpu.memref_squeeze %dma_start3A_49 : memref<1x1x1x128xi32, #tpu.memory_space<hbm>> -> memref<128xi32, #tpu.memory_space<hbm>>
        %dma_start3A_51 = arith.constant 0 : i32
        %dma_start3A_52 = tpu.memref_slice %arg3[%arg0, %run_scoped3A_31, %run_scoped3A_32, %dma_start3A_51] : memref<2x625x1x128xi32, #tpu.memory_space<hbm>> -> memref<1x1x1x128xi32, #tpu.memory_space<hbm>>
        %dma_start3A_53 = tpu.memref_squeeze %dma_start3A_52 : memref<1x1x1x128xi32, #tpu.memory_space<hbm>> -> memref<128xi32, #tpu.memory_space<hbm>>
        tpu.enqueue_dma source(%dma_start3A_53 : memref<128xi32, #tpu.memory_space<hbm>>) target(%arg7 : memref<128xi32, #tpu.memory_space<vmem>>) target_semaphore(%run_scoped3A_47 : memref<!tpu.dma_semaphore, #tpu.memory_space<semaphore_mem>>)
        %dma_wait3A_54 = arith.constant 0 : i32
        %dma_wait3A_55 = tpu.memref_slice %arg3[%arg0, %run_scoped3A_31, %run_scoped3A_32, %dma_wait3A_54] : memref<2x625x1x128xi32, #tpu.memory_space<hbm>> -> memref<1x1x1x128xi32, #tpu.memory_space<hbm>>
        %dma_wait3A_56 = tpu.memref_squeeze %dma_wait3A_55 : memref<1x1x1x128xi32, #tpu.memory_space<hbm>> -> memref<128xi32, #tpu.memory_space<hbm>>
        %dma_wait3A_57 = arith.constant 0 : i32
        %dma_wait3A_58 = tpu.memref_slice %arg3[%arg0, %run_scoped3A_31, %run_scoped3A_32, %dma_wait3A_57] : memref<2x625x1x128xi32, #tpu.memory_space<hbm>> -> memref<1x1x1x128xi32, #tpu.memory_space<hbm>>
        %dma_wait3A_59 = tpu.memref_squeeze %dma_wait3A_58 : memref<1x1x1x128xi32, #tpu.memory_space<hbm>> -> memref<128xi32, #tpu.memory_space<hbm>>
        tpu.wait_dma2 semaphore(%run_scoped3A_47 : memref<!tpu.dma_semaphore, #tpu.memory_space<semaphore_mem>>) src(%dma_wait3A_59 : memref<128xi32, #tpu.memory_space<hbm>>) dst(%arg7 : memref<128xi32, #tpu.memory_space<vmem>>)
        tpu.yield
      }) : () -> ()
      %run_scoped3A_33 = arith.constant 624 : i32
      %run_scoped3A_34 = arith.constant 0 : i32
      "tpu.region"() ({
        %run_scoped3A_47 = tpu.sem_alloc : memref<!tpu.dma_semaphore, #tpu.memory_space<semaphore_mem>>
        %dma_start3A_48 = arith.constant 0 : i32
        %dma_start3A_49 = tpu.memref_slice %arg4[%arg0, %run_scoped3A_33, %run_scoped3A_34, %dma_start3A_48] : memref<2x625x1x128xi32, #tpu.memory_space<hbm>> -> memref<1x1x1x128xi32, #tpu.memory_space<hbm>>
        %dma_start3A_50 = tpu.memref_squeeze %dma_start3A_49 : memref<1x1x1x128xi32, #tpu.memory_space<hbm>> -> memref<128xi32, #tpu.memory_space<hbm>>
        %dma_start3A_51 = arith.constant 0 : i32
        %dma_start3A_52 = tpu.memref_slice %arg4[%arg0, %run_scoped3A_33, %run_scoped3A_34, %dma_start3A_51] : memref<2x625x1x128xi32, #tpu.memory_space<hbm>> -> memref<1x1x1x128xi32, #tpu.memory_space<hbm>>
        %dma_start3A_53 = tpu.memref_squeeze %dma_start3A_52 : memref<1x1x1x128xi32, #tpu.memory_space<hbm>> -> memref<128xi32, #tpu.memory_space<hbm>>
        tpu.enqueue_dma source(%dma_start3A_53 : memref<128xi32, #tpu.memory_space<hbm>>) target(%arg8 : memref<128xi32, #tpu.memory_space<vmem>>) target_semaphore(%run_scoped3A_47 : memref<!tpu.dma_semaphore, #tpu.memory_space<semaphore_mem>>)
        %dma_wait3A_54 = arith.constant 0 : i32
        %dma_wait3A_55 = tpu.memref_slice %arg4[%arg0, %run_scoped3A_33, %run_scoped3A_34, %dma_wait3A_54] : memref<2x625x1x128xi32, #tpu.memory_space<hbm>> -> memref<1x1x1x128xi32, #tpu.memory_space<hbm>>
        %dma_wait3A_56 = tpu.memref_squeeze %dma_wait3A_55 : memref<1x1x1x128xi32, #tpu.memory_space<hbm>> -> memref<128xi32, #tpu.memory_space<hbm>>
        %dma_wait3A_57 = arith.constant 0 : i32
        %dma_wait3A_58 = tpu.memref_slice %arg4[%arg0, %run_scoped3A_33, %run_scoped3A_34, %dma_wait3A_57] : memref<2x625x1x128xi32, #tpu.memory_space<hbm>> -> memref<1x1x1x128xi32, #tpu.memory_space<hbm>>
        %dma_wait3A_59 = tpu.memref_squeeze %dma_wait3A_58 : memref<1x1x1x128xi32, #tpu.memory_space<hbm>> -> memref<128xi32, #tpu.memory_space<hbm>>
        tpu.wait_dma2 semaphore(%run_scoped3A_47 : memref<!tpu.dma_semaphore, #tpu.memory_space<semaphore_mem>>) src(%dma_wait3A_59 : memref<128xi32, #tpu.memory_space<hbm>>) dst(%arg8 : memref<128xi32, #tpu.memory_space<vmem>>)
        tpu.yield
      }) : () -> ()
      %dma_start3A_35 = arith.constant 0 : i32
      %dma_start3A_36 = arith.constant 0 : i32
      %dma_start3A_37 = tpu.memref_slice %arg2[%dma_start3A_35, %dma_start3A_36] : memref<10000x128xf32, #tpu.memory_space<hbm>> -> memref<10000x128xf32, #tpu.memory_space<hbm>>
      tpu.enqueue_indirect_dma source(%dma_start3A_37 : memref<10000x128xf32, #tpu.memory_space<hbm>>) target(%arg9 : memref<128x128xf32, #tpu.memory_space<vmem>>) offsets(%arg7 : memref<128xi32, #tpu.memory_space<vmem>>) semaphore(%arg14 : memref<!tpu.dma_semaphore, #tpu.memory_space<semaphore_mem>>)
      %dma_wait3A_38 = arith.constant 0 : i32
      %dma_wait3A_39 = arith.constant 0 : i32
      %dma_wait3A_40 = tpu.memref_slice %arg2[%dma_wait3A_38, %dma_wait3A_39] : memref<10000x128xf32, #tpu.memory_space<hbm>> -> memref<10000x128xf32, #tpu.memory_space<hbm>>
      tpu.wait_indirect_dma semaphore(%arg14 : memref<!tpu.dma_semaphore, #tpu.memory_space<semaphore_mem>>) src(%dma_wait3A_40 : memref<10000x128xf32, #tpu.memory_space<hbm>>) dst(%arg9 : memref<128x128xf32, #tpu.memory_space<vmem>>)
      %dma_start3A_41 = arith.constant 0 : i32
      %dma_start3A_42 = arith.constant 0 : i32
      %dma_start3A_43 = tpu.memref_slice %arg13[%dma_start3A_41, %dma_start3A_42] : memref<5000x128xf32, #tpu.memory_space<vmem_shared>> -> memref<5000x128xf32, #tpu.memory_space<vmem_shared>>
      tpu.enqueue_indirect_dma source(%arg9 : memref<128x128xf32, #tpu.memory_space<vmem>>) target(%dma_start3A_43 : memref<5000x128xf32, #tpu.memory_space<vmem_shared>>) offsets(%arg8 : memref<128xi32, #tpu.memory_space<vmem>>) semaphore(%arg15 : memref<!tpu.dma_semaphore, #tpu.memory_space<semaphore_mem>>) {add = true}
      %dma_wait3A_44 = arith.constant 0 : i32
      %dma_wait3A_45 = arith.constant 0 : i32
      %dma_wait3A_46 = tpu.memref_slice %arg13[%dma_wait3A_44, %dma_wait3A_45] : memref<5000x128xf32, #tpu.memory_space<vmem_shared>> -> memref<5000x128xf32, #tpu.memory_space<vmem_shared>>
      tpu.wait_indirect_dma semaphore(%arg15 : memref<!tpu.dma_semaphore, #tpu.memory_space<semaphore_mem>>) src(%arg9 : memref<128x128xf32, #tpu.memory_space<vmem>>) dst(%dma_wait3A_46 : memref<5000x128xf32, #tpu.memory_space<vmem_shared>>)
    } else {
    }
    %barrier3A_25 = arith.constant 0 : index
    tpu.barrier barrier_id(%barrier3A_25)
    "tpu.region"() ({
      %run_scoped3A_31 = tpu.sem_alloc : memref<!tpu.dma_semaphore, #tpu.memory_space<semaphore_mem>>
      %dma_start3A_32 = arith.constant 0 : i32
      %dma_start3A_33 = tpu.memref_slice %arg6[%arg0, %mul3A_0, %dma_start3A_32] : memref<2x5000x128xf32, #tpu.memory_space<hbm>> -> memref<1x312x128xf32, #tpu.memory_space<hbm>>
      %dma_start3A_34 = tpu.memref_squeeze %dma_start3A_33 : memref<1x312x128xf32, #tpu.memory_space<hbm>> -> memref<312x128xf32, #tpu.memory_space<hbm>>
      %dma_start3A_35 = arith.constant 0 : i32
      %dma_start3A_36 = tpu.memref_slice %arg13[%mul3A_0, %dma_start3A_35] : memref<5000x128xf32, #tpu.memory_space<vmem_shared>> -> memref<312x128xf32, #tpu.memory_space<vmem_shared>>
      tpu.enqueue_dma source(%dma_start3A_36 : memref<312x128xf32, #tpu.memory_space<vmem_shared>>) target(%dma_start3A_34 : memref<312x128xf32, #tpu.memory_space<hbm>>) target_semaphore(%run_scoped3A_31 : memref<!tpu.dma_semaphore, #tpu.memory_space<semaphore_mem>>)
      %dma_wait3A_37 = arith.constant 0 : i32
      %dma_wait3A_38 = tpu.memref_slice %arg6[%arg0, %mul3A_0, %dma_wait3A_37] : memref<2x5000x128xf32, #tpu.memory_space<hbm>> -> memref<1x312x128xf32, #tpu.memory_space<hbm>>
      %dma_wait3A_39 = tpu.memref_squeeze %dma_wait3A_38 : memref<1x312x128xf32, #tpu.memory_space<hbm>> -> memref<312x128xf32, #tpu.memory_space<hbm>>
      %dma_wait3A_40 = arith.constant 0 : i32
      %dma_wait3A_41 = tpu.memref_slice %arg13[%mul3A_0, %dma_wait3A_40] : memref<5000x128xf32, #tpu.memory_space<vmem_shared>> -> memref<312x128xf32, #tpu.memory_space<vmem_shared>>
      tpu.wait_dma2 semaphore(%run_scoped3A_31 : memref<!tpu.dma_semaphore, #tpu.memory_space<semaphore_mem>>) src(%dma_wait3A_41 : memref<312x128xf32, #tpu.memory_space<vmem_shared>>) dst(%dma_wait3A_39 : memref<312x128xf32, #tpu.memory_space<hbm>>)
      tpu.yield
    }) : () -> ()
    %eq3A_26 = arith.constant 15 : i32
    %eq3A_27 = arith.cmpi eq, %arg1, %eq3A_26 : i32
    %convert_element_type3A_28 = arith.extui %eq3A_27 : i1 to i32
    %cond3A_29 = arith.constant 0 : i32
    %cond3A_30 = arith.cmpi ne, %convert_element_type3A_28, %cond3A_29 : i32
    scf.if %cond3A_30 {
      "tpu.region"() ({
        %run_scoped3A_31 = tpu.sem_alloc : memref<!tpu.dma_semaphore, #tpu.memory_space<semaphore_mem>>
        %dma_start3A_32 = arith.constant 4992 : i32
        %dma_start3A_33 = arith.constant 0 : i32
        %dma_start3A_34 = tpu.memref_slice %arg6[%arg0, %dma_start3A_32, %dma_start3A_33] : memref<2x5000x128xf32, #tpu.memory_space<hbm>> -> memref<1x8x128xf32, #tpu.memory_space<hbm>>
        %dma_start3A_35 = tpu.memref_squeeze %dma_start3A_34 : memref<1x8x128xf32, #tpu.memory_space<hbm>> -> memref<8x128xf32, #tpu.memory_space<hbm>>
        %dma_start3A_36 = arith.constant 4992 : i32
        %dma_start3A_37 = arith.constant 0 : i32
        %dma_start3A_38 = tpu.memref_slice %arg13[%dma_start3A_36, %dma_start3A_37] : memref<5000x128xf32, #tpu.memory_space<vmem_shared>> -> memref<8x128xf32, #tpu.memory_space<vmem_shared>>
        tpu.enqueue_dma source(%dma_start3A_38 : memref<8x128xf32, #tpu.memory_space<vmem_shared>>) target(%dma_start3A_35 : memref<8x128xf32, #tpu.memory_space<hbm>>) target_semaphore(%run_scoped3A_31 : memref<!tpu.dma_semaphore, #tpu.memory_space<semaphore_mem>>)
        %dma_wait3A_39 = arith.constant 4992 : i32
        %dma_wait3A_40 = arith.constant 0 : i32
        %dma_wait3A_41 = tpu.memref_slice %arg6[%arg0, %dma_wait3A_39, %dma_wait3A_40] : memref<2x5000x128xf32, #tpu.memory_space<hbm>> -> memref<1x8x128xf32, #tpu.memory_space<hbm>>
        %dma_wait3A_42 = tpu.memref_squeeze %dma_wait3A_41 : memref<1x8x128xf32, #tpu.memory_space<hbm>> -> memref<8x128xf32, #tpu.memory_space<hbm>>
        %dma_wait3A_43 = arith.constant 4992 : i32
        %dma_wait3A_44 = arith.constant 0 : i32
        %dma_wait3A_45 = tpu.memref_slice %arg13[%dma_wait3A_43, %dma_wait3A_44] : memref<5000x128xf32, #tpu.memory_space<vmem_shared>> -> memref<8x128xf32, #tpu.memory_space<vmem_shared>>
        tpu.wait_dma2 semaphore(%run_scoped3A_31 : memref<!tpu.dma_semaphore, #tpu.memory_space<semaphore_mem>>) src(%dma_wait3A_45 : memref<8x128xf32, #tpu.memory_space<vmem_shared>>) dst(%dma_wait3A_42 : memref<8x128xf32, #tpu.memory_space<hbm>>)
        tpu.yield
      }) : () -> ()
    } else {
    }
    return
  }
}

#map = affine_map<(d0, d1) -> (0, 0)>
#map1 = affine_map<(d0, d1) -> (0, 0, 0, 0)>
#map2 = affine_map<(d0, d1) -> (0, 0, 0)>
module attributes {stable_mosaic.version = 14 : i64} {
  func.func @body(%arg0: i32, %arg1: i32, %arg2: memref<10000x128xf32, #tpu.memory_space<hbm>>, %arg3: memref<2x625x1x128xi32, #tpu.memory_space<hbm>>, %arg4: memref<2x625x1x128xi32, #tpu.memory_space<hbm>>, %arg5: memref<312x128xf32, #tpu.memory_space<hbm>>, %arg6: memref<2x5000x128xf32, #tpu.memory_space<hbm>>, %arg7: memref<128xi32, #tpu.memory_space<vmem>>, %arg8: memref<128xi32, #tpu.memory_space<vmem>>, %arg9: memref<128x128xf32, #tpu.memory_space<vmem>>, %arg10: memref<128xi32, #tpu.memory_space<vmem>>, %arg11: memref<128xi32, #tpu.memory_space<vmem>>, %arg12: memref<128x128xf32, #tpu.memory_space<vmem>>, %arg13: memref<5000x128xf32, #tpu.memory_space<vmem_shared>>, %arg14: memref<!tpu.dma_semaphore, #tpu.memory_space<semaphore_mem>>, %arg15: memref<!tpu.dma_semaphore, #tpu.memory_space<semaphore_mem>>, %arg16: memref<!tpu.dma_semaphore, #tpu.memory_space<semaphore_mem>>, %arg17: memref<!tpu.dma_semaphore, #tpu.memory_space<semaphore_mem>>) attributes {dimension_semantics = [#tpu.dimension_semantics<core_parallel>, #tpu.dimension_semantics<subcore_parallel>], iteration_bounds = array<i64: 2, 16>, scalar_prefetch = 0 : i64, scratch_operands = 11 : i64, tpu.core_type = #tpu.core_type<sc_vector_subcore>, window_params = [{transform_indices = #map}, {transform_indices = #map1}, {transform_indices = #map1}, {transform_indices = #map}, {transform_indices = #map2}]} {
    %mul3A = arith.constant 312 : i32
    %mul3A_0 = arith.muli %arg1, %mul3A : i32
    "tpu.region"() ({
      %run_scoped3A_31 = tpu.sem_alloc : memref<!tpu.dma_semaphore, #tpu.memory_space<semaphore_mem>>
      %dma_start3A_32 = arith.constant 0 : i32
      %dma_start3A_33 = tpu.memref_slice %arg13[%mul3A_0, %dma_start3A_32] : memref<5000x128xf32, #tpu.memory_space<vmem_shared>> -> memref<312x128xf32, #tpu.memory_space<vmem_shared>>
      %dma_start3A_34 = arith.constant 0 : i32
      %dma_start3A_35 = arith.constant 0 : i32
      %dma_start3A_36 = tpu.memref_slice %arg5[%dma_start3A_34, %dma_start3A_35] : memref<312x128xf32, #tpu.memory_space<hbm>> -> memref<312x128xf32, #tpu.memory_space<hbm>>
      tpu.enqueue_dma source(%dma_start3A_36 : memref<312x128xf32, #tpu.memory_space<hbm>>) target(%dma_start3A_33 : memref<312x128xf32, #tpu.memory_space<vmem_shared>>) target_semaphore(%run_scoped3A_31 : memref<!tpu.dma_semaphore, #tpu.memory_space<semaphore_mem>>)
      %dma_wait3A_37 = arith.constant 0 : i32
      %dma_wait3A_38 = tpu.memref_slice %arg13[%mul3A_0, %dma_wait3A_37] : memref<5000x128xf32, #tpu.memory_space<vmem_shared>> -> memref<312x128xf32, #tpu.memory_space<vmem_shared>>
      %dma_wait3A_39 = arith.constant 0 : i32
      %dma_wait3A_40 = arith.constant 0 : i32
      %dma_wait3A_41 = tpu.memref_slice %arg5[%dma_wait3A_39, %dma_wait3A_40] : memref<312x128xf32, #tpu.memory_space<hbm>> -> memref<312x128xf32, #tpu.memory_space<hbm>>
      tpu.wait_dma2 semaphore(%run_scoped3A_31 : memref<!tpu.dma_semaphore, #tpu.memory_space<semaphore_mem>>) src(%dma_wait3A_41 : memref<312x128xf32, #tpu.memory_space<hbm>>) dst(%dma_wait3A_38 : memref<312x128xf32, #tpu.memory_space<vmem_shared>>)
      tpu.yield
    }) : () -> ()
    %eq3A = arith.constant 15 : i32
    %eq3A_1 = arith.cmpi eq, %arg1, %eq3A : i32
    %convert_element_type3A = arith.extui %eq3A_1 : i1 to i32
    %cond3A = arith.constant 0 : i32
    %cond3A_2 = arith.cmpi ne, %convert_element_type3A, %cond3A : i32
    scf.if %cond3A_2 {
      "tpu.region"() ({
        %run_scoped3A_31 = tpu.sem_alloc : memref<!tpu.dma_semaphore, #tpu.memory_space<semaphore_mem>>
        %dma_start3A_32 = arith.constant 4992 : i32
        %dma_start3A_33 = arith.constant 0 : i32
        %dma_start3A_34 = tpu.memref_slice %arg13[%dma_start3A_32, %dma_start3A_33] : memref<5000x128xf32, #tpu.memory_space<vmem_shared>> -> memref<8x128xf32, #tpu.memory_space<vmem_shared>>
        %dma_start3A_35 = arith.constant 0 : i32
        %dma_start3A_36 = arith.constant 0 : i32
        %dma_start3A_37 = tpu.memref_slice %arg5[%dma_start3A_35, %dma_start3A_36] : memref<312x128xf32, #tpu.memory_space<hbm>> -> memref<8x128xf32, #tpu.memory_space<hbm>>
        tpu.enqueue_dma source(%dma_start3A_37 : memref<8x128xf32, #tpu.memory_space<hbm>>) target(%dma_start3A_34 : memref<8x128xf32, #tpu.memory_space<vmem_shared>>) target_semaphore(%run_scoped3A_31 : memref<!tpu.dma_semaphore, #tpu.memory_space<semaphore_mem>>)
        %dma_wait3A_38 = arith.constant 4992 : i32
        %dma_wait3A_39 = arith.constant 0 : i32
        %dma_wait3A_40 = tpu.memref_slice %arg13[%dma_wait3A_38, %dma_wait3A_39] : memref<5000x128xf32, #tpu.memory_space<vmem_shared>> -> memref<8x128xf32, #tpu.memory_space<vmem_shared>>
        %dma_wait3A_41 = arith.constant 0 : i32
        %dma_wait3A_42 = arith.constant 0 : i32
        %dma_wait3A_43 = tpu.memref_slice %arg5[%dma_wait3A_41, %dma_wait3A_42] : memref<312x128xf32, #tpu.memory_space<hbm>> -> memref<8x128xf32, #tpu.memory_space<hbm>>
        tpu.wait_dma2 semaphore(%run_scoped3A_31 : memref<!tpu.dma_semaphore, #tpu.memory_space<semaphore_mem>>) src(%dma_wait3A_43 : memref<8x128xf32, #tpu.memory_space<hbm>>) dst(%dma_wait3A_40 : memref<8x128xf32, #tpu.memory_space<vmem_shared>>)
        tpu.yield
      }) : () -> ()
    } else {
    }
    %barrier3A = arith.constant 0 : index
    tpu.barrier barrier_id(%barrier3A)
    %scan3A = arith.constant 0 : i32
    %scan3A_3 = arith.constant 0 : i32
    %scan3A_4 = arith.constant 19 : i32
    %scan3A_5 = arith.addi %scan3A_3, %scan3A_4 : i32
    %scan3A_6 = arith.constant 1 : i32
    scf.for %scan3A_31 = %scan3A_3 to %scan3A_5 step %scan3A_6  : i32 {
      %mul3A_32 = arith.constant 2 : i32
      %mul3A_33 = arith.muli %mul3A_32, %scan3A_31 : i32
      %mul3A_34 = arith.constant 16 : i32
      %mul3A_35 = arith.muli %mul3A_33, %mul3A_34 : i32
      %add3A_36 = arith.addi %mul3A_35, %arg1 : i32
      %mul3A_37 = arith.constant 2 : i32
      %mul3A_38 = arith.muli %mul3A_37, %scan3A_31 : i32
      %add3A_39 = arith.constant 1 : i32
      %add3A_40 = arith.addi %mul3A_38, %add3A_39 : i32
      %mul3A_41 = arith.constant 16 : i32
      %mul3A_42 = arith.muli %add3A_40, %mul3A_41 : i32
      %add3A_43 = arith.addi %mul3A_42, %arg1 : i32
      %run_scoped3A_44 = arith.constant 0 : i32
      "tpu.region"() ({
        %run_scoped3A_72 = tpu.sem_alloc : memref<!tpu.dma_semaphore, #tpu.memory_space<semaphore_mem>>
        %dma_start3A_73 = arith.constant 0 : i32
        %dma_start3A_74 = tpu.memref_slice %arg3[%arg0, %add3A_36, %run_scoped3A_44, %dma_start3A_73] : memref<2x625x1x128xi32, #tpu.memory_space<hbm>> -> memref<1x1x1x128xi32, #tpu.memory_space<hbm>>
        %dma_start3A_75 = tpu.memref_squeeze %dma_start3A_74 : memref<1x1x1x128xi32, #tpu.memory_space<hbm>> -> memref<128xi32, #tpu.memory_space<hbm>>
        %dma_start3A_76 = arith.constant 0 : i32
        %dma_start3A_77 = tpu.memref_slice %arg3[%arg0, %add3A_36, %run_scoped3A_44, %dma_start3A_76] : memref<2x625x1x128xi32, #tpu.memory_space<hbm>> -> memref<1x1x1x128xi32, #tpu.memory_space<hbm>>
        %dma_start3A_78 = tpu.memref_squeeze %dma_start3A_77 : memref<1x1x1x128xi32, #tpu.memory_space<hbm>> -> memref<128xi32, #tpu.memory_space<hbm>>
        tpu.enqueue_dma source(%dma_start3A_78 : memref<128xi32, #tpu.memory_space<hbm>>) target(%arg7 : memref<128xi32, #tpu.memory_space<vmem>>) target_semaphore(%run_scoped3A_72 : memref<!tpu.dma_semaphore, #tpu.memory_space<semaphore_mem>>)
        %dma_wait3A_79 = arith.constant 0 : i32
        %dma_wait3A_80 = tpu.memref_slice %arg3[%arg0, %add3A_36, %run_scoped3A_44, %dma_wait3A_79] : memref<2x625x1x128xi32, #tpu.memory_space<hbm>> -> memref<1x1x1x128xi32, #tpu.memory_space<hbm>>
        %dma_wait3A_81 = tpu.memref_squeeze %dma_wait3A_80 : memref<1x1x1x128xi32, #tpu.memory_space<hbm>> -> memref<128xi32, #tpu.memory_space<hbm>>
        %dma_wait3A_82 = arith.constant 0 : i32
        %dma_wait3A_83 = tpu.memref_slice %arg3[%arg0, %add3A_36, %run_scoped3A_44, %dma_wait3A_82] : memref<2x625x1x128xi32, #tpu.memory_space<hbm>> -> memref<1x1x1x128xi32, #tpu.memory_space<hbm>>
        %dma_wait3A_84 = tpu.memref_squeeze %dma_wait3A_83 : memref<1x1x1x128xi32, #tpu.memory_space<hbm>> -> memref<128xi32, #tpu.memory_space<hbm>>
        tpu.wait_dma2 semaphore(%run_scoped3A_72 : memref<!tpu.dma_semaphore, #tpu.memory_space<semaphore_mem>>) src(%dma_wait3A_84 : memref<128xi32, #tpu.memory_space<hbm>>) dst(%arg7 : memref<128xi32, #tpu.memory_space<vmem>>)
        tpu.yield
      }) : () -> ()
      %run_scoped3A_45 = arith.constant 0 : i32
      "tpu.region"() ({
        %run_scoped3A_72 = tpu.sem_alloc : memref<!tpu.dma_semaphore, #tpu.memory_space<semaphore_mem>>
        %dma_start3A_73 = arith.constant 0 : i32
        %dma_start3A_74 = tpu.memref_slice %arg4[%arg0, %add3A_36, %run_scoped3A_45, %dma_start3A_73] : memref<2x625x1x128xi32, #tpu.memory_space<hbm>> -> memref<1x1x1x128xi32, #tpu.memory_space<hbm>>
        %dma_start3A_75 = tpu.memref_squeeze %dma_start3A_74 : memref<1x1x1x128xi32, #tpu.memory_space<hbm>> -> memref<128xi32, #tpu.memory_space<hbm>>
        %dma_start3A_76 = arith.constant 0 : i32
        %dma_start3A_77 = tpu.memref_slice %arg4[%arg0, %add3A_36, %run_scoped3A_45, %dma_start3A_76] : memref<2x625x1x128xi32, #tpu.memory_space<hbm>> -> memref<1x1x1x128xi32, #tpu.memory_space<hbm>>
        %dma_start3A_78 = tpu.memref_squeeze %dma_start3A_77 : memref<1x1x1x128xi32, #tpu.memory_space<hbm>> -> memref<128xi32, #tpu.memory_space<hbm>>
        tpu.enqueue_dma source(%dma_start3A_78 : memref<128xi32, #tpu.memory_space<hbm>>) target(%arg8 : memref<128xi32, #tpu.memory_space<vmem>>) target_semaphore(%run_scoped3A_72 : memref<!tpu.dma_semaphore, #tpu.memory_space<semaphore_mem>>)
        %dma_wait3A_79 = arith.constant 0 : i32
        %dma_wait3A_80 = tpu.memref_slice %arg4[%arg0, %add3A_36, %run_scoped3A_45, %dma_wait3A_79] : memref<2x625x1x128xi32, #tpu.memory_space<hbm>> -> memref<1x1x1x128xi32, #tpu.memory_space<hbm>>
        %dma_wait3A_81 = tpu.memref_squeeze %dma_wait3A_80 : memref<1x1x1x128xi32, #tpu.memory_space<hbm>> -> memref<128xi32, #tpu.memory_space<hbm>>
        %dma_wait3A_82 = arith.constant 0 : i32
        %dma_wait3A_83 = tpu.memref_slice %arg4[%arg0, %add3A_36, %run_scoped3A_45, %dma_wait3A_82] : memref<2x625x1x128xi32, #tpu.memory_space<hbm>> -> memref<1x1x1x128xi32, #tpu.memory_space<hbm>>
        %dma_wait3A_84 = tpu.memref_squeeze %dma_wait3A_83 : memref<1x1x1x128xi32, #tpu.memory_space<hbm>> -> memref<128xi32, #tpu.memory_space<hbm>>
        tpu.wait_dma2 semaphore(%run_scoped3A_72 : memref<!tpu.dma_semaphore, #tpu.memory_space<semaphore_mem>>) src(%dma_wait3A_84 : memref<128xi32, #tpu.memory_space<hbm>>) dst(%arg8 : memref<128xi32, #tpu.memory_space<vmem>>)
        tpu.yield
      }) : () -> ()
      %dma_start3A_46 = arith.constant 0 : i32
      %dma_start3A_47 = arith.constant 0 : i32
      %dma_start3A_48 = tpu.memref_slice %arg2[%dma_start3A_46, %dma_start3A_47] : memref<10000x128xf32, #tpu.memory_space<hbm>> -> memref<10000x128xf32, #tpu.memory_space<hbm>>
      tpu.enqueue_indirect_dma source(%dma_start3A_48 : memref<10000x128xf32, #tpu.memory_space<hbm>>) target(%arg9 : memref<128x128xf32, #tpu.memory_space<vmem>>) offsets(%arg7 : memref<128xi32, #tpu.memory_space<vmem>>) semaphore(%arg14 : memref<!tpu.dma_semaphore, #tpu.memory_space<semaphore_mem>>)
      %run_scoped3A_49 = arith.constant 0 : i32
      "tpu.region"() ({
        %run_scoped3A_72 = tpu.sem_alloc : memref<!tpu.dma_semaphore, #tpu.memory_space<semaphore_mem>>
        %dma_start3A_73 = arith.constant 0 : i32
        %dma_start3A_74 = tpu.memref_slice %arg3[%arg0, %add3A_43, %run_scoped3A_49, %dma_start3A_73] : memref<2x625x1x128xi32, #tpu.memory_space<hbm>> -> memref<1x1x1x128xi32, #tpu.memory_space<hbm>>
        %dma_start3A_75 = tpu.memref_squeeze %dma_start3A_74 : memref<1x1x1x128xi32, #tpu.memory_space<hbm>> -> memref<128xi32, #tpu.memory_space<hbm>>
        %dma_start3A_76 = arith.constant 0 : i32
        %dma_start3A_77 = tpu.memref_slice %arg3[%arg0, %add3A_43, %run_scoped3A_49, %dma_start3A_76] : memref<2x625x1x128xi32, #tpu.memory_space<hbm>> -> memref<1x1x1x128xi32, #tpu.memory_space<hbm>>
        %dma_start3A_78 = tpu.memref_squeeze %dma_start3A_77 : memref<1x1x1x128xi32, #tpu.memory_space<hbm>> -> memref<128xi32, #tpu.memory_space<hbm>>
        tpu.enqueue_dma source(%dma_start3A_78 : memref<128xi32, #tpu.memory_space<hbm>>) target(%arg10 : memref<128xi32, #tpu.memory_space<vmem>>) target_semaphore(%run_scoped3A_72 : memref<!tpu.dma_semaphore, #tpu.memory_space<semaphore_mem>>)
        %dma_wait3A_79 = arith.constant 0 : i32
        %dma_wait3A_80 = tpu.memref_slice %arg3[%arg0, %add3A_43, %run_scoped3A_49, %dma_wait3A_79] : memref<2x625x1x128xi32, #tpu.memory_space<hbm>> -> memref<1x1x1x128xi32, #tpu.memory_space<hbm>>
        %dma_wait3A_81 = tpu.memref_squeeze %dma_wait3A_80 : memref<1x1x1x128xi32, #tpu.memory_space<hbm>> -> memref<128xi32, #tpu.memory_space<hbm>>
        %dma_wait3A_82 = arith.constant 0 : i32
        %dma_wait3A_83 = tpu.memref_slice %arg3[%arg0, %add3A_43, %run_scoped3A_49, %dma_wait3A_82] : memref<2x625x1x128xi32, #tpu.memory_space<hbm>> -> memref<1x1x1x128xi32, #tpu.memory_space<hbm>>
        %dma_wait3A_84 = tpu.memref_squeeze %dma_wait3A_83 : memref<1x1x1x128xi32, #tpu.memory_space<hbm>> -> memref<128xi32, #tpu.memory_space<hbm>>
        tpu.wait_dma2 semaphore(%run_scoped3A_72 : memref<!tpu.dma_semaphore, #tpu.memory_space<semaphore_mem>>) src(%dma_wait3A_84 : memref<128xi32, #tpu.memory_space<hbm>>) dst(%arg10 : memref<128xi32, #tpu.memory_space<vmem>>)
        tpu.yield
      }) : () -> ()
      %run_scoped3A_50 = arith.constant 0 : i32
      "tpu.region"() ({
        %run_scoped3A_72 = tpu.sem_alloc : memref<!tpu.dma_semaphore, #tpu.memory_space<semaphore_mem>>
        %dma_start3A_73 = arith.constant 0 : i32
        %dma_start3A_74 = tpu.memref_slice %arg4[%arg0, %add3A_43, %run_scoped3A_50, %dma_start3A_73] : memref<2x625x1x128xi32, #tpu.memory_space<hbm>> -> memref<1x1x1x128xi32, #tpu.memory_space<hbm>>
        %dma_start3A_75 = tpu.memref_squeeze %dma_start3A_74 : memref<1x1x1x128xi32, #tpu.memory_space<hbm>> -> memref<128xi32, #tpu.memory_space<hbm>>
        %dma_start3A_76 = arith.constant 0 : i32
        %dma_start3A_77 = tpu.memref_slice %arg4[%arg0, %add3A_43, %run_scoped3A_50, %dma_start3A_76] : memref<2x625x1x128xi32, #tpu.memory_space<hbm>> -> memref<1x1x1x128xi32, #tpu.memory_space<hbm>>
        %dma_start3A_78 = tpu.memref_squeeze %dma_start3A_77 : memref<1x1x1x128xi32, #tpu.memory_space<hbm>> -> memref<128xi32, #tpu.memory_space<hbm>>
        tpu.enqueue_dma source(%dma_start3A_78 : memref<128xi32, #tpu.memory_space<hbm>>) target(%arg11 : memref<128xi32, #tpu.memory_space<vmem>>) target_semaphore(%run_scoped3A_72 : memref<!tpu.dma_semaphore, #tpu.memory_space<semaphore_mem>>)
        %dma_wait3A_79 = arith.constant 0 : i32
        %dma_wait3A_80 = tpu.memref_slice %arg4[%arg0, %add3A_43, %run_scoped3A_50, %dma_wait3A_79] : memref<2x625x1x128xi32, #tpu.memory_space<hbm>> -> memref<1x1x1x128xi32, #tpu.memory_space<hbm>>
        %dma_wait3A_81 = tpu.memref_squeeze %dma_wait3A_80 : memref<1x1x1x128xi32, #tpu.memory_space<hbm>> -> memref<128xi32, #tpu.memory_space<hbm>>
        %dma_wait3A_82 = arith.constant 0 : i32
        %dma_wait3A_83 = tpu.memref_slice %arg4[%arg0, %add3A_43, %run_scoped3A_50, %dma_wait3A_82] : memref<2x625x1x128xi32, #tpu.memory_space<hbm>> -> memref<1x1x1x128xi32, #tpu.memory_space<hbm>>
        %dma_wait3A_84 = tpu.memref_squeeze %dma_wait3A_83 : memref<1x1x1x128xi32, #tpu.memory_space<hbm>> -> memref<128xi32, #tpu.memory_space<hbm>>
        tpu.wait_dma2 semaphore(%run_scoped3A_72 : memref<!tpu.dma_semaphore, #tpu.memory_space<semaphore_mem>>) src(%dma_wait3A_84 : memref<128xi32, #tpu.memory_space<hbm>>) dst(%arg11 : memref<128xi32, #tpu.memory_space<vmem>>)
        tpu.yield
      }) : () -> ()
      %dma_start3A_51 = arith.constant 0 : i32
      %dma_start3A_52 = arith.constant 0 : i32
      %dma_start3A_53 = tpu.memref_slice %arg2[%dma_start3A_51, %dma_start3A_52] : memref<10000x128xf32, #tpu.memory_space<hbm>> -> memref<10000x128xf32, #tpu.memory_space<hbm>>
      tpu.enqueue_indirect_dma source(%dma_start3A_53 : memref<10000x128xf32, #tpu.memory_space<hbm>>) target(%arg12 : memref<128x128xf32, #tpu.memory_space<vmem>>) offsets(%arg10 : memref<128xi32, #tpu.memory_space<vmem>>) semaphore(%arg16 : memref<!tpu.dma_semaphore, #tpu.memory_space<semaphore_mem>>)
      %dma_wait3A_54 = arith.constant 0 : i32
      %dma_wait3A_55 = arith.constant 0 : i32
      %dma_wait3A_56 = tpu.memref_slice %arg2[%dma_wait3A_54, %dma_wait3A_55] : memref<10000x128xf32, #tpu.memory_space<hbm>> -> memref<10000x128xf32, #tpu.memory_space<hbm>>
      tpu.wait_indirect_dma semaphore(%arg14 : memref<!tpu.dma_semaphore, #tpu.memory_space<semaphore_mem>>) src(%dma_wait3A_56 : memref<10000x128xf32, #tpu.memory_space<hbm>>) dst(%arg9 : memref<128x128xf32, #tpu.memory_space<vmem>>)
      %dma_start3A_57 = arith.constant 0 : i32
      %dma_start3A_58 = arith.constant 0 : i32
      %dma_start3A_59 = tpu.memref_slice %arg13[%dma_start3A_57, %dma_start3A_58] : memref<5000x128xf32, #tpu.memory_space<vmem_shared>> -> memref<5000x128xf32, #tpu.memory_space<vmem_shared>>
      tpu.enqueue_indirect_dma source(%arg9 : memref<128x128xf32, #tpu.memory_space<vmem>>) target(%dma_start3A_59 : memref<5000x128xf32, #tpu.memory_space<vmem_shared>>) offsets(%arg8 : memref<128xi32, #tpu.memory_space<vmem>>) semaphore(%arg15 : memref<!tpu.dma_semaphore, #tpu.memory_space<semaphore_mem>>) {add = true}
      %dma_wait3A_60 = arith.constant 0 : i32
      %dma_wait3A_61 = arith.constant 0 : i32
      %dma_wait3A_62 = tpu.memref_slice %arg2[%dma_wait3A_60, %dma_wait3A_61] : memref<10000x128xf32, #tpu.memory_space<hbm>> -> memref<10000x128xf32, #tpu.memory_space<hbm>>
      tpu.wait_indirect_dma semaphore(%arg16 : memref<!tpu.dma_semaphore, #tpu.memory_space<semaphore_mem>>) src(%dma_wait3A_62 : memref<10000x128xf32, #tpu.memory_space<hbm>>) dst(%arg12 : memref<128x128xf32, #tpu.memory_space<vmem>>)
      %dma_start3A_63 = arith.constant 0 : i32
      %dma_start3A_64 = arith.constant 0 : i32
      %dma_start3A_65 = tpu.memref_slice %arg13[%dma_start3A_63, %dma_start3A_64] : memref<5000x128xf32, #tpu.memory_space<vmem_shared>> -> memref<5000x128xf32, #tpu.memory_space<vmem_shared>>
      tpu.enqueue_indirect_dma source(%arg12 : memref<128x128xf32, #tpu.memory_space<vmem>>) target(%dma_start3A_65 : memref<5000x128xf32, #tpu.memory_space<vmem_shared>>) offsets(%arg11 : memref<128xi32, #tpu.memory_space<vmem>>) semaphore(%arg17 : memref<!tpu.dma_semaphore, #tpu.memory_space<semaphore_mem>>) {add = true}
      %dma_wait3A_66 = arith.constant 0 : i32
      %dma_wait3A_67 = arith.constant 0 : i32
      %dma_wait3A_68 = tpu.memref_slice %arg13[%dma_wait3A_66, %dma_wait3A_67] : memref<5000x128xf32, #tpu.memory_space<vmem_shared>> -> memref<5000x128xf32, #tpu.memory_space<vmem_shared>>
      tpu.wait_indirect_dma semaphore(%arg15 : memref<!tpu.dma_semaphore, #tpu.memory_space<semaphore_mem>>) src(%arg9 : memref<128x128xf32, #tpu.memory_space<vmem>>) dst(%dma_wait3A_68 : memref<5000x128xf32, #tpu.memory_space<vmem_shared>>)
      %dma_wait3A_69 = arith.constant 0 : i32
      %dma_wait3A_70 = arith.constant 0 : i32
      %dma_wait3A_71 = tpu.memref_slice %arg13[%dma_wait3A_69, %dma_wait3A_70] : memref<5000x128xf32, #tpu.memory_space<vmem_shared>> -> memref<5000x128xf32, #tpu.memory_space<vmem_shared>>
      tpu.wait_indirect_dma semaphore(%arg17 : memref<!tpu.dma_semaphore, #tpu.memory_space<semaphore_mem>>) src(%arg12 : memref<128x128xf32, #tpu.memory_space<vmem>>) dst(%dma_wait3A_71 : memref<5000x128xf32, #tpu.memory_space<vmem_shared>>)
    }
    %scan3A_7 = arith.constant 19 : i32
    %add3A = arith.constant 608 : i32
    %add3A_8 = arith.addi %add3A, %arg1 : i32
    %run_scoped3A = arith.constant 0 : i32
    "tpu.region"() ({
      %run_scoped3A_31 = tpu.sem_alloc : memref<!tpu.dma_semaphore, #tpu.memory_space<semaphore_mem>>
      %dma_start3A_32 = arith.constant 0 : i32
      %dma_start3A_33 = tpu.memref_slice %arg3[%arg0, %add3A_8, %run_scoped3A, %dma_start3A_32] : memref<2x625x1x128xi32, #tpu.memory_space<hbm>> -> memref<1x1x1x128xi32, #tpu.memory_space<hbm>>
      %dma_start3A_34 = tpu.memref_squeeze %dma_start3A_33 : memref<1x1x1x128xi32, #tpu.memory_space<hbm>> -> memref<128xi32, #tpu.memory_space<hbm>>
      %dma_start3A_35 = arith.constant 0 : i32
      %dma_start3A_36 = tpu.memref_slice %arg3[%arg0, %add3A_8, %run_scoped3A, %dma_start3A_35] : memref<2x625x1x128xi32, #tpu.memory_space<hbm>> -> memref<1x1x1x128xi32, #tpu.memory_space<hbm>>
      %dma_start3A_37 = tpu.memref_squeeze %dma_start3A_36 : memref<1x1x1x128xi32, #tpu.memory_space<hbm>> -> memref<128xi32, #tpu.memory_space<hbm>>
      tpu.enqueue_dma source(%dma_start3A_37 : memref<128xi32, #tpu.memory_space<hbm>>) target(%arg7 : memref<128xi32, #tpu.memory_space<vmem>>) target_semaphore(%run_scoped3A_31 : memref<!tpu.dma_semaphore, #tpu.memory_space<semaphore_mem>>)
      %dma_wait3A_38 = arith.constant 0 : i32
      %dma_wait3A_39 = tpu.memref_slice %arg3[%arg0, %add3A_8, %run_scoped3A, %dma_wait3A_38] : memref<2x625x1x128xi32, #tpu.memory_space<hbm>> -> memref<1x1x1x128xi32, #tpu.memory_space<hbm>>
      %dma_wait3A_40 = tpu.memref_squeeze %dma_wait3A_39 : memref<1x1x1x128xi32, #tpu.memory_space<hbm>> -> memref<128xi32, #tpu.memory_space<hbm>>
      %dma_wait3A_41 = arith.constant 0 : i32
      %dma_wait3A_42 = tpu.memref_slice %arg3[%arg0, %add3A_8, %run_scoped3A, %dma_wait3A_41] : memref<2x625x1x128xi32, #tpu.memory_space<hbm>> -> memref<1x1x1x128xi32, #tpu.memory_space<hbm>>
      %dma_wait3A_43 = tpu.memref_squeeze %dma_wait3A_42 : memref<1x1x1x128xi32, #tpu.memory_space<hbm>> -> memref<128xi32, #tpu.memory_space<hbm>>
      tpu.wait_dma2 semaphore(%run_scoped3A_31 : memref<!tpu.dma_semaphore, #tpu.memory_space<semaphore_mem>>) src(%dma_wait3A_43 : memref<128xi32, #tpu.memory_space<hbm>>) dst(%arg7 : memref<128xi32, #tpu.memory_space<vmem>>)
      tpu.yield
    }) : () -> ()
    %run_scoped3A_9 = arith.constant 0 : i32
    "tpu.region"() ({
      %run_scoped3A_31 = tpu.sem_alloc : memref<!tpu.dma_semaphore, #tpu.memory_space<semaphore_mem>>
      %dma_start3A_32 = arith.constant 0 : i32
      %dma_start3A_33 = tpu.memref_slice %arg4[%arg0, %add3A_8, %run_scoped3A_9, %dma_start3A_32] : memref<2x625x1x128xi32, #tpu.memory_space<hbm>> -> memref<1x1x1x128xi32, #tpu.memory_space<hbm>>
      %dma_start3A_34 = tpu.memref_squeeze %dma_start3A_33 : memref<1x1x1x128xi32, #tpu.memory_space<hbm>> -> memref<128xi32, #tpu.memory_space<hbm>>
      %dma_start3A_35 = arith.constant 0 : i32
      %dma_start3A_36 = tpu.memref_slice %arg4[%arg0, %add3A_8, %run_scoped3A_9, %dma_start3A_35] : memref<2x625x1x128xi32, #tpu.memory_space<hbm>> -> memref<1x1x1x128xi32, #tpu.memory_space<hbm>>
      %dma_start3A_37 = tpu.memref_squeeze %dma_start3A_36 : memref<1x1x1x128xi32, #tpu.memory_space<hbm>> -> memref<128xi32, #tpu.memory_space<hbm>>
      tpu.enqueue_dma source(%dma_start3A_37 : memref<128xi32, #tpu.memory_space<hbm>>) target(%arg8 : memref<128xi32, #tpu.memory_space<vmem>>) target_semaphore(%run_scoped3A_31 : memref<!tpu.dma_semaphore, #tpu.memory_space<semaphore_mem>>)
      %dma_wait3A_38 = arith.constant 0 : i32
      %dma_wait3A_39 = tpu.memref_slice %arg4[%arg0, %add3A_8, %run_scoped3A_9, %dma_wait3A_38] : memref<2x625x1x128xi32, #tpu.memory_space<hbm>> -> memref<1x1x1x128xi32, #tpu.memory_space<hbm>>
      %dma_wait3A_40 = tpu.memref_squeeze %dma_wait3A_39 : memref<1x1x1x128xi32, #tpu.memory_space<hbm>> -> memref<128xi32, #tpu.memory_space<hbm>>
      %dma_wait3A_41 = arith.constant 0 : i32
      %dma_wait3A_42 = tpu.memref_slice %arg4[%arg0, %add3A_8, %run_scoped3A_9, %dma_wait3A_41] : memref<2x625x1x128xi32, #tpu.memory_space<hbm>> -> memref<1x1x1x128xi32, #tpu.memory_space<hbm>>
      %dma_wait3A_43 = tpu.memref_squeeze %dma_wait3A_42 : memref<1x1x1x128xi32, #tpu.memory_space<hbm>> -> memref<128xi32, #tpu.memory_space<hbm>>
      tpu.wait_dma2 semaphore(%run_scoped3A_31 : memref<!tpu.dma_semaphore, #tpu.memory_space<semaphore_mem>>) src(%dma_wait3A_43 : memref<128xi32, #tpu.memory_space<hbm>>) dst(%arg8 : memref<128xi32, #tpu.memory_space<vmem>>)
      tpu.yield
    }) : () -> ()
    %dma_start3A = arith.constant 0 : i32
    %dma_start3A_10 = arith.constant 0 : i32
    %dma_start3A_11 = tpu.memref_slice %arg2[%dma_start3A, %dma_start3A_10] : memref<10000x128xf32, #tpu.memory_space<hbm>> -> memref<10000x128xf32, #tpu.memory_space<hbm>>
    tpu.enqueue_indirect_dma source(%dma_start3A_11 : memref<10000x128xf32, #tpu.memory_space<hbm>>) target(%arg9 : memref<128x128xf32, #tpu.memory_space<vmem>>) offsets(%arg7 : memref<128xi32, #tpu.memory_space<vmem>>) semaphore(%arg14 : memref<!tpu.dma_semaphore, #tpu.memory_space<semaphore_mem>>)
    %dma_wait3A = arith.constant 0 : i32
    %dma_wait3A_12 = arith.constant 0 : i32
    %dma_wait3A_13 = tpu.memref_slice %arg2[%dma_wait3A, %dma_wait3A_12] : memref<10000x128xf32, #tpu.memory_space<hbm>> -> memref<10000x128xf32, #tpu.memory_space<hbm>>
    tpu.wait_indirect_dma semaphore(%arg14 : memref<!tpu.dma_semaphore, #tpu.memory_space<semaphore_mem>>) src(%dma_wait3A_13 : memref<10000x128xf32, #tpu.memory_space<hbm>>) dst(%arg9 : memref<128x128xf32, #tpu.memory_space<vmem>>)
    %dma_start3A_14 = arith.constant 0 : i32
    %dma_start3A_15 = arith.constant 0 : i32
    %dma_start3A_16 = tpu.memref_slice %arg13[%dma_start3A_14, %dma_start3A_15] : memref<5000x128xf32, #tpu.memory_space<vmem_shared>> -> memref<5000x128xf32, #tpu.memory_space<vmem_shared>>
    tpu.enqueue_indirect_dma source(%arg9 : memref<128x128xf32, #tpu.memory_space<vmem>>) target(%dma_start3A_16 : memref<5000x128xf32, #tpu.memory_space<vmem_shared>>) offsets(%arg8 : memref<128xi32, #tpu.memory_space<vmem>>) semaphore(%arg15 : memref<!tpu.dma_semaphore, #tpu.memory_space<semaphore_mem>>) {add = true}
    %dma_wait3A_17 = arith.constant 0 : i32
    %dma_wait3A_18 = arith.constant 0 : i32
    %dma_wait3A_19 = tpu.memref_slice %arg13[%dma_wait3A_17, %dma_wait3A_18] : memref<5000x128xf32, #tpu.memory_space<vmem_shared>> -> memref<5000x128xf32, #tpu.memory_space<vmem_shared>>
    tpu.wait_indirect_dma semaphore(%arg15 : memref<!tpu.dma_semaphore, #tpu.memory_space<semaphore_mem>>) src(%arg9 : memref<128x128xf32, #tpu.memory_space<vmem>>) dst(%dma_wait3A_19 : memref<5000x128xf32, #tpu.memory_space<vmem_shared>>)
    %eq3A_20 = arith.constant 0 : i32
    %eq3A_21 = arith.cmpi eq, %arg1, %eq3A_20 : i32
    %convert_element_type3A_22 = arith.extui %eq3A_21 : i1 to i32
    %cond3A_23 = arith.constant 0 : i32
    %cond3A_24 = arith.cmpi ne, %convert_element_type3A_22, %cond3A_23 : i32
    scf.if %cond3A_24 {
      %run_scoped3A_31 = arith.constant 624 : i32
      %run_scoped3A_32 = arith.constant 0 : i32
      "tpu.region"() ({
        %run_scoped3A_47 = tpu.sem_alloc : memref<!tpu.dma_semaphore, #tpu.memory_space<semaphore_mem>>
        %dma_start3A_48 = arith.constant 0 : i32
        %dma_start3A_49 = tpu.memref_slice %arg3[%arg0, %run_scoped3A_31, %run_scoped3A_32, %dma_start3A_48] : memref<2x625x1x128xi32, #tpu.memory_space<hbm>> -> memref<1x1x1x128xi32, #tpu.memory_space<hbm>>
        %dma_start3A_50 = tpu.memref_squeeze %dma_start3A_49 : memref<1x1x1x128xi32, #tpu.memory_space<hbm>> -> memref<128xi32, #tpu.memory_space<hbm>>
        %dma_start3A_51 = arith.constant 0 : i32
        %dma_start3A_52 = tpu.memref_slice %arg3[%arg0, %run_scoped3A_31, %run_scoped3A_32, %dma_start3A_51] : memref<2x625x1x128xi32, #tpu.memory_space<hbm>> -> memref<1x1x1x128xi32, #tpu.memory_space<hbm>>
        %dma_start3A_53 = tpu.memref_squeeze %dma_start3A_52 : memref<1x1x1x128xi32, #tpu.memory_space<hbm>> -> memref<128xi32, #tpu.memory_space<hbm>>
        tpu.enqueue_dma source(%dma_start3A_53 : memref<128xi32, #tpu.memory_space<hbm>>) target(%arg7 : memref<128xi32, #tpu.memory_space<vmem>>) target_semaphore(%run_scoped3A_47 : memref<!tpu.dma_semaphore, #tpu.memory_space<semaphore_mem>>)
        %dma_wait3A_54 = arith.constant 0 : i32
        %dma_wait3A_55 = tpu.memref_slice %arg3[%arg0, %run_scoped3A_31, %run_scoped3A_32, %dma_wait3A_54] : memref<2x625x1x128xi32, #tpu.memory_space<hbm>> -> memref<1x1x1x128xi32, #tpu.memory_space<hbm>>
        %dma_wait3A_56 = tpu.memref_squeeze %dma_wait3A_55 : memref<1x1x1x128xi32, #tpu.memory_space<hbm>> -> memref<128xi32, #tpu.memory_space<hbm>>
        %dma_wait3A_57 = arith.constant 0 : i32
        %dma_wait3A_58 = tpu.memref_slice %arg3[%arg0, %run_scoped3A_31, %run_scoped3A_32, %dma_wait3A_57] : memref<2x625x1x128xi32, #tpu.memory_space<hbm>> -> memref<1x1x1x128xi32, #tpu.memory_space<hbm>>
        %dma_wait3A_59 = tpu.memref_squeeze %dma_wait3A_58 : memref<1x1x1x128xi32, #tpu.memory_space<hbm>> -> memref<128xi32, #tpu.memory_space<hbm>>
        tpu.wait_dma2 semaphore(%run_scoped3A_47 : memref<!tpu.dma_semaphore, #tpu.memory_space<semaphore_mem>>) src(%dma_wait3A_59 : memref<128xi32, #tpu.memory_space<hbm>>) dst(%arg7 : memref<128xi32, #tpu.memory_space<vmem>>)
        tpu.yield
      }) : () -> ()
      %run_scoped3A_33 = arith.constant 624 : i32
      %run_scoped3A_34 = arith.constant 0 : i32
      "tpu.region"() ({
        %run_scoped3A_47 = tpu.sem_alloc : memref<!tpu.dma_semaphore, #tpu.memory_space<semaphore_mem>>
        %dma_start3A_48 = arith.constant 0 : i32
        %dma_start3A_49 = tpu.memref_slice %arg4[%arg0, %run_scoped3A_33, %run_scoped3A_34, %dma_start3A_48] : memref<2x625x1x128xi32, #tpu.memory_space<hbm>> -> memref<1x1x1x128xi32, #tpu.memory_space<hbm>>
        %dma_start3A_50 = tpu.memref_squeeze %dma_start3A_49 : memref<1x1x1x128xi32, #tpu.memory_space<hbm>> -> memref<128xi32, #tpu.memory_space<hbm>>
        %dma_start3A_51 = arith.constant 0 : i32
        %dma_start3A_52 = tpu.memref_slice %arg4[%arg0, %run_scoped3A_33, %run_scoped3A_34, %dma_start3A_51] : memref<2x625x1x128xi32, #tpu.memory_space<hbm>> -> memref<1x1x1x128xi32, #tpu.memory_space<hbm>>
        %dma_start3A_53 = tpu.memref_squeeze %dma_start3A_52 : memref<1x1x1x128xi32, #tpu.memory_space<hbm>> -> memref<128xi32, #tpu.memory_space<hbm>>
        tpu.enqueue_dma source(%dma_start3A_53 : memref<128xi32, #tpu.memory_space<hbm>>) target(%arg8 : memref<128xi32, #tpu.memory_space<vmem>>) target_semaphore(%run_scoped3A_47 : memref<!tpu.dma_semaphore, #tpu.memory_space<semaphore_mem>>)
        %dma_wait3A_54 = arith.constant 0 : i32
        %dma_wait3A_55 = tpu.memref_slice %arg4[%arg0, %run_scoped3A_33, %run_scoped3A_34, %dma_wait3A_54] : memref<2x625x1x128xi32, #tpu.memory_space<hbm>> -> memref<1x1x1x128xi32, #tpu.memory_space<hbm>>
        %dma_wait3A_56 = tpu.memref_squeeze %dma_wait3A_55 : memref<1x1x1x128xi32, #tpu.memory_space<hbm>> -> memref<128xi32, #tpu.memory_space<hbm>>
        %dma_wait3A_57 = arith.constant 0 : i32
        %dma_wait3A_58 = tpu.memref_slice %arg4[%arg0, %run_scoped3A_33, %run_scoped3A_34, %dma_wait3A_57] : memref<2x625x1x128xi32, #tpu.memory_space<hbm>> -> memref<1x1x1x128xi32, #tpu.memory_space<hbm>>
        %dma_wait3A_59 = tpu.memref_squeeze %dma_wait3A_58 : memref<1x1x1x128xi32, #tpu.memory_space<hbm>> -> memref<128xi32, #tpu.memory_space<hbm>>
        tpu.wait_dma2 semaphore(%run_scoped3A_47 : memref<!tpu.dma_semaphore, #tpu.memory_space<semaphore_mem>>) src(%dma_wait3A_59 : memref<128xi32, #tpu.memory_space<hbm>>) dst(%arg8 : memref<128xi32, #tpu.memory_space<vmem>>)
        tpu.yield
      }) : () -> ()
      %dma_start3A_35 = arith.constant 0 : i32
      %dma_start3A_36 = arith.constant 0 : i32
      %dma_start3A_37 = tpu.memref_slice %arg2[%dma_start3A_35, %dma_start3A_36] : memref<10000x128xf32, #tpu.memory_space<hbm>> -> memref<10000x128xf32, #tpu.memory_space<hbm>>
      tpu.enqueue_indirect_dma source(%dma_start3A_37 : memref<10000x128xf32, #tpu.memory_space<hbm>>) target(%arg9 : memref<128x128xf32, #tpu.memory_space<vmem>>) offsets(%arg7 : memref<128xi32, #tpu.memory_space<vmem>>) semaphore(%arg14 : memref<!tpu.dma_semaphore, #tpu.memory_space<semaphore_mem>>)
      %dma_wait3A_38 = arith.constant 0 : i32
      %dma_wait3A_39 = arith.constant 0 : i32
      %dma_wait3A_40 = tpu.memref_slice %arg2[%dma_wait3A_38, %dma_wait3A_39] : memref<10000x128xf32, #tpu.memory_space<hbm>> -> memref<10000x128xf32, #tpu.memory_space<hbm>>
      tpu.wait_indirect_dma semaphore(%arg14 : memref<!tpu.dma_semaphore, #tpu.memory_space<semaphore_mem>>) src(%dma_wait3A_40 : memref<10000x128xf32, #tpu.memory_space<hbm>>) dst(%arg9 : memref<128x128xf32, #tpu.memory_space<vmem>>)
      %dma_start3A_41 = arith.constant 0 : i32
      %dma_start3A_42 = arith.constant 0 : i32
      %dma_start3A_43 = tpu.memref_slice %arg13[%dma_start3A_41, %dma_start3A_42] : memref<5000x128xf32, #tpu.memory_space<vmem_shared>> -> memref<5000x128xf32, #tpu.memory_space<vmem_shared>>
      tpu.enqueue_indirect_dma source(%arg9 : memref<128x128xf32, #tpu.memory_space<vmem>>) target(%dma_start3A_43 : memref<5000x128xf32, #tpu.memory_space<vmem_shared>>) offsets(%arg8 : memref<128xi32, #tpu.memory_space<vmem>>) semaphore(%arg15 : memref<!tpu.dma_semaphore, #tpu.memory_space<semaphore_mem>>) {add = true}
      %dma_wait3A_44 = arith.constant 0 : i32
      %dma_wait3A_45 = arith.constant 0 : i32
      %dma_wait3A_46 = tpu.memref_slice %arg13[%dma_wait3A_44, %dma_wait3A_45] : memref<5000x128xf32, #tpu.memory_space<vmem_shared>> -> memref<5000x128xf32, #tpu.memory_space<vmem_shared>>
      tpu.wait_indirect_dma semaphore(%arg15 : memref<!tpu.dma_semaphore, #tpu.memory_space<semaphore_mem>>) src(%arg9 : memref<128x128xf32, #tpu.memory_space<vmem>>) dst(%dma_wait3A_46 : memref<5000x128xf32, #tpu.memory_space<vmem_shared>>)
    } else {
    }
    %barrier3A_25 = arith.constant 0 : index
    tpu.barrier barrier_id(%barrier3A_25)
    "tpu.region"() ({
      %run_scoped3A_31 = tpu.sem_alloc : memref<!tpu.dma_semaphore, #tpu.memory_space<semaphore_mem>>
      %dma_start3A_32 = arith.constant 0 : i32
      %dma_start3A_33 = tpu.memref_slice %arg6[%arg0, %mul3A_0, %dma_start3A_32] : memref<2x5000x128xf32, #tpu.memory_space<hbm>> -> memref<1x312x128xf32, #tpu.memory_space<hbm>>
      %dma_start3A_34 = tpu.memref_squeeze %dma_start3A_33 : memref<1x312x128xf32, #tpu.memory_space<hbm>> -> memref<312x128xf32, #tpu.memory_space<hbm>>
      %dma_start3A_35 = arith.constant 0 : i32
      %dma_start3A_36 = tpu.memref_slice %arg13[%mul3A_0, %dma_start3A_35] : memref<5000x128xf32, #tpu.memory_space<vmem_shared>> -> memref<312x128xf32, #tpu.memory_space<vmem_shared>>
      tpu.enqueue_dma source(%dma_start3A_36 : memref<312x128xf32, #tpu.memory_space<vmem_shared>>) target(%dma_start3A_34 : memref<312x128xf32, #tpu.memory_space<hbm>>) target_semaphore(%run_scoped3A_31 : memref<!tpu.dma_semaphore, #tpu.memory_space<semaphore_mem>>)
      %dma_wait3A_37 = arith.constant 0 : i32
      %dma_wait3A_38 = tpu.memref_slice %arg6[%arg0, %mul3A_0, %dma_wait3A_37] : memref<2x5000x128xf32, #tpu.memory_space<hbm>> -> memref<1x312x128xf32, #tpu.memory_space<hbm>>
      %dma_wait3A_39 = tpu.memref_squeeze %dma_wait3A_38 : memref<1x312x128xf32, #tpu.memory_space<hbm>> -> memref<312x128xf32, #tpu.memory_space<hbm>>
      %dma_wait3A_40 = arith.constant 0 : i32
      %dma_wait3A_41 = tpu.memref_slice %arg13[%mul3A_0, %dma_wait3A_40] : memref<5000x128xf32, #tpu.memory_space<vmem_shared>> -> memref<312x128xf32, #tpu.memory_space<vmem_shared>>
      tpu.wait_dma2 semaphore(%run_scoped3A_31 : memref<!tpu.dma_semaphore, #tpu.memory_space<semaphore_mem>>) src(%dma_wait3A_41 : memref<312x128xf32, #tpu.memory_space<vmem_shared>>) dst(%dma_wait3A_39 : memref<312x128xf32, #tpu.memory_space<hbm>>)
      tpu.yield
    }) : () -> ()
    %eq3A_26 = arith.constant 15 : i32
    %eq3A_27 = arith.cmpi eq, %arg1, %eq3A_26 : i32
    %convert_element_type3A_28 = arith.extui %eq3A_27 : i1 to i32
    %cond3A_29 = arith.constant 0 : i32
    %cond3A_30 = arith.cmpi ne, %convert_element_type3A_28, %cond3A_29 : i32
    scf.if %cond3A_30 {
      "tpu.region"() ({
        %run_scoped3A_31 = tpu.sem_alloc : memref<!tpu.dma_semaphore, #tpu.memory_space<semaphore_mem>>
        %dma_start3A_32 = arith.constant 4992 : i32
        %dma_start3A_33 = arith.constant 0 : i32
        %dma_start3A_34 = tpu.memref_slice %arg6[%arg0, %dma_start3A_32, %dma_start3A_33] : memref<2x5000x128xf32, #tpu.memory_space<hbm>> -> memref<1x8x128xf32, #tpu.memory_space<hbm>>
        %dma_start3A_35 = tpu.memref_squeeze %dma_start3A_34 : memref<1x8x128xf32, #tpu.memory_space<hbm>> -> memref<8x128xf32, #tpu.memory_space<hbm>>
        %dma_start3A_36 = arith.constant 4992 : i32
        %dma_start3A_37 = arith.constant 0 : i32
        %dma_start3A_38 = tpu.memref_slice %arg13[%dma_start3A_36, %dma_start3A_37] : memref<5000x128xf32, #tpu.memory_space<vmem_shared>> -> memref<8x128xf32, #tpu.memory_space<vmem_shared>>
        tpu.enqueue_dma source(%dma_start3A_38 : memref<8x128xf32, #tpu.memory_space<vmem_shared>>) target(%dma_start3A_35 : memref<8x128xf32, #tpu.memory_space<hbm>>) target_semaphore(%run_scoped3A_31 : memref<!tpu.dma_semaphore, #tpu.memory_space<semaphore_mem>>)
        %dma_wait3A_39 = arith.constant 4992 : i32
        %dma_wait3A_40 = arith.constant 0 : i32
        %dma_wait3A_41 = tpu.memref_slice %arg6[%arg0, %dma_wait3A_39, %dma_wait3A_40] : memref<2x5000x128xf32, #tpu.memory_space<hbm>> -> memref<1x8x128xf32, #tpu.memory_space<hbm>>
        %dma_wait3A_42 = tpu.memref_squeeze %dma_wait3A_41 : memref<1x8x128xf32, #tpu.memory_space<hbm>> -> memref<8x128xf32, #tpu.memory_space<hbm>>
        %dma_wait3A_43 = arith.constant 4992 : i32
        %dma_wait3A_44 = arith.constant 0 : i32
        %dma_wait3A_45 = tpu.memref_slice %arg13[%dma_wait3A_43, %dma_wait3A_44] : memref<5000x128xf32, #tpu.memory_space<vmem_shared>> -> memref<8x128xf32, #tpu.memory_space<vmem_shared>>
        tpu.wait_dma2 semaphore(%run_scoped3A_31 : memref<!tpu.dma_semaphore, #tpu.memory_space<semaphore_mem>>) src(%dma_wait3A_45 : memref<8x128xf32, #tpu.memory_space<vmem_shared>>) dst(%dma_wait3A_42 : memref<8x128xf32, #tpu.memory_space<hbm>>)
        tpu.yield
      }) : () -> ()
    } else {
    }
    return
  }
}

#map = affine_map<(d0, d1) -> (0, 0)>
#map1 = affine_map<(d0, d1) -> (0, 0, 0, 0)>
#map2 = affine_map<(d0, d1) -> (0, 0, 0)>
module attributes {stable_mosaic.version = 14 : i64} {
  func.func @body(%arg0: i32, %arg1: i32, %arg2: memref<10000x128xf32, #tpu.memory_space<hbm>>, %arg3: memref<2x625x1x128xi32, #tpu.memory_space<hbm>>, %arg4: memref<2x625x1x128xi32, #tpu.memory_space<hbm>>, %arg5: memref<312x128xf32, #tpu.memory_space<hbm>>, %arg6: memref<2x5000x128xf32, #tpu.memory_space<hbm>>, %arg7: memref<128xi32, #tpu.memory_space<vmem>>, %arg8: memref<128xi32, #tpu.memory_space<vmem>>, %arg9: memref<128x128xf32, #tpu.memory_space<vmem>>, %arg10: memref<128xi32, #tpu.memory_space<vmem>>, %arg11: memref<128xi32, #tpu.memory_space<vmem>>, %arg12: memref<128x128xf32, #tpu.memory_space<vmem>>, %arg13: memref<5000x128xf32, #tpu.memory_space<vmem_shared>>, %arg14: memref<!tpu.dma_semaphore, #tpu.memory_space<semaphore_mem>>, %arg15: memref<!tpu.dma_semaphore, #tpu.memory_space<semaphore_mem>>, %arg16: memref<!tpu.dma_semaphore, #tpu.memory_space<semaphore_mem>>, %arg17: memref<!tpu.dma_semaphore, #tpu.memory_space<semaphore_mem>>) attributes {dimension_semantics = [#tpu.dimension_semantics<core_parallel>, #tpu.dimension_semantics<subcore_parallel>], iteration_bounds = array<i64: 2, 16>, scalar_prefetch = 0 : i64, scratch_operands = 11 : i64, tpu.core_type = #tpu.core_type<sc_vector_subcore>, window_params = [{transform_indices = #map}, {transform_indices = #map1}, {transform_indices = #map1}, {transform_indices = #map}, {transform_indices = #map2}]} {
    %mul3A = arith.constant 312 : i32
    %mul3A_0 = arith.muli %arg1, %mul3A : i32
    "tpu.region"() ({
      %run_scoped3A_31 = tpu.sem_alloc : memref<!tpu.dma_semaphore, #tpu.memory_space<semaphore_mem>>
      %dma_start3A_32 = arith.constant 0 : i32
      %dma_start3A_33 = tpu.memref_slice %arg13[%mul3A_0, %dma_start3A_32] : memref<5000x128xf32, #tpu.memory_space<vmem_shared>> -> memref<312x128xf32, #tpu.memory_space<vmem_shared>>
      %dma_start3A_34 = arith.constant 0 : i32
      %dma_start3A_35 = arith.constant 0 : i32
      %dma_start3A_36 = tpu.memref_slice %arg5[%dma_start3A_34, %dma_start3A_35] : memref<312x128xf32, #tpu.memory_space<hbm>> -> memref<312x128xf32, #tpu.memory_space<hbm>>
      tpu.enqueue_dma source(%dma_start3A_36 : memref<312x128xf32, #tpu.memory_space<hbm>>) target(%dma_start3A_33 : memref<312x128xf32, #tpu.memory_space<vmem_shared>>) target_semaphore(%run_scoped3A_31 : memref<!tpu.dma_semaphore, #tpu.memory_space<semaphore_mem>>)
      %dma_wait3A_37 = arith.constant 0 : i32
      %dma_wait3A_38 = tpu.memref_slice %arg13[%mul3A_0, %dma_wait3A_37] : memref<5000x128xf32, #tpu.memory_space<vmem_shared>> -> memref<312x128xf32, #tpu.memory_space<vmem_shared>>
      %dma_wait3A_39 = arith.constant 0 : i32
      %dma_wait3A_40 = arith.constant 0 : i32
      %dma_wait3A_41 = tpu.memref_slice %arg5[%dma_wait3A_39, %dma_wait3A_40] : memref<312x128xf32, #tpu.memory_space<hbm>> -> memref<312x128xf32, #tpu.memory_space<hbm>>
      tpu.wait_dma2 semaphore(%run_scoped3A_31 : memref<!tpu.dma_semaphore, #tpu.memory_space<semaphore_mem>>) src(%dma_wait3A_41 : memref<312x128xf32, #tpu.memory_space<hbm>>) dst(%dma_wait3A_38 : memref<312x128xf32, #tpu.memory_space<vmem_shared>>)
      tpu.yield
    }) : () -> ()
    %eq3A = arith.constant 15 : i32
    %eq3A_1 = arith.cmpi eq, %arg1, %eq3A : i32
    %convert_element_type3A = arith.extui %eq3A_1 : i1 to i32
    %cond3A = arith.constant 0 : i32
    %cond3A_2 = arith.cmpi ne, %convert_element_type3A, %cond3A : i32
    scf.if %cond3A_2 {
      "tpu.region"() ({
        %run_scoped3A_31 = tpu.sem_alloc : memref<!tpu.dma_semaphore, #tpu.memory_space<semaphore_mem>>
        %dma_start3A_32 = arith.constant 4992 : i32
        %dma_start3A_33 = arith.constant 0 : i32
        %dma_start3A_34 = tpu.memref_slice %arg13[%dma_start3A_32, %dma_start3A_33] : memref<5000x128xf32, #tpu.memory_space<vmem_shared>> -> memref<8x128xf32, #tpu.memory_space<vmem_shared>>
        %dma_start3A_35 = arith.constant 0 : i32
        %dma_start3A_36 = arith.constant 0 : i32
        %dma_start3A_37 = tpu.memref_slice %arg5[%dma_start3A_35, %dma_start3A_36] : memref<312x128xf32, #tpu.memory_space<hbm>> -> memref<8x128xf32, #tpu.memory_space<hbm>>
        tpu.enqueue_dma source(%dma_start3A_37 : memref<8x128xf32, #tpu.memory_space<hbm>>) target(%dma_start3A_34 : memref<8x128xf32, #tpu.memory_space<vmem_shared>>) target_semaphore(%run_scoped3A_31 : memref<!tpu.dma_semaphore, #tpu.memory_space<semaphore_mem>>)
        %dma_wait3A_38 = arith.constant 4992 : i32
        %dma_wait3A_39 = arith.constant 0 : i32
        %dma_wait3A_40 = tpu.memref_slice %arg13[%dma_wait3A_38, %dma_wait3A_39] : memref<5000x128xf32, #tpu.memory_space<vmem_shared>> -> memref<8x128xf32, #tpu.memory_space<vmem_shared>>
        %dma_wait3A_41 = arith.constant 0 : i32
        %dma_wait3A_42 = arith.constant 0 : i32
        %dma_wait3A_43 = tpu.memref_slice %arg5[%dma_wait3A_41, %dma_wait3A_42] : memref<312x128xf32, #tpu.memory_space<hbm>> -> memref<8x128xf32, #tpu.memory_space<hbm>>
        tpu.wait_dma2 semaphore(%run_scoped3A_31 : memref<!tpu.dma_semaphore, #tpu.memory_space<semaphore_mem>>) src(%dma_wait3A_43 : memref<8x128xf32, #tpu.memory_space<hbm>>) dst(%dma_wait3A_40 : memref<8x128xf32, #tpu.memory_space<vmem_shared>>)
        tpu.yield
      }) : () -> ()
    } else {
    }
    %barrier3A = arith.constant 0 : index
    tpu.barrier barrier_id(%barrier3A)
    %scan3A = arith.constant 0 : i32
    %scan3A_3 = arith.constant 0 : i32
    %scan3A_4 = arith.constant 19 : i32
    %scan3A_5 = arith.addi %scan3A_3, %scan3A_4 : i32
    %scan3A_6 = arith.constant 1 : i32
    scf.for %scan3A_31 = %scan3A_3 to %scan3A_5 step %scan3A_6  : i32 {
      %mul3A_32 = arith.constant 2 : i32
      %mul3A_33 = arith.muli %mul3A_32, %scan3A_31 : i32
      %mul3A_34 = arith.constant 16 : i32
      %mul3A_35 = arith.muli %mul3A_33, %mul3A_34 : i32
      %add3A_36 = arith.addi %mul3A_35, %arg1 : i32
      %mul3A_37 = arith.constant 2 : i32
      %mul3A_38 = arith.muli %mul3A_37, %scan3A_31 : i32
      %add3A_39 = arith.constant 1 : i32
      %add3A_40 = arith.addi %mul3A_38, %add3A_39 : i32
      %mul3A_41 = arith.constant 16 : i32
      %mul3A_42 = arith.muli %add3A_40, %mul3A_41 : i32
      %add3A_43 = arith.addi %mul3A_42, %arg1 : i32
      %run_scoped3A_44 = arith.constant 0 : i32
      "tpu.region"() ({
        %run_scoped3A_72 = tpu.sem_alloc : memref<!tpu.dma_semaphore, #tpu.memory_space<semaphore_mem>>
        %dma_start3A_73 = arith.constant 0 : i32
        %dma_start3A_74 = tpu.memref_slice %arg3[%arg0, %add3A_36, %run_scoped3A_44, %dma_start3A_73] : memref<2x625x1x128xi32, #tpu.memory_space<hbm>> -> memref<1x1x1x128xi32, #tpu.memory_space<hbm>>
        %dma_start3A_75 = tpu.memref_squeeze %dma_start3A_74 : memref<1x1x1x128xi32, #tpu.memory_space<hbm>> -> memref<128xi32, #tpu.memory_space<hbm>>
        %dma_start3A_76 = arith.constant 0 : i32
        %dma_start3A_77 = tpu.memref_slice %arg3[%arg0, %add3A_36, %run_scoped3A_44, %dma_start3A_76] : memref<2x625x1x128xi32, #tpu.memory_space<hbm>> -> memref<1x1x1x128xi32, #tpu.memory_space<hbm>>
        %dma_start3A_78 = tpu.memref_squeeze %dma_start3A_77 : memref<1x1x1x128xi32, #tpu.memory_space<hbm>> -> memref<128xi32, #tpu.memory_space<hbm>>
        tpu.enqueue_dma source(%dma_start3A_78 : memref<128xi32, #tpu.memory_space<hbm>>) target(%arg7 : memref<128xi32, #tpu.memory_space<vmem>>) target_semaphore(%run_scoped3A_72 : memref<!tpu.dma_semaphore, #tpu.memory_space<semaphore_mem>>)
        %dma_wait3A_79 = arith.constant 0 : i32
        %dma_wait3A_80 = tpu.memref_slice %arg3[%arg0, %add3A_36, %run_scoped3A_44, %dma_wait3A_79] : memref<2x625x1x128xi32, #tpu.memory_space<hbm>> -> memref<1x1x1x128xi32, #tpu.memory_space<hbm>>
        %dma_wait3A_81 = tpu.memref_squeeze %dma_wait3A_80 : memref<1x1x1x128xi32, #tpu.memory_space<hbm>> -> memref<128xi32, #tpu.memory_space<hbm>>
        %dma_wait3A_82 = arith.constant 0 : i32
        %dma_wait3A_83 = tpu.memref_slice %arg3[%arg0, %add3A_36, %run_scoped3A_44, %dma_wait3A_82] : memref<2x625x1x128xi32, #tpu.memory_space<hbm>> -> memref<1x1x1x128xi32, #tpu.memory_space<hbm>>
        %dma_wait3A_84 = tpu.memref_squeeze %dma_wait3A_83 : memref<1x1x1x128xi32, #tpu.memory_space<hbm>> -> memref<128xi32, #tpu.memory_space<hbm>>
        tpu.wait_dma2 semaphore(%run_scoped3A_72 : memref<!tpu.dma_semaphore, #tpu.memory_space<semaphore_mem>>) src(%dma_wait3A_84 : memref<128xi32, #tpu.memory_space<hbm>>) dst(%arg7 : memref<128xi32, #tpu.memory_space<vmem>>)
        tpu.yield
      }) : () -> ()
      %run_scoped3A_45 = arith.constant 0 : i32
      "tpu.region"() ({
        %run_scoped3A_72 = tpu.sem_alloc : memref<!tpu.dma_semaphore, #tpu.memory_space<semaphore_mem>>
        %dma_start3A_73 = arith.constant 0 : i32
        %dma_start3A_74 = tpu.memref_slice %arg4[%arg0, %add3A_36, %run_scoped3A_45, %dma_start3A_73] : memref<2x625x1x128xi32, #tpu.memory_space<hbm>> -> memref<1x1x1x128xi32, #tpu.memory_space<hbm>>
        %dma_start3A_75 = tpu.memref_squeeze %dma_start3A_74 : memref<1x1x1x128xi32, #tpu.memory_space<hbm>> -> memref<128xi32, #tpu.memory_space<hbm>>
        %dma_start3A_76 = arith.constant 0 : i32
        %dma_start3A_77 = tpu.memref_slice %arg4[%arg0, %add3A_36, %run_scoped3A_45, %dma_start3A_76] : memref<2x625x1x128xi32, #tpu.memory_space<hbm>> -> memref<1x1x1x128xi32, #tpu.memory_space<hbm>>
        %dma_start3A_78 = tpu.memref_squeeze %dma_start3A_77 : memref<1x1x1x128xi32, #tpu.memory_space<hbm>> -> memref<128xi32, #tpu.memory_space<hbm>>
        tpu.enqueue_dma source(%dma_start3A_78 : memref<128xi32, #tpu.memory_space<hbm>>) target(%arg8 : memref<128xi32, #tpu.memory_space<vmem>>) target_semaphore(%run_scoped3A_72 : memref<!tpu.dma_semaphore, #tpu.memory_space<semaphore_mem>>)
        %dma_wait3A_79 = arith.constant 0 : i32
        %dma_wait3A_80 = tpu.memref_slice %arg4[%arg0, %add3A_36, %run_scoped3A_45, %dma_wait3A_79] : memref<2x625x1x128xi32, #tpu.memory_space<hbm>> -> memref<1x1x1x128xi32, #tpu.memory_space<hbm>>
        %dma_wait3A_81 = tpu.memref_squeeze %dma_wait3A_80 : memref<1x1x1x128xi32, #tpu.memory_space<hbm>> -> memref<128xi32, #tpu.memory_space<hbm>>
        %dma_wait3A_82 = arith.constant 0 : i32
        %dma_wait3A_83 = tpu.memref_slice %arg4[%arg0, %add3A_36, %run_scoped3A_45, %dma_wait3A_82] : memref<2x625x1x128xi32, #tpu.memory_space<hbm>> -> memref<1x1x1x128xi32, #tpu.memory_space<hbm>>
        %dma_wait3A_84 = tpu.memref_squeeze %dma_wait3A_83 : memref<1x1x1x128xi32, #tpu.memory_space<hbm>> -> memref<128xi32, #tpu.memory_space<hbm>>
        tpu.wait_dma2 semaphore(%run_scoped3A_72 : memref<!tpu.dma_semaphore, #tpu.memory_space<semaphore_mem>>) src(%dma_wait3A_84 : memref<128xi32, #tpu.memory_space<hbm>>) dst(%arg8 : memref<128xi32, #tpu.memory_space<vmem>>)
        tpu.yield
      }) : () -> ()
      %dma_start3A_46 = arith.constant 0 : i32
      %dma_start3A_47 = arith.constant 0 : i32
      %dma_start3A_48 = tpu.memref_slice %arg2[%dma_start3A_46, %dma_start3A_47] : memref<10000x128xf32, #tpu.memory_space<hbm>> -> memref<10000x128xf32, #tpu.memory_space<hbm>>
      tpu.enqueue_indirect_dma source(%dma_start3A_48 : memref<10000x128xf32, #tpu.memory_space<hbm>>) target(%arg9 : memref<128x128xf32, #tpu.memory_space<vmem>>) offsets(%arg7 : memref<128xi32, #tpu.memory_space<vmem>>) semaphore(%arg14 : memref<!tpu.dma_semaphore, #tpu.memory_space<semaphore_mem>>)
      %run_scoped3A_49 = arith.constant 0 : i32
      "tpu.region"() ({
        %run_scoped3A_72 = tpu.sem_alloc : memref<!tpu.dma_semaphore, #tpu.memory_space<semaphore_mem>>
        %dma_start3A_73 = arith.constant 0 : i32
        %dma_start3A_74 = tpu.memref_slice %arg3[%arg0, %add3A_43, %run_scoped3A_49, %dma_start3A_73] : memref<2x625x1x128xi32, #tpu.memory_space<hbm>> -> memref<1x1x1x128xi32, #tpu.memory_space<hbm>>
        %dma_start3A_75 = tpu.memref_squeeze %dma_start3A_74 : memref<1x1x1x128xi32, #tpu.memory_space<hbm>> -> memref<128xi32, #tpu.memory_space<hbm>>
        %dma_start3A_76 = arith.constant 0 : i32
        %dma_start3A_77 = tpu.memref_slice %arg3[%arg0, %add3A_43, %run_scoped3A_49, %dma_start3A_76] : memref<2x625x1x128xi32, #tpu.memory_space<hbm>> -> memref<1x1x1x128xi32, #tpu.memory_space<hbm>>
        %dma_start3A_78 = tpu.memref_squeeze %dma_start3A_77 : memref<1x1x1x128xi32, #tpu.memory_space<hbm>> -> memref<128xi32, #tpu.memory_space<hbm>>
        tpu.enqueue_dma source(%dma_start3A_78 : memref<128xi32, #tpu.memory_space<hbm>>) target(%arg10 : memref<128xi32, #tpu.memory_space<vmem>>) target_semaphore(%run_scoped3A_72 : memref<!tpu.dma_semaphore, #tpu.memory_space<semaphore_mem>>)
        %dma_wait3A_79 = arith.constant 0 : i32
        %dma_wait3A_80 = tpu.memref_slice %arg3[%arg0, %add3A_43, %run_scoped3A_49, %dma_wait3A_79] : memref<2x625x1x128xi32, #tpu.memory_space<hbm>> -> memref<1x1x1x128xi32, #tpu.memory_space<hbm>>
        %dma_wait3A_81 = tpu.memref_squeeze %dma_wait3A_80 : memref<1x1x1x128xi32, #tpu.memory_space<hbm>> -> memref<128xi32, #tpu.memory_space<hbm>>
        %dma_wait3A_82 = arith.constant 0 : i32
        %dma_wait3A_83 = tpu.memref_slice %arg3[%arg0, %add3A_43, %run_scoped3A_49, %dma_wait3A_82] : memref<2x625x1x128xi32, #tpu.memory_space<hbm>> -> memref<1x1x1x128xi32, #tpu.memory_space<hbm>>
        %dma_wait3A_84 = tpu.memref_squeeze %dma_wait3A_83 : memref<1x1x1x128xi32, #tpu.memory_space<hbm>> -> memref<128xi32, #tpu.memory_space<hbm>>
        tpu.wait_dma2 semaphore(%run_scoped3A_72 : memref<!tpu.dma_semaphore, #tpu.memory_space<semaphore_mem>>) src(%dma_wait3A_84 : memref<128xi32, #tpu.memory_space<hbm>>) dst(%arg10 : memref<128xi32, #tpu.memory_space<vmem>>)
        tpu.yield
      }) : () -> ()
      %run_scoped3A_50 = arith.constant 0 : i32
      "tpu.region"() ({
        %run_scoped3A_72 = tpu.sem_alloc : memref<!tpu.dma_semaphore, #tpu.memory_space<semaphore_mem>>
        %dma_start3A_73 = arith.constant 0 : i32
        %dma_start3A_74 = tpu.memref_slice %arg4[%arg0, %add3A_43, %run_scoped3A_50, %dma_start3A_73] : memref<2x625x1x128xi32, #tpu.memory_space<hbm>> -> memref<1x1x1x128xi32, #tpu.memory_space<hbm>>
        %dma_start3A_75 = tpu.memref_squeeze %dma_start3A_74 : memref<1x1x1x128xi32, #tpu.memory_space<hbm>> -> memref<128xi32, #tpu.memory_space<hbm>>
        %dma_start3A_76 = arith.constant 0 : i32
        %dma_start3A_77 = tpu.memref_slice %arg4[%arg0, %add3A_43, %run_scoped3A_50, %dma_start3A_76] : memref<2x625x1x128xi32, #tpu.memory_space<hbm>> -> memref<1x1x1x128xi32, #tpu.memory_space<hbm>>
        %dma_start3A_78 = tpu.memref_squeeze %dma_start3A_77 : memref<1x1x1x128xi32, #tpu.memory_space<hbm>> -> memref<128xi32, #tpu.memory_space<hbm>>
        tpu.enqueue_dma source(%dma_start3A_78 : memref<128xi32, #tpu.memory_space<hbm>>) target(%arg11 : memref<128xi32, #tpu.memory_space<vmem>>) target_semaphore(%run_scoped3A_72 : memref<!tpu.dma_semaphore, #tpu.memory_space<semaphore_mem>>)
        %dma_wait3A_79 = arith.constant 0 : i32
        %dma_wait3A_80 = tpu.memref_slice %arg4[%arg0, %add3A_43, %run_scoped3A_50, %dma_wait3A_79] : memref<2x625x1x128xi32, #tpu.memory_space<hbm>> -> memref<1x1x1x128xi32, #tpu.memory_space<hbm>>
        %dma_wait3A_81 = tpu.memref_squeeze %dma_wait3A_80 : memref<1x1x1x128xi32, #tpu.memory_space<hbm>> -> memref<128xi32, #tpu.memory_space<hbm>>
        %dma_wait3A_82 = arith.constant 0 : i32
        %dma_wait3A_83 = tpu.memref_slice %arg4[%arg0, %add3A_43, %run_scoped3A_50, %dma_wait3A_82] : memref<2x625x1x128xi32, #tpu.memory_space<hbm>> -> memref<1x1x1x128xi32, #tpu.memory_space<hbm>>
        %dma_wait3A_84 = tpu.memref_squeeze %dma_wait3A_83 : memref<1x1x1x128xi32, #tpu.memory_space<hbm>> -> memref<128xi32, #tpu.memory_space<hbm>>
        tpu.wait_dma2 semaphore(%run_scoped3A_72 : memref<!tpu.dma_semaphore, #tpu.memory_space<semaphore_mem>>) src(%dma_wait3A_84 : memref<128xi32, #tpu.memory_space<hbm>>) dst(%arg11 : memref<128xi32, #tpu.memory_space<vmem>>)
        tpu.yield
      }) : () -> ()
      %dma_start3A_51 = arith.constant 0 : i32
      %dma_start3A_52 = arith.constant 0 : i32
      %dma_start3A_53 = tpu.memref_slice %arg2[%dma_start3A_51, %dma_start3A_52] : memref<10000x128xf32, #tpu.memory_space<hbm>> -> memref<10000x128xf32, #tpu.memory_space<hbm>>
      tpu.enqueue_indirect_dma source(%dma_start3A_53 : memref<10000x128xf32, #tpu.memory_space<hbm>>) target(%arg12 : memref<128x128xf32, #tpu.memory_space<vmem>>) offsets(%arg10 : memref<128xi32, #tpu.memory_space<vmem>>) semaphore(%arg16 : memref<!tpu.dma_semaphore, #tpu.memory_space<semaphore_mem>>)
      %dma_wait3A_54 = arith.constant 0 : i32
      %dma_wait3A_55 = arith.constant 0 : i32
      %dma_wait3A_56 = tpu.memref_slice %arg2[%dma_wait3A_54, %dma_wait3A_55] : memref<10000x128xf32, #tpu.memory_space<hbm>> -> memref<10000x128xf32, #tpu.memory_space<hbm>>
      tpu.wait_indirect_dma semaphore(%arg14 : memref<!tpu.dma_semaphore, #tpu.memory_space<semaphore_mem>>) src(%dma_wait3A_56 : memref<10000x128xf32, #tpu.memory_space<hbm>>) dst(%arg9 : memref<128x128xf32, #tpu.memory_space<vmem>>)
      %dma_start3A_57 = arith.constant 0 : i32
      %dma_start3A_58 = arith.constant 0 : i32
      %dma_start3A_59 = tpu.memref_slice %arg13[%dma_start3A_57, %dma_start3A_58] : memref<5000x128xf32, #tpu.memory_space<vmem_shared>> -> memref<5000x128xf32, #tpu.memory_space<vmem_shared>>
      tpu.enqueue_indirect_dma source(%arg9 : memref<128x128xf32, #tpu.memory_space<vmem>>) target(%dma_start3A_59 : memref<5000x128xf32, #tpu.memory_space<vmem_shared>>) offsets(%arg8 : memref<128xi32, #tpu.memory_space<vmem>>) semaphore(%arg15 : memref<!tpu.dma_semaphore, #tpu.memory_space<semaphore_mem>>) {add = true}
      %dma_wait3A_60 = arith.constant 0 : i32
      %dma_wait3A_61 = arith.constant 0 : i32
      %dma_wait3A_62 = tpu.memref_slice %arg2[%dma_wait3A_60, %dma_wait3A_61] : memref<10000x128xf32, #tpu.memory_space<hbm>> -> memref<10000x128xf32, #tpu.memory_space<hbm>>
      tpu.wait_indirect_dma semaphore(%arg16 : memref<!tpu.dma_semaphore, #tpu.memory_space<semaphore_mem>>) src(%dma_wait3A_62 : memref<10000x128xf32, #tpu.memory_space<hbm>>) dst(%arg12 : memref<128x128xf32, #tpu.memory_space<vmem>>)
      %dma_start3A_63 = arith.constant 0 : i32
      %dma_start3A_64 = arith.constant 0 : i32
      %dma_start3A_65 = tpu.memref_slice %arg13[%dma_start3A_63, %dma_start3A_64] : memref<5000x128xf32, #tpu.memory_space<vmem_shared>> -> memref<5000x128xf32, #tpu.memory_space<vmem_shared>>
      tpu.enqueue_indirect_dma source(%arg12 : memref<128x128xf32, #tpu.memory_space<vmem>>) target(%dma_start3A_65 : memref<5000x128xf32, #tpu.memory_space<vmem_shared>>) offsets(%arg11 : memref<128xi32, #tpu.memory_space<vmem>>) semaphore(%arg17 : memref<!tpu.dma_semaphore, #tpu.memory_space<semaphore_mem>>) {add = true}
      %dma_wait3A_66 = arith.constant 0 : i32
      %dma_wait3A_67 = arith.constant 0 : i32
      %dma_wait3A_68 = tpu.memref_slice %arg13[%dma_wait3A_66, %dma_wait3A_67] : memref<5000x128xf32, #tpu.memory_space<vmem_shared>> -> memref<5000x128xf32, #tpu.memory_space<vmem_shared>>
      tpu.wait_indirect_dma semaphore(%arg15 : memref<!tpu.dma_semaphore, #tpu.memory_space<semaphore_mem>>) src(%arg9 : memref<128x128xf32, #tpu.memory_space<vmem>>) dst(%dma_wait3A_68 : memref<5000x128xf32, #tpu.memory_space<vmem_shared>>)
      %dma_wait3A_69 = arith.constant 0 : i32
      %dma_wait3A_70 = arith.constant 0 : i32
      %dma_wait3A_71 = tpu.memref_slice %arg13[%dma_wait3A_69, %dma_wait3A_70] : memref<5000x128xf32, #tpu.memory_space<vmem_shared>> -> memref<5000x128xf32, #tpu.memory_space<vmem_shared>>
      tpu.wait_indirect_dma semaphore(%arg17 : memref<!tpu.dma_semaphore, #tpu.memory_space<semaphore_mem>>) src(%arg12 : memref<128x128xf32, #tpu.memory_space<vmem>>) dst(%dma_wait3A_71 : memref<5000x128xf32, #tpu.memory_space<vmem_shared>>)
    }
    %scan3A_7 = arith.constant 19 : i32
    %add3A = arith.constant 608 : i32
    %add3A_8 = arith.addi %add3A, %arg1 : i32
    %run_scoped3A = arith.constant 0 : i32
    "tpu.region"() ({
      %run_scoped3A_31 = tpu.sem_alloc : memref<!tpu.dma_semaphore, #tpu.memory_space<semaphore_mem>>
      %dma_start3A_32 = arith.constant 0 : i32
      %dma_start3A_33 = tpu.memref_slice %arg3[%arg0, %add3A_8, %run_scoped3A, %dma_start3A_32] : memref<2x625x1x128xi32, #tpu.memory_space<hbm>> -> memref<1x1x1x128xi32, #tpu.memory_space<hbm>>
      %dma_start3A_34 = tpu.memref_squeeze %dma_start3A_33 : memref<1x1x1x128xi32, #tpu.memory_space<hbm>> -> memref<128xi32, #tpu.memory_space<hbm>>
      %dma_start3A_35 = arith.constant 0 : i32
      %dma_start3A_36 = tpu.memref_slice %arg3[%arg0, %add3A_8, %run_scoped3A, %dma_start3A_35] : memref<2x625x1x128xi32, #tpu.memory_space<hbm>> -> memref<1x1x1x128xi32, #tpu.memory_space<hbm>>
      %dma_start3A_37 = tpu.memref_squeeze %dma_start3A_36 : memref<1x1x1x128xi32, #tpu.memory_space<hbm>> -> memref<128xi32, #tpu.memory_space<hbm>>
      tpu.enqueue_dma source(%dma_start3A_37 : memref<128xi32, #tpu.memory_space<hbm>>) target(%arg7 : memref<128xi32, #tpu.memory_space<vmem>>) target_semaphore(%run_scoped3A_31 : memref<!tpu.dma_semaphore, #tpu.memory_space<semaphore_mem>>)
      %dma_wait3A_38 = arith.constant 0 : i32
      %dma_wait3A_39 = tpu.memref_slice %arg3[%arg0, %add3A_8, %run_scoped3A, %dma_wait3A_38] : memref<2x625x1x128xi32, #tpu.memory_space<hbm>> -> memref<1x1x1x128xi32, #tpu.memory_space<hbm>>
      %dma_wait3A_40 = tpu.memref_squeeze %dma_wait3A_39 : memref<1x1x1x128xi32, #tpu.memory_space<hbm>> -> memref<128xi32, #tpu.memory_space<hbm>>
      %dma_wait3A_41 = arith.constant 0 : i32
      %dma_wait3A_42 = tpu.memref_slice %arg3[%arg0, %add3A_8, %run_scoped3A, %dma_wait3A_41] : memref<2x625x1x128xi32, #tpu.memory_space<hbm>> -> memref<1x1x1x128xi32, #tpu.memory_space<hbm>>
      %dma_wait3A_43 = tpu.memref_squeeze %dma_wait3A_42 : memref<1x1x1x128xi32, #tpu.memory_space<hbm>> -> memref<128xi32, #tpu.memory_space<hbm>>
      tpu.wait_dma2 semaphore(%run_scoped3A_31 : memref<!tpu.dma_semaphore, #tpu.memory_space<semaphore_mem>>) src(%dma_wait3A_43 : memref<128xi32, #tpu.memory_space<hbm>>) dst(%arg7 : memref<128xi32, #tpu.memory_space<vmem>>)
      tpu.yield
    }) : () -> ()
    %run_scoped3A_9 = arith.constant 0 : i32
    "tpu.region"() ({
      %run_scoped3A_31 = tpu.sem_alloc : memref<!tpu.dma_semaphore, #tpu.memory_space<semaphore_mem>>
      %dma_start3A_32 = arith.constant 0 : i32
      %dma_start3A_33 = tpu.memref_slice %arg4[%arg0, %add3A_8, %run_scoped3A_9, %dma_start3A_32] : memref<2x625x1x128xi32, #tpu.memory_space<hbm>> -> memref<1x1x1x128xi32, #tpu.memory_space<hbm>>
      %dma_start3A_34 = tpu.memref_squeeze %dma_start3A_33 : memref<1x1x1x128xi32, #tpu.memory_space<hbm>> -> memref<128xi32, #tpu.memory_space<hbm>>
      %dma_start3A_35 = arith.constant 0 : i32
      %dma_start3A_36 = tpu.memref_slice %arg4[%arg0, %add3A_8, %run_scoped3A_9, %dma_start3A_35] : memref<2x625x1x128xi32, #tpu.memory_space<hbm>> -> memref<1x1x1x128xi32, #tpu.memory_space<hbm>>
      %dma_start3A_37 = tpu.memref_squeeze %dma_start3A_36 : memref<1x1x1x128xi32, #tpu.memory_space<hbm>> -> memref<128xi32, #tpu.memory_space<hbm>>
      tpu.enqueue_dma source(%dma_start3A_37 : memref<128xi32, #tpu.memory_space<hbm>>) target(%arg8 : memref<128xi32, #tpu.memory_space<vmem>>) target_semaphore(%run_scoped3A_31 : memref<!tpu.dma_semaphore, #tpu.memory_space<semaphore_mem>>)
      %dma_wait3A_38 = arith.constant 0 : i32
      %dma_wait3A_39 = tpu.memref_slice %arg4[%arg0, %add3A_8, %run_scoped3A_9, %dma_wait3A_38] : memref<2x625x1x128xi32, #tpu.memory_space<hbm>> -> memref<1x1x1x128xi32, #tpu.memory_space<hbm>>
      %dma_wait3A_40 = tpu.memref_squeeze %dma_wait3A_39 : memref<1x1x1x128xi32, #tpu.memory_space<hbm>> -> memref<128xi32, #tpu.memory_space<hbm>>
      %dma_wait3A_41 = arith.constant 0 : i32
      %dma_wait3A_42 = tpu.memref_slice %arg4[%arg0, %add3A_8, %run_scoped3A_9, %dma_wait3A_41] : memref<2x625x1x128xi32, #tpu.memory_space<hbm>> -> memref<1x1x1x128xi32, #tpu.memory_space<hbm>>
      %dma_wait3A_43 = tpu.memref_squeeze %dma_wait3A_42 : memref<1x1x1x128xi32, #tpu.memory_space<hbm>> -> memref<128xi32, #tpu.memory_space<hbm>>
      tpu.wait_dma2 semaphore(%run_scoped3A_31 : memref<!tpu.dma_semaphore, #tpu.memory_space<semaphore_mem>>) src(%dma_wait3A_43 : memref<128xi32, #tpu.memory_space<hbm>>) dst(%arg8 : memref<128xi32, #tpu.memory_space<vmem>>)
      tpu.yield
    }) : () -> ()
    %dma_start3A = arith.constant 0 : i32
    %dma_start3A_10 = arith.constant 0 : i32
    %dma_start3A_11 = tpu.memref_slice %arg2[%dma_start3A, %dma_start3A_10] : memref<10000x128xf32, #tpu.memory_space<hbm>> -> memref<10000x128xf32, #tpu.memory_space<hbm>>
    tpu.enqueue_indirect_dma source(%dma_start3A_11 : memref<10000x128xf32, #tpu.memory_space<hbm>>) target(%arg9 : memref<128x128xf32, #tpu.memory_space<vmem>>) offsets(%arg7 : memref<128xi32, #tpu.memory_space<vmem>>) semaphore(%arg14 : memref<!tpu.dma_semaphore, #tpu.memory_space<semaphore_mem>>)
    %dma_wait3A = arith.constant 0 : i32
    %dma_wait3A_12 = arith.constant 0 : i32
    %dma_wait3A_13 = tpu.memref_slice %arg2[%dma_wait3A, %dma_wait3A_12] : memref<10000x128xf32, #tpu.memory_space<hbm>> -> memref<10000x128xf32, #tpu.memory_space<hbm>>
    tpu.wait_indirect_dma semaphore(%arg14 : memref<!tpu.dma_semaphore, #tpu.memory_space<semaphore_mem>>) src(%dma_wait3A_13 : memref<10000x128xf32, #tpu.memory_space<hbm>>) dst(%arg9 : memref<128x128xf32, #tpu.memory_space<vmem>>)
    %dma_start3A_14 = arith.constant 0 : i32
    %dma_start3A_15 = arith.constant 0 : i32
    %dma_start3A_16 = tpu.memref_slice %arg13[%dma_start3A_14, %dma_start3A_15] : memref<5000x128xf32, #tpu.memory_space<vmem_shared>> -> memref<5000x128xf32, #tpu.memory_space<vmem_shared>>
    tpu.enqueue_indirect_dma source(%arg9 : memref<128x128xf32, #tpu.memory_space<vmem>>) target(%dma_start3A_16 : memref<5000x128xf32, #tpu.memory_space<vmem_shared>>) offsets(%arg8 : memref<128xi32, #tpu.memory_space<vmem>>) semaphore(%arg15 : memref<!tpu.dma_semaphore, #tpu.memory_space<semaphore_mem>>) {add = true}
    %dma_wait3A_17 = arith.constant 0 : i32
    %dma_wait3A_18 = arith.constant 0 : i32
    %dma_wait3A_19 = tpu.memref_slice %arg13[%dma_wait3A_17, %dma_wait3A_18] : memref<5000x128xf32, #tpu.memory_space<vmem_shared>> -> memref<5000x128xf32, #tpu.memory_space<vmem_shared>>
    tpu.wait_indirect_dma semaphore(%arg15 : memref<!tpu.dma_semaphore, #tpu.memory_space<semaphore_mem>>) src(%arg9 : memref<128x128xf32, #tpu.memory_space<vmem>>) dst(%dma_wait3A_19 : memref<5000x128xf32, #tpu.memory_space<vmem_shared>>)
    %eq3A_20 = arith.constant 0 : i32
    %eq3A_21 = arith.cmpi eq, %arg1, %eq3A_20 : i32
    %convert_element_type3A_22 = arith.extui %eq3A_21 : i1 to i32
    %cond3A_23 = arith.constant 0 : i32
    %cond3A_24 = arith.cmpi ne, %convert_element_type3A_22, %cond3A_23 : i32
    scf.if %cond3A_24 {
      %run_scoped3A_31 = arith.constant 624 : i32
      %run_scoped3A_32 = arith.constant 0 : i32
      "tpu.region"() ({
        %run_scoped3A_47 = tpu.sem_alloc : memref<!tpu.dma_semaphore, #tpu.memory_space<semaphore_mem>>
        %dma_start3A_48 = arith.constant 0 : i32
        %dma_start3A_49 = tpu.memref_slice %arg3[%arg0, %run_scoped3A_31, %run_scoped3A_32, %dma_start3A_48] : memref<2x625x1x128xi32, #tpu.memory_space<hbm>> -> memref<1x1x1x128xi32, #tpu.memory_space<hbm>>
        %dma_start3A_50 = tpu.memref_squeeze %dma_start3A_49 : memref<1x1x1x128xi32, #tpu.memory_space<hbm>> -> memref<128xi32, #tpu.memory_space<hbm>>
        %dma_start3A_51 = arith.constant 0 : i32
        %dma_start3A_52 = tpu.memref_slice %arg3[%arg0, %run_scoped3A_31, %run_scoped3A_32, %dma_start3A_51] : memref<2x625x1x128xi32, #tpu.memory_space<hbm>> -> memref<1x1x1x128xi32, #tpu.memory_space<hbm>>
        %dma_start3A_53 = tpu.memref_squeeze %dma_start3A_52 : memref<1x1x1x128xi32, #tpu.memory_space<hbm>> -> memref<128xi32, #tpu.memory_space<hbm>>
        tpu.enqueue_dma source(%dma_start3A_53 : memref<128xi32, #tpu.memory_space<hbm>>) target(%arg7 : memref<128xi32, #tpu.memory_space<vmem>>) target_semaphore(%run_scoped3A_47 : memref<!tpu.dma_semaphore, #tpu.memory_space<semaphore_mem>>)
        %dma_wait3A_54 = arith.constant 0 : i32
        %dma_wait3A_55 = tpu.memref_slice %arg3[%arg0, %run_scoped3A_31, %run_scoped3A_32, %dma_wait3A_54] : memref<2x625x1x128xi32, #tpu.memory_space<hbm>> -> memref<1x1x1x128xi32, #tpu.memory_space<hbm>>
        %dma_wait3A_56 = tpu.memref_squeeze %dma_wait3A_55 : memref<1x1x1x128xi32, #tpu.memory_space<hbm>> -> memref<128xi32, #tpu.memory_space<hbm>>
        %dma_wait3A_57 = arith.constant 0 : i32
        %dma_wait3A_58 = tpu.memref_slice %arg3[%arg0, %run_scoped3A_31, %run_scoped3A_32, %dma_wait3A_57] : memref<2x625x1x128xi32, #tpu.memory_space<hbm>> -> memref<1x1x1x128xi32, #tpu.memory_space<hbm>>
        %dma_wait3A_59 = tpu.memref_squeeze %dma_wait3A_58 : memref<1x1x1x128xi32, #tpu.memory_space<hbm>> -> memref<128xi32, #tpu.memory_space<hbm>>
        tpu.wait_dma2 semaphore(%run_scoped3A_47 : memref<!tpu.dma_semaphore, #tpu.memory_space<semaphore_mem>>) src(%dma_wait3A_59 : memref<128xi32, #tpu.memory_space<hbm>>) dst(%arg7 : memref<128xi32, #tpu.memory_space<vmem>>)
        tpu.yield
      }) : () -> ()
      %run_scoped3A_33 = arith.constant 624 : i32
      %run_scoped3A_34 = arith.constant 0 : i32
      "tpu.region"() ({
        %run_scoped3A_47 = tpu.sem_alloc : memref<!tpu.dma_semaphore, #tpu.memory_space<semaphore_mem>>
        %dma_start3A_48 = arith.constant 0 : i32
        %dma_start3A_49 = tpu.memref_slice %arg4[%arg0, %run_scoped3A_33, %run_scoped3A_34, %dma_start3A_48] : memref<2x625x1x128xi32, #tpu.memory_space<hbm>> -> memref<1x1x1x128xi32, #tpu.memory_space<hbm>>
        %dma_start3A_50 = tpu.memref_squeeze %dma_start3A_49 : memref<1x1x1x128xi32, #tpu.memory_space<hbm>> -> memref<128xi32, #tpu.memory_space<hbm>>
        %dma_start3A_51 = arith.constant 0 : i32
        %dma_start3A_52 = tpu.memref_slice %arg4[%arg0, %run_scoped3A_33, %run_scoped3A_34, %dma_start3A_51] : memref<2x625x1x128xi32, #tpu.memory_space<hbm>> -> memref<1x1x1x128xi32, #tpu.memory_space<hbm>>
        %dma_start3A_53 = tpu.memref_squeeze %dma_start3A_52 : memref<1x1x1x128xi32, #tpu.memory_space<hbm>> -> memref<128xi32, #tpu.memory_space<hbm>>
        tpu.enqueue_dma source(%dma_start3A_53 : memref<128xi32, #tpu.memory_space<hbm>>) target(%arg8 : memref<128xi32, #tpu.memory_space<vmem>>) target_semaphore(%run_scoped3A_47 : memref<!tpu.dma_semaphore, #tpu.memory_space<semaphore_mem>>)
        %dma_wait3A_54 = arith.constant 0 : i32
        %dma_wait3A_55 = tpu.memref_slice %arg4[%arg0, %run_scoped3A_33, %run_scoped3A_34, %dma_wait3A_54] : memref<2x625x1x128xi32, #tpu.memory_space<hbm>> -> memref<1x1x1x128xi32, #tpu.memory_space<hbm>>
        %dma_wait3A_56 = tpu.memref_squeeze %dma_wait3A_55 : memref<1x1x1x128xi32, #tpu.memory_space<hbm>> -> memref<128xi32, #tpu.memory_space<hbm>>
        %dma_wait3A_57 = arith.constant 0 : i32
        %dma_wait3A_58 = tpu.memref_slice %arg4[%arg0, %run_scoped3A_33, %run_scoped3A_34, %dma_wait3A_57] : memref<2x625x1x128xi32, #tpu.memory_space<hbm>> -> memref<1x1x1x128xi32, #tpu.memory_space<hbm>>
        %dma_wait3A_59 = tpu.memref_squeeze %dma_wait3A_58 : memref<1x1x1x128xi32, #tpu.memory_space<hbm>> -> memref<128xi32, #tpu.memory_space<hbm>>
        tpu.wait_dma2 semaphore(%run_scoped3A_47 : memref<!tpu.dma_semaphore, #tpu.memory_space<semaphore_mem>>) src(%dma_wait3A_59 : memref<128xi32, #tpu.memory_space<hbm>>) dst(%arg8 : memref<128xi32, #tpu.memory_space<vmem>>)
        tpu.yield
      }) : () -> ()
      %dma_start3A_35 = arith.constant 0 : i32
      %dma_start3A_36 = arith.constant 0 : i32
      %dma_start3A_37 = tpu.memref_slice %arg2[%dma_start3A_35, %dma_start3A_36] : memref<10000x128xf32, #tpu.memory_space<hbm>> -> memref<10000x128xf32, #tpu.memory_space<hbm>>
      tpu.enqueue_indirect_dma source(%dma_start3A_37 : memref<10000x128xf32, #tpu.memory_space<hbm>>) target(%arg9 : memref<128x128xf32, #tpu.memory_space<vmem>>) offsets(%arg7 : memref<128xi32, #tpu.memory_space<vmem>>) semaphore(%arg14 : memref<!tpu.dma_semaphore, #tpu.memory_space<semaphore_mem>>)
      %dma_wait3A_38 = arith.constant 0 : i32
      %dma_wait3A_39 = arith.constant 0 : i32
      %dma_wait3A_40 = tpu.memref_slice %arg2[%dma_wait3A_38, %dma_wait3A_39] : memref<10000x128xf32, #tpu.memory_space<hbm>> -> memref<10000x128xf32, #tpu.memory_space<hbm>>
      tpu.wait_indirect_dma semaphore(%arg14 : memref<!tpu.dma_semaphore, #tpu.memory_space<semaphore_mem>>) src(%dma_wait3A_40 : memref<10000x128xf32, #tpu.memory_space<hbm>>) dst(%arg9 : memref<128x128xf32, #tpu.memory_space<vmem>>)
      %dma_start3A_41 = arith.constant 0 : i32
      %dma_start3A_42 = arith.constant 0 : i32
      %dma_start3A_43 = tpu.memref_slice %arg13[%dma_start3A_41, %dma_start3A_42] : memref<5000x128xf32, #tpu.memory_space<vmem_shared>> -> memref<5000x128xf32, #tpu.memory_space<vmem_shared>>
      tpu.enqueue_indirect_dma source(%arg9 : memref<128x128xf32, #tpu.memory_space<vmem>>) target(%dma_start3A_43 : memref<5000x128xf32, #tpu.memory_space<vmem_shared>>) offsets(%arg8 : memref<128xi32, #tpu.memory_space<vmem>>) semaphore(%arg15 : memref<!tpu.dma_semaphore, #tpu.memory_space<semaphore_mem>>) {add = true}
      %dma_wait3A_44 = arith.constant 0 : i32
      %dma_wait3A_45 = arith.constant 0 : i32
      %dma_wait3A_46 = tpu.memref_slice %arg13[%dma_wait3A_44, %dma_wait3A_45] : memref<5000x128xf32, #tpu.memory_space<vmem_shared>> -> memref<5000x128xf32, #tpu.memory_space<vmem_shared>>
      tpu.wait_indirect_dma semaphore(%arg15 : memref<!tpu.dma_semaphore, #tpu.memory_space<semaphore_mem>>) src(%arg9 : memref<128x128xf32, #tpu.memory_space<vmem>>) dst(%dma_wait3A_46 : memref<5000x128xf32, #tpu.memory_space<vmem_shared>>)
    } else {
    }
    %barrier3A_25 = arith.constant 0 : index
    tpu.barrier barrier_id(%barrier3A_25)
    "tpu.region"() ({
      %run_scoped3A_31 = tpu.sem_alloc : memref<!tpu.dma_semaphore, #tpu.memory_space<semaphore_mem>>
      %dma_start3A_32 = arith.constant 0 : i32
      %dma_start3A_33 = tpu.memref_slice %arg6[%arg0, %mul3A_0, %dma_start3A_32] : memref<2x5000x128xf32, #tpu.memory_space<hbm>> -> memref<1x312x128xf32, #tpu.memory_space<hbm>>
      %dma_start3A_34 = tpu.memref_squeeze %dma_start3A_33 : memref<1x312x128xf32, #tpu.memory_space<hbm>> -> memref<312x128xf32, #tpu.memory_space<hbm>>
      %dma_start3A_35 = arith.constant 0 : i32
      %dma_start3A_36 = tpu.memref_slice %arg13[%mul3A_0, %dma_start3A_35] : memref<5000x128xf32, #tpu.memory_space<vmem_shared>> -> memref<312x128xf32, #tpu.memory_space<vmem_shared>>
      tpu.enqueue_dma source(%dma_start3A_36 : memref<312x128xf32, #tpu.memory_space<vmem_shared>>) target(%dma_start3A_34 : memref<312x128xf32, #tpu.memory_space<hbm>>) target_semaphore(%run_scoped3A_31 : memref<!tpu.dma_semaphore, #tpu.memory_space<semaphore_mem>>)
      %dma_wait3A_37 = arith.constant 0 : i32
      %dma_wait3A_38 = tpu.memref_slice %arg6[%arg0, %mul3A_0, %dma_wait3A_37] : memref<2x5000x128xf32, #tpu.memory_space<hbm>> -> memref<1x312x128xf32, #tpu.memory_space<hbm>>
      %dma_wait3A_39 = tpu.memref_squeeze %dma_wait3A_38 : memref<1x312x128xf32, #tpu.memory_space<hbm>> -> memref<312x128xf32, #tpu.memory_space<hbm>>
      %dma_wait3A_40 = arith.constant 0 : i32
      %dma_wait3A_41 = tpu.memref_slice %arg13[%mul3A_0, %dma_wait3A_40] : memref<5000x128xf32, #tpu.memory_space<vmem_shared>> -> memref<312x128xf32, #tpu.memory_space<vmem_shared>>
      tpu.wait_dma2 semaphore(%run_scoped3A_31 : memref<!tpu.dma_semaphore, #tpu.memory_space<semaphore_mem>>) src(%dma_wait3A_41 : memref<312x128xf32, #tpu.memory_space<vmem_shared>>) dst(%dma_wait3A_39 : memref<312x128xf32, #tpu.memory_space<hbm>>)
      tpu.yield
    }) : () -> ()
    %eq3A_26 = arith.constant 15 : i32
    %eq3A_27 = arith.cmpi eq, %arg1, %eq3A_26 : i32
    %convert_element_type3A_28 = arith.extui %eq3A_27 : i1 to i32
    %cond3A_29 = arith.constant 0 : i32
    %cond3A_30 = arith.cmpi ne, %convert_element_type3A_28, %cond3A_29 : i32
    scf.if %cond3A_30 {
      "tpu.region"() ({
        %run_scoped3A_31 = tpu.sem_alloc : memref<!tpu.dma_semaphore, #tpu.memory_space<semaphore_mem>>
        %dma_start3A_32 = arith.constant 4992 : i32
        %dma_start3A_33 = arith.constant 0 : i32
        %dma_start3A_34 = tpu.memref_slice %arg6[%arg0, %dma_start3A_32, %dma_start3A_33] : memref<2x5000x128xf32, #tpu.memory_space<hbm>> -> memref<1x8x128xf32, #tpu.memory_space<hbm>>
        %dma_start3A_35 = tpu.memref_squeeze %dma_start3A_34 : memref<1x8x128xf32, #tpu.memory_space<hbm>> -> memref<8x128xf32, #tpu.memory_space<hbm>>
        %dma_start3A_36 = arith.constant 4992 : i32
        %dma_start3A_37 = arith.constant 0 : i32
        %dma_start3A_38 = tpu.memref_slice %arg13[%dma_start3A_36, %dma_start3A_37] : memref<5000x128xf32, #tpu.memory_space<vmem_shared>> -> memref<8x128xf32, #tpu.memory_space<vmem_shared>>
        tpu.enqueue_dma source(%dma_start3A_38 : memref<8x128xf32, #tpu.memory_space<vmem_shared>>) target(%dma_start3A_35 : memref<8x128xf32, #tpu.memory_space<hbm>>) target_semaphore(%run_scoped3A_31 : memref<!tpu.dma_semaphore, #tpu.memory_space<semaphore_mem>>)
        %dma_wait3A_39 = arith.constant 4992 : i32
        %dma_wait3A_40 = arith.constant 0 : i32
        %dma_wait3A_41 = tpu.memref_slice %arg6[%arg0, %dma_wait3A_39, %dma_wait3A_40] : memref<2x5000x128xf32, #tpu.memory_space<hbm>> -> memref<1x8x128xf32, #tpu.memory_space<hbm>>
        %dma_wait3A_42 = tpu.memref_squeeze %dma_wait3A_41 : memref<1x8x128xf32, #tpu.memory_space<hbm>> -> memref<8x128xf32, #tpu.memory_space<hbm>>
        %dma_wait3A_43 = arith.constant 4992 : i32
        %dma_wait3A_44 = arith.constant 0 : i32
        %dma_wait3A_45 = tpu.memref_slice %arg13[%dma_wait3A_43, %dma_wait3A_44] : memref<5000x128xf32, #tpu.memory_space<vmem_shared>> -> memref<8x128xf32, #tpu.memory_space<vmem_shared>>
        tpu.wait_dma2 semaphore(%run_scoped3A_31 : memref<!tpu.dma_semaphore, #tpu.memory_space<semaphore_mem>>) src(%dma_wait3A_45 : memref<8x128xf32, #tpu.memory_space<vmem_shared>>) dst(%dma_wait3A_42 : memref<8x128xf32, #tpu.memory_space<hbm>>)
        tpu.yield
      }) : () -> ()
    } else {
    }
    return
  }
}

module attributes {stable_mosaic.version = 14 : i64} {
  func.func @body(%arg0: i32, %arg1: memref<1x5000x1xf32, #tpu.memory_space<vmem>>, %arg2: memref<1x5000x128xf32, #tpu.memory_space<vmem>>, %arg3: memref<128x256xf32, #tpu.memory_space<vmem>>, %arg4: memref<1x5000x256xf32, #tpu.memory_space<vmem>>) attributes {dimension_semantics = [#tpu.dimension_semantics<arbitrary>], iteration_bounds = array<i64: 2>, scalar_prefetch = 0 : i64, scratch_operands = 0 : i64, tpu.core_type = #tpu.core_type<tc>, window_params = [{transform_indices = @transform_0, window_bounds = array<i64: 1, 5000, 1>}, {transform_indices = @transform_1, window_bounds = array<i64: 1, 5000, 128>}, {pipeline_mode = #tpu.pipeline_mode<synchronous>, transform_indices = @transform_2, window_bounds = array<i64: 128, 256>}, {transform_indices = @transform_3, window_bounds = array<i64: 1, 5000, 256>}]} {
    %get3A = arith.constant 0 : index
    %get3A_0 = arith.constant 0 : index
    %get3A_1 = arith.constant 0 : index
    %get3A_2 = vector.load %arg1[%get3A, %get3A_0, %get3A_1] : memref<1x5000x1xf32, #tpu.memory_space<vmem>>, vector<1x5000x1xf32>
    %get3A_3 = vector.shape_cast %get3A_2 : vector<1x5000x1xf32> to vector<5000x1xf32>
    %add3A = arith.constant 1.000000e+00 : f32
    %add3A_4 = vector.broadcast %add3A : f32 to vector<5000x1xf32>
    %add3A_5 = arith.addf %get3A_3, %add3A_4 : vector<5000x1xf32>
    %rsqrt3A = math.rsqrt %add3A_5 : vector<5000x1xf32>
    %get3A_6 = arith.constant 0 : index
    %get3A_7 = arith.constant 0 : index
    %get3A_8 = arith.constant 0 : index
    %get3A_9 = vector.load %arg2[%get3A_6, %get3A_7, %get3A_8] : memref<1x5000x128xf32, #tpu.memory_space<vmem>>, vector<1x5000x128xf32>
    %get3A_10 = vector.shape_cast %get3A_9 : vector<1x5000x128xf32> to vector<5000x128xf32>
    %get3A_11 = arith.constant 0 : index
    %get3A_12 = arith.constant 0 : index
    %get3A_13 = vector.load %arg3[%get3A_11, %get3A_12] : memref<128x256xf32, #tpu.memory_space<vmem>>, vector<128x256xf32>
    %dot_general3A = arith.constant dense<0.000000e+00> : vector<5000x256xf32>
    %dot_general3A_14 = tpu.matmul %get3A_10, %get3A_13, %dot_general3A {dimension_numbers = #tpu.dot_dimension_numbers<[1], [0], [0], [1], [0, 0, 1, 1], [], []>, transpose_lhs_hint = false} : vector<5000x128xf32>, vector<128x256xf32>, vector<5000x256xf32> -> vector<5000x256xf32>
    %mul3A = vector.broadcast %rsqrt3A : vector<5000x1xf32> to vector<5000x256xf32>
    %mul3A_15 = arith.mulf %mul3A, %dot_general3A_14 : vector<5000x256xf32>
    %swap3A = arith.constant 0 : index
    %swap3A_16 = arith.constant 0 : index
    %swap3A_17 = arith.constant 0 : index
    %swap3A_18 = vector.load %arg4[%swap3A, %swap3A_16, %swap3A_17] : memref<1x5000x256xf32, #tpu.memory_space<vmem>>, vector<1x5000x256xf32>
    %swap3A_19 = vector.shape_cast %swap3A_18 : vector<1x5000x256xf32> to vector<5000x256xf32>
    %swap3A_20 = vector.shape_cast %mul3A_15 : vector<5000x256xf32> to vector<1x5000x256xf32>
    tpu.vector_store %arg4[%swap3A, %swap3A_16, %swap3A_17], %swap3A_20 {strides = array<i32>} : memref<1x5000x256xf32, #tpu.memory_space<vmem>>, vector<1x5000x256xf32>,
    return
  }
  func.func @transform_0(%arg0: i32) -> (i32, i32, i32) {
    %c0_i32 = arith.constant 0 : i32
    %c0_i32_0 = arith.constant 0 : i32
    %c0_i32_1 = arith.constant 0 : i32
    return %arg0, %c0_i32, %c0_i32_0 : i32, i32, i32
  }
  func.func @transform_1(%arg0: i32) -> (i32, i32, i32) {
    %c0_i32 = arith.constant 0 : i32
    %c0_i32_0 = arith.constant 0 : i32
    %c0_i32_1 = arith.constant 0 : i32
    return %arg0, %c0_i32, %c0_i32_0 : i32, i32, i32
  }
  func.func @transform_2(%arg0: i32) -> (i32, i32) {
    %c0_i32 = arith.constant 0 : i32
    %c0_i32_0 = arith.constant 0 : i32
    %c0_i32_1 = arith.constant 0 : i32
    return %c0_i32, %c0_i32_0 : i32, i32
  }
  func.func @transform_3(%arg0: i32) -> (i32, i32, i32) {
    %c0_i32 = arith.constant 0 : i32
    %c0_i32_0 = arith.constant 0 : i32
    %c0_i32_1 = arith.constant 0 : i32
    return %arg0, %c0_i32, %c0_i32_0 : i32, i32, i32
  }
}

module attributes {stable_mosaic.version = 14 : i64} {
  func.func @body(%arg0: i32, %arg1: memref<1x5000x1xf32, #tpu.memory_space<vmem>>, %arg2: memref<1x5000x256xf32, #tpu.memory_space<vmem>>, %arg3: memref<1x5000x256xf32, #tpu.memory_space<vmem>>, %arg4: memref<256x128xf32, #tpu.memory_space<vmem>>, %arg5: memref<1x256xf32, #tpu.memory_space<vmem>>, %arg6: memref<1x5000x128xf32, #tpu.memory_space<vmem>>) attributes {dimension_semantics = [#tpu.dimension_semantics<arbitrary>], iteration_bounds = array<i64: 2>, scalar_prefetch = 0 : i64, scratch_operands = 0 : i64, tpu.core_type = #tpu.core_type<tc>, window_params = [{transform_indices = @transform_0, window_bounds = array<i64: 1, 5000, 1>}, {transform_indices = @transform_1, window_bounds = array<i64: 1, 5000, 256>}, {transform_indices = @transform_2, window_bounds = array<i64: 1, 5000, 256>}, {pipeline_mode = #tpu.pipeline_mode<synchronous>, transform_indices = @transform_3, window_bounds = array<i64: 256, 128>}, {pipeline_mode = #tpu.pipeline_mode<synchronous>, transform_indices = @transform_4, window_bounds = array<i64: 1, 256>}, {transform_indices = @transform_5, window_bounds = array<i64: 1, 5000, 128>}]} {
    %get3A = arith.constant 0 : index
    %get3A_0 = arith.constant 0 : index
    %get3A_1 = arith.constant 0 : index
    %get3A_2 = vector.load %arg1[%get3A, %get3A_0, %get3A_1] : memref<1x5000x1xf32, #tpu.memory_space<vmem>>, vector<1x5000x1xf32>
    %get3A_3 = vector.shape_cast %get3A_2 : vector<1x5000x1xf32> to vector<5000x1xf32>
    %add3A = arith.constant 1.000000e+00 : f32
    %add3A_4 = vector.broadcast %add3A : f32 to vector<5000x1xf32>
    %add3A_5 = arith.addf %get3A_3, %add3A_4 : vector<5000x1xf32>
    %rsqrt3A = math.rsqrt %add3A_5 : vector<5000x1xf32>
    %get3A_6 = arith.constant 0 : index
    %get3A_7 = arith.constant 0 : index
    %get3A_8 = arith.constant 0 : index
    %get3A_9 = vector.load %arg2[%get3A_6, %get3A_7, %get3A_8] : memref<1x5000x256xf32, #tpu.memory_space<vmem>>, vector<1x5000x256xf32>
    %get3A_10 = vector.shape_cast %get3A_9 : vector<1x5000x256xf32> to vector<5000x256xf32>
    %get3A_11 = arith.constant 0 : index
    %get3A_12 = arith.constant 0 : index
    %get3A_13 = arith.constant 0 : index
    %get3A_14 = vector.load %arg3[%get3A_11, %get3A_12, %get3A_13] : memref<1x5000x256xf32, #tpu.memory_space<vmem>>, vector<1x5000x256xf32>
    %get3A_15 = vector.shape_cast %get3A_14 : vector<1x5000x256xf32> to vector<5000x256xf32>
    %add3A_16 = arith.addf %get3A_10, %get3A_15 : vector<5000x256xf32>
    %mul3A = vector.broadcast %rsqrt3A : vector<5000x1xf32> to vector<5000x256xf32>
    %mul3A_17 = arith.mulf %mul3A, %add3A_16 : vector<5000x256xf32>
    %get3A_18 = arith.constant 0 : index
    %get3A_19 = arith.constant 0 : index
    %get3A_20 = vector.load %arg5[%get3A_18, %get3A_19] : memref<1x256xf32, #tpu.memory_space<vmem>>, vector<1x256xf32>
    %add3A_21 = vector.broadcast %get3A_20 : vector<1x256xf32> to vector<5000x256xf32>
    %add3A_22 = arith.addf %mul3A_17, %add3A_21 : vector<5000x256xf32>
    %max3A = arith.constant 0.000000e+00 : f32
    %max3A_23 = vector.broadcast %max3A : f32 to vector<5000x256xf32>
    %max3A_24 = arith.maximumf %add3A_22, %max3A_23 : vector<5000x256xf32>
    %get3A_25 = arith.constant 0 : index
    %get3A_26 = arith.constant 0 : index
    %get3A_27 = vector.load %arg4[%get3A_25, %get3A_26] : memref<256x128xf32, #tpu.memory_space<vmem>>, vector<256x128xf32>
    %dot_general3A = arith.constant dense<0.000000e+00> : vector<5000x128xf32>
    %dot_general3A_28 = tpu.matmul %max3A_24, %get3A_27, %dot_general3A {dimension_numbers = #tpu.dot_dimension_numbers<[1], [0], [0], [1], [0, 0, 1, 1], [], []>, transpose_lhs_hint = false} : vector<5000x256xf32>, vector<256x128xf32>, vector<5000x128xf32> -> vector<5000x128xf32>
    %mul3A_29 = vector.broadcast %rsqrt3A : vector<5000x1xf32> to vector<5000x128xf32>
    %mul3A_30 = arith.mulf %mul3A_29, %dot_general3A_28 : vector<5000x128xf32>
    %swap3A = arith.constant 0 : index
    %swap3A_31 = arith.constant 0 : index
    %swap3A_32 = arith.constant 0 : index
    %swap3A_33 = vector.load %arg6[%swap3A, %swap3A_31, %swap3A_32] : memref<1x5000x128xf32, #tpu.memory_space<vmem>>, vector<1x5000x128xf32>
    %swap3A_34 = vector.shape_cast %swap3A_33 : vector<1x5000x128xf32> to vector<5000x128xf32>
    %swap3A_35 = vector.shape_cast %mul3A_30 : vector<5000x128xf32> to vector<1x5000x128xf32>
    tpu.vector_store %arg6[%swap3A, %swap3A_31, %swap3A_32], %swap3A_35 {strides = array<i32>} : memref<1x5000x128xf32, #tpu.memory_space<vmem>>, vector<1x5000x128xf32>,
    return
  }
  func.func @transform_0(%arg0: i32) -> (i32, i32, i32) {
    %c0_i32 = arith.constant 0 : i32
    %c0_i32_0 = arith.constant 0 : i32
    %c0_i32_1 = arith.constant 0 : i32
    return %arg0, %c0_i32, %c0_i32_0 : i32, i32, i32
  }
  func.func @transform_1(%arg0: i32) -> (i32, i32, i32) {
    %c0_i32 = arith.constant 0 : i32
    %c0_i32_0 = arith.constant 0 : i32
    %c0_i32_1 = arith.constant 0 : i32
    return %arg0, %c0_i32, %c0_i32_0 : i32, i32, i32
  }
  func.func @transform_2(%arg0: i32) -> (i32, i32, i32) {
    %c0_i32 = arith.constant 0 : i32
    %c0_i32_0 = arith.constant 0 : i32
    %c0_i32_1 = arith.constant 0 : i32
    return %arg0, %c0_i32, %c0_i32_0 : i32, i32, i32
  }
  func.func @transform_3(%arg0: i32) -> (i32, i32) {
    %c0_i32 = arith.constant 0 : i32
    %c0_i32_0 = arith.constant 0 : i32
    %c0_i32_1 = arith.constant 0 : i32
    return %c0_i32, %c0_i32_0 : i32, i32
  }
  func.func @transform_4(%arg0: i32) -> (i32, i32) {
    %c0_i32 = arith.constant 0 : i32
    %c0_i32_0 = arith.constant 0 : i32
    %c0_i32_1 = arith.constant 0 : i32
    return %c0_i32, %c0_i32_0 : i32, i32
  }
  func.func @transform_5(%arg0: i32) -> (i32, i32, i32) {
    %c0_i32 = arith.constant 0 : i32
    %c0_i32_0 = arith.constant 0 : i32
    %c0_i32_1 = arith.constant 0 : i32
    return %arg0, %c0_i32, %c0_i32_0 : i32, i32, i32
  }
}

module attributes {stable_mosaic.version = 14 : i64} {
  func.func @body(%arg0: i32, %arg1: memref<1x5000x1xf32, #tpu.memory_space<vmem>>, %arg2: memref<1x5000x128xf32, #tpu.memory_space<vmem>>, %arg3: memref<1x5000x128xf32, #tpu.memory_space<vmem>>, %arg4: memref<1x128xf32, #tpu.memory_space<vmem>>, %arg5: memref<128x64xf32, #tpu.memory_space<vmem>>, %arg6: memref<1x64xf32, #tpu.memory_space<vmem>>, %arg7: memref<64x128xf32, #tpu.memory_space<vmem>>, %arg8: memref<1x128xf32, #tpu.memory_space<vmem>>, %arg9: memref<1x5000x128xf32, #tpu.memory_space<vmem>>, %arg10: memref<1x5000x128xf32, #tpu.memory_space<vmem>>) attributes {dimension_semantics = [#tpu.dimension_semantics<arbitrary>], iteration_bounds = array<i64: 2>, scalar_prefetch = 0 : i64, scratch_operands = 0 : i64, tpu.core_type = #tpu.core_type<tc>, window_params = [{transform_indices = @transform_0, window_bounds = array<i64: 1, 5000, 1>}, {transform_indices = @transform_1, window_bounds = array<i64: 1, 5000, 128>}, {transform_indices = @transform_2, window_bounds = array<i64: 1, 5000, 128>}, {pipeline_mode = #tpu.pipeline_mode<synchronous>, transform_indices = @transform_3, window_bounds = array<i64: 1, 128>}, {pipeline_mode = #tpu.pipeline_mode<synchronous>, transform_indices = @transform_4, window_bounds = array<i64: 128, 64>}, {pipeline_mode = #tpu.pipeline_mode<synchronous>, transform_indices = @transform_5, window_bounds = array<i64: 1, 64>}, {pipeline_mode = #tpu.pipeline_mode<synchronous>, transform_indices = @transform_6, window_bounds = array<i64: 64, 128>}, {pipeline_mode = #tpu.pipeline_mode<synchronous>, transform_indices = @transform_7, window_bounds = array<i64: 1, 128>}, {transform_indices = @transform_8, window_bounds = array<i64: 1, 5000, 128>}, {transform_indices = @transform_9, window_bounds = array<i64: 1, 5000, 128>}]} {
    %get3A = arith.constant 0 : index
    %get3A_0 = arith.constant 0 : index
    %get3A_1 = arith.constant 0 : index
    %get3A_2 = vector.load %arg1[%get3A, %get3A_0, %get3A_1] : memref<1x5000x1xf32, #tpu.memory_space<vmem>>, vector<1x5000x1xf32>
    %get3A_3 = vector.shape_cast %get3A_2 : vector<1x5000x1xf32> to vector<5000x1xf32>
    %add3A = arith.constant 1.000000e+00 : f32
    %add3A_4 = vector.broadcast %add3A : f32 to vector<5000x1xf32>
    %add3A_5 = arith.addf %get3A_3, %add3A_4 : vector<5000x1xf32>
    %rsqrt3A = math.rsqrt %add3A_5 : vector<5000x1xf32>
    %get3A_6 = arith.constant 0 : index
    %get3A_7 = arith.constant 0 : index
    %get3A_8 = arith.constant 0 : index
    %get3A_9 = vector.load %arg2[%get3A_6, %get3A_7, %get3A_8] : memref<1x5000x128xf32, #tpu.memory_space<vmem>>, vector<1x5000x128xf32>
    %get3A_10 = vector.shape_cast %get3A_9 : vector<1x5000x128xf32> to vector<5000x128xf32>
    %get3A_11 = arith.constant 0 : index
    %get3A_12 = arith.constant 0 : index
    %get3A_13 = arith.constant 0 : index
    %get3A_14 = vector.load %arg3[%get3A_11, %get3A_12, %get3A_13] : memref<1x5000x128xf32, #tpu.memory_space<vmem>>, vector<1x5000x128xf32>
    %get3A_15 = vector.shape_cast %get3A_14 : vector<1x5000x128xf32> to vector<5000x128xf32>
    %add3A_16 = arith.addf %get3A_10, %get3A_15 : vector<5000x128xf32>
    %mul3A = vector.broadcast %rsqrt3A : vector<5000x1xf32> to vector<5000x128xf32>
    %mul3A_17 = arith.mulf %mul3A, %add3A_16 : vector<5000x128xf32>
    %get3A_18 = arith.constant 0 : index
    %get3A_19 = arith.constant 0 : index
    %get3A_20 = vector.load %arg4[%get3A_18, %get3A_19] : memref<1x128xf32, #tpu.memory_space<vmem>>, vector<1x128xf32>
    %add3A_21 = vector.broadcast %get3A_20 : vector<1x128xf32> to vector<5000x128xf32>
    %add3A_22 = arith.addf %mul3A_17, %add3A_21 : vector<5000x128xf32>
    %swap3A = arith.constant 0 : index
    %swap3A_23 = arith.constant 0 : index
    %swap3A_24 = arith.constant 0 : index
    %swap3A_25 = vector.load %arg9[%swap3A, %swap3A_23, %swap3A_24] : memref<1x5000x128xf32, #tpu.memory_space<vmem>>, vector<1x5000x128xf32>
    %swap3A_26 = vector.shape_cast %swap3A_25 : vector<1x5000x128xf32> to vector<5000x128xf32>
    %swap3A_27 = vector.shape_cast %add3A_22 : vector<5000x128xf32> to vector<1x5000x128xf32>
    tpu.vector_store %arg9[%swap3A, %swap3A_23, %swap3A_24], %swap3A_27 {strides = array<i32>} : memref<1x5000x128xf32, #tpu.memory_space<vmem>>, vector<1x5000x128xf32>,
    %get3A_28 = arith.constant 0 : index
    %get3A_29 = arith.constant 0 : index
    %get3A_30 = vector.load %arg5[%get3A_28, %get3A_29] : memref<128x64xf32, #tpu.memory_space<vmem>>, vector<128x64xf32>
    %dot_general3A = arith.constant dense<0.000000e+00> : vector<5000x64xf32>
    %dot_general3A_31 = tpu.matmul %add3A_22, %get3A_30, %dot_general3A {dimension_numbers = #tpu.dot_dimension_numbers<[1], [0], [0], [1], [0, 0, 1, 1], [], []>, transpose_lhs_hint = false} : vector<5000x128xf32>, vector<128x64xf32>, vector<5000x64xf32> -> vector<5000x64xf32>
    %get3A_32 = arith.constant 0 : index
    %get3A_33 = arith.constant 0 : index
    %get3A_34 = vector.load %arg6[%get3A_32, %get3A_33] : memref<1x64xf32, #tpu.memory_space<vmem>>, vector<1x64xf32>
    %add3A_35 = vector.broadcast %get3A_34 : vector<1x64xf32> to vector<5000x64xf32>
    %add3A_36 = arith.addf %dot_general3A_31, %add3A_35 : vector<5000x64xf32>
    %tanh3A = math.tanh %add3A_36 : vector<5000x64xf32>
    %get3A_37 = arith.constant 0 : index
    %get3A_38 = arith.constant 0 : index
    %get3A_39 = vector.load %arg7[%get3A_37, %get3A_38] : memref<64x128xf32, #tpu.memory_space<vmem>>, vector<64x128xf32>
    %dot_general3A_40 = arith.constant dense<0.000000e+00> : vector<5000x128xf32>
    %dot_general3A_41 = tpu.matmul %tanh3A, %get3A_39, %dot_general3A_40 {dimension_numbers = #tpu.dot_dimension_numbers<[1], [0], [0], [1], [0, 0, 1, 1], [], []>, transpose_lhs_hint = false} : vector<5000x64xf32>, vector<64x128xf32>, vector<5000x128xf32> -> vector<5000x128xf32>
    %get3A_42 = arith.constant 0 : index
    %get3A_43 = arith.constant 0 : index
    %get3A_44 = vector.load %arg8[%get3A_42, %get3A_43] : memref<1x128xf32, #tpu.memory_space<vmem>>, vector<1x128xf32>
    %add3A_45 = vector.broadcast %get3A_44 : vector<1x128xf32> to vector<5000x128xf32>
    %add3A_46 = arith.addf %dot_general3A_41, %add3A_45 : vector<5000x128xf32>
    %reduce_max3A = arith.constant dense<0xFF800000> : vector<5000xf32>
    %reduce_max3A_47 = vector.multi_reduction <maximumf>, %add3A_46, %reduce_max3A [1] : vector<5000x128xf32> to vector<5000xf32>
    %broadcast_in_dim3A = vector.shape_cast %reduce_max3A_47 : vector<5000xf32> to vector<5000x1xf32>
    %sub3A = vector.broadcast %broadcast_in_dim3A : vector<5000x1xf32> to vector<5000x128xf32>
    %sub3A_48 = arith.subf %add3A_46, %sub3A : vector<5000x128xf32>
    %exp3A = math.exp %sub3A_48 : vector<5000x128xf32>
    %reduce_sum3A = arith.constant dense<0.000000e+00> : vector<5000xf32>
    %reduce_sum3A_49 = vector.multi_reduction <add>, %exp3A, %reduce_sum3A [1] : vector<5000x128xf32> to vector<5000xf32>
    %broadcast_in_dim3A_50 = vector.shape_cast %reduce_sum3A_49 : vector<5000xf32> to vector<5000x1xf32>
    %div3A = vector.broadcast %broadcast_in_dim3A_50 : vector<5000x1xf32> to vector<5000x128xf32>
    %div3A_51 = arith.divf %exp3A, %div3A : vector<5000x128xf32>
    %swap3A_52 = arith.constant 0 : index
    %swap3A_53 = arith.constant 0 : index
    %swap3A_54 = arith.constant 0 : index
    %swap3A_55 = vector.load %arg10[%swap3A_52, %swap3A_53, %swap3A_54] : memref<1x5000x128xf32, #tpu.memory_space<vmem>>, vector<1x5000x128xf32>
    %swap3A_56 = vector.shape_cast %swap3A_55 : vector<1x5000x128xf32> to vector<5000x128xf32>
    %swap3A_57 = vector.shape_cast %div3A_51 : vector<5000x128xf32> to vector<1x5000x128xf32>
    tpu.vector_store %arg10[%swap3A_52, %swap3A_53, %swap3A_54], %swap3A_57 {strides = array<i32>} : memref<1x5000x128xf32, #tpu.memory_space<vmem>>, vector<1x5000x128xf32>,
    return
  }
  func.func @transform_0(%arg0: i32) -> (i32, i32, i32) {
    %c0_i32 = arith.constant 0 : i32
    %c0_i32_0 = arith.constant 0 : i32
    %c0_i32_1 = arith.constant 0 : i32
    return %arg0, %c0_i32, %c0_i32_0 : i32, i32, i32
  }
  func.func @transform_1(%arg0: i32) -> (i32, i32, i32) {
    %c0_i32 = arith.constant 0 : i32
    %c0_i32_0 = arith.constant 0 : i32
    %c0_i32_1 = arith.constant 0 : i32
    return %arg0, %c0_i32, %c0_i32_0 : i32, i32, i32
  }
  func.func @transform_2(%arg0: i32) -> (i32, i32, i32) {
    %c0_i32 = arith.constant 0 : i32
    %c0_i32_0 = arith.constant 0 : i32
    %c0_i32_1 = arith.constant 0 : i32
    return %arg0, %c0_i32, %c0_i32_0 : i32, i32, i32
  }
  func.func @transform_3(%arg0: i32) -> (i32, i32) {
    %c0_i32 = arith.constant 0 : i32
    %c0_i32_0 = arith.constant 0 : i32
    %c0_i32_1 = arith.constant 0 : i32
    return %c0_i32, %c0_i32_0 : i32, i32
  }
  func.func @transform_4(%arg0: i32) -> (i32, i32) {
    %c0_i32 = arith.constant 0 : i32
    %c0_i32_0 = arith.constant 0 : i32
    %c0_i32_1 = arith.constant 0 : i32
    return %c0_i32, %c0_i32_0 : i32, i32
  }
  func.func @transform_5(%arg0: i32) -> (i32, i32) {
    %c0_i32 = arith.constant 0 : i32
    %c0_i32_0 = arith.constant 0 : i32
    %c0_i32_1 = arith.constant 0 : i32
    return %c0_i32, %c0_i32_0 : i32, i32
  }
  func.func @transform_6(%arg0: i32) -> (i32, i32) {
    %c0_i32 = arith.constant 0 : i32
    %c0_i32_0 = arith.constant 0 : i32
    %c0_i32_1 = arith.constant 0 : i32
    return %c0_i32, %c0_i32_0 : i32, i32
  }
  func.func @transform_7(%arg0: i32) -> (i32, i32) {
    %c0_i32 = arith.constant 0 : i32
    %c0_i32_0 = arith.constant 0 : i32
    %c0_i32_1 = arith.constant 0 : i32
    return %c0_i32, %c0_i32_0 : i32, i32
  }
  func.func @transform_8(%arg0: i32) -> (i32, i32, i32) {
    %c0_i32 = arith.constant 0 : i32
    %c0_i32_0 = arith.constant 0 : i32
    %c0_i32_1 = arith.constant 0 : i32
    return %arg0, %c0_i32, %c0_i32_0 : i32, i32, i32
  }
  func.func @transform_9(%arg0: i32) -> (i32, i32, i32) {
    %c0_i32 = arith.constant 0 : i32
    %c0_i32_0 = arith.constant 0 : i32
    %c0_i32_1 = arith.constant 0 : i32
    return %arg0, %c0_i32, %c0_i32_0 : i32, i32, i32
  }
}

module attributes {stable_mosaic.version = 14 : i64} {
  func.func @body(%arg0: memref<2x5000x128xf32, #tpu.memory_space<vmem>>, %arg1: memref<2x5000x128xf32, #tpu.memory_space<vmem>>, %arg2: memref<2x5000x128xf32, #tpu.memory_space<vmem>>, %arg3: memref<2x1xf32, #tpu.memory_space<vmem>>, %arg4: memref<128x64xf32, #tpu.memory_space<vmem>>, %arg5: memref<1x64xf32, #tpu.memory_space<vmem>>, %arg6: memref<64x8xf32, #tpu.memory_space<vmem>>, %arg7: memref<1x8xf32, #tpu.memory_space<vmem>>, %arg8: memref<2x128xf32, #tpu.memory_space<vmem>>, %arg9: memref<2x128xf32, #tpu.memory_space<vmem>>, %arg10: memref<2x128xf32, #tpu.memory_space<vmem>>, %arg11: memref<1x1xf32, #tpu.memory_space<vmem>>, %arg12: memref<1x1xf32, #tpu.memory_space<vmem>>) attributes {dimension_semantics = [], scalar_prefetch = 0 : i64, scratch_operands = 0 : i64, tpu.core_type = #tpu.core_type<tc>} {
    %get3A = arith.constant 0 : index
    %get3A_0 = arith.constant 0 : index
    %get3A_1 = arith.constant 0 : index
    %get3A_2 = vector.load %arg1[%get3A, %get3A_0, %get3A_1] : memref<2x5000x128xf32, #tpu.memory_space<vmem>>, vector<1x5000x128xf32>
    %get3A_3 = vector.shape_cast %get3A_2 : vector<1x5000x128xf32> to vector<5000x128xf32>
    %get3A_4 = arith.constant 0 : index
    %get3A_5 = arith.constant 0 : index
    %get3A_6 = arith.constant 0 : index
    %get3A_7 = vector.load %arg0[%get3A_4, %get3A_5, %get3A_6] : memref<2x5000x128xf32, #tpu.memory_space<vmem>>, vector<1x5000x128xf32>
    %get3A_8 = vector.shape_cast %get3A_7 : vector<1x5000x128xf32> to vector<5000x128xf32>
    %get3A_9 = arith.constant 0 : index
    %get3A_10 = arith.constant 0 : index
    %get3A_11 = arith.constant 0 : index
    %get3A_12 = vector.load %arg2[%get3A_9, %get3A_10, %get3A_11] : memref<2x5000x128xf32, #tpu.memory_space<vmem>>, vector<1x5000x128xf32>
    %get3A_13 = vector.shape_cast %get3A_12 : vector<1x5000x128xf32> to vector<5000x128xf32>
    %dot_general3A = arith.constant dense<0.000000e+00> : vector<128x128xf32>
    %dot_general3A_14 = tpu.matmul %get3A_3, %get3A_8, %dot_general3A {dimension_numbers = #tpu.dot_dimension_numbers<[0], [0], [1], [1], [0, 1, 1, 1], [], []>, transpose_lhs_hint = false} : vector<5000x128xf32>, vector<5000x128xf32>, vector<128x128xf32> -> vector<128x128xf32>
    %dot_general3A_15 = arith.constant dense<0.000000e+00> : vector<128x128xf32>
    %dot_general3A_16 = tpu.matmul %get3A_13, %get3A_3, %dot_general3A_15 {dimension_numbers = #tpu.dot_dimension_numbers<[0], [0], [1], [1], [0, 1, 1, 1], [], []>, transpose_lhs_hint = false} : vector<5000x128xf32>, vector<5000x128xf32>, vector<128x128xf32> -> vector<128x128xf32>
    %slice3A = vector.extract_strided_slice %dot_general3A_16 {offsets = [0, 0], sizes = [2, 2], strides = [1, 1]} : vector<128x128xf32> to vector<2x2xf32>
    %abs3A = math.absf %slice3A : vector<2x2xf32>
    %reduce_sum3A = arith.constant dense<0.000000e+00> : vector<2xf32>
    %reduce_sum3A_17 = vector.multi_reduction <add>, %abs3A, %reduce_sum3A [1] : vector<2x2xf32> to vector<2xf32>
    %broadcast_in_dim3A = vector.shape_cast %reduce_sum3A_17 : vector<2xf32> to vector<2x1xf32>
    %max3A = arith.constant 9.99999996E-13 : f32
    %max3A_18 = vector.broadcast %max3A : f32 to vector<2x1xf32>
    %max3A_19 = arith.maximumf %broadcast_in_dim3A, %max3A_18 : vector<2x1xf32>
    %iota3A = tpu.iota {dimensions = array<i32: 0>} : vector<2x2xi32>
    %iota3A_20 = tpu.iota {dimensions = array<i32: 1>} : vector<2x2xi32>
    %eq3A = arith.cmpi eq, %iota3A, %iota3A_20 : vector<2x2xi32>
    %jit3A = arith.constant 0.000000e+00 : f32
    %broadcast_in_dim3A_21 = vector.broadcast %jit3A : f32 to vector<2x2xf32>
    %select_n3A = arith.select %eq3A, %slice3A, %broadcast_in_dim3A_21 : vector<2x2xi1>, vector<2x2xf32>
    %reduce_sum3A_22 = arith.constant dense<0.000000e+00> : vector<2xf32>
    %reduce_sum3A_23 = vector.multi_reduction <add>, %select_n3A, %reduce_sum3A_22 [1] : vector<2x2xf32> to vector<2xf32>
    %broadcast_in_dim3A_24 = vector.shape_cast %reduce_sum3A_23 : vector<2xf32> to vector<2x1xf32>
    %div3A = arith.divf %broadcast_in_dim3A_24, %max3A_19 : vector<2x1xf32>
    %sub3A = arith.constant 1.000000e+00 : f32
    %sub3A_25 = vector.broadcast %sub3A : f32 to vector<2x1xf32>
    %sub3A_26 = arith.subf %div3A, %sub3A_25 : vector<2x1xf32>
    %integer_pow3A = arith.mulf %sub3A_26, %sub3A_26 : vector<2x1xf32>
    %reduce_sum3A_27 = arith.constant dense<0.000000e+00> : vector<1xf32>
    %reduce_sum3A_28 = vector.multi_reduction <add>, %integer_pow3A, %reduce_sum3A_27 [0] : vector<2x1xf32> to vector<1xf32>
    %broadcast_in_dim3A_29 = vector.shape_cast %reduce_sum3A_28 : vector<1xf32> to vector<1x1xf32>
    %div3A_30 = arith.constant 2.000000e+00 : f32
    %div3A_31 = vector.broadcast %div3A_30 : f32 to vector<1x1xf32>
    %div3A_32 = arith.divf %broadcast_in_dim3A_29, %div3A_31 : vector<1x1xf32>
    %slice3A_33 = vector.extract_strided_slice %dot_general3A_14 {offsets = [0, 0], sizes = [1, 128], strides = [1, 1]} : vector<128x128xf32> to vector<1x128xf32>
    %slice3A_34 = vector.extract_strided_slice %dot_general3A_14 {offsets = [1, 0], sizes = [1, 128], strides = [1, 1]} : vector<128x128xf32> to vector<1x128xf32>
    %add3A = arith.addf %slice3A_33, %slice3A_34 : vector<1x128xf32>
    %mul3A = arith.constant 5.000000e-01 : f32
    %mul3A_35 = vector.broadcast %mul3A : f32 to vector<1x128xf32>
    %mul3A_36 = arith.mulf %add3A, %mul3A_35 : vector<1x128xf32>
    %swap3A = arith.constant 0 : index
    %swap3A_37 = arith.constant 0 : index
    %swap3A_38 = vector.load %arg8[%swap3A, %swap3A_37] : memref<2x128xf32, #tpu.memory_space<vmem>>, vector<1x128xf32>
    tpu.vector_store %arg8[%swap3A, %swap3A_37], %mul3A_36 {strides = array<i32>} : memref<2x128xf32, #tpu.memory_space<vmem>>, vector<1x128xf32>,
    %jit3A_39 = arith.constant -1.000000e+02 : f32
    %jit3A_40 = arith.constant 1.000000e+02 : f32
    %max3A_41 = vector.broadcast %jit3A_39 : f32 to vector<1x128xf32>
    %max3A_42 = arith.maximumf %max3A_41, %slice3A_33 : vector<1x128xf32>
    %min3A = vector.broadcast %jit3A_40 : f32 to vector<1x128xf32>
    %min3A_43 = arith.minimumf %min3A, %max3A_42 : vector<1x128xf32>
    %jit3A_44 = arith.constant -1.000000e+02 : f32
    %jit3A_45 = arith.constant 1.000000e+02 : f32
    %max3A_46 = vector.broadcast %jit3A_44 : f32 to vector<1x128xf32>
    %max3A_47 = arith.maximumf %max3A_46, %slice3A_34 : vector<1x128xf32>
    %min3A_48 = vector.broadcast %jit3A_45 : f32 to vector<1x128xf32>
    %min3A_49 = arith.minimumf %min3A_48, %max3A_47 : vector<1x128xf32>
    %swap3A_50 = arith.constant 0 : index
    %swap3A_51 = arith.constant 0 : index
    %swap3A_52 = vector.load %arg9[%swap3A_50, %swap3A_51] : memref<2x128xf32, #tpu.memory_space<vmem>>, vector<1x128xf32>
    tpu.vector_store %arg9[%swap3A_50, %swap3A_51], %min3A_43 {strides = array<i32>} : memref<2x128xf32, #tpu.memory_space<vmem>>, vector<1x128xf32>,
    %swap3A_53 = arith.constant 0 : index
    %swap3A_54 = arith.constant 0 : index
    %swap3A_55 = vector.load %arg10[%swap3A_53, %swap3A_54] : memref<2x128xf32, #tpu.memory_space<vmem>>, vector<1x128xf32>
    tpu.vector_store %arg10[%swap3A_53, %swap3A_54], %min3A_49 {strides = array<i32>} : memref<2x128xf32, #tpu.memory_space<vmem>>, vector<1x128xf32>,
    %add3A_56 = arith.addf %slice3A_33, %slice3A_34 : vector<1x128xf32>
    %mul3A_57 = arith.constant 5.000000e-01 : f32
    %mul3A_58 = vector.broadcast %mul3A_57 : f32 to vector<1x128xf32>
    %mul3A_59 = arith.mulf %add3A_56, %mul3A_58 : vector<1x128xf32>
    %get3A_60 = arith.constant 1 : index
    %get3A_61 = arith.constant 0 : index
    %get3A_62 = arith.constant 0 : index
    %get3A_63 = vector.load %arg1[%get3A_60, %get3A_61, %get3A_62] : memref<2x5000x128xf32, #tpu.memory_space<vmem>>, vector<1x5000x128xf32>
    %get3A_64 = vector.shape_cast %get3A_63 : vector<1x5000x128xf32> to vector<5000x128xf32>
    %get3A_65 = arith.constant 1 : index
    %get3A_66 = arith.constant 0 : index
    %get3A_67 = arith.constant 0 : index
    %get3A_68 = vector.load %arg0[%get3A_65, %get3A_66, %get3A_67] : memref<2x5000x128xf32, #tpu.memory_space<vmem>>, vector<1x5000x128xf32>
    %get3A_69 = vector.shape_cast %get3A_68 : vector<1x5000x128xf32> to vector<5000x128xf32>
    %get3A_70 = arith.constant 1 : index
    %get3A_71 = arith.constant 0 : index
    %get3A_72 = arith.constant 0 : index
    %get3A_73 = vector.load %arg2[%get3A_70, %get3A_71, %get3A_72] : memref<2x5000x128xf32, #tpu.memory_space<vmem>>, vector<1x5000x128xf32>
    %get3A_74 = vector.shape_cast %get3A_73 : vector<1x5000x128xf32> to vector<5000x128xf32>
    %dot_general3A_75 = arith.constant dense<0.000000e+00> : vector<128x128xf32>
    %dot_general3A_76 = tpu.matmul %get3A_64, %get3A_69, %dot_general3A_75 {dimension_numbers = #tpu.dot_dimension_numbers<[0], [0], [1], [1], [0, 1, 1, 1], [], []>, transpose_lhs_hint = false} : vector<5000x128xf32>, vector<5000x128xf32>, vector<128x128xf32> -> vector<128x128xf32>
    %dot_general3A_77 = arith.constant dense<0.000000e+00> : vector<128x128xf32>
    %dot_general3A_78 = tpu.matmul %get3A_74, %get3A_64, %dot_general3A_77 {dimension_numbers = #tpu.dot_dimension_numbers<[0], [0], [1], [1], [0, 1, 1, 1], [], []>, transpose_lhs_hint = false} : vector<5000x128xf32>, vector<5000x128xf32>, vector<128x128xf32> -> vector<128x128xf32>
    %slice3A_79 = vector.extract_strided_slice %dot_general3A_78 {offsets = [0, 0], sizes = [2, 2], strides = [1, 1]} : vector<128x128xf32> to vector<2x2xf32>
    %abs3A_80 = math.absf %slice3A_79 : vector<2x2xf32>
    %reduce_sum3A_81 = arith.constant dense<0.000000e+00> : vector<2xf32>
    %reduce_sum3A_82 = vector.multi_reduction <add>, %abs3A_80, %reduce_sum3A_81 [1] : vector<2x2xf32> to vector<2xf32>
    %broadcast_in_dim3A_83 = vector.shape_cast %reduce_sum3A_82 : vector<2xf32> to vector<2x1xf32>
    %max3A_84 = arith.constant 9.99999996E-13 : f32
    %max3A_85 = vector.broadcast %max3A_84 : f32 to vector<2x1xf32>
    %max3A_86 = arith.maximumf %broadcast_in_dim3A_83, %max3A_85 : vector<2x1xf32>
    %iota3A_87 = tpu.iota {dimensions = array<i32: 0>} : vector<2x2xi32>
    %iota3A_88 = tpu.iota {dimensions = array<i32: 1>} : vector<2x2xi32>
    %eq3A_89 = arith.cmpi eq, %iota3A_87, %iota3A_88 : vector<2x2xi32>
    %jit3A_90 = arith.constant 0.000000e+00 : f32
    %broadcast_in_dim3A_91 = vector.broadcast %jit3A_90 : f32 to vector<2x2xf32>
    %select_n3A_92 = arith.select %eq3A_89, %slice3A_79, %broadcast_in_dim3A_91 : vector<2x2xi1>, vector<2x2xf32>
    %reduce_sum3A_93 = arith.constant dense<0.000000e+00> : vector<2xf32>
    %reduce_sum3A_94 = vector.multi_reduction <add>, %select_n3A_92, %reduce_sum3A_93 [1] : vector<2x2xf32> to vector<2xf32>
    %broadcast_in_dim3A_95 = vector.shape_cast %reduce_sum3A_94 : vector<2xf32> to vector<2x1xf32>
    %div3A_96 = arith.divf %broadcast_in_dim3A_95, %max3A_86 : vector<2x1xf32>
    %sub3A_97 = arith.constant 1.000000e+00 : f32
    %sub3A_98 = vector.broadcast %sub3A_97 : f32 to vector<2x1xf32>
    %sub3A_99 = arith.subf %div3A_96, %sub3A_98 : vector<2x1xf32>
    %integer_pow3A_100 = arith.mulf %sub3A_99, %sub3A_99 : vector<2x1xf32>
    %reduce_sum3A_101 = arith.constant dense<0.000000e+00> : vector<1xf32>
    %reduce_sum3A_102 = vector.multi_reduction <add>, %integer_pow3A_100, %reduce_sum3A_101 [0] : vector<2x1xf32> to vector<1xf32>
    %broadcast_in_dim3A_103 = vector.shape_cast %reduce_sum3A_102 : vector<1xf32> to vector<1x1xf32>
    %div3A_104 = arith.constant 2.000000e+00 : f32
    %div3A_105 = vector.broadcast %div3A_104 : f32 to vector<1x1xf32>
    %div3A_106 = arith.divf %broadcast_in_dim3A_103, %div3A_105 : vector<1x1xf32>
    %slice3A_107 = vector.extract_strided_slice %dot_general3A_76 {offsets = [0, 0], sizes = [1, 128], strides = [1, 1]} : vector<128x128xf32> to vector<1x128xf32>
    %slice3A_108 = vector.extract_strided_slice %dot_general3A_76 {offsets = [1, 0], sizes = [1, 128], strides = [1, 1]} : vector<128x128xf32> to vector<1x128xf32>
    %add3A_109 = arith.addf %slice3A_107, %slice3A_108 : vector<1x128xf32>
    %mul3A_110 = arith.constant 5.000000e-01 : f32
    %mul3A_111 = vector.broadcast %mul3A_110 : f32 to vector<1x128xf32>
    %mul3A_112 = arith.mulf %add3A_109, %mul3A_111 : vector<1x128xf32>
    %swap3A_113 = arith.constant 1 : index
    %swap3A_114 = arith.constant 0 : index
    %swap3A_115 = vector.load %arg8[%swap3A_113, %swap3A_114] : memref<2x128xf32, #tpu.memory_space<vmem>>, vector<1x128xf32>
    tpu.vector_store %arg8[%swap3A_113, %swap3A_114], %mul3A_112 {strides = array<i32>} : memref<2x128xf32, #tpu.memory_space<vmem>>, vector<1x128xf32>,
    %jit3A_116 = arith.constant -1.000000e+02 : f32
    %jit3A_117 = arith.constant 1.000000e+02 : f32
    %max3A_118 = vector.broadcast %jit3A_116 : f32 to vector<1x128xf32>
    %max3A_119 = arith.maximumf %max3A_118, %slice3A_107 : vector<1x128xf32>
    %min3A_120 = vector.broadcast %jit3A_117 : f32 to vector<1x128xf32>
    %min3A_121 = arith.minimumf %min3A_120, %max3A_119 : vector<1x128xf32>
    %jit3A_122 = arith.constant -1.000000e+02 : f32
    %jit3A_123 = arith.constant 1.000000e+02 : f32
    %max3A_124 = vector.broadcast %jit3A_122 : f32 to vector<1x128xf32>
    %max3A_125 = arith.maximumf %max3A_124, %slice3A_108 : vector<1x128xf32>
    %min3A_126 = vector.broadcast %jit3A_123 : f32 to vector<1x128xf32>
    %min3A_127 = arith.minimumf %min3A_126, %max3A_125 : vector<1x128xf32>
    %swap3A_128 = arith.constant 1 : index
    %swap3A_129 = arith.constant 0 : index
    %swap3A_130 = vector.load %arg9[%swap3A_128, %swap3A_129] : memref<2x128xf32, #tpu.memory_space<vmem>>, vector<1x128xf32>
    tpu.vector_store %arg9[%swap3A_128, %swap3A_129], %min3A_121 {strides = array<i32>} : memref<2x128xf32, #tpu.memory_space<vmem>>, vector<1x128xf32>,
    %swap3A_131 = arith.constant 1 : index
    %swap3A_132 = arith.constant 0 : index
    %swap3A_133 = vector.load %arg10[%swap3A_131, %swap3A_132] : memref<2x128xf32, #tpu.memory_space<vmem>>, vector<1x128xf32>
    tpu.vector_store %arg10[%swap3A_131, %swap3A_132], %min3A_127 {strides = array<i32>} : memref<2x128xf32, #tpu.memory_space<vmem>>, vector<1x128xf32>,
    %add3A_134 = arith.addf %slice3A_107, %slice3A_108 : vector<1x128xf32>
    %mul3A_135 = arith.constant 5.000000e-01 : f32
    %mul3A_136 = vector.broadcast %mul3A_135 : f32 to vector<1x128xf32>
    %mul3A_137 = arith.mulf %add3A_134, %mul3A_136 : vector<1x128xf32>
    %concatenate3A = tpu.concatenate %mul3A_59, %mul3A_137, %min3A_43, %min3A_121 in 0 : vector<1x128xf32>, vector<1x128xf32>, vector<1x128xf32>, vector<1x128xf32> -> vector<4x128xf32>
    %get3A_138 = arith.constant 0 : index
    %get3A_139 = arith.constant 0 : index
    %get3A_140 = vector.load %arg4[%get3A_138, %get3A_139] : memref<128x64xf32, #tpu.memory_space<vmem>>, vector<128x64xf32>
    %dot_general3A_141 = arith.constant dense<0.000000e+00> : vector<4x64xf32>
    %dot_general3A_142 = tpu.matmul %concatenate3A, %get3A_140, %dot_general3A_141 {dimension_numbers = #tpu.dot_dimension_numbers<[1], [0], [0], [1], [0, 0, 1, 1], [], []>, transpose_lhs_hint = false} : vector<4x128xf32>, vector<128x64xf32>, vector<4x64xf32> -> vector<4x64xf32>
    %get3A_143 = arith.constant 0 : index
    %get3A_144 = arith.constant 0 : index
    %get3A_145 = vector.load %arg5[%get3A_143, %get3A_144] : memref<1x64xf32, #tpu.memory_space<vmem>>, vector<1x64xf32>
    %add3A_146 = vector.broadcast %get3A_145 : vector<1x64xf32> to vector<4x64xf32>
    %add3A_147 = arith.addf %dot_general3A_142, %add3A_146 : vector<4x64xf32>
    %max3A_148 = arith.constant 0.000000e+00 : f32
    %max3A_149 = vector.broadcast %max3A_148 : f32 to vector<4x64xf32>
    %max3A_150 = arith.maximumf %add3A_147, %max3A_149 : vector<4x64xf32>
    %get3A_151 = arith.constant 0 : index
    %get3A_152 = arith.constant 0 : index
    %get3A_153 = vector.load %arg6[%get3A_151, %get3A_152] : memref<64x8xf32, #tpu.memory_space<vmem>>, vector<64x8xf32>
    %dot_general3A_154 = arith.constant dense<0.000000e+00> : vector<4x8xf32>
    %dot_general3A_155 = tpu.matmul %max3A_150, %get3A_153, %dot_general3A_154 {dimension_numbers = #tpu.dot_dimension_numbers<[1], [0], [0], [1], [0, 0, 1, 1], [], []>, transpose_lhs_hint = false} : vector<4x64xf32>, vector<64x8xf32>, vector<4x8xf32> -> vector<4x8xf32>
    %get3A_156 = arith.constant 0 : index
    %get3A_157 = arith.constant 0 : index
    %get3A_158 = vector.load %arg7[%get3A_156, %get3A_157] : memref<1x8xf32, #tpu.memory_space<vmem>>, vector<1x8xf32>
    %add3A_159 = vector.broadcast %get3A_158 : vector<1x8xf32> to vector<4x8xf32>
    %add3A_160 = arith.addf %dot_general3A_155, %add3A_159 : vector<4x8xf32>
    %max3A_161 = arith.constant 0.000000e+00 : f32
    %max3A_162 = vector.broadcast %max3A_161 : f32 to vector<4x8xf32>
    %max3A_163 = arith.maximumf %add3A_160, %max3A_162 : vector<4x8xf32>
    %slice3A_164 = vector.extract_strided_slice %max3A_163 {offsets = [0, 0], sizes = [4, 1], strides = [1, 1]} : vector<4x8xf32> to vector<4x1xf32>
    %get3A_165 = arith.constant 0 : index
    %get3A_166 = arith.constant 0 : index
    %get3A_167 = vector.load %arg3[%get3A_165, %get3A_166] : memref<2x1xf32, #tpu.memory_space<vmem>>, vector<2x1xf32>
    %get3A_168 = arith.constant 0 : index
    %get3A_169 = arith.constant 0 : index
    %get3A_170 = vector.load %arg3[%get3A_168, %get3A_169] : memref<2x1xf32, #tpu.memory_space<vmem>>, vector<2x1xf32>
    %concatenate3A_171 = tpu.concatenate %get3A_167, %get3A_170 in 0 : vector<2x1xf32>, vector<2x1xf32> -> vector<4x1xf32>
    %sub3A_172 = arith.subf %slice3A_164, %concatenate3A_171 : vector<4x1xf32>
    %integer_pow3A_173 = arith.mulf %sub3A_172, %sub3A_172 : vector<4x1xf32>
    %reduce_sum3A_174 = arith.constant dense<0.000000e+00> : vector<1xf32>
    %reduce_sum3A_175 = vector.multi_reduction <add>, %integer_pow3A_173, %reduce_sum3A_174 [0] : vector<4x1xf32> to vector<1xf32>
    %broadcast_in_dim3A_176 = vector.shape_cast %reduce_sum3A_175 : vector<1xf32> to vector<1x1xf32>
    %div3A_177 = arith.constant 4.000000e+00 : f32
    %div3A_178 = vector.broadcast %div3A_177 : f32 to vector<1x1xf32>
    %div3A_179 = arith.divf %broadcast_in_dim3A_176, %div3A_178 : vector<1x1xf32>
    %swap3A_180 = arith.constant 0 : index
    %swap3A_181 = arith.constant 0 : index
    %swap3A_182 = vector.load %arg11[%swap3A_180, %swap3A_181] : memref<1x1xf32, #tpu.memory_space<vmem>>, vector<1x1xf32>
    tpu.vector_store %arg11[%swap3A_180, %swap3A_181], %div3A_179 {strides = array<i32>} : memref<1x1xf32, #tpu.memory_space<vmem>>, vector<1x1xf32>,
    %add3A_183 = arith.addf %div3A_32, %div3A_106 : vector<1x1xf32>
    %mul3A_184 = arith.constant 5.000000e+00 : f32
    %mul3A_185 = vector.broadcast %mul3A_184 : f32 to vector<1x1xf32>
    %mul3A_186 = arith.mulf %mul3A_185, %add3A_183 : vector<1x1xf32>
    %div3A_187 = arith.constant 2.000000e+00 : f32
    %div3A_188 = vector.broadcast %div3A_187 : f32 to vector<1x1xf32>
    %div3A_189 = arith.divf %mul3A_186, %div3A_188 : vector<1x1xf32>
    %swap3A_190 = arith.constant 0 : index
    %swap3A_191 = arith.constant 0 : index
    %swap3A_192 = vector.load %arg12[%swap3A_190, %swap3A_191] : memref<1x1xf32, #tpu.memory_space<vmem>>, vector<1x1xf32>
    tpu.vector_store %arg12[%swap3A_190, %swap3A_191], %div3A_189 {strides = array<i32>} : memref<1x1xf32, #tpu.memory_space<vmem>>, vector<1x1xf32>,
    return
  }
}

</mosaic_0001>

<sc_bundles>
// kernel: kernel.11.cloned.1.call-start
scs
__scs_entry_jumppad:
0x0: {  	(pc) =	sbr.rel $0x88, $3  }
0x1: {  	(tag) =	ssettag $0x0;
	lr =	simm.s32 $0x1  }
0x2: {  	[smem:$0x3F92] =	sst lr;
	_ =	strace $0xD0000000  }
0x3: {  	_ = 	snop  }
0x4: {  	_ = 	snop  }
0x5: {  	_ = 	snop  }
0x6: {  	_ = 	snop  }
0x7: {  	_ = 	snop  }
__scs_overlays_trampoline_lowered:
0x8: {  	[smem:$0x3FA1] =	sst s0  }
0x9: {  	[smem:$0x3FA2] =	sst s1  }
0xa: {  	[smem:$0x3FA3] =	sst s2  }
0xb: {  	[smem:$0x3FA4] =	sst s3  }
0xc: {  	[smem:$0x3FA5] =	sst s4  }
0xd: {  	[smem:$0x3FA6] =	sst s5  }
0xe: {  	[smem:$0x3FA7] =	sst s6  }
0xf: {  	[smem:$0x3FA8] =	sst s7  }
0x10: {  	[smem:$0x3FA9] =	sst s8  }
0x11: {  	[smem:$0x3FAA] =	sst s9;
	s0 =	simm.s32 @!p0 $0x0  }
0x12: {  	s1 =	sld [smem:$0x3F90];
	s0 =	simm.s32 @p0 $0x1  }
0x13: {  	[smem:$0x3FAB] =	sst s0;
	s0 =	simm.s32 @!p1 $0x0  }
0x14: {  	s2 =	sld [smem:$0x3F8F];
	s0 =	simm.s32 @p1 $0x1  }
0x15: {  	[smem:$0x3FAC] =	sst s0;
	s0 =	simm.s32 @!p2 $0x0  }
0x16: {  	s3 =	sld [smem:$0x3FDB];
	s0 =	simm.s32 @p2 $0x1  }
0x17: {  	s4 =	simm.s32 $0x1BF5;
	[smem:$0x3FAE] =	sst s0  }
0x18: {  	s0 =	sld [smem:$0x3F91];
	_ =	swait.ge [sflag:s4], $0x0  }
0x19: {  	s7 =	sld [smem:$0x3F92]  }
0x1a: {  	s8 =	sadd.s32 $0xFFFFE003, lr  }
0x1b: {  	s9 =	sadd.s32 $0xFFFFFEF7, lr;
	s5 =	simm.s32 $0xFFFFFFFF;
	p2 =	slt.u32 s8, $0xFFFFF086  }
0x1c: {  	p1 =	slt.u32 s9, $0xF7A;
	s5 =	simm.s32 @!p2 $0x0  }
0x1d: {  	s5 =	simm.s32 @p1 $0x1;
	p0 =	seq.s32 s7, s2  }
0x1e: {  	s7 =	smul.u32 @!p0 $0xF7A, s2;
	p2 =	seq.s32 @!p0 s5, $0x0  }
0x1f: {  	s9 =	smul.u32 $0xF7A, s1;
	s8 =	simm.s32 @!p0 $0x1BF5;
	p2 =	por !p2, p0  }
0x20: {  	[sflag:s8] =	ssyncset.s32 @!p0 $0xFFFFF086;
	s6 =	sadd.s32 @!p0 s3, s7;
	s7 =	simm.s32 @!p0 $0x108  }
0x21: {  	s3 =	sadd.s32 s3, s9;
	s6 =	sadd.s32 @!p0 $0x88, s6;
	s7 =	simm.s32 @p2 $0x1082  }
0x22: {  	[simem:s7], [sflag:s8] =	dma.local @!p0 [hbm:s6], $0xF7A  }
0x23: {  	s9 =	sor.u32 $0xD0000000, s2;
	s6 =	simm.s32 $0x108;
	_ =	swait.ge @!p0 [sflag:s8], $0x0  }
0x24: {  	s3 =	sadd.s32 $0x88, s3;
	s6 =	simm.s32 @!p1 $0x1082;
	[sflag:s4] =	ssyncset.s32 $0xFFFFF086  }
0x25: {  	[simem:s6], [sflag:s4] =	dma.local [hbm:s3], $0xF7A  }
0x26: {  	[smem:$0x3F92] =	sst s1;
	(tag) =	ssettag s2;
	_ =	strace s9  }
0x27: {  	s1 =	sld [smem:$0x3FA2]  }
0x28: {  	s2 =	sld [smem:$0x3FA3]  }
0x29: {  	s4 =	sld [smem:$0x3FA5]  }
0x2a: {  	p0 =	seq.s32 s5, $0x0;
	s5 =	sld [smem:$0x3FA6]  }
0x2b: {  	s6 =	sld [smem:$0x3FA7]  }
0x2c: {  	s7 =	sld [smem:$0x3FA8]  }
0x2d: {  	s3 =	simm.s32 $0x108;
	s8 =	sld [smem:$0x3FA9]  }
0x2e: {  	s3 =	simm.s32 @!p0 $0x1082;
	s9 =	sld [smem:$0x3FAA]  }
0x2f: {  	lr =	sadd.s32 s0, s3;
	s0 =	sld [smem:$0x3FA1]  }
0x30: {  	s3 =	sld [smem:$0x3FA4]  }
0x31: {  	[smem:$0x3FAD] =	sst s10  }
0x32: {  	s10 =	sld [smem:$0x3FAB];
	_ =	sdelay $0x3  }
0x33: {  	p0 =	seq.s32 s10, $0x1;
	s10 =	sld [smem:$0x3FAD];
	_ =	sdelay $0x3  }
0x34: {  	[smem:$0x3FAD] =	sst s10  }
0x35: {  	s10 =	sld [smem:$0x3FAC];
	_ =	sdelay $0x3  }
0x36: {  	p1 =	seq.s32 s10, $0x1;
	s10 =	sld [smem:$0x3FAD];
	_ =	sdelay $0x3  }
0x37: {  	[smem:$0x3FAD] =	sst s10  }
0x38: {  	s10 =	sld [smem:$0x3FAE]  }
0x39: {  	_ = 	snop;
	(pc) =	sbr.ind lr, $3  }
0x3a: {  	_ = 	snop  }
0x3b: {  	_ = 	snop  }
0x3c: {  	p2 =	seq.s32 s10, $0x1;
	s10 =	sld [smem:$0x3FAD]  }
0x3d: {  	_ =	shalt  }
0x3e: {  	_ =	shalt  }
0x3f: {  	_ =	shalt  }
0x40: {  	_ =	shalt  }
0x41: {  	_ =	shalt  }
0x42: {  	_ =	shalt  }
0x43: {  	_ =	shalt  }
0x44: {  	_ =	shalt  }
0x45: {  	_ =	shalt  }
0x46: {  	_ =	shalt  }
0x47: {  	_ =	shalt  }
0x48: {  	_ =	shalt  }
0x49: {  	_ =	shalt  }
0x4a: {  	_ =	shalt  }
0x4b: {  	_ =	shalt  }
0x4c: {  	_ =	shalt  }
0x4d: {  	_ =	shalt  }
0x4e: {  	_ =	shalt  }
0x4f: {  	_ =	shalt  }
0x50: {  	_ =	shalt  }
0x51: {  	_ =	shalt  }
0x52: {  	_ =	shalt  }
0x53: {  	_ =	shalt  }
0x54: {  	_ =	shalt  }
0x55: {  	_ =	shalt  }
0x56: {  	_ =	shalt  }
0x57: {  	_ =	shalt  }
0x58: {  	_ =	shalt  }
0x59: {  	_ =	shalt  }
0x5a: {  	_ =	shalt  }
0x5b: {  	_ =	shalt  }
0x5c: {  	_ =	shalt  }
0x5d: {  	_ =	shalt  }
0x5e: {  	_ =	shalt  }
0x5f: {  	_ =	shalt  }
0x60: {  	_ =	shalt  }
0x61: {  	_ =	shalt  }
0x62: {  	_ =	shalt  }
0x63: {  	_ =	shalt  }
0x64: {  	_ =	shalt  }
0x65: {  	_ =	shalt  }
0x66: {  	_ =	shalt  }
0x67: {  	_ =	shalt  }
0x68: {  	_ =	shalt  }
0x69: {  	_ =	shalt  }
0x6a: {  	_ =	shalt  }
0x6b: {  	_ =	shalt  }
0x6c: {  	_ =	shalt  }
0x6d: {  	_ =	shalt  }
0x6e: {  	_ =	shalt  }
0x6f: {  	_ =	shalt  }
0x70: {  	_ =	shalt  }
0x71: {  	_ =	shalt  }
0x72: {  	_ =	shalt  }
0x73: {  	_ =	shalt  }
0x74: {  	_ =	shalt  }
0x75: {  	_ =	shalt  }
0x76: {  	_ =	shalt  }
0x77: {  	_ =	shalt  }
0x78: {  	_ =	shalt  }
0x79: {  	_ =	shalt  }
0x7a: {  	_ =	shalt  }
0x7b: {  	_ =	shalt  }
0x7c: {  	_ =	shalt  }
0x7d: {  	_ =	shalt  }
0x7e: {  	_ =	shalt  }
0x7f: {  	_ =	shalt  }
0x80: {  	_ =	shalt  }
0x81: {  	_ =	shalt  }
0x82: {  	_ =	shalt  }
0x83: {  	_ =	shalt  }
0x84: {  	_ =	shalt  }
0x85: {  	_ =	shalt  }
0x86: {  	_ =	shalt  }
0x87: {  	_ =	shalt  }
.Lfunc_end0:
.L_simem_size_0:
called_computation_lowered:
.L_overlay_start_0:
0x88: {  	s2 =	sld [smem:$0x3FD9]  }
0x89: {  	s3 =	sld [smem:$0x3FFE];
	_ =	sdelay $0x1  }
0x8a: {  	s1 =	srdreg.scid  }
0x8b: {  	s0 =	sand.u32 $0x1, s1  }
0x8c: {  	s14 =	sshll.u32 s0, $0xA;
	s2 =	sadd.s32 s3, s2  }
0x8d: {  	s2 =	sadd.s32 s2, s14  }
0x8e: {  	[smem:$0x3FB9] =	sst s2  }
0x8f: {  	_ = 	snop  }
0x90: {  	s2 =	sld [smem:$0x3FD0];
	_ =	sdelay $0x2  }
0x91: {  	s15 =	simm.s32 $0xB;
	s4 =	simm.s32 $0x10  }
0x92: {  	[smem:s4], [sflag:s15] =	dma.local [hbm:s2], $0x1  }
0x93: {  	_ =	swait.eq [sflag:s15], $0x1  }
0x94: {  	[sflag:s15] =	ssyncset.done $0x0  }
0x95: {  	s16 =	sld [smem:$0x13];
	[sflag:s15] =	ssyncadd.s32 $0xFFFFFFFF  }
0x96: {  	s17 =	sld [smem:$0x14];
	(tm) =	ssettm $0x1  }
0x97: {  	s18 =	sld [smem:$0x3FFB];
	_ =	sdelay $0x3  }
0x98: {  	_ =	strace s18  }
0x99: {  	s4 =	sld [smem:$0x3FFC];
	_ =	sdelay $0x3  }
0x9a: {  	_ =	strace s4  }
0x9b: {  	s4 =	sld [smem:$0x3FFD];
	_ =	sdelay $0x3  }
0x9c: {  	_ =	strace s4  }
0x9d: {  	_ =	strace $0x8FFFFFFF  }
0x9e: {  	s19 =	sld [smem:$0x3FDB];
	_ =	sdelay $0x1  }
0x9f: {  	s5 =	simm.s32 $_scs_section_size  }
0xa0: {  	s6 =	simm.s32 $_size__tile_overlayer_lowered;
	s7 =	simm.s32 $_tile_overlayer_lowered  }
0xa1: {  	s22 =	simm.s32 $0x1BFF;
	s21 =	sshll.u32 s7, $0x1;
	s4 =	sadd.s32 s5, s19  }
0xa2: {  	s8 =	simm.s32 $0x0;
	s20 =	sshll.u32 s6, $0x1;
	s6 =	sadd.s32 s21, s4  }
0xa3: {  	[timem:s8], [sflag:s22] =	dma.local [hbm:s6], s20  }
0xa4: {  	_ =	swait.ge [sflag:s22], s20  }
0xa5: {  	s5 =	ssub.s32 $0x0, s20;
	[sflag:s22] =	ssyncset.done $0x0  }
0xa6: {  	[sflag:s22] =	ssyncadd.s32 s5;
	_ =	sdelay $0x1  }
0xa7: {  	s23 =	simm.s32 $0x1B8B  }
0xa8: {  	_ =	swait.ge [sflag:s23], $0x1  }
0xa9: {  	[sflag:s23] =	ssyncset.done $0x0  }
0xaa: {  	s25 =	simm.s32 $0x1B8E;
	s24 =	sld [smem:$0x3FFE];
	[sflag:s23] =	ssyncadd.s32 $0xFFFFFFFF  }
0xab: {  	s26 =	simm.s32 $execute0_lowered;
	[smem:$0x3FD2] =	sst s25  }
0xac: {  	s6 =	sshll.u32 s26, $0x1;
	_ =	strace $0x80000046;
	[dreg:$0x1] =	wrdreg $0xFFFFFFFF  }
0xad: {  	s28 =	simm.s32 $_size_execute0_lowered;
	s4 =	sadd.s32 s4, s6;
	[dreg:$0x0] =	wrdreg $0x0  }
0xae: {  	s6 =	sshll.u32 s28, $0x1;
	[dreg:$0x2] =	wrdreg s4  }
0xaf: {  	[dreg:$0x3] =	wrdreg s6  }
0xb0: {  	[dreg:$0x4] =	wrdreg $0xC0  }
0xb1: {  	_ =	task [dreg:s8], $0x5FFFF  }
0xb2: {  	[dreg:$0x1] =	wrdreg $0xFFFFFFFF  }
0xb3: {  	[dreg:$0x0] =	wrdreg $0x60  }
0xb4: {  	[dreg:$0x2] =	wrdreg s24  }
0xb5: {  	[dreg:$0x3] =	wrdreg s17  }
0xb6: {  	[dreg:$0x4] =	wrdreg s16  }
0xb7: {  	[dreg:$0x5] =	wrdreg $0x1000  }
0xb8: {  	[dreg:$0x6] =	wrdreg $0x9  }
0xb9: {  	_ =	task.clear_ibuf [dreg:s8], $0x7FFFF;
	_ =	strace $0x90000046  }
0xba: {  	s29 =	simm.s32 $0x9;
	_ =	strace $0x80000048  }
0xbb: {  	_ =	swait.ge [sflag:s29], $0x1  }
0xbc: {  	[sflag:s29] =	ssyncadd.s32 $0xFFFFFFFF  }
0xbd: {  	_ =	strace $0x90000048  }
0xbe: {  	_ =	sfence  }
0xbf: {  	s30 =	sld [smem:$0x0];
	_ =	sdelay $0x2  }
0xc0: {  	s31 =	sshll.u32 s1, $0xD;
	s1 =	sshrl.u32 s1, $0x2  }
0xc1: {  	s3 =	sand.u32 $0x4000, s31;
	s1 =	sadd.s32 s1, s30  }
0xc2: {  	s0 =	sor.u32 s3, s0;
	s1 =	sshll.u32 s1, $0x11  }
0xc3: {  	s0 =	sor.u32 s1, s0  }
0xc4: {  	s0 =	sadd.s32 $0x8F2B, s0  }
0xc5: {  	[sflag:s0] =	ssyncadd.remote.s32 $0x1  }
0xc6: {  	_ =	sfence.sel $0xFFFF  }
0xc7: {  	[dreg:$0x0] =	wrdreg $0xFFFFFFFF;
	(pc) =	sbr.abs _section_cstart, $3  }
0xc8: {  	[dreg:$0x1] =	wrdreg $0xFFFFFFFF  }
0xc9: {  	_ =	task.clear_ibuf [dreg:s8], $0x2FFFF;
	_ =	strace $0x9FFFFFFF  }
0xca: {  	(tm) =	ssettm $0x7FFFFFFF  }
0xcb: {  	_ =	shalt  }
tec
execute0_lowered:
.L_overlay_start_1:
0x0: {  	(tag) =	ssettag $0x1  }
0x1: {  	s7 =	rddreg [dreg:$0x0]  }
0x2: {  	s1 =	rddreg [dreg:$0x1]  }
0x3: {  	s2 =	rddreg [dreg:$0x2]  }
0x4: {  	s3 =	rddreg [dreg:$0x3];
	s4 =	srdreg.scid  }
0x5: {  	s0 =	rddreg [dreg:$0x4];
	s5 =	simm.s32 $0x0;
	s14 =	simm.s32 $0x80  }
0x6: {  	s15 =	simm.s32 $0x0;
	s6 =	sand.u32 $0x1, s4;
	s4 =	stileid.u32  }
0x7: {  	[smem:$0x7FF] =	sst s5;
	s8 =	smul.u32 $0x13880, s6;
	s9 =	sshll.u32 s4, $0x7  }
0x8: {  	s10 =	smul.u32 $0x1400, s6;
	_ =	strace $0x80000047;
	s30 =	ssub.s32 $0x2, s6  }
0x9: {  	p0 =	slt.u32 s4, $0x8;
	s6 =	simm.s32 $0x3;
	s31 =	sshll.u32 s4, $0x6  }
0xa: {  	s12 =	sshrl.u32 s30, $0x1;
	s6 =	simm.s32 @!p0 $0x2;
	s8 =	sadd.s32 s9, s8  }
0xb: {  	p0 =	seq.s32 s4, $0x0;
	s10 =	sadd.s32 s9, s10;
	s8 =	sshrl.u32 s8, $0x3  }
0xc: {  	s29 =	sshrl.u32 s10, $0x3;
	s10 =	ssub.s32 s30, s12;
	s11 =	sadd.s32 s8, s7  }
0xd: {  	s13 =	sadd.s32 s29, s7;
	s7 =	simm.s32 $0x28;
	s8 =	sadd.s32 s9, s3  }
0xe: {  	s9 =	sor.u32 $0x1C01, s31;
	s10 =	smax.u32 s10, $0x1;
	s7 =	simm.s32 @!p0 $0x27  }
0xf: {  	s11 =	sadd.s32 $0x4A00, s11;
	s12 =	sadd.s32 $0x9A00, s13;
	s13 =	simm.s32 $0x1  }
.LBB2_1:
0x10: {  	p0 =	sne.s32 s6, $0x1  }
.Ltmp0:
0x11: {  	_ = 	snop;
	(pc) =	sbr.rel @!p0 .LBB2_3-.Ltmp0, $4  }
0x12: {  	s16 =	sshrl.u32 s8, $0x3  }
0x13: {  	[spmem:s16], [sflag:s9] =	dma.local [hbm:s2], $0x10  }
0x14: {  	_ =	swait.ge [sflag:s13], $0x10  }
0x15: {  	s17 =	sadd.s32 $0xFFFFFFFF, s6;
	s18 =	sadd.s32 $0x800, s8;
	[sflag:s13] =	ssyncset.done $0x0  }
.LBB2_2:
0x16: {  	s19 =	sshrl.u32 s18, $0x3;
	[sflag:s13] =	ssyncadd.s32 $0xFFFFFFF0;
	p1 =	sne.s32 s17, $0x1  }
0x17: {  	[spmem:s19], [sflag:s9] =	dma.local [hbm:s2], $0x10  }
.Ltmp1:
0x18: {  	_ = 	snop;
	(pc) =	sbr.rel @p1 .LBB2_2-.Ltmp1, $4  }
0x19: {  	_ = 	snop  }
0x1a: {  	s17 =	sadd.s32 $0xFFFFFFFF, s17  }
0x1b: {  	_ =	swait.ge [sflag:s13], $0x10  }
0x1c: {  	s18 =	sadd.s32 $0x800, s18;
	[sflag:s13] =	ssyncset.done $0x0  }
.LBB2_3:
0x1d: {  	[sflag:s13] =	ssyncadd.s32 $0xFFFFFFF0  }
0x1e: {  	[tilespmem:s14], [sflag:$0x1] =	stream.linear.gather [hbm4b:s1+s5], $0x80, $0x38;
	[tilespmem:$0x240] =	vst v63  }
0x1f: {  	_ =	swait.ge [sflag:s13], $0x80  }
0x20: {  	[sflag:s13] =	ssyncset.done $0x0  }
0x21: {  	[sflag:s13] =	ssyncadd.s32 $0xFFFFFF80  }
0x22: {  	[bflag:$0x0] =	sbarrier.arrive $0xFFFF  }
0x23: {  	[tilespmem:s5], [sflag:$0x1] =	stream.linear.gather [hbm4b:s11+s5], $0x80, $0x38;
	[tilespmem:$0x240] =	vst v63  }
0x24: {  	p1 =	sne.s32 s7, $0x1;
	_ =	swait.ge [sflag:s13], $0x80  }
.Ltmp2:
0x25: {  	[sflag:s13] =	ssyncset.done $0x0;
	(pc) =	sbr.rel @!p1 .LBB2_5-.Ltmp2, $4  }
0x26: {  	[sflag:s13] =	ssyncadd.s32 $0xFFFFFF80  }
0x27: {  	[spmem:s3] =	stream.indirect.scatter.add.f32 [tilespmem:s14], [sflag:$0x1], $0x1, s5, s14, $0xb8;
	[tilespmem:$0x240] =	vst v63  }
0x28: {  	_ =	swait.ge [sflag:s13], $0x80  }
0x29: {  	s17 =	sadd.s32 $0xFFFFFFFF, s7;
	s18 =	smov.u32 s11;
	[sflag:s13] =	ssyncset.done $0x0  }
.LBB2_4:
0x2a: {  	p1 =	sne.s32 s17, $0x1;
	[sflag:s13] =	ssyncadd.s32 $0xFFFFFF80;
	s18 =	sadd.s32 $0x100, s18  }
0x2b: {  	[tilespmem:s5], [sflag:$0x1] =	stream.linear.gather [hbm4b:s18+s5], $0x80, $0x38;
	[tilespmem:$0x240] =	vst v63  }
0x2c: {  	s17 =	sadd.s32 $0xFFFFFFFF, s17;
	_ =	swait.ge [sflag:s13], $0x80  }
.Ltmp3:
0x2d: {  	[sflag:s13] =	ssyncset.done $0x0;
	(pc) =	sbr.rel @p1 .LBB2_4-.Ltmp3, $4  }
0x2e: {  	[sflag:s13] =	ssyncadd.s32 $0xFFFFFF80  }
0x2f: {  	[spmem:s3] =	stream.indirect.scatter.add.f32 [tilespmem:s14], [sflag:$0x1], $0x1, s5, s14, $0xb8;
	[tilespmem:$0x240] =	vst v63  }
0x30: {  	_ =	swait.ge [sflag:s13], $0x80  }
0x31: {  	[sflag:s13] =	ssyncset.done $0x0  }
.LBB2_5:
.Ltmp4:
0x32: {  	[sflag:s13] =	ssyncadd.s32 $0xFFFFFF80;
	(pc) =	sbr.rel @!p0 .LBB2_7-.Ltmp4, $4  }
0x33: {  	[bflag:$0x0] =	sbarrier.arrive $0xFFFF  }
0x34: {  	[hbm:s12], [sflag:s9] =	dma.local [spmem:s16], $0x10  }
0x35: {  	s17 =	sadd.s32 $0x800, s8;
	_ =	swait.ge [sflag:s13], $0x10  }
0x36: {  	s18 =	smov.u32 s12;
	s16 =	sadd.s32 $0xFFFFFFFF, s6;
	[sflag:s13] =	ssyncset.done $0x0  }
.LBB2_6:
0x37: {  	s19 =	sshrl.u32 s17, $0x3  }
0x38: {  	[sflag:s13] =	ssyncadd.s32 $0xFFFFFFF0;
	s18 =	sadd.s32 $0x100, s18;
	p0 =	sne.s32 s16, $0x1  }
0x39: {  	[hbm:s18], [sflag:s9] =	dma.local [spmem:s19], $0x10  }
.Ltmp5:
0x3a: {  	_ = 	snop;
	(pc) =	sbr.rel @p0 .LBB2_6-.Ltmp5, $4  }
0x3b: {  	_ = 	snop  }
0x3c: {  	s16 =	sadd.s32 $0xFFFFFFFF, s16  }
0x3d: {  	_ =	swait.ge [sflag:s13], $0x10  }
0x3e: {  	s17 =	sadd.s32 $0x800, s17;
	[sflag:s13] =	ssyncset.done $0x0  }
.LBB2_7:
0x3f: {  	s15 =	sadd.s32 $0x1, s15  }
0x40: {  	p0 =	sne.s32 s15, s10  }
.Ltmp6:
0x41: {  	_ = 	snop;
	(pc) =	sbr.rel @p0 .LBB2_1-.Ltmp6, $2  }
0x42: {  	_ =	sdelay $0x2  }
0x43: {  	[sflag:s13] =	ssyncadd.s32 $0xFFFFFFF0  }
0x44: {  	_ =	sfence.sel $0x180000  }
0x45: {  	[bflag:$0x0] =	sbarrier.arrive $0xFFFF  }
0x46: {  	p0 =	sne.s32 s4, $0x0;
	_ =	strace $0x90000047  }
0x47: {  	s0 =	sadd.s32 @!p0 $0x100000, s0;
	[bflag:$0x2] =	sbarrier.arrive $0xFFFF  }
0x48: {  	[sflag:s0] =	ssyncadd.tile.s32 @!p0 $0x1;
	_ =	shalt  }
.Lfunc_end2:
_tile_overlayer_lowered:
.L_overlay_start_2:
0x49: {  	(tag) =	ssettag $0x2  }
0x4a: {  	s0 =	rddreg [dreg:$0x0];
	s2 =	stileid.u32  }
0x4b: {  	s1 =	rddreg [dreg:$0x1];
	p0 =	sne.s32 s2, $0x0  }
0x4c: {  	s3 =	rddreg [dreg:$0x2];
	[bflag:$0x3] =	sbarrier.arrive $0xFFFF;
	s2 =	simm.s32 @!p0 $0x1C01  }
0x4d: {  	[timem:s3], [sflag:s2] =	dma.local @!p0 [hbm:s0], s1  }
0x4e: {  	s0 =	simm.s32 @!p0 $0x1  }
0x4f: {  	_ =	swait.ge @!p0 [sflag:s0], s1  }
0x50: {  	s1 =	ssub.s32 @!p0 $0x0, s1;
	[sflag:s0] =	ssyncset.done @!p0 $0x0  }
0x51: {  	[sflag:s0] =	ssyncadd.s32 @!p0 s1  }
0x52: {  	[bflag:$0x3] =	sbarrier.arrive $0xFFFF  }
0x53: {  	_ =	shalt  }

// kernel: kernel.14.cloned.1.call-start
scs
__scs_entry_jumppad:
0x0: {  	(pc) =	sbr.rel $0x88, $3  }
0x1: {  	(tag) =	ssettag $0x0;
	lr =	simm.s32 $0x1  }
0x2: {  	[smem:$0x3F92] =	sst lr;
	_ =	strace $0xD0000000  }
0x3: {  	_ = 	snop  }
0x4: {  	_ = 	snop  }
0x5: {  	_ = 	snop  }
0x6: {  	_ = 	snop  }
0x7: {  	_ = 	snop  }
__scs_overlays_trampoline_lowered:
0x8: {  	[smem:$0x3FA1] =	sst s0  }
0x9: {  	[smem:$0x3FA2] =	sst s1  }
0xa: {  	[smem:$0x3FA3] =	sst s2  }
0xb: {  	[smem:$0x3FA4] =	sst s3  }
0xc: {  	[smem:$0x3FA5] =	sst s4  }
0xd: {  	[smem:$0x3FA6] =	sst s5  }
0xe: {  	[smem:$0x3FA7] =	sst s6  }
0xf: {  	[smem:$0x3FA8] =	sst s7  }
0x10: {  	[smem:$0x3FA9] =	sst s8  }
0x11: {  	[smem:$0x3FAA] =	sst s9;
	s0 =	simm.s32 @!p0 $0x0  }
0x12: {  	s1 =	sld [smem:$0x3F90];
	s0 =	simm.s32 @p0 $0x1  }
0x13: {  	[smem:$0x3FAB] =	sst s0;
	s0 =	simm.s32 @!p1 $0x0  }
0x14: {  	s2 =	sld [smem:$0x3F8F];
	s0 =	simm.s32 @p1 $0x1  }
0x15: {  	[smem:$0x3FAC] =	sst s0;
	s0 =	simm.s32 @!p2 $0x0  }
0x16: {  	s3 =	sld [smem:$0x3FDB];
	s0 =	simm.s32 @p2 $0x1  }
0x17: {  	s4 =	simm.s32 $0x1BF5;
	[smem:$0x3FAE] =	sst s0  }
0x18: {  	s0 =	sld [smem:$0x3F91];
	_ =	swait.ge [sflag:s4], $0x0  }
0x19: {  	s7 =	sld [smem:$0x3F92]  }
0x1a: {  	s8 =	sadd.s32 $0xFFFFE003, lr  }
0x1b: {  	s9 =	sadd.s32 $0xFFFFFEF7, lr;
	s5 =	simm.s32 $0xFFFFFFFF;
	p2 =	slt.u32 s8, $0xFFFFF086  }
0x1c: {  	p1 =	slt.u32 s9, $0xF7A;
	s5 =	simm.s32 @!p2 $0x0  }
0x1d: {  	s5 =	simm.s32 @p1 $0x1;
	p0 =	seq.s32 s7, s2  }
0x1e: {  	s7 =	smul.u32 @!p0 $0xF7A, s2;
	p2 =	seq.s32 @!p0 s5, $0x0  }
0x1f: {  	s9 =	smul.u32 $0xF7A, s1;
	s8 =	simm.s32 @!p0 $0x1BF5;
	p2 =	por !p2, p0  }
0x20: {  	[sflag:s8] =	ssyncset.s32 @!p0 $0xFFFFF086;
	s6 =	sadd.s32 @!p0 s3, s7;
	s7 =	simm.s32 @!p0 $0x108  }
0x21: {  	s3 =	sadd.s32 s3, s9;
	s6 =	sadd.s32 @!p0 $0x88, s6;
	s7 =	simm.s32 @p2 $0x1082  }
0x22: {  	[simem:s7], [sflag:s8] =	dma.local @!p0 [hbm:s6], $0xF7A  }
0x23: {  	s9 =	sor.u32 $0xD0000000, s2;
	s6 =	simm.s32 $0x108;
	_ =	swait.ge @!p0 [sflag:s8], $0x0  }
0x24: {  	s3 =	sadd.s32 $0x88, s3;
	s6 =	simm.s32 @!p1 $0x1082;
	[sflag:s4] =	ssyncset.s32 $0xFFFFF086  }
0x25: {  	[simem:s6], [sflag:s4] =	dma.local [hbm:s3], $0xF7A  }
0x26: {  	[smem:$0x3F92] =	sst s1;
	(tag) =	ssettag s2;
	_ =	strace s9  }
0x27: {  	s1 =	sld [smem:$0x3FA2]  }
0x28: {  	s2 =	sld [smem:$0x3FA3]  }
0x29: {  	s4 =	sld [smem:$0x3FA5]  }
0x2a: {  	p0 =	seq.s32 s5, $0x0;
	s5 =	sld [smem:$0x3FA6]  }
0x2b: {  	s6 =	sld [smem:$0x3FA7]  }
0x2c: {  	s7 =	sld [smem:$0x3FA8]  }
0x2d: {  	s3 =	simm.s32 $0x108;
	s8 =	sld [smem:$0x3FA9]  }
0x2e: {  	s3 =	simm.s32 @!p0 $0x1082;
	s9 =	sld [smem:$0x3FAA]  }
0x2f: {  	lr =	sadd.s32 s0, s3;
	s0 =	sld [smem:$0x3FA1]  }
0x30: {  	s3 =	sld [smem:$0x3FA4]  }
0x31: {  	[smem:$0x3FAD] =	sst s10  }
0x32: {  	s10 =	sld [smem:$0x3FAB];
	_ =	sdelay $0x3  }
0x33: {  	p0 =	seq.s32 s10, $0x1;
	s10 =	sld [smem:$0x3FAD];
	_ =	sdelay $0x3  }
0x34: {  	[smem:$0x3FAD] =	sst s10  }
0x35: {  	s10 =	sld [smem:$0x3FAC];
	_ =	sdelay $0x3  }
0x36: {  	p1 =	seq.s32 s10, $0x1;
	s10 =	sld [smem:$0x3FAD];
	_ =	sdelay $0x3  }
0x37: {  	[smem:$0x3FAD] =	sst s10  }
0x38: {  	s10 =	sld [smem:$0x3FAE]  }
0x39: {  	_ = 	snop;
	(pc) =	sbr.ind lr, $3  }
0x3a: {  	_ = 	snop  }
0x3b: {  	_ = 	snop  }
0x3c: {  	p2 =	seq.s32 s10, $0x1;
	s10 =	sld [smem:$0x3FAD]  }
0x3d: {  	_ =	shalt  }
0x3e: {  	_ =	shalt  }
0x3f: {  	_ =	shalt  }
0x40: {  	_ =	shalt  }
0x41: {  	_ =	shalt  }
0x42: {  	_ =	shalt  }
0x43: {  	_ =	shalt  }
0x44: {  	_ =	shalt  }
0x45: {  	_ =	shalt  }
0x46: {  	_ =	shalt  }
0x47: {  	_ =	shalt  }
0x48: {  	_ =	shalt  }
0x49: {  	_ =	shalt  }
0x4a: {  	_ =	shalt  }
0x4b: {  	_ =	shalt  }
0x4c: {  	_ =	shalt  }
0x4d: {  	_ =	shalt  }
0x4e: {  	_ =	shalt  }
0x4f: {  	_ =	shalt  }
0x50: {  	_ =	shalt  }
0x51: {  	_ =	shalt  }
0x52: {  	_ =	shalt  }
0x53: {  	_ =	shalt  }
0x54: {  	_ =	shalt  }
0x55: {  	_ =	shalt  }
0x56: {  	_ =	shalt  }
0x57: {  	_ =	shalt  }
0x58: {  	_ =	shalt  }
0x59: {  	_ =	shalt  }
0x5a: {  	_ =	shalt  }
0x5b: {  	_ =	shalt  }
0x5c: {  	_ =	shalt  }
0x5d: {  	_ =	shalt  }
0x5e: {  	_ =	shalt  }
0x5f: {  	_ =	shalt  }
0x60: {  	_ =	shalt  }
0x61: {  	_ =	shalt  }
0x62: {  	_ =	shalt  }
0x63: {  	_ =	shalt  }
0x64: {  	_ =	shalt  }
0x65: {  	_ =	shalt  }
0x66: {  	_ =	shalt  }
0x67: {  	_ =	shalt  }
0x68: {  	_ =	shalt  }
0x69: {  	_ =	shalt  }
0x6a: {  	_ =	shalt  }
0x6b: {  	_ =	shalt  }
0x6c: {  	_ =	shalt  }
0x6d: {  	_ =	shalt  }
0x6e: {  	_ =	shalt  }
0x6f: {  	_ =	shalt  }
0x70: {  	_ =	shalt  }
0x71: {  	_ =	shalt  }
0x72: {  	_ =	shalt  }
0x73: {  	_ =	shalt  }
0x74: {  	_ =	shalt  }
0x75: {  	_ =	shalt  }
0x76: {  	_ =	shalt  }
0x77: {  	_ =	shalt  }
0x78: {  	_ =	shalt  }
0x79: {  	_ =	shalt  }
0x7a: {  	_ =	shalt  }
0x7b: {  	_ =	shalt  }
0x7c: {  	_ =	shalt  }
0x7d: {  	_ =	shalt  }
0x7e: {  	_ =	shalt  }
0x7f: {  	_ =	shalt  }
0x80: {  	_ =	shalt  }
0x81: {  	_ =	shalt  }
0x82: {  	_ =	shalt  }
0x83: {  	_ =	shalt  }
0x84: {  	_ =	shalt  }
0x85: {  	_ =	shalt  }
0x86: {  	_ =	shalt  }
0x87: {  	_ =	shalt  }
.Lfunc_end0:
.L_simem_size_0:
called_computation.1_lowered:
.L_overlay_start_0:
0x88: {  	s2 =	sld [smem:$0x3FD9]  }
0x89: {  	s3 =	sld [smem:$0x3FFE];
	_ =	sdelay $0x1  }
0x8a: {  	s1 =	srdreg.scid  }
0x8b: {  	s0 =	sand.u32 $0x1, s1  }
0x8c: {  	s16 =	sshll.u32 s0, $0xA;
	s2 =	sadd.s32 s3, s2  }
0x8d: {  	s2 =	sadd.s32 s2, s16  }
0x8e: {  	[smem:$0x3FB9] =	sst s2  }
0x8f: {  	_ = 	snop  }
0x90: {  	(tm) =	ssettm $0x1  }
0x91: {  	s17 =	sld [smem:$0x3FFB];
	_ =	sdelay $0x3  }
0x92: {  	_ =	strace s17  }
0x93: {  	s2 =	sld [smem:$0x3FFC];
	_ =	sdelay $0x3  }
0x94: {  	_ =	strace s2  }
0x95: {  	s2 =	sld [smem:$0x3FFD];
	_ =	sdelay $0x3  }
0x96: {  	_ =	strace s2  }
0x97: {  	_ =	strace $0x8FFFFFFF  }
0x98: {  	s18 =	sld [smem:$0x3FDB];
	_ =	sdelay $0x1  }
0x99: {  	s19 =	simm.s32 $_scs_section_size  }
0x9a: {  	s4 =	simm.s32 $_size__tile_overlayer_lowered;
	s5 =	simm.s32 $_tile_overlayer_lowered  }
0x9b: {  	s22 =	simm.s32 $0x1BFF;
	s21 =	sshll.u32 s5, $0x1;
	s2 =	sadd.s32 s19, s18  }
0x9c: {  	s6 =	simm.s32 $0x0;
	s20 =	sshll.u32 s4, $0x1;
	s4 =	sadd.s32 s21, s2  }
0x9d: {  	[timem:s6], [sflag:s22] =	dma.local [hbm:s4], s20  }
0x9e: {  	_ =	swait.ge [sflag:s22], s20  }
0x9f: {  	s3 =	ssub.s32 $0x0, s20;
	[sflag:s22] =	ssyncset.done $0x0  }
0xa0: {  	[sflag:s22] =	ssyncadd.s32 s3;
	_ =	sdelay $0x1  }
0xa1: {  	s23 =	simm.s32 $0x1B8B  }
0xa2: {  	_ =	swait.ge [sflag:s23], $0x1  }
0xa3: {  	[sflag:s23] =	ssyncset.done $0x0  }
0xa4: {  	s25 =	simm.s32 $0x1B8E;
	s24 =	sld [smem:$0x3FFE];
	[sflag:s23] =	ssyncadd.s32 $0xFFFFFFFF  }
0xa5: {  	s26 =	simm.s32 $execute0_lowered;
	[smem:$0x3FD2] =	sst s25  }
0xa6: {  	s4 =	sshll.u32 s26, $0x1;
	_ =	strace $0x80000049;
	[dreg:$0x1] =	wrdreg $0xFFFFFFFF  }
0xa7: {  	s28 =	simm.s32 $_size_execute0_lowered;
	s2 =	sadd.s32 s2, s4;
	[dreg:$0x0] =	wrdreg $0x0  }
0xa8: {  	s4 =	sshll.u32 s28, $0x1;
	[dreg:$0x2] =	wrdreg s2  }
0xa9: {  	[dreg:$0x3] =	wrdreg s4  }
0xaa: {  	[dreg:$0x4] =	wrdreg $0xC0  }
0xab: {  	_ =	task [dreg:s6], $0x5FFFF  }
0xac: {  	[dreg:$0x1] =	wrdreg $0xFFFFFFFF  }
0xad: {  	[dreg:$0x0] =	wrdreg $0x60  }
0xae: {  	[dreg:$0x2] =	wrdreg s24  }
0xaf: {  	[dreg:$0x3] =	wrdreg $0x82000  }
0xb0: {  	[dreg:$0x4] =	wrdreg $0x9  }
0xb1: {  	_ =	task.clear_ibuf [dreg:s6], $0x5FFFF;
	_ =	strace $0x90000049  }
0xb2: {  	s29 =	simm.s32 $0x9;
	_ =	strace $0x8000004B  }
0xb3: {  	_ =	swait.ge [sflag:s29], $0x1  }
0xb4: {  	[sflag:s29] =	ssyncadd.s32 $0xFFFFFFFF  }
0xb5: {  	_ =	strace $0x9000004B  }
0xb6: {  	_ =	sfence  }
0xb7: {  	s30 =	sld [smem:$0x0];
	_ =	sdelay $0x2  }
0xb8: {  	s31 =	sshll.u32 s1, $0xD;
	s1 =	sshrl.u32 s1, $0x2  }
0xb9: {  	s3 =	sand.u32 $0x4000, s31;
	s1 =	sadd.s32 s1, s30  }
0xba: {  	s0 =	sor.u32 s3, s0;
	s1 =	sshll.u32 s1, $0x11  }
0xbb: {  	s0 =	sor.u32 s1, s0  }
0xbc: {  	s0 =	sadd.s32 $0x8F2B, s0  }
0xbd: {  	[sflag:s0] =	ssyncadd.remote.s32 $0x1  }
0xbe: {  	_ =	sfence.sel $0xFFFF  }
0xbf: {  	[dreg:$0x0] =	wrdreg $0xFFFFFFFF;
	(pc) =	sbr.abs _section_cstart, $3  }
0xc0: {  	[dreg:$0x1] =	wrdreg $0xFFFFFFFF  }
0xc1: {  	_ =	task.clear_ibuf [dreg:s6], $0x2FFFF;
	_ =	strace $0x9FFFFFFF  }
0xc2: {  	(tm) =	ssettm $0x7FFFFFFF  }
0xc3: {  	_ =	shalt  }
tec
execute0_lowered:
.L_overlay_start_1:
0x0: {  	(tag) =	ssettag $0x1  }
0x1: {  	s0 =	rddreg [dreg:$0x0]  }
0x2: {  	s1 =	rddreg [dreg:$0x1];
	s2 =	simm.s32 $0x0;
	s4 =	srdreg.scid  }
0x3: {  	s8 =	stileid.u32;
	s28 =	simm.s32 $0x2;
	s29 =	simm.s32 $0x4  }
0x4: {  	s30 =	simm.s32 $0x0;
	[smem:$0x7FF] =	sst s2;
	s3 =	sadd.s32 $0x84400, s0  }
0x5: {  	s5 =	sadd.s32 $0xA000, s0;
	s7 =	sadd.s32 $0x4A00, s0;
	s9 =	sand.u32 $0x1, s4  }
0x6: {  	s4 =	sadd.s32 $0xD2800, s0;
	s10 =	smul.u32 $0x27000, s8;
	s0 =	sadd.s32 $0xD3C00, s0  }
0x7: {  	s18 =	sshll.u32 s8, $0x7;
	s19 =	sshll.u32 s8, $0x6;
	s21 =	sadd.s32 $0x9C000, s1  }
0x8: {  	s23 =	smul.u32 $0x9C00, s8;
	p0 =	sne.s32 s8, $0xF;
	p1 =	sne.s32 s8, $0x0  }
0x9: {  	_ =	strace $0x8000004A;
	s6 =	ssub.s32 $0x2, s9;
	s12 =	smul.u32 $0x13880, s9  }
0xa: {  	s20 =	smul.u32 $0x9C400, s9;
	[dreg:$0x4] =	wrdreg s21;
	s11 =	sshrl.u32 s6, $0x1  }
0xb: {  	s21 =	simm.s32 $0x100;
	s17 =	sshrl.u32 s10, $0x2;
	s14 =	ssub.s32 s6, s11  }
0xc: {  	s6 =	sadd.s32 s17, s1;
	s15 =	sadd.s32 s18, s12;
	s12 =	sshrl.u32 s12, $0x3  }
0xd: {  	s24 =	sadd.s32 s23, s20;
	s11 =	sshrl.u32 s20, $0x3;
	s20 =	simm.s32 $0x80  }
0xe: {  	s23 =	simm.s32 $0x4180;
	[dreg:$0x3] =	wrdreg s6;
	s6 =	sor.u32 $0x1C05, s19  }
0xf: {  	s10 =	sadd.s32 $0x13000, s15;
	s12 =	sadd.s32 $0x2700, s12;
	s16 =	sadd.s32 s0, s11  }
0x10: {  	s14 =	smax.u32 s14, $0x1;
	s26 =	sshrl.u32 s15, $0x3;
	s17 =	sadd.s32 $0x800, s15  }
0x11: {  	s19 =	simm.s32 $0x5;
	s22 =	sshrl.u32 s10, $0x3;
	s25 =	sadd.s32 s5, s12  }
0x12: {  	s11 =	sadd.s32 s7, s12;
	s15 =	sadd.s32 s26, s7;
	s31 =	sshrl.u32 s17, $0x3  }
0x13: {  	s13 =	sadd.s32 s5, s22;
	s9 =	sadd.s32 s7, s22;
	[dreg:$0x7] =	wrdreg s25  }
0x14: {  	s17 =	sadd.s32 s31, s7;
	s18 =	sadd.s32 s31, s5;
	s22 =	simm.s32 $0x4100  }
0x15: {  	s25 =	simm.s32 $0x1;
	[dreg:$0x5] =	wrdreg s13;
	s13 =	sshrl.u32 s24, $0x3  }
0x16: {  	[dreg:$0x6] =	wrdreg s9;
	s24 =	simm.s32 $0x4200;
	s12 =	sadd.s32 s0, s13  }
0x17: {  	s13 =	sadd.s32 $0x13800, s16;
	s16 =	sadd.s32 s26, s5;
	s26 =	simm.s32 $0x3  }
.LBB2_1:
0x18: {  	s0 =	rddreg [dreg:$0x3]  }
0x19: {  	s31 =	sshrl.u32 s0, $0x3  }
0x1a: {  	[spmem:s31], [sflag:s6] =	dma.local [hbm:s4], $0x1380  }
0x1b: {  	_ =	swait.ge [sflag:s19], $0x1380  }
0x1c: {  	[sflag:s19] =	ssyncset.done $0x0;
	s0 =	rddreg [dreg:$0x4]  }
0x1d: {  	s5 =	simm.s32 @!p0 $0x5;
	[sflag:s19] =	ssyncadd.s32 $0xFFFFEC80;
	s0 =	sshrl.u32 @!p0 s0, $0x3  }
0x1e: {  	[spmem:s0], [sflag:s6] =	dma.local @!p0 [hbm:s4], $0x80  }
0x1f: {  	_ =	swait.ge @!p0 [sflag:s5], $0x80  }
0x20: {  	[sflag:s5] =	ssyncset.done @!p0 $0x0  }
0x21: {  	[sflag:s5] =	ssyncadd.s32 @!p0 $0xFFFFFF80  }
0x22: {  	s7 =	sadd.s32 $0x0, s16;
	[bflag:$0x0] =	sbarrier.arrive $0xFFFF  }
0x23: {  	[tilespmem:s2], [sflag:$0x5] =	stream.linear.gather [hbm4b:s7+s2], $0x80, $0x38;
	[tilespmem:$0x11E40] =	vst v63  }
0x24: {  	_ =	swait.ge [sflag:s19], $0x80  }
0x25: {  	[sflag:s19] =	ssyncset.done $0x0  }
0x26: {  	s8 =	sadd.s32 $0x0, s15;
	[sflag:s19] =	ssyncadd.s32 $0xFFFFFF80  }
0x27: {  	[tilespmem:s20], [sflag:$0x5] =	stream.linear.gather [hbm4b:s8+s2], $0x80, $0x38;
	[tilespmem:$0x11E40] =	vst v63  }
0x28: {  	_ =	swait.ge [sflag:s19], $0x80  }
0x29: {  	[sflag:s19] =	ssyncset.done $0x0  }
0x2a: {  	[sflag:s19] =	ssyncadd.s32 $0xFFFFFF80  }
0x2b: {  	[tilespmem:s21], [sflag:$0x1] =	stream.indirect.gather [hbm4b:s3+s20], $0x80, s2, s20, $0xb8;
	[tilespmem:$0x11E40] =	vst v63  }
0x2c: {  	s9 =	sadd.s32 $0x0, s18  }
0x2d: {  	[tilespmem:s22], [sflag:$0x5] =	stream.linear.gather [hbm4b:s9+s2], $0x80, $0x38;
	[tilespmem:$0x11E40] =	vst v63  }
0x2e: {  	_ =	swait.ge [sflag:s19], $0x80  }
0x2f: {  	[sflag:s19] =	ssyncset.done $0x0  }
0x30: {  	s10 =	sadd.s32 $0x0, s17;
	[sflag:s19] =	ssyncadd.s32 $0xFFFFFF80  }
0x31: {  	[tilespmem:s23], [sflag:$0x5] =	stream.linear.gather [hbm4b:s10+s2], $0x80, $0x38;
	[tilespmem:$0x11E40] =	vst v63  }
0x32: {  	_ =	swait.ge [sflag:s19], $0x80  }
0x33: {  	[sflag:s19] =	ssyncset.done $0x0  }
0x34: {  	[sflag:s19] =	ssyncadd.s32 $0xFFFFFF80  }
0x35: {  	[tilespmem:s24], [sflag:$0x3] =	stream.indirect.gather [hbm4b:s3+s20], $0x80, s22, s20, $0xb8;
	[tilespmem:$0x11E40] =	vst v63  }
0x36: {  	_ =	swait.ge [sflag:s25], $0x4000  }
0x37: {  	[sflag:s25] =	ssyncset.done $0x0  }
0x38: {  	[sflag:s25] =	ssyncadd.s32 $0xFFFFC000  }
0x39: {  	[spmem:s1] =	stream.indirect.scatter.add.f32 [tilespmem:s21], [sflag:$0x2], $0x80, s20, s20, $0xb8;
	[tilespmem:$0x11E40] =	vst v63  }
0x3a: {  	_ =	swait.ge [sflag:s26], $0x4000  }
0x3b: {  	[sflag:s26] =	ssyncset.done $0x0  }
0x3c: {  	[sflag:s26] =	ssyncadd.s32 $0xFFFFC000  }
0x3d: {  	[spmem:s1] =	stream.indirect.scatter.add.f32 [tilespmem:s24], [sflag:$0x4], $0x80, s23, s20, $0xb8;
	[tilespmem:$0x11E40] =	vst v63  }
0x3e: {  	_ =	swait.ge [sflag:s28], $0x4000  }
0x3f: {  	[sflag:s28] =	ssyncset.done $0x0  }
0x40: {  	[sflag:s28] =	ssyncadd.s32 $0xFFFFC000  }
0x41: {  	_ =	swait.ge [sflag:s29], $0x4000  }
0x42: {  	s5 =	simm.s32 $0x200;
	s7 =	simm.s32 $0x400;
	[sflag:s29] =	ssyncset.done $0x0  }
.LBB2_2:
0x43: {  	s9 =	sadd.s32 s5, s16  }
0x44: {  	[sflag:s29] =	ssyncadd.s32 $0xFFFFC000;
	s10 =	smov.u32 s7;
	s8 =	sadd.s32 $0x200, s7  }
0x45: {  	[tilespmem:s2], [sflag:$0x5] =	stream.linear.gather [hbm4b:s9+s2], $0x80, $0x38;
	[tilespmem:$0x11E40] =	vst v63  }
0x46: {  	p2 =	sne.s32 s7, $0x2400;
	_ =	swait.ge [sflag:s19], $0x80  }
0x47: {  	[sflag:s19] =	ssyncset.done $0x0  }
0x48: {  	s7 =	sadd.s32 s5, s15;
	[sflag:s19] =	ssyncadd.s32 $0xFFFFFF80  }
0x49: {  	[tilespmem:s20], [sflag:$0x5] =	stream.linear.gather [hbm4b:s7+s2], $0x80, $0x38;
	[tilespmem:$0x11E40] =	vst v63  }
0x4a: {  	_ =	swait.ge [sflag:s19], $0x80  }
0x4b: {  	[sflag:s19] =	ssyncset.done $0x0  }
0x4c: {  	[sflag:s19] =	ssyncadd.s32 $0xFFFFFF80  }
0x4d: {  	[tilespmem:s21], [sflag:$0x1] =	stream.indirect.gather [hbm4b:s3+s20], $0x80, s2, s20, $0xb8;
	[tilespmem:$0x11E40] =	vst v63  }
0x4e: {  	s7 =	sadd.s32 s5, s18  }
0x4f: {  	[tilespmem:s22], [sflag:$0x5] =	stream.linear.gather [hbm4b:s7+s2], $0x80, $0x38;
	[tilespmem:$0x11E40] =	vst v63  }
0x50: {  	_ =	swait.ge [sflag:s19], $0x80  }
0x51: {  	[sflag:s19] =	ssyncset.done $0x0  }
0x52: {  	s7 =	sadd.s32 s5, s17;
	s5 =	smov.u32 s10;
	[sflag:s19] =	ssyncadd.s32 $0xFFFFFF80  }
0x53: {  	[tilespmem:s23], [sflag:$0x5] =	stream.linear.gather [hbm4b:s7+s2], $0x80, $0x38;
	[tilespmem:$0x11E40] =	vst v63  }
0x54: {  	_ =	swait.ge [sflag:s19], $0x80  }
0x55: {  	[sflag:s19] =	ssyncset.done $0x0  }
0x56: {  	[sflag:s19] =	ssyncadd.s32 $0xFFFFFF80  }
0x57: {  	[tilespmem:s24], [sflag:$0x3] =	stream.indirect.gather [hbm4b:s3+s20], $0x80, s22, s20, $0xb8;
	[tilespmem:$0x11E40] =	vst v63  }
0x58: {  	_ =	swait.ge [sflag:s25], $0x4000  }
0x59: {  	[sflag:s25] =	ssyncset.done $0x0  }
0x5a: {  	[sflag:s25] =	ssyncadd.s32 $0xFFFFC000  }
0x5b: {  	[spmem:s1] =	stream.indirect.scatter.add.f32 [tilespmem:s21], [sflag:$0x2], $0x80, s20, s20, $0xb8;
	[tilespmem:$0x11E40] =	vst v63  }
0x5c: {  	_ =	swait.ge [sflag:s26], $0x4000  }
0x5d: {  	[sflag:s26] =	ssyncset.done $0x0  }
0x5e: {  	[sflag:s26] =	ssyncadd.s32 $0xFFFFC000  }
0x5f: {  	[spmem:s1] =	stream.indirect.scatter.add.f32 [tilespmem:s24], [sflag:$0x4], $0x80, s23, s20, $0xb8;
	[tilespmem:$0x11E40] =	vst v63  }
.Ltmp0:
0x60: {  	_ =	swait.ge [sflag:s28], $0x4000;
	(pc) =	sbr.rel @p2 .LBB2_2-.Ltmp0, $4  }
0x61: {  	[sflag:s28] =	ssyncset.done $0x0  }
0x62: {  	[sflag:s28] =	ssyncadd.s32 $0xFFFFC000  }
0x63: {  	_ =	swait.ge [sflag:s29], $0x4000  }
0x64: {  	s7 =	smov.u32 s8;
	[sflag:s29] =	ssyncset.done $0x0  }
0x65: {  	s7 =	sadd.s32 s5, s16;
	[sflag:s29] =	ssyncadd.s32 $0xFFFFC000  }
0x66: {  	[tilespmem:s2], [sflag:$0x5] =	stream.linear.gather [hbm4b:s7+s2], $0x80, $0x38;
	[tilespmem:$0x11E40] =	vst v63  }
0x67: {  	_ =	swait.ge [sflag:s19], $0x80  }
0x68: {  	[sflag:s19] =	ssyncset.done $0x0  }
0x69: {  	s9 =	sadd.s32 s5, s15;
	[sflag:s19] =	ssyncadd.s32 $0xFFFFFF80  }
0x6a: {  	[tilespmem:s20], [sflag:$0x5] =	stream.linear.gather [hbm4b:s9+s2], $0x80, $0x38;
	[tilespmem:$0x11E40] =	vst v63  }
0x6b: {  	_ =	swait.ge [sflag:s19], $0x80  }
0x6c: {  	[sflag:s19] =	ssyncset.done $0x0  }
0x6d: {  	[sflag:s19] =	ssyncadd.s32 $0xFFFFFF80  }
0x6e: {  	[tilespmem:s21], [sflag:$0x1] =	stream.indirect.gather [hbm4b:s3+s20], $0x80, s2, s20, $0xb8;
	[tilespmem:$0x11E40] =	vst v63  }
0x6f: {  	s10 =	sadd.s32 s5, s18  }
0x70: {  	[tilespmem:s22], [sflag:$0x5] =	stream.linear.gather [hbm4b:s10+s2], $0x80, $0x38;
	[tilespmem:$0x11E40] =	vst v63  }
0x71: {  	_ =	swait.ge [sflag:s19], $0x80  }
0x72: {  	[sflag:s19] =	ssyncset.done $0x0  }
0x73: {  	s8 =	sadd.s32 s5, s17;
	[sflag:s19] =	ssyncadd.s32 $0xFFFFFF80  }
0x74: {  	[tilespmem:s23], [sflag:$0x5] =	stream.linear.gather [hbm4b:s8+s2], $0x80, $0x38;
	[tilespmem:$0x11E40] =	vst v63  }
0x75: {  	_ =	swait.ge [sflag:s19], $0x80  }
0x76: {  	[sflag:s19] =	ssyncset.done $0x0  }
0x77: {  	[sflag:s19] =	ssyncadd.s32 $0xFFFFFF80  }
0x78: {  	[tilespmem:s24], [sflag:$0x3] =	stream.indirect.gather [hbm4b:s3+s20], $0x80, s22, s20, $0xb8;
	[tilespmem:$0x11E40] =	vst v63  }
0x79: {  	_ =	swait.ge [sflag:s25], $0x4000  }
0x7a: {  	[sflag:s25] =	ssyncset.done $0x0  }
0x7b: {  	[sflag:s25] =	ssyncadd.s32 $0xFFFFC000  }
0x7c: {  	[spmem:s1] =	stream.indirect.scatter.add.f32 [tilespmem:s21], [sflag:$0x2], $0x80, s20, s20, $0xb8;
	[tilespmem:$0x11E40] =	vst v63  }
0x7d: {  	_ =	swait.ge [sflag:s26], $0x4000  }
0x7e: {  	[sflag:s26] =	ssyncset.done $0x0  }
0x7f: {  	[sflag:s26] =	ssyncadd.s32 $0xFFFFC000  }
0x80: {  	[spmem:s1] =	stream.indirect.scatter.add.f32 [tilespmem:s24], [sflag:$0x4], $0x80, s23, s20, $0xb8;
	[tilespmem:$0x11E40] =	vst v63  }
0x81: {  	_ =	swait.ge [sflag:s28], $0x4000  }
0x82: {  	[sflag:s28] =	ssyncset.done $0x0  }
0x83: {  	[sflag:s28] =	ssyncadd.s32 $0xFFFFC000  }
0x84: {  	_ =	swait.ge [sflag:s29], $0x4000  }
0x85: {  	[sflag:s29] =	ssyncset.done $0x0  }
0x86: {  	s9 =	rddreg [dreg:$0x5];
	[sflag:s29] =	ssyncadd.s32 $0xFFFFC000  }
0x87: {  	[tilespmem:s2], [sflag:$0x5] =	stream.linear.gather [hbm4b:s9+s2], $0x80, $0x38;
	[tilespmem:$0x11E40] =	vst v63  }
0x88: {  	_ =	swait.ge [sflag:s19], $0x80  }
0x89: {  	[sflag:s19] =	ssyncset.done $0x0  }
0x8a: {  	s10 =	rddreg [dreg:$0x6];
	[sflag:s19] =	ssyncadd.s32 $0xFFFFFF80  }
0x8b: {  	[tilespmem:s20], [sflag:$0x5] =	stream.linear.gather [hbm4b:s10+s2], $0x80, $0x38;
	[tilespmem:$0x11E40] =	vst v63  }
0x8c: {  	_ =	swait.ge [sflag:s19], $0x80  }
0x8d: {  	[sflag:s19] =	ssyncset.done $0x0  }
0x8e: {  	[sflag:s19] =	ssyncadd.s32 $0xFFFFFF80  }
0x8f: {  	[tilespmem:s21], [sflag:$0x1] =	stream.indirect.gather [hbm4b:s3+s20], $0x80, s2, s20, $0xb8;
	[tilespmem:$0x11E40] =	vst v63  }
0x90: {  	_ =	swait.ge [sflag:s25], $0x4000  }
0x91: {  	[sflag:s25] =	ssyncset.done $0x0  }
0x92: {  	[sflag:s25] =	ssyncadd.s32 $0xFFFFC000  }
0x93: {  	[spmem:s1] =	stream.indirect.scatter.add.f32 [tilespmem:s21], [sflag:$0x2], $0x80, s20, s20, $0xb8;
	[tilespmem:$0x11E40] =	vst v63  }
0x94: {  	_ =	swait.ge [sflag:s28], $0x4000  }
0x95: {  	[sflag:s28] =	ssyncset.done $0x0  }
0x96: {  	s5 =	simm.s32 @!p1 $0x0;
	s7 =	rddreg [dreg:$0x7];
	[sflag:s28] =	ssyncadd.s32 $0xFFFFC000  }
0x97: {  	[tilespmem:s5], [sflag:$0x5] =	stream.linear.gather @!p1 [hbm4b:s7+s5], $0x80, $0x38;
	[tilespmem:$0x11E40] =	vst v63  }
0x98: {  	s7 =	simm.s32 @!p1 $0x5  }
0x99: {  	_ =	swait.ge @!p1 [sflag:s7], $0x80  }
0x9a: {  	[sflag:s7] =	ssyncset.done @!p1 $0x0  }
0x9b: {  	s8 =	simm.s32 @!p1 $0x80;
	[sflag:s7] =	ssyncadd.s32 @!p1 $0xFFFFFF80  }
0x9c: {  	[tilespmem:s8], [sflag:$0x5] =	stream.linear.gather @!p1 [hbm4b:s11+s5], $0x80, $0x38;
	[tilespmem:$0x11E40] =	vst v63  }
0x9d: {  	_ =	swait.ge @!p1 [sflag:s7], $0x80  }
0x9e: {  	[sflag:s7] =	ssyncset.done @!p1 $0x0  }
0x9f: {  	[sflag:s7] =	ssyncadd.s32 @!p1 $0xFFFFFF80;
	s7 =	simm.s32 @!p1 $0x100  }
0xa0: {  	[tilespmem:s7], [sflag:$0x1] =	stream.indirect.gather @!p1 [hbm4b:s3+s8], $0x80, s5, s8, $0xb8;
	[tilespmem:$0x11E40] =	vst v63  }
0xa1: {  	s5 =	simm.s32 @!p1 $0x1  }
0xa2: {  	_ =	swait.ge @!p1 [sflag:s5], $0x4000  }
0xa3: {  	[sflag:s5] =	ssyncset.done @!p1 $0x0  }
0xa4: {  	[sflag:s5] =	ssyncadd.s32 @!p1 $0xFFFFC000;
	s5 =	simm.s32 @!p1 $0x2  }
0xa5: {  	[spmem:s1] =	stream.indirect.scatter.add.f32 @!p1 [tilespmem:s7], [sflag:$0x2], $0x80, s8, s8, $0xb8;
	[tilespmem:$0x11E40] =	vst v63  }
0xa6: {  	_ =	swait.ge @!p1 [sflag:s5], $0x4000  }
0xa7: {  	[sflag:s5] =	ssyncset.done @!p1 $0x0  }
0xa8: {  	[sflag:s5] =	ssyncadd.s32 @!p1 $0xFFFFC000  }
0xa9: {  	[bflag:$0x0] =	sbarrier.arrive $0xFFFF  }
0xaa: {  	[hbm:s12], [sflag:s6] =	dma.local [spmem:s31], $0x1380  }
0xab: {  	_ =	swait.ge [sflag:s19], $0x1380  }
0xac: {  	s30 =	sadd.s32 $0x1, s30;
	[sflag:s19] =	ssyncset.done $0x0  }
0xad: {  	p2 =	sne.s32 s30, s14;
	[sflag:s19] =	ssyncadd.s32 $0xFFFFEC80  }
0xae: {  	[hbm:s13], [sflag:s6] =	dma.local @!p0 [spmem:s0], $0x80  }
.Ltmp1:
0xaf: {  	_ = 	snop;
	(pc) =	sbr.rel @p2 .LBB2_1-.Ltmp1, $4  }
0xb0: {  	s0 =	simm.s32 @!p0 $0x5  }
0xb1: {  	_ =	swait.ge @!p0 [sflag:s0], $0x80  }
0xb2: {  	[sflag:s0] =	ssyncset.done @!p0 $0x0  }
0xb3: {  	[sflag:s0] =	ssyncadd.s32 @!p0 $0xFFFFFF80  }
0xb4: {  	_ =	sfence.sel $0x180000  }
0xb5: {  	[bflag:$0x0] =	sbarrier.arrive $0xFFFF  }
0xb6: {  	_ =	strace $0x9000004A  }
0xb7: {  	[bflag:$0x2] =	sbarrier.arrive $0xFFFF  }
0xb8: {  	s0 =	rddreg [dreg:$0x2]  }
0xb9: {  	s0 =	sadd.s32 @!p1 $0x100000, s0  }
0xba: {  	[sflag:s0] =	ssyncadd.tile.s32 @!p1 $0x1;
	_ =	shalt  }
.Lfunc_end2:
_tile_overlayer_lowered:
.L_overlay_start_2:
0xbb: {  	(tag) =	ssettag $0x2  }
0xbc: {  	s0 =	rddreg [dreg:$0x0];
	s2 =	stileid.u32  }
0xbd: {  	s1 =	rddreg [dreg:$0x1];
	p0 =	sne.s32 s2, $0x0  }
0xbe: {  	s3 =	rddreg [dreg:$0x2];
	[bflag:$0x3] =	sbarrier.arrive $0xFFFF;
	s2 =	simm.s32 @!p0 $0x1C05  }
0xbf: {  	[timem:s3], [sflag:s2] =	dma.local @!p0 [hbm:s0], s1  }
0xc0: {  	s0 =	simm.s32 @!p0 $0x5  }
0xc1: {  	_ =	swait.ge @!p0 [sflag:s0], s1  }
0xc2: {  	s1 =	ssub.s32 @!p0 $0x0, s1;
	[sflag:s0] =	ssyncset.done @!p0 $0x0  }
0xc3: {  	[sflag:s0] =	ssyncadd.s32 @!p0 s1  }
0xc4: {  	[bflag:$0x3] =	sbarrier.arrive $0xFFFF  }
0xc5: {  	_ =	shalt  }

// kernel: kernel.17.cloned.1.call-start
scs
__scs_entry_jumppad:
0x0: {  	(pc) =	sbr.rel $0x88, $3  }
0x1: {  	(tag) =	ssettag $0x0;
	lr =	simm.s32 $0x1  }
0x2: {  	[smem:$0x3F92] =	sst lr;
	_ =	strace $0xD0000000  }
0x3: {  	_ = 	snop  }
0x4: {  	_ = 	snop  }
0x5: {  	_ = 	snop  }
0x6: {  	_ = 	snop  }
0x7: {  	_ = 	snop  }
__scs_overlays_trampoline_lowered:
0x8: {  	[smem:$0x3FA1] =	sst s0  }
0x9: {  	[smem:$0x3FA2] =	sst s1  }
0xa: {  	[smem:$0x3FA3] =	sst s2  }
0xb: {  	[smem:$0x3FA4] =	sst s3  }
0xc: {  	[smem:$0x3FA5] =	sst s4  }
0xd: {  	[smem:$0x3FA6] =	sst s5  }
0xe: {  	[smem:$0x3FA7] =	sst s6  }
0xf: {  	[smem:$0x3FA8] =	sst s7  }
0x10: {  	[smem:$0x3FA9] =	sst s8  }
0x11: {  	[smem:$0x3FAA] =	sst s9;
	s0 =	simm.s32 @!p0 $0x0  }
0x12: {  	s1 =	sld [smem:$0x3F90];
	s0 =	simm.s32 @p0 $0x1  }
0x13: {  	[smem:$0x3FAB] =	sst s0;
	s0 =	simm.s32 @!p1 $0x0  }
0x14: {  	s2 =	sld [smem:$0x3F8F];
	s0 =	simm.s32 @p1 $0x1  }
0x15: {  	[smem:$0x3FAC] =	sst s0;
	s0 =	simm.s32 @!p2 $0x0  }
0x16: {  	s3 =	sld [smem:$0x3FDB];
	s0 =	simm.s32 @p2 $0x1  }
0x17: {  	s4 =	simm.s32 $0x1BF5;
	[smem:$0x3FAE] =	sst s0  }
0x18: {  	s0 =	sld [smem:$0x3F91];
	_ =	swait.ge [sflag:s4], $0x0  }
0x19: {  	s7 =	sld [smem:$0x3F92]  }
0x1a: {  	s8 =	sadd.s32 $0xFFFFE003, lr  }
0x1b: {  	s9 =	sadd.s32 $0xFFFFFEF7, lr;
	s5 =	simm.s32 $0xFFFFFFFF;
	p2 =	slt.u32 s8, $0xFFFFF086  }
0x1c: {  	p1 =	slt.u32 s9, $0xF7A;
	s5 =	simm.s32 @!p2 $0x0  }
0x1d: {  	s5 =	simm.s32 @p1 $0x1;
	p0 =	seq.s32 s7, s2  }
0x1e: {  	s7 =	smul.u32 @!p0 $0xF7A, s2;
	p2 =	seq.s32 @!p0 s5, $0x0  }
0x1f: {  	s9 =	smul.u32 $0xF7A, s1;
	s8 =	simm.s32 @!p0 $0x1BF5;
	p2 =	por !p2, p0  }
0x20: {  	[sflag:s8] =	ssyncset.s32 @!p0 $0xFFFFF086;
	s6 =	sadd.s32 @!p0 s3, s7;
	s7 =	simm.s32 @!p0 $0x108  }
0x21: {  	s3 =	sadd.s32 s3, s9;
	s6 =	sadd.s32 @!p0 $0x88, s6;
	s7 =	simm.s32 @p2 $0x1082  }
0x22: {  	[simem:s7], [sflag:s8] =	dma.local @!p0 [hbm:s6], $0xF7A  }
0x23: {  	s9 =	sor.u32 $0xD0000000, s2;
	s6 =	simm.s32 $0x108;
	_ =	swait.ge @!p0 [sflag:s8], $0x0  }
0x24: {  	s3 =	sadd.s32 $0x88, s3;
	s6 =	simm.s32 @!p1 $0x1082;
	[sflag:s4] =	ssyncset.s32 $0xFFFFF086  }
0x25: {  	[simem:s6], [sflag:s4] =	dma.local [hbm:s3], $0xF7A  }
0x26: {  	[smem:$0x3F92] =	sst s1;
	(tag) =	ssettag s2;
	_ =	strace s9  }
0x27: {  	s1 =	sld [smem:$0x3FA2]  }
0x28: {  	s2 =	sld [smem:$0x3FA3]  }
0x29: {  	s4 =	sld [smem:$0x3FA5]  }
0x2a: {  	p0 =	seq.s32 s5, $0x0;
	s5 =	sld [smem:$0x3FA6]  }
0x2b: {  	s6 =	sld [smem:$0x3FA7]  }
0x2c: {  	s7 =	sld [smem:$0x3FA8]  }
0x2d: {  	s3 =	simm.s32 $0x108;
	s8 =	sld [smem:$0x3FA9]  }
0x2e: {  	s3 =	simm.s32 @!p0 $0x1082;
	s9 =	sld [smem:$0x3FAA]  }
0x2f: {  	lr =	sadd.s32 s0, s3;
	s0 =	sld [smem:$0x3FA1]  }
0x30: {  	s3 =	sld [smem:$0x3FA4]  }
0x31: {  	[smem:$0x3FAD] =	sst s10  }
0x32: {  	s10 =	sld [smem:$0x3FAB];
	_ =	sdelay $0x3  }
0x33: {  	p0 =	seq.s32 s10, $0x1;
	s10 =	sld [smem:$0x3FAD];
	_ =	sdelay $0x3  }
0x34: {  	[smem:$0x3FAD] =	sst s10  }
0x35: {  	s10 =	sld [smem:$0x3FAC];
	_ =	sdelay $0x3  }
0x36: {  	p1 =	seq.s32 s10, $0x1;
	s10 =	sld [smem:$0x3FAD];
	_ =	sdelay $0x3  }
0x37: {  	[smem:$0x3FAD] =	sst s10  }
0x38: {  	s10 =	sld [smem:$0x3FAE]  }
0x39: {  	_ = 	snop;
	(pc) =	sbr.ind lr, $3  }
0x3a: {  	_ = 	snop  }
0x3b: {  	_ = 	snop  }
0x3c: {  	p2 =	seq.s32 s10, $0x1;
	s10 =	sld [smem:$0x3FAD]  }
0x3d: {  	_ =	shalt  }
0x3e: {  	_ =	shalt  }
0x3f: {  	_ =	shalt  }
0x40: {  	_ =	shalt  }
0x41: {  	_ =	shalt  }
0x42: {  	_ =	shalt  }
0x43: {  	_ =	shalt  }
0x44: {  	_ =	shalt  }
0x45: {  	_ =	shalt  }
0x46: {  	_ =	shalt  }
0x47: {  	_ =	shalt  }
0x48: {  	_ =	shalt  }
0x49: {  	_ =	shalt  }
0x4a: {  	_ =	shalt  }
0x4b: {  	_ =	shalt  }
0x4c: {  	_ =	shalt  }
0x4d: {  	_ =	shalt  }
0x4e: {  	_ =	shalt  }
0x4f: {  	_ =	shalt  }
0x50: {  	_ =	shalt  }
0x51: {  	_ =	shalt  }
0x52: {  	_ =	shalt  }
0x53: {  	_ =	shalt  }
0x54: {  	_ =	shalt  }
0x55: {  	_ =	shalt  }
0x56: {  	_ =	shalt  }
0x57: {  	_ =	shalt  }
0x58: {  	_ =	shalt  }
0x59: {  	_ =	shalt  }
0x5a: {  	_ =	shalt  }
0x5b: {  	_ =	shalt  }
0x5c: {  	_ =	shalt  }
0x5d: {  	_ =	shalt  }
0x5e: {  	_ =	shalt  }
0x5f: {  	_ =	shalt  }
0x60: {  	_ =	shalt  }
0x61: {  	_ =	shalt  }
0x62: {  	_ =	shalt  }
0x63: {  	_ =	shalt  }
0x64: {  	_ =	shalt  }
0x65: {  	_ =	shalt  }
0x66: {  	_ =	shalt  }
0x67: {  	_ =	shalt  }
0x68: {  	_ =	shalt  }
0x69: {  	_ =	shalt  }
0x6a: {  	_ =	shalt  }
0x6b: {  	_ =	shalt  }
0x6c: {  	_ =	shalt  }
0x6d: {  	_ =	shalt  }
0x6e: {  	_ =	shalt  }
0x6f: {  	_ =	shalt  }
0x70: {  	_ =	shalt  }
0x71: {  	_ =	shalt  }
0x72: {  	_ =	shalt  }
0x73: {  	_ =	shalt  }
0x74: {  	_ =	shalt  }
0x75: {  	_ =	shalt  }
0x76: {  	_ =	shalt  }
0x77: {  	_ =	shalt  }
0x78: {  	_ =	shalt  }
0x79: {  	_ =	shalt  }
0x7a: {  	_ =	shalt  }
0x7b: {  	_ =	shalt  }
0x7c: {  	_ =	shalt  }
0x7d: {  	_ =	shalt  }
0x7e: {  	_ =	shalt  }
0x7f: {  	_ =	shalt  }
0x80: {  	_ =	shalt  }
0x81: {  	_ =	shalt  }
0x82: {  	_ =	shalt  }
0x83: {  	_ =	shalt  }
0x84: {  	_ =	shalt  }
0x85: {  	_ =	shalt  }
0x86: {  	_ =	shalt  }
0x87: {  	_ =	shalt  }
.Lfunc_end0:
.L_simem_size_0:
called_computation.2_lowered:
.L_overlay_start_0:
0x88: {  	s2 =	sld [smem:$0x3FD9]  }
0x89: {  	s3 =	sld [smem:$0x3FFE];
	_ =	sdelay $0x1  }
0x8a: {  	s1 =	srdreg.scid  }
0x8b: {  	s0 =	sand.u32 $0x1, s1  }
0x8c: {  	s17 =	sshll.u32 s0, $0xA;
	s2 =	sadd.s32 s3, s2  }
0x8d: {  	s2 =	sadd.s32 s2, s17  }
0x8e: {  	[smem:$0x3FB9] =	sst s2  }
0x8f: {  	_ = 	snop  }
0x90: {  	(tm) =	ssettm $0x1  }
0x91: {  	s18 =	sld [smem:$0x3FFB];
	_ =	sdelay $0x3  }
0x92: {  	_ =	strace s18  }
0x93: {  	s2 =	sld [smem:$0x3FFC];
	_ =	sdelay $0x3  }
0x94: {  	_ =	strace s2  }
0x95: {  	s2 =	sld [smem:$0x3FFD];
	_ =	sdelay $0x3  }
0x96: {  	_ =	strace s2  }
0x97: {  	_ =	strace $0x8FFFFFFF  }
0x98: {  	s19 =	sld [smem:$0x3FDB];
	_ =	sdelay $0x1  }
0x99: {  	s20 =	simm.s32 $_scs_section_size  }
0x9a: {  	s4 =	simm.s32 $_size__tile_overlayer_lowered;
	s5 =	simm.s32 $_tile_overlayer_lowered  }
0x9b: {  	s6 =	simm.s32 $0x1BFF;
	s21 =	sshll.u32 s5, $0x1;
	s3 =	sadd.s32 s20, s19  }
0x9c: {  	s22 =	simm.s32 $0x0;
	s4 =	sshll.u32 s4, $0x1;
	s5 =	sadd.s32 s21, s3  }
0x9d: {  	[timem:s22], [sflag:s6] =	dma.local [hbm:s5], s4  }
0x9e: {  	_ =	swait.ge [sflag:s6], s4  }
0x9f: {  	s4 =	ssub.s32 $0x0, s4;
	[sflag:s6] =	ssyncset.done $0x0  }
0xa0: {  	[sflag:s6] =	ssyncadd.s32 s4;
	_ =	sdelay $0x1  }
0xa1: {  	s23 =	simm.s32 $0x1B8B  }
0xa2: {  	_ =	swait.ge [sflag:s23], $0x1  }
0xa3: {  	[sflag:s23] =	ssyncset.done $0x0  }
0xa4: {  	[sflag:s23] =	ssyncadd.s32 $0xFFFFFFFF  }
0xa5: {  	s4 =	sld [smem:$0x0]  }
0xa6: {  	s5 =	sand.u32 $0xFFFFFFFE, s1  }
0xa7: {  	p0 =	sne.s32 s1, s5  }
0xa8: {  	s5 =	sshll.u32 @p0 s5, $0xE  }
0xa9: {  	s5 =	sadd.s32 @p0 $0x11B8D, s5;
	s6 =	sshll.u32 @p0 s4, $0x11  }
0xaa: {  	s5 =	sor.u32 @p0 s6, s5  }
0xab: {  	[sflag:s5] =	ssyncadd.remote.s32 @p0 $0x1;
	_ =	sdelay $0x1  }
0xac: {  	s5 =	simm.s32 @p0 $0x1B8D  }
0xad: {  	_ =	swait.eq @p0 [sflag:s5], $0x1  }
0xae: {  	[sflag:s5] =	ssyncadd.s32 @p0 $0xFFFFFFFF  }
0xaf: {  	s6 =	sshll.u32 @!p0 s1, $0xE  }
0xb0: {  	s6 =	sor.u32 @!p0 $0x4000, s6;
	s5 =	simm.s32 @!p0 $0x1B8D  }
0xb1: {  	s4 =	sshll.u32 @!p0 s4, $0x11;
	s6 =	sadd.s32 @!p0 $0x11B8D, s6;
	_ =	swait.eq @!p0 [sflag:s5], $0x1  }
0xb2: {  	s4 =	sor.u32 @!p0 s4, s6;
	[sflag:s5] =	ssyncadd.s32 @!p0 $0xFFFFFFFF  }
0xb3: {  	s25 =	simm.s32 $0x1B8E;
	s24 =	sld [smem:$0x3FFE];
	[sflag:s4] =	ssyncadd.remote.s32 @!p0 $0x1  }
0xb4: {  	s26 =	simm.s32 $execute0_lowered;
	[smem:$0x3FD2] =	sst s25  }
0xb5: {  	s5 =	sshll.u32 s26, $0x1;
	_ =	strace $0x8000004C;
	[dreg:$0x1] =	wrdreg $0xFFFFFFFF  }
0xb6: {  	s28 =	simm.s32 $_size_execute0_lowered;
	s3 =	sadd.s32 s3, s5;
	[dreg:$0x0] =	wrdreg $0x0  }
0xb7: {  	s5 =	sshll.u32 s28, $0x1;
	[dreg:$0x2] =	wrdreg s3  }
0xb8: {  	[dreg:$0x3] =	wrdreg s5  }
0xb9: {  	[dreg:$0x4] =	wrdreg $0xC0  }
0xba: {  	_ =	task [dreg:s22], $0x5FFFF  }
0xbb: {  	[dreg:$0x1] =	wrdreg $0xFFFFFFFF  }
0xbc: {  	[dreg:$0x0] =	wrdreg $0x60  }
0xbd: {  	[dreg:$0x2] =	wrdreg s24  }
0xbe: {  	[dreg:$0x3] =	wrdreg $0x82000  }
0xbf: {  	[dreg:$0x4] =	wrdreg $0xA  }
0xc0: {  	_ =	task.clear_ibuf [dreg:s22], $0x5FFFF;
	_ =	strace $0x9000004C  }
0xc1: {  	s29 =	simm.s32 $0xA;
	_ =	strace $0x8000004E  }
0xc2: {  	_ =	swait.ge [sflag:s29], $0x1  }
0xc3: {  	[sflag:s29] =	ssyncadd.s32 $0xFFFFFFFF  }
0xc4: {  	_ =	strace $0x9000004E  }
0xc5: {  	_ =	sfence  }
0xc6: {  	s30 =	sld [smem:$0x0];
	_ =	sdelay $0x2  }
0xc7: {  	s31 =	sshll.u32 s1, $0xD;
	s1 =	sshrl.u32 s1, $0x2  }
0xc8: {  	s4 =	sand.u32 $0x4000, s31;
	s1 =	sadd.s32 s1, s30  }
0xc9: {  	s0 =	sor.u32 s4, s0;
	s1 =	sshll.u32 s1, $0x11  }
0xca: {  	s0 =	sor.u32 s1, s0  }
0xcb: {  	s0 =	sadd.s32 $0x8F2B, s0  }
0xcc: {  	[sflag:s0] =	ssyncadd.remote.s32 $0x1  }
0xcd: {  	_ =	sfence.sel $0xFFFF  }
0xce: {  	[dreg:$0x0] =	wrdreg $0xFFFFFFFF;
	(pc) =	sbr.abs _section_cstart, $3  }
0xcf: {  	[dreg:$0x1] =	wrdreg $0xFFFFFFFF  }
0xd0: {  	_ =	task.clear_ibuf [dreg:s22], $0x2FFFF;
	_ =	strace $0x9FFFFFFF  }
0xd1: {  	(tm) =	ssettm $0x7FFFFFFF  }
tec
execute0_lowered:
.L_overlay_start_1:
0x0: {  	(tag) =	ssettag $0x1  }
0x1: {  	s0 =	rddreg [dreg:$0x0]  }
0x2: {  	s1 =	rddreg [dreg:$0x1];
	s2 =	simm.s32 $0x0;
	s4 =	srdreg.scid  }
0x3: {  	s8 =	stileid.u32;
	s28 =	simm.s32 $0x2;
	s29 =	simm.s32 $0x4  }
0x4: {  	s30 =	simm.s32 $0x0;
	[smem:$0x7FF] =	sst s2;
	s3 =	sadd.s32 $0xAB600, s0  }
0x5: {  	s5 =	sadd.s32 $0xA000, s0;
	s7 =	sadd.s32 $0x4A00, s0;
	s9 =	sand.u32 $0x1, s4  }
0x6: {  	s4 =	sadd.s32 $0xD2800, s0;
	s10 =	smul.u32 $0x27000, s8;
	s0 =	sadd.s32 $0xFAE00, s0  }
0x7: {  	s18 =	sshll.u32 s8, $0x7;
	s19 =	sshll.u32 s8, $0x6;
	s21 =	sadd.s32 $0x9C000, s1  }
0x8: {  	s23 =	smul.u32 $0x9C00, s8;
	p0 =	sne.s32 s8, $0xF;
	p1 =	sne.s32 s8, $0x0  }
0x9: {  	_ =	strace $0x8000004D;
	s6 =	ssub.s32 $0x2, s9;
	s12 =	smul.u32 $0x13880, s9  }
0xa: {  	s20 =	smul.u32 $0x9C400, s9;
	[dreg:$0x4] =	wrdreg s21;
	s11 =	sshrl.u32 s6, $0x1  }
0xb: {  	s21 =	simm.s32 $0x100;
	s17 =	sshrl.u32 s10, $0x2;
	s14 =	ssub.s32 s6, s11  }
0xc: {  	s6 =	sadd.s32 s17, s1;
	s15 =	sadd.s32 s18, s12;
	s12 =	sshrl.u32 s12, $0x3  }
0xd: {  	s24 =	sadd.s32 s23, s20;
	s11 =	sshrl.u32 s20, $0x3;
	s20 =	simm.s32 $0x80  }
0xe: {  	s23 =	simm.s32 $0x4180;
	[dreg:$0x3] =	wrdreg s6;
	s6 =	sor.u32 $0x1C05, s19  }
0xf: {  	s10 =	sadd.s32 $0x13000, s15;
	s12 =	sadd.s32 $0x2700, s12;
	s16 =	sadd.s32 s0, s11  }
0x10: {  	s14 =	smax.u32 s14, $0x1;
	s26 =	sshrl.u32 s15, $0x3;
	s17 =	sadd.s32 $0x800, s15  }
0x11: {  	s19 =	simm.s32 $0x5;
	s22 =	sshrl.u32 s10, $0x3;
	s25 =	sadd.s32 s5, s12  }
0x12: {  	s11 =	sadd.s32 s7, s12;
	s15 =	sadd.s32 s26, s7;
	s31 =	sshrl.u32 s17, $0x3  }
0x13: {  	s13 =	sadd.s32 s5, s22;
	s9 =	sadd.s32 s7, s22;
	[dreg:$0x7] =	wrdreg s25  }
0x14: {  	s17 =	sadd.s32 s31, s7;
	s18 =	sadd.s32 s31, s5;
	s22 =	simm.s32 $0x4100  }
0x15: {  	s25 =	simm.s32 $0x1;
	[dreg:$0x5] =	wrdreg s13;
	s13 =	sshrl.u32 s24, $0x3  }
0x16: {  	[dreg:$0x6] =	wrdreg s9;
	s24 =	simm.s32 $0x4200;
	s12 =	sadd.s32 s0, s13  }
0x17: {  	s13 =	sadd.s32 $0x13800, s16;
	s16 =	sadd.s32 s26, s5;
	s26 =	simm.s32 $0x3  }
.LBB2_1:
0x18: {  	s0 =	rddreg [dreg:$0x3]  }
0x19: {  	s31 =	sshrl.u32 s0, $0x3  }
0x1a: {  	[spmem:s31], [sflag:s6] =	dma.local [hbm:s4], $0x1380  }
0x1b: {  	_ =	swait.ge [sflag:s19], $0x1380  }
0x1c: {  	[sflag:s19] =	ssyncset.done $0x0;
	s0 =	rddreg [dreg:$0x4]  }
0x1d: {  	s5 =	simm.s32 @!p0 $0x5;
	[sflag:s19] =	ssyncadd.s32 $0xFFFFEC80;
	s0 =	sshrl.u32 @!p0 s0, $0x3  }
0x1e: {  	[spmem:s0], [sflag:s6] =	dma.local @!p0 [hbm:s4], $0x80  }
0x1f: {  	_ =	swait.ge @!p0 [sflag:s5], $0x80  }
0x20: {  	[sflag:s5] =	ssyncset.done @!p0 $0x0  }
0x21: {  	[sflag:s5] =	ssyncadd.s32 @!p0 $0xFFFFFF80  }
0x22: {  	s7 =	sadd.s32 $0x0, s16;
	[bflag:$0x0] =	sbarrier.arrive $0xFFFF  }
0x23: {  	[tilespmem:s2], [sflag:$0x5] =	stream.linear.gather [hbm4b:s7+s2], $0x80, $0x38;
	[tilespmem:$0x11E40] =	vst v63  }
0x24: {  	_ =	swait.ge [sflag:s19], $0x80  }
0x25: {  	[sflag:s19] =	ssyncset.done $0x0  }
0x26: {  	s8 =	sadd.s32 $0x0, s15;
	[sflag:s19] =	ssyncadd.s32 $0xFFFFFF80  }
0x27: {  	[tilespmem:s20], [sflag:$0x5] =	stream.linear.gather [hbm4b:s8+s2], $0x80, $0x38;
	[tilespmem:$0x11E40] =	vst v63  }
0x28: {  	_ =	swait.ge [sflag:s19], $0x80  }
0x29: {  	[sflag:s19] =	ssyncset.done $0x0  }
0x2a: {  	[sflag:s19] =	ssyncadd.s32 $0xFFFFFF80  }
0x2b: {  	[tilespmem:s21], [sflag:$0x1] =	stream.indirect.gather [hbm4b:s3+s20], $0x80, s2, s20, $0xb8;
	[tilespmem:$0x11E40] =	vst v63  }
0x2c: {  	s9 =	sadd.s32 $0x0, s18  }
0x2d: {  	[tilespmem:s22], [sflag:$0x5] =	stream.linear.gather [hbm4b:s9+s2], $0x80, $0x38;
	[tilespmem:$0x11E40] =	vst v63  }
0x2e: {  	_ =	swait.ge [sflag:s19], $0x80  }
0x2f: {  	[sflag:s19] =	ssyncset.done $0x0  }
0x30: {  	s10 =	sadd.s32 $0x0, s17;
	[sflag:s19] =	ssyncadd.s32 $0xFFFFFF80  }
0x31: {  	[tilespmem:s23], [sflag:$0x5] =	stream.linear.gather [hbm4b:s10+s2], $0x80, $0x38;
	[tilespmem:$0x11E40] =	vst v63  }
0x32: {  	_ =	swait.ge [sflag:s19], $0x80  }
0x33: {  	[sflag:s19] =	ssyncset.done $0x0  }
0x34: {  	[sflag:s19] =	ssyncadd.s32 $0xFFFFFF80  }
0x35: {  	[tilespmem:s24], [sflag:$0x3] =	stream.indirect.gather [hbm4b:s3+s20], $0x80, s22, s20, $0xb8;
	[tilespmem:$0x11E40] =	vst v63  }
0x36: {  	_ =	swait.ge [sflag:s25], $0x4000  }
0x37: {  	[sflag:s25] =	ssyncset.done $0x0  }
0x38: {  	[sflag:s25] =	ssyncadd.s32 $0xFFFFC000  }
0x39: {  	[spmem:s1] =	stream.indirect.scatter.add.f32 [tilespmem:s21], [sflag:$0x2], $0x80, s20, s20, $0xb8;
	[tilespmem:$0x11E40] =	vst v63  }
0x3a: {  	_ =	swait.ge [sflag:s26], $0x4000  }
0x3b: {  	[sflag:s26] =	ssyncset.done $0x0  }
0x3c: {  	[sflag:s26] =	ssyncadd.s32 $0xFFFFC000  }
0x3d: {  	[spmem:s1] =	stream.indirect.scatter.add.f32 [tilespmem:s24], [sflag:$0x4], $0x80, s23, s20, $0xb8;
	[tilespmem:$0x11E40] =	vst v63  }
0x3e: {  	_ =	swait.ge [sflag:s28], $0x4000  }
0x3f: {  	[sflag:s28] =	ssyncset.done $0x0  }
0x40: {  	[sflag:s28] =	ssyncadd.s32 $0xFFFFC000  }
0x41: {  	_ =	swait.ge [sflag:s29], $0x4000  }
0x42: {  	s5 =	simm.s32 $0x200;
	s7 =	simm.s32 $0x400;
	[sflag:s29] =	ssyncset.done $0x0  }
.LBB2_2:
0x43: {  	s9 =	sadd.s32 s5, s16  }
0x44: {  	[sflag:s29] =	ssyncadd.s32 $0xFFFFC000;
	s10 =	smov.u32 s7;
	s8 =	sadd.s32 $0x200, s7  }
0x45: {  	[tilespmem:s2], [sflag:$0x5] =	stream.linear.gather [hbm4b:s9+s2], $0x80, $0x38;
	[tilespmem:$0x11E40] =	vst v63  }
0x46: {  	p2 =	sne.s32 s7, $0x2400;
	_ =	swait.ge [sflag:s19], $0x80  }
0x47: {  	[sflag:s19] =	ssyncset.done $0x0  }
0x48: {  	s7 =	sadd.s32 s5, s15;
	[sflag:s19] =	ssyncadd.s32 $0xFFFFFF80  }
0x49: {  	[tilespmem:s20], [sflag:$0x5] =	stream.linear.gather [hbm4b:s7+s2], $0x80, $0x38;
	[tilespmem:$0x11E40] =	vst v63  }
0x4a: {  	_ =	swait.ge [sflag:s19], $0x80  }
0x4b: {  	[sflag:s19] =	ssyncset.done $0x0  }
0x4c: {  	[sflag:s19] =	ssyncadd.s32 $0xFFFFFF80  }
0x4d: {  	[tilespmem:s21], [sflag:$0x1] =	stream.indirect.gather [hbm4b:s3+s20], $0x80, s2, s20, $0xb8;
	[tilespmem:$0x11E40] =	vst v63  }
0x4e: {  	s7 =	sadd.s32 s5, s18  }
0x4f: {  	[tilespmem:s22], [sflag:$0x5] =	stream.linear.gather [hbm4b:s7+s2], $0x80, $0x38;
	[tilespmem:$0x11E40] =	vst v63  }
0x50: {  	_ =	swait.ge [sflag:s19], $0x80  }
0x51: {  	[sflag:s19] =	ssyncset.done $0x0  }
0x52: {  	s7 =	sadd.s32 s5, s17;
	s5 =	smov.u32 s10;
	[sflag:s19] =	ssyncadd.s32 $0xFFFFFF80  }
0x53: {  	[tilespmem:s23], [sflag:$0x5] =	stream.linear.gather [hbm4b:s7+s2], $0x80, $0x38;
	[tilespmem:$0x11E40] =	vst v63  }
0x54: {  	_ =	swait.ge [sflag:s19], $0x80  }
0x55: {  	[sflag:s19] =	ssyncset.done $0x0  }
0x56: {  	[sflag:s19] =	ssyncadd.s32 $0xFFFFFF80  }
0x57: {  	[tilespmem:s24], [sflag:$0x3] =	stream.indirect.gather [hbm4b:s3+s20], $0x80, s22, s20, $0xb8;
	[tilespmem:$0x11E40] =	vst v63  }
0x58: {  	_ =	swait.ge [sflag:s25], $0x4000  }
0x59: {  	[sflag:s25] =	ssyncset.done $0x0  }
0x5a: {  	[sflag:s25] =	ssyncadd.s32 $0xFFFFC000  }
0x5b: {  	[spmem:s1] =	stream.indirect.scatter.add.f32 [tilespmem:s21], [sflag:$0x2], $0x80, s20, s20, $0xb8;
	[tilespmem:$0x11E40] =	vst v63  }
0x5c: {  	_ =	swait.ge [sflag:s26], $0x4000  }
0x5d: {  	[sflag:s26] =	ssyncset.done $0x0  }
0x5e: {  	[sflag:s26] =	ssyncadd.s32 $0xFFFFC000  }
0x5f: {  	[spmem:s1] =	stream.indirect.scatter.add.f32 [tilespmem:s24], [sflag:$0x4], $0x80, s23, s20, $0xb8;
	[tilespmem:$0x11E40] =	vst v63  }
.Ltmp0:
0x60: {  	_ =	swait.ge [sflag:s28], $0x4000;
	(pc) =	sbr.rel @p2 .LBB2_2-.Ltmp0, $4  }
0x61: {  	[sflag:s28] =	ssyncset.done $0x0  }
0x62: {  	[sflag:s28] =	ssyncadd.s32 $0xFFFFC000  }
0x63: {  	_ =	swait.ge [sflag:s29], $0x4000  }
0x64: {  	s7 =	smov.u32 s8;
	[sflag:s29] =	ssyncset.done $0x0  }
0x65: {  	s7 =	sadd.s32 s5, s16;
	[sflag:s29] =	ssyncadd.s32 $0xFFFFC000  }
0x66: {  	[tilespmem:s2], [sflag:$0x5] =	stream.linear.gather [hbm4b:s7+s2], $0x80, $0x38;
	[tilespmem:$0x11E40] =	vst v63  }
0x67: {  	_ =	swait.ge [sflag:s19], $0x80  }
0x68: {  	[sflag:s19] =	ssyncset.done $0x0  }
0x69: {  	s9 =	sadd.s32 s5, s15;
	[sflag:s19] =	ssyncadd.s32 $0xFFFFFF80  }
0x6a: {  	[tilespmem:s20], [sflag:$0x5] =	stream.linear.gather [hbm4b:s9+s2], $0x80, $0x38;
	[tilespmem:$0x11E40] =	vst v63  }
0x6b: {  	_ =	swait.ge [sflag:s19], $0x80  }
0x6c: {  	[sflag:s19] =	ssyncset.done $0x0  }
0x6d: {  	[sflag:s19] =	ssyncadd.s32 $0xFFFFFF80  }
0x6e: {  	[tilespmem:s21], [sflag:$0x1] =	stream.indirect.gather [hbm4b:s3+s20], $0x80, s2, s20, $0xb8;
	[tilespmem:$0x11E40] =	vst v63  }
0x6f: {  	s10 =	sadd.s32 s5, s18  }
0x70: {  	[tilespmem:s22], [sflag:$0x5] =	stream.linear.gather [hbm4b:s10+s2], $0x80, $0x38;
	[tilespmem:$0x11E40] =	vst v63  }
0x71: {  	_ =	swait.ge [sflag:s19], $0x80  }
0x72: {  	[sflag:s19] =	ssyncset.done $0x0  }
0x73: {  	s8 =	sadd.s32 s5, s17;
	[sflag:s19] =	ssyncadd.s32 $0xFFFFFF80  }
0x74: {  	[tilespmem:s23], [sflag:$0x5] =	stream.linear.gather [hbm4b:s8+s2], $0x80, $0x38;
	[tilespmem:$0x11E40] =	vst v63  }
0x75: {  	_ =	swait.ge [sflag:s19], $0x80  }
0x76: {  	[sflag:s19] =	ssyncset.done $0x0  }
0x77: {  	[sflag:s19] =	ssyncadd.s32 $0xFFFFFF80  }
0x78: {  	[tilespmem:s24], [sflag:$0x3] =	stream.indirect.gather [hbm4b:s3+s20], $0x80, s22, s20, $0xb8;
	[tilespmem:$0x11E40] =	vst v63  }
0x79: {  	_ =	swait.ge [sflag:s25], $0x4000  }
0x7a: {  	[sflag:s25] =	ssyncset.done $0x0  }
0x7b: {  	[sflag:s25] =	ssyncadd.s32 $0xFFFFC000  }
0x7c: {  	[spmem:s1] =	stream.indirect.scatter.add.f32 [tilespmem:s21], [sflag:$0x2], $0x80, s20, s20, $0xb8;
	[tilespmem:$0x11E40] =	vst v63  }
0x7d: {  	_ =	swait.ge [sflag:s26], $0x4000  }
0x7e: {  	[sflag:s26] =	ssyncset.done $0x0  }
0x7f: {  	[sflag:s26] =	ssyncadd.s32 $0xFFFFC000  }
0x80: {  	[spmem:s1] =	stream.indirect.scatter.add.f32 [tilespmem:s24], [sflag:$0x4], $0x80, s23, s20, $0xb8;
	[tilespmem:$0x11E40] =	vst v63  }
0x81: {  	_ =	swait.ge [sflag:s28], $0x4000  }
0x82: {  	[sflag:s28] =	ssyncset.done $0x0  }
0x83: {  	[sflag:s28] =	ssyncadd.s32 $0xFFFFC000  }
0x84: {  	_ =	swait.ge [sflag:s29], $0x4000  }
0x85: {  	[sflag:s29] =	ssyncset.done $0x0  }
0x86: {  	s9 =	rddreg [dreg:$0x5];
	[sflag:s29] =	ssyncadd.s32 $0xFFFFC000  }
0x87: {  	[tilespmem:s2], [sflag:$0x5] =	stream.linear.gather [hbm4b:s9+s2], $0x80, $0x38;
	[tilespmem:$0x11E40] =	vst v63  }
0x88: {  	_ =	swait.ge [sflag:s19], $0x80  }
0x89: {  	[sflag:s19] =	ssyncset.done $0x0  }
0x8a: {  	s10 =	rddreg [dreg:$0x6];
	[sflag:s19] =	ssyncadd.s32 $0xFFFFFF80  }
0x8b: {  	[tilespmem:s20], [sflag:$0x5] =	stream.linear.gather [hbm4b:s10+s2], $0x80, $0x38;
	[tilespmem:$0x11E40] =	vst v63  }
0x8c: {  	_ =	swait.ge [sflag:s19], $0x80  }
0x8d: {  	[sflag:s19] =	ssyncset.done $0x0  }
0x8e: {  	[sflag:s19] =	ssyncadd.s32 $0xFFFFFF80  }
0x8f: {  	[tilespmem:s21], [sflag:$0x1] =	stream.indirect.gather [hbm4b:s3+s20], $0x80, s2, s20, $0xb8;
	[tilespmem:$0x11E40] =	vst v63  }
0x90: {  	_ =	swait.ge [sflag:s25], $0x4000  }
0x91: {  	[sflag:s25] =	ssyncset.done $0x0  }
0x92: {  	[sflag:s25] =	ssyncadd.s32 $0xFFFFC000  }
0x93: {  	[spmem:s1] =	stream.indirect.scatter.add.f32 [tilespmem:s21], [sflag:$0x2], $0x80, s20, s20, $0xb8;
	[tilespmem:$0x11E40] =	vst v63  }
0x94: {  	_ =	swait.ge [sflag:s28], $0x4000  }
0x95: {  	[sflag:s28] =	ssyncset.done $0x0  }
0x96: {  	s5 =	simm.s32 @!p1 $0x0;
	s7 =	rddreg [dreg:$0x7];
	[sflag:s28] =	ssyncadd.s32 $0xFFFFC000  }
0x97: {  	[tilespmem:s5], [sflag:$0x5] =	stream.linear.gather @!p1 [hbm4b:s7+s5], $0x80, $0x38;
	[tilespmem:$0x11E40] =	vst v63  }
0x98: {  	s7 =	simm.s32 @!p1 $0x5  }
0x99: {  	_ =	swait.ge @!p1 [sflag:s7], $0x80  }
0x9a: {  	[sflag:s7] =	ssyncset.done @!p1 $0x0  }
0x9b: {  	s8 =	simm.s32 @!p1 $0x80;
	[sflag:s7] =	ssyncadd.s32 @!p1 $0xFFFFFF80  }
0x9c: {  	[tilespmem:s8], [sflag:$0x5] =	stream.linear.gather @!p1 [hbm4b:s11+s5], $0x80, $0x38;
	[tilespmem:$0x11E40] =	vst v63  }
0x9d: {  	_ =	swait.ge @!p1 [sflag:s7], $0x80  }
0x9e: {  	[sflag:s7] =	ssyncset.done @!p1 $0x0  }
0x9f: {  	[sflag:s7] =	ssyncadd.s32 @!p1 $0xFFFFFF80;
	s7 =	simm.s32 @!p1 $0x100  }
0xa0: {  	[tilespmem:s7], [sflag:$0x1] =	stream.indirect.gather @!p1 [hbm4b:s3+s8], $0x80, s5, s8, $0xb8;
	[tilespmem:$0x11E40] =	vst v63  }
0xa1: {  	s5 =	simm.s32 @!p1 $0x1  }
0xa2: {  	_ =	swait.ge @!p1 [sflag:s5], $0x4000  }
0xa3: {  	[sflag:s5] =	ssyncset.done @!p1 $0x0  }
0xa4: {  	[sflag:s5] =	ssyncadd.s32 @!p1 $0xFFFFC000;
	s5 =	simm.s32 @!p1 $0x2  }
0xa5: {  	[spmem:s1] =	stream.indirect.scatter.add.f32 @!p1 [tilespmem:s7], [sflag:$0x2], $0x80, s8, s8, $0xb8;
	[tilespmem:$0x11E40] =	vst v63  }
0xa6: {  	_ =	swait.ge @!p1 [sflag:s5], $0x4000  }
0xa7: {  	[sflag:s5] =	ssyncset.done @!p1 $0x0  }
0xa8: {  	[sflag:s5] =	ssyncadd.s32 @!p1 $0xFFFFC000  }
0xa9: {  	[bflag:$0x0] =	sbarrier.arrive $0xFFFF  }
0xaa: {  	[hbm:s12], [sflag:s6] =	dma.local [spmem:s31], $0x1380  }
0xab: {  	_ =	swait.ge [sflag:s19], $0x1380  }
0xac: {  	s30 =	sadd.s32 $0x1, s30;
	[sflag:s19] =	ssyncset.done $0x0  }
0xad: {  	p2 =	sne.s32 s30, s14;
	[sflag:s19] =	ssyncadd.s32 $0xFFFFEC80  }
0xae: {  	[hbm:s13], [sflag:s6] =	dma.local @!p0 [spmem:s0], $0x80  }
.Ltmp1:
0xaf: {  	_ = 	snop;
	(pc) =	sbr.rel @p2 .LBB2_1-.Ltmp1, $4  }
0xb0: {  	s0 =	simm.s32 @!p0 $0x5  }
0xb1: {  	_ =	swait.ge @!p0 [sflag:s0], $0x80  }
0xb2: {  	[sflag:s0] =	ssyncset.done @!p0 $0x0  }
0xb3: {  	[sflag:s0] =	ssyncadd.s32 @!p0 $0xFFFFFF80  }
0xb4: {  	_ =	sfence.sel $0x180000  }
0xb5: {  	[bflag:$0x0] =	sbarrier.arrive $0xFFFF  }
0xb6: {  	_ =	strace $0x9000004D  }
0xb7: {  	[bflag:$0x2] =	sbarrier.arrive $0xFFFF  }
0xb8: {  	s0 =	rddreg [dreg:$0x2]  }
0xb9: {  	s0 =	sadd.s32 @!p1 $0x100000, s0  }
0xba: {  	[sflag:s0] =	ssyncadd.tile.s32 @!p1 $0x1;
	_ =	shalt  }
.Lfunc_end2:
_tile_overlayer_lowered:
.L_overlay_start_2:
0xbb: {  	(tag) =	ssettag $0x2  }
0xbc: {  	s0 =	rddreg [dreg:$0x0];
	s2 =	stileid.u32  }
0xbd: {  	s1 =	rddreg [dreg:$0x1];
	p0 =	sne.s32 s2, $0x0  }
0xbe: {  	s3 =	rddreg [dreg:$0x2];
	[bflag:$0x3] =	sbarrier.arrive $0xFFFF;
	s2 =	simm.s32 @!p0 $0x1C05  }
0xbf: {  	[timem:s3], [sflag:s2] =	dma.local @!p0 [hbm:s0], s1  }
0xc0: {  	s0 =	simm.s32 @!p0 $0x5  }
0xc1: {  	_ =	swait.ge @!p0 [sflag:s0], s1  }
0xc2: {  	s1 =	ssub.s32 @!p0 $0x0, s1;
	[sflag:s0] =	ssyncset.done @!p0 $0x0  }
0xc3: {  	[sflag:s0] =	ssyncadd.s32 @!p0 s1  }
0xc4: {  	[bflag:$0x3] =	sbarrier.arrive $0xFFFF  }
0xc5: {  	_ =	shalt  }

// kernel: kernel.20.cloned.1.call-start
scs
__scs_entry_jumppad:
0x0: {  	(pc) =	sbr.rel $0x88, $3  }
0x1: {  	(tag) =	ssettag $0x0;
	lr =	simm.s32 $0x1  }
0x2: {  	[smem:$0x3F92] =	sst lr;
	_ =	strace $0xD0000000  }
0x3: {  	_ = 	snop  }
0x4: {  	_ = 	snop  }
0x5: {  	_ = 	snop  }
0x6: {  	_ = 	snop  }
0x7: {  	_ = 	snop  }
__scs_overlays_trampoline_lowered:
0x8: {  	[smem:$0x3FA1] =	sst s0  }
0x9: {  	[smem:$0x3FA2] =	sst s1  }
0xa: {  	[smem:$0x3FA3] =	sst s2  }
0xb: {  	[smem:$0x3FA4] =	sst s3  }
0xc: {  	[smem:$0x3FA5] =	sst s4  }
0xd: {  	[smem:$0x3FA6] =	sst s5  }
0xe: {  	[smem:$0x3FA7] =	sst s6  }
0xf: {  	[smem:$0x3FA8] =	sst s7  }
0x10: {  	[smem:$0x3FA9] =	sst s8  }
0x11: {  	[smem:$0x3FAA] =	sst s9;
	s0 =	simm.s32 @!p0 $0x0  }
0x12: {  	s1 =	sld [smem:$0x3F90];
	s0 =	simm.s32 @p0 $0x1  }
0x13: {  	[smem:$0x3FAB] =	sst s0;
	s0 =	simm.s32 @!p1 $0x0  }
0x14: {  	s2 =	sld [smem:$0x3F8F];
	s0 =	simm.s32 @p1 $0x1  }
0x15: {  	[smem:$0x3FAC] =	sst s0;
	s0 =	simm.s32 @!p2 $0x0  }
0x16: {  	s3 =	sld [smem:$0x3FDB];
	s0 =	simm.s32 @p2 $0x1  }
0x17: {  	s4 =	simm.s32 $0x1BF5;
	[smem:$0x3FAE] =	sst s0  }
0x18: {  	s0 =	sld [smem:$0x3F91];
	_ =	swait.ge [sflag:s4], $0x0  }
0x19: {  	s7 =	sld [smem:$0x3F92]  }
0x1a: {  	s8 =	sadd.s32 $0xFFFFE003, lr  }
0x1b: {  	s9 =	sadd.s32 $0xFFFFFEF7, lr;
	s5 =	simm.s32 $0xFFFFFFFF;
	p2 =	slt.u32 s8, $0xFFFFF086  }
0x1c: {  	p1 =	slt.u32 s9, $0xF7A;
	s5 =	simm.s32 @!p2 $0x0  }
0x1d: {  	s5 =	simm.s32 @p1 $0x1;
	p0 =	seq.s32 s7, s2  }
0x1e: {  	s7 =	smul.u32 @!p0 $0xF7A, s2;
	p2 =	seq.s32 @!p0 s5, $0x0  }
0x1f: {  	s9 =	smul.u32 $0xF7A, s1;
	s8 =	simm.s32 @!p0 $0x1BF5;
	p2 =	por !p2, p0  }
0x20: {  	[sflag:s8] =	ssyncset.s32 @!p0 $0xFFFFF086;
	s6 =	sadd.s32 @!p0 s3, s7;
	s7 =	simm.s32 @!p0 $0x108  }
0x21: {  	s3 =	sadd.s32 s3, s9;
	s6 =	sadd.s32 @!p0 $0x88, s6;
	s7 =	simm.s32 @p2 $0x1082  }
0x22: {  	[simem:s7], [sflag:s8] =	dma.local @!p0 [hbm:s6], $0xF7A  }
0x23: {  	s9 =	sor.u32 $0xD0000000, s2;
	s6 =	simm.s32 $0x108;
	_ =	swait.ge @!p0 [sflag:s8], $0x0  }
0x24: {  	s3 =	sadd.s32 $0x88, s3;
	s6 =	simm.s32 @!p1 $0x1082;
	[sflag:s4] =	ssyncset.s32 $0xFFFFF086  }
0x25: {  	[simem:s6], [sflag:s4] =	dma.local [hbm:s3], $0xF7A  }
0x26: {  	[smem:$0x3F92] =	sst s1;
	(tag) =	ssettag s2;
	_ =	strace s9  }
0x27: {  	s1 =	sld [smem:$0x3FA2]  }
0x28: {  	s2 =	sld [smem:$0x3FA3]  }
0x29: {  	s4 =	sld [smem:$0x3FA5]  }
0x2a: {  	p0 =	seq.s32 s5, $0x0;
	s5 =	sld [smem:$0x3FA6]  }
0x2b: {  	s6 =	sld [smem:$0x3FA7]  }
0x2c: {  	s7 =	sld [smem:$0x3FA8]  }
0x2d: {  	s3 =	simm.s32 $0x108;
	s8 =	sld [smem:$0x3FA9]  }
0x2e: {  	s3 =	simm.s32 @!p0 $0x1082;
	s9 =	sld [smem:$0x3FAA]  }
0x2f: {  	lr =	sadd.s32 s0, s3;
	s0 =	sld [smem:$0x3FA1]  }
0x30: {  	s3 =	sld [smem:$0x3FA4]  }
0x31: {  	[smem:$0x3FAD] =	sst s10  }
0x32: {  	s10 =	sld [smem:$0x3FAB];
	_ =	sdelay $0x3  }
0x33: {  	p0 =	seq.s32 s10, $0x1;
	s10 =	sld [smem:$0x3FAD];
	_ =	sdelay $0x3  }
0x34: {  	[smem:$0x3FAD] =	sst s10  }
0x35: {  	s10 =	sld [smem:$0x3FAC];
	_ =	sdelay $0x3  }
0x36: {  	p1 =	seq.s32 s10, $0x1;
	s10 =	sld [smem:$0x3FAD];
	_ =	sdelay $0x3  }
0x37: {  	[smem:$0x3FAD] =	sst s10  }
0x38: {  	s10 =	sld [smem:$0x3FAE]  }
0x39: {  	_ = 	snop;
	(pc) =	sbr.ind lr, $3  }
0x3a: {  	_ = 	snop  }
0x3b: {  	_ = 	snop  }
0x3c: {  	p2 =	seq.s32 s10, $0x1;
	s10 =	sld [smem:$0x3FAD]  }
0x3d: {  	_ =	shalt  }
0x3e: {  	_ =	shalt  }
0x3f: {  	_ =	shalt  }
0x40: {  	_ =	shalt  }
0x41: {  	_ =	shalt  }
0x42: {  	_ =	shalt  }
0x43: {  	_ =	shalt  }
0x44: {  	_ =	shalt  }
0x45: {  	_ =	shalt  }
0x46: {  	_ =	shalt  }
0x47: {  	_ =	shalt  }
0x48: {  	_ =	shalt  }
0x49: {  	_ =	shalt  }
0x4a: {  	_ =	shalt  }
0x4b: {  	_ =	shalt  }
0x4c: {  	_ =	shalt  }
0x4d: {  	_ =	shalt  }
0x4e: {  	_ =	shalt  }
0x4f: {  	_ =	shalt  }
0x50: {  	_ =	shalt  }
0x51: {  	_ =	shalt  }
0x52: {  	_ =	shalt  }
0x53: {  	_ =	shalt  }
0x54: {  	_ =	shalt  }
0x55: {  	_ =	shalt  }
0x56: {  	_ =	shalt  }
0x57: {  	_ =	shalt  }
0x58: {  	_ =	shalt  }
0x59: {  	_ =	shalt  }
0x5a: {  	_ =	shalt  }
0x5b: {  	_ =	shalt  }
0x5c: {  	_ =	shalt  }
0x5d: {  	_ =	shalt  }
0x5e: {  	_ =	shalt  }
0x5f: {  	_ =	shalt  }
0x60: {  	_ =	shalt  }
0x61: {  	_ =	shalt  }
0x62: {  	_ =	shalt  }
0x63: {  	_ =	shalt  }
0x64: {  	_ =	shalt  }
0x65: {  	_ =	shalt  }
0x66: {  	_ =	shalt  }
0x67: {  	_ =	shalt  }
0x68: {  	_ =	shalt  }
0x69: {  	_ =	shalt  }
0x6a: {  	_ =	shalt  }
0x6b: {  	_ =	shalt  }
0x6c: {  	_ =	shalt  }
0x6d: {  	_ =	shalt  }
0x6e: {  	_ =	shalt  }
0x6f: {  	_ =	shalt  }
0x70: {  	_ =	shalt  }
0x71: {  	_ =	shalt  }
0x72: {  	_ =	shalt  }
0x73: {  	_ =	shalt  }
0x74: {  	_ =	shalt  }
0x75: {  	_ =	shalt  }
0x76: {  	_ =	shalt  }
0x77: {  	_ =	shalt  }
0x78: {  	_ =	shalt  }
0x79: {  	_ =	shalt  }
0x7a: {  	_ =	shalt  }
0x7b: {  	_ =	shalt  }
0x7c: {  	_ =	shalt  }
0x7d: {  	_ =	shalt  }
0x7e: {  	_ =	shalt  }
0x7f: {  	_ =	shalt  }
0x80: {  	_ =	shalt  }
0x81: {  	_ =	shalt  }
0x82: {  	_ =	shalt  }
0x83: {  	_ =	shalt  }
0x84: {  	_ =	shalt  }
0x85: {  	_ =	shalt  }
0x86: {  	_ =	shalt  }
0x87: {  	_ =	shalt  }
.Lfunc_end0:
.L_simem_size_0:
called_computation.3_lowered:
.L_overlay_start_0:
0x88: {  	s2 =	sld [smem:$0x3FD9]  }
0x89: {  	s3 =	sld [smem:$0x3FFE];
	_ =	sdelay $0x1  }
0x8a: {  	s1 =	srdreg.scid  }
0x8b: {  	s0 =	sand.u32 $0x1, s1  }
0x8c: {  	s16 =	sshll.u32 s0, $0xA;
	s2 =	sadd.s32 s3, s2  }
0x8d: {  	s2 =	sadd.s32 s2, s16  }
0x8e: {  	[smem:$0x3FB9] =	sst s2  }
0x8f: {  	_ = 	snop  }
0x90: {  	(tm) =	ssettm $0x1  }
0x91: {  	s17 =	sld [smem:$0x3FFB];
	_ =	sdelay $0x3  }
0x92: {  	_ =	strace s17  }
0x93: {  	s2 =	sld [smem:$0x3FFC];
	_ =	sdelay $0x3  }
0x94: {  	_ =	strace s2  }
0x95: {  	s2 =	sld [smem:$0x3FFD];
	_ =	sdelay $0x3  }
0x96: {  	_ =	strace s2  }
0x97: {  	_ =	strace $0x8FFFFFFF  }
0x98: {  	s18 =	sld [smem:$0x3FDB];
	_ =	sdelay $0x1  }
0x99: {  	s19 =	simm.s32 $_scs_section_size  }
0x9a: {  	s4 =	simm.s32 $_size__tile_overlayer_lowered;
	s5 =	simm.s32 $_tile_overlayer_lowered  }
0x9b: {  	s22 =	simm.s32 $0x1BFF;
	s21 =	sshll.u32 s5, $0x1;
	s2 =	sadd.s32 s19, s18  }
0x9c: {  	s6 =	simm.s32 $0x0;
	s20 =	sshll.u32 s4, $0x1;
	s4 =	sadd.s32 s21, s2  }
0x9d: {  	[timem:s6], [sflag:s22] =	dma.local [hbm:s4], s20  }
0x9e: {  	_ =	swait.ge [sflag:s22], s20  }
0x9f: {  	s3 =	ssub.s32 $0x0, s20;
	[sflag:s22] =	ssyncset.done $0x0  }
0xa0: {  	[sflag:s22] =	ssyncadd.s32 s3;
	_ =	sdelay $0x1  }
0xa1: {  	s23 =	simm.s32 $0x1B8B  }
0xa2: {  	_ =	swait.ge [sflag:s23], $0x1  }
0xa3: {  	[sflag:s23] =	ssyncset.done $0x0  }
0xa4: {  	s25 =	simm.s32 $0x1B8E;
	s24 =	sld [smem:$0x3FFE];
	[sflag:s23] =	ssyncadd.s32 $0xFFFFFFFF  }
0xa5: {  	s26 =	simm.s32 $execute0_lowered;
	[smem:$0x3FD2] =	sst s25  }
0xa6: {  	s4 =	sshll.u32 s26, $0x1;
	_ =	strace $0x8000004F;
	[dreg:$0x1] =	wrdreg $0xFFFFFFFF  }
0xa7: {  	s28 =	simm.s32 $_size_execute0_lowered;
	s2 =	sadd.s32 s2, s4;
	[dreg:$0x0] =	wrdreg $0x0  }
0xa8: {  	s4 =	sshll.u32 s28, $0x1;
	[dreg:$0x2] =	wrdreg s2  }
0xa9: {  	[dreg:$0x3] =	wrdreg s4  }
0xaa: {  	[dreg:$0x4] =	wrdreg $0xC0  }
0xab: {  	_ =	task [dreg:s6], $0x5FFFF  }
0xac: {  	[dreg:$0x1] =	wrdreg $0xFFFFFFFF  }
0xad: {  	[dreg:$0x0] =	wrdreg $0x60  }
0xae: {  	[dreg:$0x2] =	wrdreg s24  }
0xaf: {  	[dreg:$0x3] =	wrdreg $0x82000  }
0xb0: {  	[dreg:$0x4] =	wrdreg $0x9  }
0xb1: {  	_ =	task.clear_ibuf [dreg:s6], $0x5FFFF;
	_ =	strace $0x9000004F  }
0xb2: {  	s29 =	simm.s32 $0x9;
	_ =	strace $0x80000051  }
0xb3: {  	_ =	swait.ge [sflag:s29], $0x1  }
0xb4: {  	[sflag:s29] =	ssyncadd.s32 $0xFFFFFFFF  }
0xb5: {  	_ =	strace $0x90000051  }
0xb6: {  	_ =	sfence  }
0xb7: {  	s30 =	sld [smem:$0x0];
	_ =	sdelay $0x2  }
0xb8: {  	s31 =	sshll.u32 s1, $0xD;
	s1 =	sshrl.u32 s1, $0x2  }
0xb9: {  	s3 =	sand.u32 $0x4000, s31;
	s1 =	sadd.s32 s1, s30  }
0xba: {  	s0 =	sor.u32 s3, s0;
	s1 =	sshll.u32 s1, $0x11  }
0xbb: {  	s0 =	sor.u32 s1, s0  }
0xbc: {  	s0 =	sadd.s32 $0x8F2B, s0  }
0xbd: {  	[sflag:s0] =	ssyncadd.remote.s32 $0x1  }
0xbe: {  	_ =	sfence.sel $0xFFFF  }
0xbf: {  	[dreg:$0x0] =	wrdreg $0xFFFFFFFF;
	(pc) =	sbr.abs _section_cstart, $3  }
0xc0: {  	[dreg:$0x1] =	wrdreg $0xFFFFFFFF  }
0xc1: {  	_ =	task.clear_ibuf [dreg:s6], $0x2FFFF;
	_ =	strace $0x9FFFFFFF  }
0xc2: {  	(tm) =	ssettm $0x7FFFFFFF  }
0xc3: {  	_ =	shalt  }
tec
execute0_lowered:
.L_overlay_start_1:
0x0: {  	(tag) =	ssettag $0x1  }
0x1: {  	s0 =	rddreg [dreg:$0x0]  }
0x2: {  	s1 =	rddreg [dreg:$0x1];
	s2 =	simm.s32 $0x0;
	s4 =	srdreg.scid  }
0x3: {  	s8 =	stileid.u32;
	s28 =	simm.s32 $0x2;
	s29 =	simm.s32 $0x4  }
0x4: {  	s30 =	simm.s32 $0x0;
	[smem:$0x7FF] =	sst s2;
	s3 =	sadd.s32 $0xF000, s0  }
0x5: {  	s5 =	sadd.s32 $0xA000, s0;
	s7 =	sadd.s32 $0x4A00, s0;
	s9 =	sand.u32 $0x1, s4  }
0x6: {  	s4 =	sadd.s32 $0xD2800, s0;
	s10 =	smul.u32 $0x27000, s8;
	s0 =	sadd.s32 $0x36200, s0  }
0x7: {  	s18 =	sshll.u32 s8, $0x7;
	s19 =	sshll.u32 s8, $0x6;
	s21 =	sadd.s32 $0x9C000, s1  }
0x8: {  	s23 =	smul.u32 $0x9C00, s8;
	p0 =	sne.s32 s8, $0xF;
	p1 =	sne.s32 s8, $0x0  }
0x9: {  	_ =	strace $0x80000050;
	s6 =	ssub.s32 $0x2, s9;
	s12 =	smul.u32 $0x13880, s9  }
0xa: {  	s20 =	smul.u32 $0x9C400, s9;
	[dreg:$0x4] =	wrdreg s21;
	s11 =	sshrl.u32 s6, $0x1  }
0xb: {  	s21 =	simm.s32 $0x100;
	s17 =	sshrl.u32 s10, $0x2;
	s14 =	ssub.s32 s6, s11  }
0xc: {  	s6 =	sadd.s32 s17, s1;
	s15 =	sadd.s32 s18, s12;
	s12 =	sshrl.u32 s12, $0x3  }
0xd: {  	s24 =	sadd.s32 s23, s20;
	s11 =	sshrl.u32 s20, $0x3;
	s20 =	simm.s32 $0x80  }
0xe: {  	s23 =	simm.s32 $0x4180;
	[dreg:$0x3] =	wrdreg s6;
	s6 =	sor.u32 $0x1C05, s19  }
0xf: {  	s10 =	sadd.s32 $0x13000, s15;
	s12 =	sadd.s32 $0x2700, s12;
	s16 =	sadd.s32 s0, s11  }
0x10: {  	s14 =	smax.u32 s14, $0x1;
	s26 =	sshrl.u32 s15, $0x3;
	s17 =	sadd.s32 $0x800, s15  }
0x11: {  	s19 =	simm.s32 $0x5;
	s22 =	sshrl.u32 s10, $0x3;
	s25 =	sadd.s32 s5, s12  }
0x12: {  	s11 =	sadd.s32 s7, s12;
	s15 =	sadd.s32 s26, s7;
	s31 =	sshrl.u32 s17, $0x3  }
0x13: {  	s13 =	sadd.s32 s5, s22;
	s9 =	sadd.s32 s7, s22;
	[dreg:$0x7] =	wrdreg s25  }
0x14: {  	s17 =	sadd.s32 s31, s7;
	s18 =	sadd.s32 s31, s5;
	s22 =	simm.s32 $0x4100  }
0x15: {  	s25 =	simm.s32 $0x1;
	[dreg:$0x5] =	wrdreg s13;
	s13 =	sshrl.u32 s24, $0x3  }
0x16: {  	[dreg:$0x6] =	wrdreg s9;
	s24 =	simm.s32 $0x4200;
	s12 =	sadd.s32 s0, s13  }
0x17: {  	s13 =	sadd.s32 $0x13800, s16;
	s16 =	sadd.s32 s26, s5;
	s26 =	simm.s32 $0x3  }
.LBB2_1:
0x18: {  	s0 =	rddreg [dreg:$0x3]  }
0x19: {  	s31 =	sshrl.u32 s0, $0x3  }
0x1a: {  	[spmem:s31], [sflag:s6] =	dma.local [hbm:s4], $0x1380  }
0x1b: {  	_ =	swait.ge [sflag:s19], $0x1380  }
0x1c: {  	[sflag:s19] =	ssyncset.done $0x0;
	s0 =	rddreg [dreg:$0x4]  }
0x1d: {  	s5 =	simm.s32 @!p0 $0x5;
	[sflag:s19] =	ssyncadd.s32 $0xFFFFEC80;
	s0 =	sshrl.u32 @!p0 s0, $0x3  }
0x1e: {  	[spmem:s0], [sflag:s6] =	dma.local @!p0 [hbm:s4], $0x80  }
0x1f: {  	_ =	swait.ge @!p0 [sflag:s5], $0x80  }
0x20: {  	[sflag:s5] =	ssyncset.done @!p0 $0x0  }
0x21: {  	[sflag:s5] =	ssyncadd.s32 @!p0 $0xFFFFFF80  }
0x22: {  	s7 =	sadd.s32 $0x0, s16;
	[bflag:$0x0] =	sbarrier.arrive $0xFFFF  }
0x23: {  	[tilespmem:s2], [sflag:$0x5] =	stream.linear.gather [hbm4b:s7+s2], $0x80, $0x38;
	[tilespmem:$0x11E40] =	vst v63  }
0x24: {  	_ =	swait.ge [sflag:s19], $0x80  }
0x25: {  	[sflag:s19] =	ssyncset.done $0x0  }
0x26: {  	s8 =	sadd.s32 $0x0, s15;
	[sflag:s19] =	ssyncadd.s32 $0xFFFFFF80  }
0x27: {  	[tilespmem:s20], [sflag:$0x5] =	stream.linear.gather [hbm4b:s8+s2], $0x80, $0x38;
	[tilespmem:$0x11E40] =	vst v63  }
0x28: {  	_ =	swait.ge [sflag:s19], $0x80  }
0x29: {  	[sflag:s19] =	ssyncset.done $0x0  }
0x2a: {  	[sflag:s19] =	ssyncadd.s32 $0xFFFFFF80  }
0x2b: {  	[tilespmem:s21], [sflag:$0x1] =	stream.indirect.gather [hbm4b:s3+s20], $0x80, s2, s20, $0xb8;
	[tilespmem:$0x11E40] =	vst v63  }
0x2c: {  	s9 =	sadd.s32 $0x0, s18  }
0x2d: {  	[tilespmem:s22], [sflag:$0x5] =	stream.linear.gather [hbm4b:s9+s2], $0x80, $0x38;
	[tilespmem:$0x11E40] =	vst v63  }
0x2e: {  	_ =	swait.ge [sflag:s19], $0x80  }
0x2f: {  	[sflag:s19] =	ssyncset.done $0x0  }
0x30: {  	s10 =	sadd.s32 $0x0, s17;
	[sflag:s19] =	ssyncadd.s32 $0xFFFFFF80  }
0x31: {  	[tilespmem:s23], [sflag:$0x5] =	stream.linear.gather [hbm4b:s10+s2], $0x80, $0x38;
	[tilespmem:$0x11E40] =	vst v63  }
0x32: {  	_ =	swait.ge [sflag:s19], $0x80  }
0x33: {  	[sflag:s19] =	ssyncset.done $0x0  }
0x34: {  	[sflag:s19] =	ssyncadd.s32 $0xFFFFFF80  }
0x35: {  	[tilespmem:s24], [sflag:$0x3] =	stream.indirect.gather [hbm4b:s3+s20], $0x80, s22, s20, $0xb8;
	[tilespmem:$0x11E40] =	vst v63  }
0x36: {  	_ =	swait.ge [sflag:s25], $0x4000  }
0x37: {  	[sflag:s25] =	ssyncset.done $0x0  }
0x38: {  	[sflag:s25] =	ssyncadd.s32 $0xFFFFC000  }
0x39: {  	[spmem:s1] =	stream.indirect.scatter.add.f32 [tilespmem:s21], [sflag:$0x2], $0x80, s20, s20, $0xb8;
	[tilespmem:$0x11E40] =	vst v63  }
0x3a: {  	_ =	swait.ge [sflag:s26], $0x4000  }
0x3b: {  	[sflag:s26] =	ssyncset.done $0x0  }
0x3c: {  	[sflag:s26] =	ssyncadd.s32 $0xFFFFC000  }
0x3d: {  	[spmem:s1] =	stream.indirect.scatter.add.f32 [tilespmem:s24], [sflag:$0x4], $0x80, s23, s20, $0xb8;
	[tilespmem:$0x11E40] =	vst v63  }
0x3e: {  	_ =	swait.ge [sflag:s28], $0x4000  }
0x3f: {  	[sflag:s28] =	ssyncset.done $0x0  }
0x40: {  	[sflag:s28] =	ssyncadd.s32 $0xFFFFC000  }
0x41: {  	_ =	swait.ge [sflag:s29], $0x4000  }
0x42: {  	s5 =	simm.s32 $0x200;
	s7 =	simm.s32 $0x400;
	[sflag:s29] =	ssyncset.done $0x0  }
.LBB2_2:
0x43: {  	s9 =	sadd.s32 s5, s16  }
0x44: {  	[sflag:s29] =	ssyncadd.s32 $0xFFFFC000;
	s10 =	smov.u32 s7;
	s8 =	sadd.s32 $0x200, s7  }
0x45: {  	[tilespmem:s2], [sflag:$0x5] =	stream.linear.gather [hbm4b:s9+s2], $0x80, $0x38;
	[tilespmem:$0x11E40] =	vst v63  }
0x46: {  	p2 =	sne.s32 s7, $0x2400;
	_ =	swait.ge [sflag:s19], $0x80  }
0x47: {  	[sflag:s19] =	ssyncset.done $0x0  }
0x48: {  	s7 =	sadd.s32 s5, s15;
	[sflag:s19] =	ssyncadd.s32 $0xFFFFFF80  }
0x49: {  	[tilespmem:s20], [sflag:$0x5] =	stream.linear.gather [hbm4b:s7+s2], $0x80, $0x38;
	[tilespmem:$0x11E40] =	vst v63  }
0x4a: {  	_ =	swait.ge [sflag:s19], $0x80  }
0x4b: {  	[sflag:s19] =	ssyncset.done $0x0  }
0x4c: {  	[sflag:s19] =	ssyncadd.s32 $0xFFFFFF80  }
0x4d: {  	[tilespmem:s21], [sflag:$0x1] =	stream.indirect.gather [hbm4b:s3+s20], $0x80, s2, s20, $0xb8;
	[tilespmem:$0x11E40] =	vst v63  }
0x4e: {  	s7 =	sadd.s32 s5, s18  }
0x4f: {  	[tilespmem:s22], [sflag:$0x5] =	stream.linear.gather [hbm4b:s7+s2], $0x80, $0x38;
	[tilespmem:$0x11E40] =	vst v63  }
0x50: {  	_ =	swait.ge [sflag:s19], $0x80  }
0x51: {  	[sflag:s19] =	ssyncset.done $0x0  }
0x52: {  	s7 =	sadd.s32 s5, s17;
	s5 =	smov.u32 s10;
	[sflag:s19] =	ssyncadd.s32 $0xFFFFFF80  }
0x53: {  	[tilespmem:s23], [sflag:$0x5] =	stream.linear.gather [hbm4b:s7+s2], $0x80, $0x38;
	[tilespmem:$0x11E40] =	vst v63  }
0x54: {  	_ =	swait.ge [sflag:s19], $0x80  }
0x55: {  	[sflag:s19] =	ssyncset.done $0x0  }
0x56: {  	[sflag:s19] =	ssyncadd.s32 $0xFFFFFF80  }
0x57: {  	[tilespmem:s24], [sflag:$0x3] =	stream.indirect.gather [hbm4b:s3+s20], $0x80, s22, s20, $0xb8;
	[tilespmem:$0x11E40] =	vst v63  }
0x58: {  	_ =	swait.ge [sflag:s25], $0x4000  }
0x59: {  	[sflag:s25] =	ssyncset.done $0x0  }
0x5a: {  	[sflag:s25] =	ssyncadd.s32 $0xFFFFC000  }
0x5b: {  	[spmem:s1] =	stream.indirect.scatter.add.f32 [tilespmem:s21], [sflag:$0x2], $0x80, s20, s20, $0xb8;
	[tilespmem:$0x11E40] =	vst v63  }
0x5c: {  	_ =	swait.ge [sflag:s26], $0x4000  }
0x5d: {  	[sflag:s26] =	ssyncset.done $0x0  }
0x5e: {  	[sflag:s26] =	ssyncadd.s32 $0xFFFFC000  }
0x5f: {  	[spmem:s1] =	stream.indirect.scatter.add.f32 [tilespmem:s24], [sflag:$0x4], $0x80, s23, s20, $0xb8;
	[tilespmem:$0x11E40] =	vst v63  }
.Ltmp0:
0x60: {  	_ =	swait.ge [sflag:s28], $0x4000;
	(pc) =	sbr.rel @p2 .LBB2_2-.Ltmp0, $4  }
0x61: {  	[sflag:s28] =	ssyncset.done $0x0  }
0x62: {  	[sflag:s28] =	ssyncadd.s32 $0xFFFFC000  }
0x63: {  	_ =	swait.ge [sflag:s29], $0x4000  }
0x64: {  	s7 =	smov.u32 s8;
	[sflag:s29] =	ssyncset.done $0x0  }
0x65: {  	s7 =	sadd.s32 s5, s16;
	[sflag:s29] =	ssyncadd.s32 $0xFFFFC000  }
0x66: {  	[tilespmem:s2], [sflag:$0x5] =	stream.linear.gather [hbm4b:s7+s2], $0x80, $0x38;
	[tilespmem:$0x11E40] =	vst v63  }
0x67: {  	_ =	swait.ge [sflag:s19], $0x80  }
0x68: {  	[sflag:s19] =	ssyncset.done $0x0  }
0x69: {  	s9 =	sadd.s32 s5, s15;
	[sflag:s19] =	ssyncadd.s32 $0xFFFFFF80  }
0x6a: {  	[tilespmem:s20], [sflag:$0x5] =	stream.linear.gather [hbm4b:s9+s2], $0x80, $0x38;
	[tilespmem:$0x11E40] =	vst v63  }
0x6b: {  	_ =	swait.ge [sflag:s19], $0x80  }
0x6c: {  	[sflag:s19] =	ssyncset.done $0x0  }
0x6d: {  	[sflag:s19] =	ssyncadd.s32 $0xFFFFFF80  }
0x6e: {  	[tilespmem:s21], [sflag:$0x1] =	stream.indirect.gather [hbm4b:s3+s20], $0x80, s2, s20, $0xb8;
	[tilespmem:$0x11E40] =	vst v63  }
0x6f: {  	s10 =	sadd.s32 s5, s18  }
0x70: {  	[tilespmem:s22], [sflag:$0x5] =	stream.linear.gather [hbm4b:s10+s2], $0x80, $0x38;
	[tilespmem:$0x11E40] =	vst v63  }
0x71: {  	_ =	swait.ge [sflag:s19], $0x80  }
0x72: {  	[sflag:s19] =	ssyncset.done $0x0  }
0x73: {  	s8 =	sadd.s32 s5, s17;
	[sflag:s19] =	ssyncadd.s32 $0xFFFFFF80  }
0x74: {  	[tilespmem:s23], [sflag:$0x5] =	stream.linear.gather [hbm4b:s8+s2], $0x80, $0x38;
	[tilespmem:$0x11E40] =	vst v63  }
0x75: {  	_ =	swait.ge [sflag:s19], $0x80  }
0x76: {  	[sflag:s19] =	ssyncset.done $0x0  }
0x77: {  	[sflag:s19] =	ssyncadd.s32 $0xFFFFFF80  }
0x78: {  	[tilespmem:s24], [sflag:$0x3] =	stream.indirect.gather [hbm4b:s3+s20], $0x80, s22, s20, $0xb8;
	[tilespmem:$0x11E40] =	vst v63  }
0x79: {  	_ =	swait.ge [sflag:s25], $0x4000  }
0x7a: {  	[sflag:s25] =	ssyncset.done $0x0  }
0x7b: {  	[sflag:s25] =	ssyncadd.s32 $0xFFFFC000  }
0x7c: {  	[spmem:s1] =	stream.indirect.scatter.add.f32 [tilespmem:s21], [sflag:$0x2], $0x80, s20, s20, $0xb8;
	[tilespmem:$0x11E40] =	vst v63  }
0x7d: {  	_ =	swait.ge [sflag:s26], $0x4000  }
0x7e: {  	[sflag:s26] =	ssyncset.done $0x0  }
0x7f: {  	[sflag:s26] =	ssyncadd.s32 $0xFFFFC000  }
0x80: {  	[spmem:s1] =	stream.indirect.scatter.add.f32 [tilespmem:s24], [sflag:$0x4], $0x80, s23, s20, $0xb8;
	[tilespmem:$0x11E40] =	vst v63  }
0x81: {  	_ =	swait.ge [sflag:s28], $0x4000  }
0x82: {  	[sflag:s28] =	ssyncset.done $0x0  }
0x83: {  	[sflag:s28] =	ssyncadd.s32 $0xFFFFC000  }
0x84: {  	_ =	swait.ge [sflag:s29], $0x4000  }
0x85: {  	[sflag:s29] =	ssyncset.done $0x0  }
0x86: {  	s9 =	rddreg [dreg:$0x5];
	[sflag:s29] =	ssyncadd.s32 $0xFFFFC000  }
0x87: {  	[tilespmem:s2], [sflag:$0x5] =	stream.linear.gather [hbm4b:s9+s2], $0x80, $0x38;
	[tilespmem:$0x11E40] =	vst v63  }
0x88: {  	_ =	swait.ge [sflag:s19], $0x80  }
0x89: {  	[sflag:s19] =	ssyncset.done $0x0  }
0x8a: {  	s10 =	rddreg [dreg:$0x6];
	[sflag:s19] =	ssyncadd.s32 $0xFFFFFF80  }
0x8b: {  	[tilespmem:s20], [sflag:$0x5] =	stream.linear.gather [hbm4b:s10+s2], $0x80, $0x38;
	[tilespmem:$0x11E40] =	vst v63  }
0x8c: {  	_ =	swait.ge [sflag:s19], $0x80  }
0x8d: {  	[sflag:s19] =	ssyncset.done $0x0  }
0x8e: {  	[sflag:s19] =	ssyncadd.s32 $0xFFFFFF80  }
0x8f: {  	[tilespmem:s21], [sflag:$0x1] =	stream.indirect.gather [hbm4b:s3+s20], $0x80, s2, s20, $0xb8;
	[tilespmem:$0x11E40] =	vst v63  }
0x90: {  	_ =	swait.ge [sflag:s25], $0x4000  }
0x91: {  	[sflag:s25] =	ssyncset.done $0x0  }
0x92: {  	[sflag:s25] =	ssyncadd.s32 $0xFFFFC000  }
0x93: {  	[spmem:s1] =	stream.indirect.scatter.add.f32 [tilespmem:s21], [sflag:$0x2], $0x80, s20, s20, $0xb8;
	[tilespmem:$0x11E40] =	vst v63  }
0x94: {  	_ =	swait.ge [sflag:s28], $0x4000  }
0x95: {  	[sflag:s28] =	ssyncset.done $0x0  }
0x96: {  	s5 =	simm.s32 @!p1 $0x0;
	s7 =	rddreg [dreg:$0x7];
	[sflag:s28] =	ssyncadd.s32 $0xFFFFC000  }
0x97: {  	[tilespmem:s5], [sflag:$0x5] =	stream.linear.gather @!p1 [hbm4b:s7+s5], $0x80, $0x38;
	[tilespmem:$0x11E40] =	vst v63  }
0x98: {  	s7 =	simm.s32 @!p1 $0x5  }
0x99: {  	_ =	swait.ge @!p1 [sflag:s7], $0x80  }
0x9a: {  	[sflag:s7] =	ssyncset.done @!p1 $0x0  }
0x9b: {  	s8 =	simm.s32 @!p1 $0x80;
	[sflag:s7] =	ssyncadd.s32 @!p1 $0xFFFFFF80  }
0x9c: {  	[tilespmem:s8], [sflag:$0x5] =	stream.linear.gather @!p1 [hbm4b:s11+s5], $0x80, $0x38;
	[tilespmem:$0x11E40] =	vst v63  }
0x9d: {  	_ =	swait.ge @!p1 [sflag:s7], $0x80  }
0x9e: {  	[sflag:s7] =	ssyncset.done @!p1 $0x0  }
0x9f: {  	[sflag:s7] =	ssyncadd.s32 @!p1 $0xFFFFFF80;
	s7 =	simm.s32 @!p1 $0x100  }
0xa0: {  	[tilespmem:s7], [sflag:$0x1] =	stream.indirect.gather @!p1 [hbm4b:s3+s8], $0x80, s5, s8, $0xb8;
	[tilespmem:$0x11E40] =	vst v63  }
0xa1: {  	s5 =	simm.s32 @!p1 $0x1  }
0xa2: {  	_ =	swait.ge @!p1 [sflag:s5], $0x4000  }
0xa3: {  	[sflag:s5] =	ssyncset.done @!p1 $0x0  }
0xa4: {  	[sflag:s5] =	ssyncadd.s32 @!p1 $0xFFFFC000;
	s5 =	simm.s32 @!p1 $0x2  }
0xa5: {  	[spmem:s1] =	stream.indirect.scatter.add.f32 @!p1 [tilespmem:s7], [sflag:$0x2], $0x80, s8, s8, $0xb8;
	[tilespmem:$0x11E40] =	vst v63  }
0xa6: {  	_ =	swait.ge @!p1 [sflag:s5], $0x4000  }
0xa7: {  	[sflag:s5] =	ssyncset.done @!p1 $0x0  }
0xa8: {  	[sflag:s5] =	ssyncadd.s32 @!p1 $0xFFFFC000  }
0xa9: {  	[bflag:$0x0] =	sbarrier.arrive $0xFFFF  }
0xaa: {  	[hbm:s12], [sflag:s6] =	dma.local [spmem:s31], $0x1380  }
0xab: {  	_ =	swait.ge [sflag:s19], $0x1380  }
0xac: {  	s30 =	sadd.s32 $0x1, s30;
	[sflag:s19] =	ssyncset.done $0x0  }
0xad: {  	p2 =	sne.s32 s30, s14;
	[sflag:s19] =	ssyncadd.s32 $0xFFFFEC80  }
0xae: {  	[hbm:s13], [sflag:s6] =	dma.local @!p0 [spmem:s0], $0x80  }
.Ltmp1:
0xaf: {  	_ = 	snop;
	(pc) =	sbr.rel @p2 .LBB2_1-.Ltmp1, $4  }
0xb0: {  	s0 =	simm.s32 @!p0 $0x5  }
0xb1: {  	_ =	swait.ge @!p0 [sflag:s0], $0x80  }
0xb2: {  	[sflag:s0] =	ssyncset.done @!p0 $0x0  }
0xb3: {  	[sflag:s0] =	ssyncadd.s32 @!p0 $0xFFFFFF80  }
0xb4: {  	_ =	sfence.sel $0x180000  }
0xb5: {  	[bflag:$0x0] =	sbarrier.arrive $0xFFFF  }
0xb6: {  	_ =	strace $0x90000050  }
0xb7: {  	[bflag:$0x2] =	sbarrier.arrive $0xFFFF  }
0xb8: {  	s0 =	rddreg [dreg:$0x2]  }
0xb9: {  	s0 =	sadd.s32 @!p1 $0x100000, s0  }
0xba: {  	[sflag:s0] =	ssyncadd.tile.s32 @!p1 $0x1;
	_ =	shalt  }
.Lfunc_end2:
_tile_overlayer_lowered:
.L_overlay_start_2:
0xbb: {  	(tag) =	ssettag $0x2  }
0xbc: {  	s0 =	rddreg [dreg:$0x0];
	s2 =	stileid.u32  }
0xbd: {  	s1 =	rddreg [dreg:$0x1];
	p0 =	sne.s32 s2, $0x0  }
0xbe: {  	s3 =	rddreg [dreg:$0x2];
	[bflag:$0x3] =	sbarrier.arrive $0xFFFF;
	s2 =	simm.s32 @!p0 $0x1C05  }
0xbf: {  	[timem:s3], [sflag:s2] =	dma.local @!p0 [hbm:s0], s1  }
0xc0: {  	s0 =	simm.s32 @!p0 $0x5  }
0xc1: {  	_ =	swait.ge @!p0 [sflag:s0], s1  }
0xc2: {  	s1 =	ssub.s32 @!p0 $0x0, s1;
	[sflag:s0] =	ssyncset.done @!p0 $0x0  }
0xc3: {  	[sflag:s0] =	ssyncadd.s32 @!p0 s1  }
0xc4: {  	[bflag:$0x3] =	sbarrier.arrive $0xFFFF  }
0xc5: {  	_ =	shalt  }

// kernel: kernel.23.cloned.1.call-start
scs
__scs_entry_jumppad:
0x0: {  	(pc) =	sbr.rel $0x88, $3  }
0x1: {  	(tag) =	ssettag $0x0;
	lr =	simm.s32 $0x1  }
0x2: {  	[smem:$0x3F92] =	sst lr;
	_ =	strace $0xD0000000  }
0x3: {  	_ = 	snop  }
0x4: {  	_ = 	snop  }
0x5: {  	_ = 	snop  }
0x6: {  	_ = 	snop  }
0x7: {  	_ = 	snop  }
__scs_overlays_trampoline_lowered:
0x8: {  	[smem:$0x3FA1] =	sst s0  }
0x9: {  	[smem:$0x3FA2] =	sst s1  }
0xa: {  	[smem:$0x3FA3] =	sst s2  }
0xb: {  	[smem:$0x3FA4] =	sst s3  }
0xc: {  	[smem:$0x3FA5] =	sst s4  }
0xd: {  	[smem:$0x3FA6] =	sst s5  }
0xe: {  	[smem:$0x3FA7] =	sst s6  }
0xf: {  	[smem:$0x3FA8] =	sst s7  }
0x10: {  	[smem:$0x3FA9] =	sst s8  }
0x11: {  	[smem:$0x3FAA] =	sst s9;
	s0 =	simm.s32 @!p0 $0x0  }
0x12: {  	s1 =	sld [smem:$0x3F90];
	s0 =	simm.s32 @p0 $0x1  }
0x13: {  	[smem:$0x3FAB] =	sst s0;
	s0 =	simm.s32 @!p1 $0x0  }
0x14: {  	s2 =	sld [smem:$0x3F8F];
	s0 =	simm.s32 @p1 $0x1  }
0x15: {  	[smem:$0x3FAC] =	sst s0;
	s0 =	simm.s32 @!p2 $0x0  }
0x16: {  	s3 =	sld [smem:$0x3FDB];
	s0 =	simm.s32 @p2 $0x1  }
0x17: {  	s4 =	simm.s32 $0x1BF5;
	[smem:$0x3FAE] =	sst s0  }
0x18: {  	s0 =	sld [smem:$0x3F91];
	_ =	swait.ge [sflag:s4], $0x0  }
0x19: {  	s7 =	sld [smem:$0x3F92]  }
0x1a: {  	s8 =	sadd.s32 $0xFFFFE003, lr  }
0x1b: {  	s9 =	sadd.s32 $0xFFFFFEF7, lr;
	s5 =	simm.s32 $0xFFFFFFFF;
	p2 =	slt.u32 s8, $0xFFFFF086  }
0x1c: {  	p1 =	slt.u32 s9, $0xF7A;
	s5 =	simm.s32 @!p2 $0x0  }
0x1d: {  	s5 =	simm.s32 @p1 $0x1;
	p0 =	seq.s32 s7, s2  }
0x1e: {  	s7 =	smul.u32 @!p0 $0xF7A, s2;
	p2 =	seq.s32 @!p0 s5, $0x0  }
0x1f: {  	s9 =	smul.u32 $0xF7A, s1;
	s8 =	simm.s32 @!p0 $0x1BF5;
	p2 =	por !p2, p0  }
0x20: {  	[sflag:s8] =	ssyncset.s32 @!p0 $0xFFFFF086;
	s6 =	sadd.s32 @!p0 s3, s7;
	s7 =	simm.s32 @!p0 $0x108  }
0x21: {  	s3 =	sadd.s32 s3, s9;
	s6 =	sadd.s32 @!p0 $0x88, s6;
	s7 =	simm.s32 @p2 $0x1082  }
0x22: {  	[simem:s7], [sflag:s8] =	dma.local @!p0 [hbm:s6], $0xF7A  }
0x23: {  	s9 =	sor.u32 $0xD0000000, s2;
	s6 =	simm.s32 $0x108;
	_ =	swait.ge @!p0 [sflag:s8], $0x0  }
0x24: {  	s3 =	sadd.s32 $0x88, s3;
	s6 =	simm.s32 @!p1 $0x1082;
	[sflag:s4] =	ssyncset.s32 $0xFFFFF086  }
0x25: {  	[simem:s6], [sflag:s4] =	dma.local [hbm:s3], $0xF7A  }
0x26: {  	[smem:$0x3F92] =	sst s1;
	(tag) =	ssettag s2;
	_ =	strace s9  }
0x27: {  	s1 =	sld [smem:$0x3FA2]  }
0x28: {  	s2 =	sld [smem:$0x3FA3]  }
0x29: {  	s4 =	sld [smem:$0x3FA5]  }
0x2a: {  	p0 =	seq.s32 s5, $0x0;
	s5 =	sld [smem:$0x3FA6]  }
0x2b: {  	s6 =	sld [smem:$0x3FA7]  }
0x2c: {  	s7 =	sld [smem:$0x3FA8]  }
0x2d: {  	s3 =	simm.s32 $0x108;
	s8 =	sld [smem:$0x3FA9]  }
0x2e: {  	s3 =	simm.s32 @!p0 $0x1082;
	s9 =	sld [smem:$0x3FAA]  }
0x2f: {  	lr =	sadd.s32 s0, s3;
	s0 =	sld [smem:$0x3FA1]  }
0x30: {  	s3 =	sld [smem:$0x3FA4]  }
0x31: {  	[smem:$0x3FAD] =	sst s10  }
0x32: {  	s10 =	sld [smem:$0x3FAB];
	_ =	sdelay $0x3  }
0x33: {  	p0 =	seq.s32 s10, $0x1;
	s10 =	sld [smem:$0x3FAD];
	_ =	sdelay $0x3  }
0x34: {  	[smem:$0x3FAD] =	sst s10  }
0x35: {  	s10 =	sld [smem:$0x3FAC];
	_ =	sdelay $0x3  }
0x36: {  	p1 =	seq.s32 s10, $0x1;
	s10 =	sld [smem:$0x3FAD];
	_ =	sdelay $0x3  }
0x37: {  	[smem:$0x3FAD] =	sst s10  }
0x38: {  	s10 =	sld [smem:$0x3FAE]  }
0x39: {  	_ = 	snop;
	(pc) =	sbr.ind lr, $3  }
0x3a: {  	_ = 	snop  }
0x3b: {  	_ = 	snop  }
0x3c: {  	p2 =	seq.s32 s10, $0x1;
	s10 =	sld [smem:$0x3FAD]  }
0x3d: {  	_ =	shalt  }
0x3e: {  	_ =	shalt  }
0x3f: {  	_ =	shalt  }
0x40: {  	_ =	shalt  }
0x41: {  	_ =	shalt  }
0x42: {  	_ =	shalt  }
0x43: {  	_ =	shalt  }
0x44: {  	_ =	shalt  }
0x45: {  	_ =	shalt  }
0x46: {  	_ =	shalt  }
0x47: {  	_ =	shalt  }
0x48: {  	_ =	shalt  }
0x49: {  	_ =	shalt  }
0x4a: {  	_ =	shalt  }
0x4b: {  	_ =	shalt  }
0x4c: {  	_ =	shalt  }
0x4d: {  	_ =	shalt  }
0x4e: {  	_ =	shalt  }
0x4f: {  	_ =	shalt  }
0x50: {  	_ =	shalt  }
0x51: {  	_ =	shalt  }
0x52: {  	_ =	shalt  }
0x53: {  	_ =	shalt  }
0x54: {  	_ =	shalt  }
0x55: {  	_ =	shalt  }
0x56: {  	_ =	shalt  }
0x57: {  	_ =	shalt  }
0x58: {  	_ =	shalt  }
0x59: {  	_ =	shalt  }
0x5a: {  	_ =	shalt  }
0x5b: {  	_ =	shalt  }
0x5c: {  	_ =	shalt  }
0x5d: {  	_ =	shalt  }
0x5e: {  	_ =	shalt  }
0x5f: {  	_ =	shalt  }
0x60: {  	_ =	shalt  }
0x61: {  	_ =	shalt  }
0x62: {  	_ =	shalt  }
0x63: {  	_ =	shalt  }
0x64: {  	_ =	shalt  }
0x65: {  	_ =	shalt  }
0x66: {  	_ =	shalt  }
0x67: {  	_ =	shalt  }
0x68: {  	_ =	shalt  }
0x69: {  	_ =	shalt  }
0x6a: {  	_ =	shalt  }
0x6b: {  	_ =	shalt  }
0x6c: {  	_ =	shalt  }
0x6d: {  	_ =	shalt  }
0x6e: {  	_ =	shalt  }
0x6f: {  	_ =	shalt  }
0x70: {  	_ =	shalt  }
0x71: {  	_ =	shalt  }
0x72: {  	_ =	shalt  }
0x73: {  	_ =	shalt  }
0x74: {  	_ =	shalt  }
0x75: {  	_ =	shalt  }
0x76: {  	_ =	shalt  }
0x77: {  	_ =	shalt  }
0x78: {  	_ =	shalt  }
0x79: {  	_ =	shalt  }
0x7a: {  	_ =	shalt  }
0x7b: {  	_ =	shalt  }
0x7c: {  	_ =	shalt  }
0x7d: {  	_ =	shalt  }
0x7e: {  	_ =	shalt  }
0x7f: {  	_ =	shalt  }
0x80: {  	_ =	shalt  }
0x81: {  	_ =	shalt  }
0x82: {  	_ =	shalt  }
0x83: {  	_ =	shalt  }
0x84: {  	_ =	shalt  }
0x85: {  	_ =	shalt  }
0x86: {  	_ =	shalt  }
0x87: {  	_ =	shalt  }
.Lfunc_end0:
.L_simem_size_0:
called_computation.4_lowered:
.L_overlay_start_0:
0x88: {  	s2 =	sld [smem:$0x3FD9]  }
0x89: {  	s3 =	sld [smem:$0x3FFE];
	_ =	sdelay $0x1  }
0x8a: {  	s1 =	srdreg.scid  }
0x8b: {  	s0 =	sand.u32 $0x1, s1  }
0x8c: {  	s16 =	sshll.u32 s0, $0xA;
	s2 =	sadd.s32 s3, s2  }
0x8d: {  	s2 =	sadd.s32 s2, s16  }
0x8e: {  	[smem:$0x3FB9] =	sst s2  }
0x8f: {  	_ = 	snop  }
0x90: {  	(tm) =	ssettm $0x1  }
0x91: {  	s17 =	sld [smem:$0x3FFB];
	_ =	sdelay $0x3  }
0x92: {  	_ =	strace s17  }
0x93: {  	s2 =	sld [smem:$0x3FFC];
	_ =	sdelay $0x3  }
0x94: {  	_ =	strace s2  }
0x95: {  	s2 =	sld [smem:$0x3FFD];
	_ =	sdelay $0x3  }
0x96: {  	_ =	strace s2  }
0x97: {  	_ =	strace $0x8FFFFFFF  }
0x98: {  	s18 =	sld [smem:$0x3FDB];
	_ =	sdelay $0x1  }
0x99: {  	s19 =	simm.s32 $_scs_section_size  }
0x9a: {  	s4 =	simm.s32 $_size__tile_overlayer_lowered;
	s5 =	simm.s32 $_tile_overlayer_lowered  }
0x9b: {  	s22 =	simm.s32 $0x1BFF;
	s21 =	sshll.u32 s5, $0x1;
	s2 =	sadd.s32 s19, s18  }
0x9c: {  	s6 =	simm.s32 $0x0;
	s20 =	sshll.u32 s4, $0x1;
	s4 =	sadd.s32 s21, s2  }
0x9d: {  	[timem:s6], [sflag:s22] =	dma.local [hbm:s4], s20  }
0x9e: {  	_ =	swait.ge [sflag:s22], s20  }
0x9f: {  	s3 =	ssub.s32 $0x0, s20;
	[sflag:s22] =	ssyncset.done $0x0  }
0xa0: {  	[sflag:s22] =	ssyncadd.s32 s3;
	_ =	sdelay $0x1  }
0xa1: {  	s23 =	simm.s32 $0x1B8B  }
0xa2: {  	_ =	swait.ge [sflag:s23], $0x1  }
0xa3: {  	[sflag:s23] =	ssyncset.done $0x0  }
0xa4: {  	s25 =	simm.s32 $0x1B8E;
	s24 =	sld [smem:$0x3FFE];
	[sflag:s23] =	ssyncadd.s32 $0xFFFFFFFF  }
0xa5: {  	s26 =	simm.s32 $execute0_lowered;
	[smem:$0x3FD2] =	sst s25  }
0xa6: {  	s4 =	sshll.u32 s26, $0x1;
	_ =	strace $0x80000052;
	[dreg:$0x1] =	wrdreg $0xFFFFFFFF  }
0xa7: {  	s28 =	simm.s32 $_size_execute0_lowered;
	s2 =	sadd.s32 s2, s4;
	[dreg:$0x0] =	wrdreg $0x0  }
0xa8: {  	s4 =	sshll.u32 s28, $0x1;
	[dreg:$0x2] =	wrdreg s2  }
0xa9: {  	[dreg:$0x3] =	wrdreg s4  }
0xaa: {  	[dreg:$0x4] =	wrdreg $0xC0  }
0xab: {  	_ =	task [dreg:s6], $0x5FFFF  }
0xac: {  	[dreg:$0x1] =	wrdreg $0xFFFFFFFF  }
0xad: {  	[dreg:$0x0] =	wrdreg $0x60  }
0xae: {  	[dreg:$0x2] =	wrdreg s24  }
0xaf: {  	[dreg:$0x3] =	wrdreg $0x82000  }
0xb0: {  	[dreg:$0x4] =	wrdreg $0x9  }
0xb1: {  	_ =	task.clear_ibuf [dreg:s6], $0x5FFFF;
	_ =	strace $0x90000052  }
0xb2: {  	s29 =	simm.s32 $0x9;
	_ =	strace $0x80000054  }
0xb3: {  	_ =	swait.ge [sflag:s29], $0x1  }
0xb4: {  	[sflag:s29] =	ssyncadd.s32 $0xFFFFFFFF  }
0xb5: {  	_ =	strace $0x90000054  }
0xb6: {  	_ =	sfence  }
0xb7: {  	s30 =	sld [smem:$0x0];
	_ =	sdelay $0x2  }
0xb8: {  	s31 =	sshll.u32 s1, $0xD;
	s1 =	sshrl.u32 s1, $0x2  }
0xb9: {  	s3 =	sand.u32 $0x4000, s31;
	s1 =	sadd.s32 s1, s30  }
0xba: {  	s0 =	sor.u32 s3, s0;
	s1 =	sshll.u32 s1, $0x11  }
0xbb: {  	s0 =	sor.u32 s1, s0  }
0xbc: {  	s0 =	sadd.s32 $0x8F2B, s0  }
0xbd: {  	[sflag:s0] =	ssyncadd.remote.s32 $0x1  }
0xbe: {  	_ =	sfence.sel $0xFFFF  }
0xbf: {  	[dreg:$0x0] =	wrdreg $0xFFFFFFFF;
	(pc) =	sbr.abs _section_cstart, $3  }
0xc0: {  	[dreg:$0x1] =	wrdreg $0xFFFFFFFF  }
0xc1: {  	_ =	task.clear_ibuf [dreg:s6], $0x2FFFF;
	_ =	strace $0x9FFFFFFF  }
0xc2: {  	(tm) =	ssettm $0x7FFFFFFF  }
0xc3: {  	_ =	shalt  }
tec
execute0_lowered:
.L_overlay_start_1:
0x0: {  	(tag) =	ssettag $0x1  }
0x1: {  	s0 =	rddreg [dreg:$0x0]  }
0x2: {  	s1 =	rddreg [dreg:$0x1];
	s2 =	simm.s32 $0x0;
	s4 =	srdreg.scid  }
0x3: {  	s8 =	stileid.u32;
	s28 =	simm.s32 $0x2;
	s29 =	simm.s32 $0x4  }
0x4: {  	s30 =	simm.s32 $0x0;
	[smem:$0x7FF] =	sst s2;
	s3 =	sadd.s32 $0xF000, s0  }
0x5: {  	s5 =	sadd.s32 $0xA000, s0;
	s7 =	sadd.s32 $0x4A00, s0;
	s9 =	sand.u32 $0x1, s4  }
0x6: {  	s4 =	sadd.s32 $0xD2800, s0;
	s10 =	smul.u32 $0x27000, s8;
	s0 =	sadd.s32 $0x36200, s0  }
0x7: {  	s18 =	sshll.u32 s8, $0x7;
	s19 =	sshll.u32 s8, $0x6;
	s21 =	sadd.s32 $0x9C000, s1  }
0x8: {  	s23 =	smul.u32 $0x9C00, s8;
	p0 =	sne.s32 s8, $0xF;
	p1 =	sne.s32 s8, $0x0  }
0x9: {  	_ =	strace $0x80000053;
	s6 =	ssub.s32 $0x2, s9;
	s12 =	smul.u32 $0x13880, s9  }
0xa: {  	s20 =	smul.u32 $0x9C400, s9;
	[dreg:$0x4] =	wrdreg s21;
	s11 =	sshrl.u32 s6, $0x1  }
0xb: {  	s21 =	simm.s32 $0x100;
	s17 =	sshrl.u32 s10, $0x2;
	s14 =	ssub.s32 s6, s11  }
0xc: {  	s6 =	sadd.s32 s17, s1;
	s15 =	sadd.s32 s18, s12;
	s12 =	sshrl.u32 s12, $0x3  }
0xd: {  	s24 =	sadd.s32 s23, s20;
	s11 =	sshrl.u32 s20, $0x3;
	s20 =	simm.s32 $0x80  }
0xe: {  	s23 =	simm.s32 $0x4180;
	[dreg:$0x3] =	wrdreg s6;
	s6 =	sor.u32 $0x1C05, s19  }
0xf: {  	s10 =	sadd.s32 $0x13000, s15;
	s12 =	sadd.s32 $0x2700, s12;
	s16 =	sadd.s32 s0, s11  }
0x10: {  	s14 =	smax.u32 s14, $0x1;
	s26 =	sshrl.u32 s15, $0x3;
	s17 =	sadd.s32 $0x800, s15  }
0x11: {  	s19 =	simm.s32 $0x5;
	s22 =	sshrl.u32 s10, $0x3;
	s25 =	sadd.s32 s5, s12  }
0x12: {  	s11 =	sadd.s32 s7, s12;
	s15 =	sadd.s32 s26, s7;
	s31 =	sshrl.u32 s17, $0x3  }
0x13: {  	s13 =	sadd.s32 s5, s22;
	s9 =	sadd.s32 s7, s22;
	[dreg:$0x7] =	wrdreg s25  }
0x14: {  	s17 =	sadd.s32 s31, s7;
	s18 =	sadd.s32 s31, s5;
	s22 =	simm.s32 $0x4100  }
0x15: {  	s25 =	simm.s32 $0x1;
	[dreg:$0x5] =	wrdreg s13;
	s13 =	sshrl.u32 s24, $0x3  }
0x16: {  	[dreg:$0x6] =	wrdreg s9;
	s24 =	simm.s32 $0x4200;
	s12 =	sadd.s32 s0, s13  }
0x17: {  	s13 =	sadd.s32 $0x13800, s16;
	s16 =	sadd.s32 s26, s5;
	s26 =	simm.s32 $0x3  }
.LBB2_1:
0x18: {  	s0 =	rddreg [dreg:$0x3]  }
0x19: {  	s31 =	sshrl.u32 s0, $0x3  }
0x1a: {  	[spmem:s31], [sflag:s6] =	dma.local [hbm:s4], $0x1380  }
0x1b: {  	_ =	swait.ge [sflag:s19], $0x1380  }
0x1c: {  	[sflag:s19] =	ssyncset.done $0x0;
	s0 =	rddreg [dreg:$0x4]  }
0x1d: {  	s5 =	simm.s32 @!p0 $0x5;
	[sflag:s19] =	ssyncadd.s32 $0xFFFFEC80;
	s0 =	sshrl.u32 @!p0 s0, $0x3  }
0x1e: {  	[spmem:s0], [sflag:s6] =	dma.local @!p0 [hbm:s4], $0x80  }
0x1f: {  	_ =	swait.ge @!p0 [sflag:s5], $0x80  }
0x20: {  	[sflag:s5] =	ssyncset.done @!p0 $0x0  }
0x21: {  	[sflag:s5] =	ssyncadd.s32 @!p0 $0xFFFFFF80  }
0x22: {  	s7 =	sadd.s32 $0x0, s16;
	[bflag:$0x0] =	sbarrier.arrive $0xFFFF  }
0x23: {  	[tilespmem:s2], [sflag:$0x5] =	stream.linear.gather [hbm4b:s7+s2], $0x80, $0x38;
	[tilespmem:$0x11E40] =	vst v63  }
0x24: {  	_ =	swait.ge [sflag:s19], $0x80  }
0x25: {  	[sflag:s19] =	ssyncset.done $0x0  }
0x26: {  	s8 =	sadd.s32 $0x0, s15;
	[sflag:s19] =	ssyncadd.s32 $0xFFFFFF80  }
0x27: {  	[tilespmem:s20], [sflag:$0x5] =	stream.linear.gather [hbm4b:s8+s2], $0x80, $0x38;
	[tilespmem:$0x11E40] =	vst v63  }
0x28: {  	_ =	swait.ge [sflag:s19], $0x80  }
0x29: {  	[sflag:s19] =	ssyncset.done $0x0  }
0x2a: {  	[sflag:s19] =	ssyncadd.s32 $0xFFFFFF80  }
0x2b: {  	[tilespmem:s21], [sflag:$0x1] =	stream.indirect.gather [hbm4b:s3+s20], $0x80, s2, s20, $0xb8;
	[tilespmem:$0x11E40] =	vst v63  }
0x2c: {  	s9 =	sadd.s32 $0x0, s18  }
0x2d: {  	[tilespmem:s22], [sflag:$0x5] =	stream.linear.gather [hbm4b:s9+s2], $0x80, $0x38;
	[tilespmem:$0x11E40] =	vst v63  }
0x2e: {  	_ =	swait.ge [sflag:s19], $0x80  }
0x2f: {  	[sflag:s19] =	ssyncset.done $0x0  }
0x30: {  	s10 =	sadd.s32 $0x0, s17;
	[sflag:s19] =	ssyncadd.s32 $0xFFFFFF80  }
0x31: {  	[tilespmem:s23], [sflag:$0x5] =	stream.linear.gather [hbm4b:s10+s2], $0x80, $0x38;
	[tilespmem:$0x11E40] =	vst v63  }
0x32: {  	_ =	swait.ge [sflag:s19], $0x80  }
0x33: {  	[sflag:s19] =	ssyncset.done $0x0  }
0x34: {  	[sflag:s19] =	ssyncadd.s32 $0xFFFFFF80  }
0x35: {  	[tilespmem:s24], [sflag:$0x3] =	stream.indirect.gather [hbm4b:s3+s20], $0x80, s22, s20, $0xb8;
	[tilespmem:$0x11E40] =	vst v63  }
0x36: {  	_ =	swait.ge [sflag:s25], $0x4000  }
0x37: {  	[sflag:s25] =	ssyncset.done $0x0  }
0x38: {  	[sflag:s25] =	ssyncadd.s32 $0xFFFFC000  }
0x39: {  	[spmem:s1] =	stream.indirect.scatter.add.f32 [tilespmem:s21], [sflag:$0x2], $0x80, s20, s20, $0xb8;
	[tilespmem:$0x11E40] =	vst v63  }
0x3a: {  	_ =	swait.ge [sflag:s26], $0x4000  }
0x3b: {  	[sflag:s26] =	ssyncset.done $0x0  }
0x3c: {  	[sflag:s26] =	ssyncadd.s32 $0xFFFFC000  }
0x3d: {  	[spmem:s1] =	stream.indirect.scatter.add.f32 [tilespmem:s24], [sflag:$0x4], $0x80, s23, s20, $0xb8;
	[tilespmem:$0x11E40] =	vst v63  }
0x3e: {  	_ =	swait.ge [sflag:s28], $0x4000  }
0x3f: {  	[sflag:s28] =	ssyncset.done $0x0  }
0x40: {  	[sflag:s28] =	ssyncadd.s32 $0xFFFFC000  }
0x41: {  	_ =	swait.ge [sflag:s29], $0x4000  }
0x42: {  	s5 =	simm.s32 $0x200;
	s7 =	simm.s32 $0x400;
	[sflag:s29] =	ssyncset.done $0x0  }
.LBB2_2:
0x43: {  	s9 =	sadd.s32 s5, s16  }
0x44: {  	[sflag:s29] =	ssyncadd.s32 $0xFFFFC000;
	s10 =	smov.u32 s7;
	s8 =	sadd.s32 $0x200, s7  }
0x45: {  	[tilespmem:s2], [sflag:$0x5] =	stream.linear.gather [hbm4b:s9+s2], $0x80, $0x38;
	[tilespmem:$0x11E40] =	vst v63  }
0x46: {  	p2 =	sne.s32 s7, $0x2400;
	_ =	swait.ge [sflag:s19], $0x80  }
0x47: {  	[sflag:s19] =	ssyncset.done $0x0  }
0x48: {  	s7 =	sadd.s32 s5, s15;
	[sflag:s19] =	ssyncadd.s32 $0xFFFFFF80  }
0x49: {  	[tilespmem:s20], [sflag:$0x5] =	stream.linear.gather [hbm4b:s7+s2], $0x80, $0x38;
	[tilespmem:$0x11E40] =	vst v63  }
0x4a: {  	_ =	swait.ge [sflag:s19], $0x80  }
0x4b: {  	[sflag:s19] =	ssyncset.done $0x0  }
0x4c: {  	[sflag:s19] =	ssyncadd.s32 $0xFFFFFF80  }
0x4d: {  	[tilespmem:s21], [sflag:$0x1] =	stream.indirect.gather [hbm4b:s3+s20], $0x80, s2, s20, $0xb8;
	[tilespmem:$0x11E40] =	vst v63  }
0x4e: {  	s7 =	sadd.s32 s5, s18  }
0x4f: {  	[tilespmem:s22], [sflag:$0x5] =	stream.linear.gather [hbm4b:s7+s2], $0x80, $0x38;
	[tilespmem:$0x11E40] =	vst v63  }
0x50: {  	_ =	swait.ge [sflag:s19], $0x80  }
0x51: {  	[sflag:s19] =	ssyncset.done $0x0  }
0x52: {  	s7 =	sadd.s32 s5, s17;
	s5 =	smov.u32 s10;
	[sflag:s19] =	ssyncadd.s32 $0xFFFFFF80  }
0x53: {  	[tilespmem:s23], [sflag:$0x5] =	stream.linear.gather [hbm4b:s7+s2], $0x80, $0x38;
	[tilespmem:$0x11E40] =	vst v63  }
0x54: {  	_ =	swait.ge [sflag:s19], $0x80  }
0x55: {  	[sflag:s19] =	ssyncset.done $0x0  }
0x56: {  	[sflag:s19] =	ssyncadd.s32 $0xFFFFFF80  }
0x57: {  	[tilespmem:s24], [sflag:$0x3] =	stream.indirect.gather [hbm4b:s3+s20], $0x80, s22, s20, $0xb8;
	[tilespmem:$0x11E40] =	vst v63  }
0x58: {  	_ =	swait.ge [sflag:s25], $0x4000  }
0x59: {  	[sflag:s25] =	ssyncset.done $0x0  }
0x5a: {  	[sflag:s25] =	ssyncadd.s32 $0xFFFFC000  }
0x5b: {  	[spmem:s1] =	stream.indirect.scatter.add.f32 [tilespmem:s21], [sflag:$0x2], $0x80, s20, s20, $0xb8;
	[tilespmem:$0x11E40] =	vst v63  }
0x5c: {  	_ =	swait.ge [sflag:s26], $0x4000  }
0x5d: {  	[sflag:s26] =	ssyncset.done $0x0  }
0x5e: {  	[sflag:s26] =	ssyncadd.s32 $0xFFFFC000  }
0x5f: {  	[spmem:s1] =	stream.indirect.scatter.add.f32 [tilespmem:s24], [sflag:$0x4], $0x80, s23, s20, $0xb8;
	[tilespmem:$0x11E40] =	vst v63  }
.Ltmp0:
0x60: {  	_ =	swait.ge [sflag:s28], $0x4000;
	(pc) =	sbr.rel @p2 .LBB2_2-.Ltmp0, $4  }
0x61: {  	[sflag:s28] =	ssyncset.done $0x0  }
0x62: {  	[sflag:s28] =	ssyncadd.s32 $0xFFFFC000  }
0x63: {  	_ =	swait.ge [sflag:s29], $0x4000  }
0x64: {  	s7 =	smov.u32 s8;
	[sflag:s29] =	ssyncset.done $0x0  }
0x65: {  	s7 =	sadd.s32 s5, s16;
	[sflag:s29] =	ssyncadd.s32 $0xFFFFC000  }
0x66: {  	[tilespmem:s2], [sflag:$0x5] =	stream.linear.gather [hbm4b:s7+s2], $0x80, $0x38;
	[tilespmem:$0x11E40] =	vst v63  }
0x67: {  	_ =	swait.ge [sflag:s19], $0x80  }
0x68: {  	[sflag:s19] =	ssyncset.done $0x0  }
0x69: {  	s9 =	sadd.s32 s5, s15;
	[sflag:s19] =	ssyncadd.s32 $0xFFFFFF80  }
0x6a: {  	[tilespmem:s20], [sflag:$0x5] =	stream.linear.gather [hbm4b:s9+s2], $0x80, $0x38;
	[tilespmem:$0x11E40] =	vst v63  }
0x6b: {  	_ =	swait.ge [sflag:s19], $0x80  }
0x6c: {  	[sflag:s19] =	ssyncset.done $0x0  }
0x6d: {  	[sflag:s19] =	ssyncadd.s32 $0xFFFFFF80  }
0x6e: {  	[tilespmem:s21], [sflag:$0x1] =	stream.indirect.gather [hbm4b:s3+s20], $0x80, s2, s20, $0xb8;
	[tilespmem:$0x11E40] =	vst v63  }
0x6f: {  	s10 =	sadd.s32 s5, s18  }
0x70: {  	[tilespmem:s22], [sflag:$0x5] =	stream.linear.gather [hbm4b:s10+s2], $0x80, $0x38;
	[tilespmem:$0x11E40] =	vst v63  }
0x71: {  	_ =	swait.ge [sflag:s19], $0x80  }
0x72: {  	[sflag:s19] =	ssyncset.done $0x0  }
0x73: {  	s8 =	sadd.s32 s5, s17;
	[sflag:s19] =	ssyncadd.s32 $0xFFFFFF80  }
0x74: {  	[tilespmem:s23], [sflag:$0x5] =	stream.linear.gather [hbm4b:s8+s2], $0x80, $0x38;
	[tilespmem:$0x11E40] =	vst v63  }
0x75: {  	_ =	swait.ge [sflag:s19], $0x80  }
0x76: {  	[sflag:s19] =	ssyncset.done $0x0  }
0x77: {  	[sflag:s19] =	ssyncadd.s32 $0xFFFFFF80  }
0x78: {  	[tilespmem:s24], [sflag:$0x3] =	stream.indirect.gather [hbm4b:s3+s20], $0x80, s22, s20, $0xb8;
	[tilespmem:$0x11E40] =	vst v63  }
0x79: {  	_ =	swait.ge [sflag:s25], $0x4000  }
0x7a: {  	[sflag:s25] =	ssyncset.done $0x0  }
0x7b: {  	[sflag:s25] =	ssyncadd.s32 $0xFFFFC000  }
0x7c: {  	[spmem:s1] =	stream.indirect.scatter.add.f32 [tilespmem:s21], [sflag:$0x2], $0x80, s20, s20, $0xb8;
	[tilespmem:$0x11E40] =	vst v63  }
0x7d: {  	_ =	swait.ge [sflag:s26], $0x4000  }
0x7e: {  	[sflag:s26] =	ssyncset.done $0x0  }
0x7f: {  	[sflag:s26] =	ssyncadd.s32 $0xFFFFC000  }
0x80: {  	[spmem:s1] =	stream.indirect.scatter.add.f32 [tilespmem:s24], [sflag:$0x4], $0x80, s23, s20, $0xb8;
	[tilespmem:$0x11E40] =	vst v63  }
0x81: {  	_ =	swait.ge [sflag:s28], $0x4000  }
0x82: {  	[sflag:s28] =	ssyncset.done $0x0  }
0x83: {  	[sflag:s28] =	ssyncadd.s32 $0xFFFFC000  }
0x84: {  	_ =	swait.ge [sflag:s29], $0x4000  }
0x85: {  	[sflag:s29] =	ssyncset.done $0x0  }
0x86: {  	s9 =	rddreg [dreg:$0x5];
	[sflag:s29] =	ssyncadd.s32 $0xFFFFC000  }
0x87: {  	[tilespmem:s2], [sflag:$0x5] =	stream.linear.gather [hbm4b:s9+s2], $0x80, $0x38;
	[tilespmem:$0x11E40] =	vst v63  }
0x88: {  	_ =	swait.ge [sflag:s19], $0x80  }
0x89: {  	[sflag:s19] =	ssyncset.done $0x0  }
0x8a: {  	s10 =	rddreg [dreg:$0x6];
	[sflag:s19] =	ssyncadd.s32 $0xFFFFFF80  }
0x8b: {  	[tilespmem:s20], [sflag:$0x5] =	stream.linear.gather [hbm4b:s10+s2], $0x80, $0x38;
	[tilespmem:$0x11E40] =	vst v63  }
0x8c: {  	_ =	swait.ge [sflag:s19], $0x80  }
0x8d: {  	[sflag:s19] =	ssyncset.done $0x0  }
0x8e: {  	[sflag:s19] =	ssyncadd.s32 $0xFFFFFF80  }
0x8f: {  	[tilespmem:s21], [sflag:$0x1] =	stream.indirect.gather [hbm4b:s3+s20], $0x80, s2, s20, $0xb8;
	[tilespmem:$0x11E40] =	vst v63  }
0x90: {  	_ =	swait.ge [sflag:s25], $0x4000  }
0x91: {  	[sflag:s25] =	ssyncset.done $0x0  }
0x92: {  	[sflag:s25] =	ssyncadd.s32 $0xFFFFC000  }
0x93: {  	[spmem:s1] =	stream.indirect.scatter.add.f32 [tilespmem:s21], [sflag:$0x2], $0x80, s20, s20, $0xb8;
	[tilespmem:$0x11E40] =	vst v63  }
0x94: {  	_ =	swait.ge [sflag:s28], $0x4000  }
0x95: {  	[sflag:s28] =	ssyncset.done $0x0  }
0x96: {  	s5 =	simm.s32 @!p1 $0x0;
	s7 =	rddreg [dreg:$0x7];
	[sflag:s28] =	ssyncadd.s32 $0xFFFFC000  }
0x97: {  	[tilespmem:s5], [sflag:$0x5] =	stream.linear.gather @!p1 [hbm4b:s7+s5], $0x80, $0x38;
	[tilespmem:$0x11E40] =	vst v63  }
0x98: {  	s7 =	simm.s32 @!p1 $0x5  }
0x99: {  	_ =	swait.ge @!p1 [sflag:s7], $0x80  }
0x9a: {  	[sflag:s7] =	ssyncset.done @!p1 $0x0  }
0x9b: {  	s8 =	simm.s32 @!p1 $0x80;
	[sflag:s7] =	ssyncadd.s32 @!p1 $0xFFFFFF80  }
0x9c: {  	[tilespmem:s8], [sflag:$0x5] =	stream.linear.gather @!p1 [hbm4b:s11+s5], $0x80, $0x38;
	[tilespmem:$0x11E40] =	vst v63  }
0x9d: {  	_ =	swait.ge @!p1 [sflag:s7], $0x80  }
0x9e: {  	[sflag:s7] =	ssyncset.done @!p1 $0x0  }
0x9f: {  	[sflag:s7] =	ssyncadd.s32 @!p1 $0xFFFFFF80;
	s7 =	simm.s32 @!p1 $0x100  }
0xa0: {  	[tilespmem:s7], [sflag:$0x1] =	stream.indirect.gather @!p1 [hbm4b:s3+s8], $0x80, s5, s8, $0xb8;
	[tilespmem:$0x11E40] =	vst v63  }
0xa1: {  	s5 =	simm.s32 @!p1 $0x1  }
0xa2: {  	_ =	swait.ge @!p1 [sflag:s5], $0x4000  }
0xa3: {  	[sflag:s5] =	ssyncset.done @!p1 $0x0  }
0xa4: {  	[sflag:s5] =	ssyncadd.s32 @!p1 $0xFFFFC000;
	s5 =	simm.s32 @!p1 $0x2  }
0xa5: {  	[spmem:s1] =	stream.indirect.scatter.add.f32 @!p1 [tilespmem:s7], [sflag:$0x2], $0x80, s8, s8, $0xb8;
	[tilespmem:$0x11E40] =	vst v63  }
0xa6: {  	_ =	swait.ge @!p1 [sflag:s5], $0x4000  }
0xa7: {  	[sflag:s5] =	ssyncset.done @!p1 $0x0  }
0xa8: {  	[sflag:s5] =	ssyncadd.s32 @!p1 $0xFFFFC000  }
0xa9: {  	[bflag:$0x0] =	sbarrier.arrive $0xFFFF  }
0xaa: {  	[hbm:s12], [sflag:s6] =	dma.local [spmem:s31], $0x1380  }
0xab: {  	_ =	swait.ge [sflag:s19], $0x1380  }
0xac: {  	s30 =	sadd.s32 $0x1, s30;
	[sflag:s19] =	ssyncset.done $0x0  }
0xad: {  	p2 =	sne.s32 s30, s14;
	[sflag:s19] =	ssyncadd.s32 $0xFFFFEC80  }
0xae: {  	[hbm:s13], [sflag:s6] =	dma.local @!p0 [spmem:s0], $0x80  }
.Ltmp1:
0xaf: {  	_ = 	snop;
	(pc) =	sbr.rel @p2 .LBB2_1-.Ltmp1, $4  }
0xb0: {  	s0 =	simm.s32 @!p0 $0x5  }
0xb1: {  	_ =	swait.ge @!p0 [sflag:s0], $0x80  }
0xb2: {  	[sflag:s0] =	ssyncset.done @!p0 $0x0  }
0xb3: {  	[sflag:s0] =	ssyncadd.s32 @!p0 $0xFFFFFF80  }
0xb4: {  	_ =	sfence.sel $0x180000  }
0xb5: {  	[bflag:$0x0] =	sbarrier.arrive $0xFFFF  }
0xb6: {  	_ =	strace $0x90000053  }
0xb7: {  	[bflag:$0x2] =	sbarrier.arrive $0xFFFF  }
0xb8: {  	s0 =	rddreg [dreg:$0x2]  }
0xb9: {  	s0 =	sadd.s32 @!p1 $0x100000, s0  }
0xba: {  	[sflag:s0] =	ssyncadd.tile.s32 @!p1 $0x1;
	_ =	shalt  }
.Lfunc_end2:
_tile_overlayer_lowered:
.L_overlay_start_2:
0xbb: {  	(tag) =	ssettag $0x2  }
0xbc: {  	s0 =	rddreg [dreg:$0x0];
	s2 =	stileid.u32  }
0xbd: {  	s1 =	rddreg [dreg:$0x1];
	p0 =	sne.s32 s2, $0x0  }
0xbe: {  	s3 =	rddreg [dreg:$0x2];
	[bflag:$0x3] =	sbarrier.arrive $0xFFFF;
	s2 =	simm.s32 @!p0 $0x1C05  }
0xbf: {  	[timem:s3], [sflag:s2] =	dma.local @!p0 [hbm:s0], s1  }
0xc0: {  	s0 =	simm.s32 @!p0 $0x5  }
0xc1: {  	_ =	swait.ge @!p0 [sflag:s0], s1  }
0xc2: {  	s1 =	ssub.s32 @!p0 $0x0, s1;
	[sflag:s0] =	ssyncset.done @!p0 $0x0  }
0xc3: {  	[sflag:s0] =	ssyncadd.s32 @!p0 s1  }
0xc4: {  	[bflag:$0x3] =	sbarrier.arrive $0xFFFF  }
0xc5: {  	_ =	shalt  }

</sc_bundles>
